<compile_context>
chip_gen: v7x
topology: tpu7x:2x2x1
jax: 0.10.2.dev20260603
libtpu: 0.0.44.dev20260713+nightly
codegen_flags: <defaults>
</compile_context>

<pallas_src>
import functools

import jax
import jax.numpy as jnp
from jax import lax
from jax.experimental import pallas as pl
from jax.experimental.pallas import tpu as pltpu
from jax.experimental.pallas import tpu_sc as plsc

N_TOKENS = 32768
D_MODEL = 768
NUM_EXPERTS = 8
LANES = 128

N_SC = 4096
N_TC = N_TOKENS - N_SC
BT = 4096
NW = 32
CHUNK = 32
NSUB = N_SC // (NW * CHUNK)
NGRP = CHUNK // 16



def _tc_body(x_ref, wt_ref, gates_ref, idx_ref, probs_ref):
    logits = jnp.dot(x_ref[...], wt_ref[...],
                     preferred_element_type=jnp.float32)
    lt = jnp.transpose(logits)[:NUM_EXPERTS, :]
    row = jax.lax.broadcasted_iota(jnp.int32, lt.shape, 0)
    m = jnp.max(lt, axis=0, keepdims=True)
    e = jnp.exp(lt - m)
    s = jnp.sum(e, axis=0, keepdims=True)
    p = e / s

    p1 = jnp.max(p, axis=0, keepdims=True)
    i1 = jnp.min(jnp.where(p == p1, row, NUM_EXPERTS), axis=0, keepdims=True)
    p_rest = jnp.where(row == i1, jnp.float32(-1.0), p)
    p2 = jnp.max(p_rest, axis=0, keepdims=True)
    i2 = jnp.min(jnp.where(p_rest == p2, row, NUM_EXPERTS), axis=0,
                 keepdims=True)
    denom = p1 + p2
    probs_ref[...] = p
    gates_ref[...] = jnp.concatenate([p1 / denom, p2 / denom], axis=0)
    idx_ref[...] = jnp.concatenate([i1, i2], axis=0)


def _tc_router(x, wt):
    grid = (N_TC // BT,)
    return pl.pallas_call(
        _tc_body,
        grid=grid,
        in_specs=[
            pl.BlockSpec((BT, D_MODEL), lambda i: (i, 0)),
            pl.BlockSpec((D_MODEL, LANES), lambda i: (0, 0)),
        ],
        out_specs=[
            pl.BlockSpec((2, BT), lambda i: (0, i)),
            pl.BlockSpec((2, BT), lambda i: (0, i)),
            pl.BlockSpec((NUM_EXPERTS, BT), lambda i: (0, i)),
        ],
        out_shape=[
            jax.ShapeDtypeStruct((2, N_TC), jnp.float32),
            jax.ShapeDtypeStruct((2, N_TC), jnp.int32),
            jax.ShapeDtypeStruct((NUM_EXPERTS, N_TC), jnp.float32),
        ],
    )(x, wt)



def _round_bf16(v):
    u = plsc.bitcast(v, jnp.uint32)
    r = (u + jnp.uint32(0x7FFF) + ((u >> 16) & jnp.uint32(1))) \
        & jnp.uint32(0xFFFF0000)
    return plsc.bitcast(r, jnp.float32)


def _tree_max(vs):
    while len(vs) > 1:
        vs = [jnp.maximum(a, b) for a, b in zip(vs[::2], vs[1::2])]
    return vs[0]


_sc_mesh = plsc.VectorSubcoreMesh(core_axis_name="c", subcore_axis_name="s")


@functools.partial(
    pl.kernel,
    out_type=(
        jax.ShapeDtypeStruct((2, N_SC), jnp.float32),
        jax.ShapeDtypeStruct((2, N_SC), jnp.int32),
        jax.ShapeDtypeStruct((NUM_EXPERTS, N_SC), jnp.float32),
    ),
    mesh=_sc_mesh,
    compiler_params=pltpu.CompilerParams(use_tc_tiling_on_sc=False, needs_layout_passes=False),
    scratch_types=[
        pltpu.VMEM((CHUNK, D_MODEL + 1), jnp.float32),
        pltpu.VMEM((D_MODEL, 16), jnp.float32),
        pltpu.VMEM((NUM_EXPERTS, CHUNK), jnp.float32),
        pltpu.VMEM((2, CHUNK), jnp.float32),
        pltpu.VMEM((2, CHUNK), jnp.int32),
    ],
)
def _sc_router(x_hbm, wt_hbm, gates_hbm, idx_hbm, probs_hbm,
               xbuf, wtbuf, pbuf, gbuf, ibuf):
    wid = lax.axis_index("s") * 2 + lax.axis_index("c")
    pltpu.sync_copy(wt_hbm, wtbuf)
    iota16 = lax.iota(jnp.int32, 16)
    rows = [iota16 + 16 * g for g in range(NGRP)]
    esplat = [jnp.full((16,), e, jnp.int32) for e in range(NUM_EXPERTS)]
    zero16 = jnp.zeros((16,), jnp.float32)

    for sub in range(NSUB):
        base = wid * (CHUNK * NSUB) + sub * CHUNK
        pltpu.sync_copy(x_hbm.at[pl.ds(base, CHUNK)],
                        xbuf.at[:, pl.ds(0, D_MODEL)])

        def kbody(k, accs):
            wrow = wtbuf[k]
            ws = [wrow.at[esplat[e]].get(mode="promise_in_bounds")
                  for e in range(NUM_EXPERTS)]
            kvec = lax.broadcast(k, (16,))
            out = []
            for g in range(NGRP):
                xg = plsc.load_gather(xbuf, [rows[g], kvec])
                xr = _round_bf16(xg)
                out.append(tuple(accs[g][e] + xr * ws[e]
                                 for e in range(NUM_EXPERTS)))
            return tuple(out)

        init = tuple(tuple(zero16 for _ in range(NUM_EXPERTS))
                     for _ in range(NGRP))
        accs = lax.fori_loop(0, D_MODEL, kbody, init, unroll=4)

        for g in range(NGRP):
            l = list(accs[g])
            m = _tree_max(l)
            ex = [jnp.exp(v - m) for v in l]
            s = ex[0]
            for v in ex[1:]:
                s = s + v
            p = [v / s for v in ex]
            p1 = _tree_max(p)
            i1 = jnp.full((16,), NUM_EXPERTS, jnp.int32)
            for e in range(NUM_EXPERTS - 1, -1, -1):
                i1 = jnp.where(p[e] == p1, esplat[e], i1)
            prest = [jnp.where(esplat[e] == i1, jnp.float32(-1.0), p[e])
                     for e in range(NUM_EXPERTS)]
            p2 = _tree_max(prest)
            i2 = jnp.full((16,), NUM_EXPERTS, jnp.int32)
            for e in range(NUM_EXPERTS - 1, -1, -1):
                i2 = jnp.where(prest[e] == p2, esplat[e], i2)
            denom = p1 + p2
            sl = pl.ds(16 * g, 16)
            for e in range(NUM_EXPERTS):
                pbuf[e, sl] = p[e]
            gbuf[0, sl] = p1 / denom
            gbuf[1, sl] = p2 / denom
            ibuf[0, sl] = i1
            ibuf[1, sl] = i2

        dst = pl.ds(base, CHUNK)
        pltpu.sync_copy(pbuf, probs_hbm.at[:, dst])
        pltpu.sync_copy(gbuf, gates_hbm.at[:, dst])
        pltpu.sync_copy(ibuf, idx_hbm.at[:, dst])



def kernel(x, W_r):
    wt_tc = jnp.pad(W_r.T, ((0, 0), (0, LANES - NUM_EXPERTS)))
    wt_sc = jnp.pad(W_r.T.astype(jnp.bfloat16).astype(jnp.float32),
                    ((0, 0), (0, 16 - NUM_EXPERTS)))
    x_sc = lax.slice(x, (N_TC, 0), (N_TOKENS, D_MODEL))
    g_sc, i_sc, p_sc = _sc_router(x_sc, wt_sc)
    g_tc, i_tc, p_tc = _tc_router(x, wt_tc)
    gates = jnp.concatenate([g_tc, g_sc], axis=1).T
    idx = jnp.concatenate([i_tc, i_sc], axis=1).T
    probs = jnp.concatenate([p_tc, p_sc], axis=1).T
    return gates, idx, probs

# --- scband reference (transcript-rebuilt; emitter-appended) ---
"""Pipeline reference for scband-top-krouter-8297876816194 (READ-ONLY COPY).

The authoritative reference and input builder live on the scoring server;
editing this copy changes nothing except your own understanding.
"""

import jax, jax.numpy as jnp
import numpy as np

D_MODEL = 768
NUM_EXPERTS = 8
TOP_K = 2
N_TOKENS = 32768

def setup_inputs(seed: int = 0) -> dict:
    key = jax.random.key(seed)
    kx, kw = jax.random.split(key)
    x = jax.random.normal(kx, (N_TOKENS, D_MODEL), dtype=jnp.float32)
    # nn.Linear(d_model, num_experts, bias=False) weight: [num_experts, d_model]
    W_r = jax.random.normal(kw, (NUM_EXPERTS, D_MODEL), dtype=jnp.float32) * (1.0 / np.sqrt(D_MODEL))
    return {"x": x, "W_r": W_r}

def reference(x, W_r):
    # router logits: x @ W_r.T  (Linear without bias)
    logits = jnp.dot(x, W_r.T)
    router_probs = jax.nn.softmax(logits, axis=-1)
    gate_weights, expert_idx = jax.lax.top_k(router_probs, TOP_K)
    gate_weights = gate_weights / jnp.sum(gate_weights, axis=-1, keepdims=True)
    return (gate_weights, expert_idx, router_probs)

if __name__ == "__main__":
    import jax
    _d = setup_inputs()
    print(jax.jit(kernel)(*tuple(_d.values())))

</pallas_src>

<mosaic_0001>
#map = affine_map<(d0, d1) -> (0, 0)>
module attributes {stable_mosaic.version = 14 : i64} {
  func.func @_sc_router(%arg0: i32, %arg1: i32, %arg2: memref<4096x768xf32, #tpu.memory_space<hbm>>, %arg3: memref<768x16xf32, #tpu.memory_space<hbm>>, %arg4: memref<2x4096xf32, #tpu.memory_space<hbm>>, %arg5: memref<2x4096xi32, #tpu.memory_space<hbm>>, %arg6: memref<8x4096xf32, #tpu.memory_space<hbm>>, %arg7: memref<32x769xf32, #tpu.memory_space<vmem>>, %arg8: memref<768x16xf32, #tpu.memory_space<vmem>>, %arg9: memref<8x32xf32, #tpu.memory_space<vmem>>, %arg10: memref<2x32xf32, #tpu.memory_space<vmem>>, %arg11: memref<2x32xi32, #tpu.memory_space<vmem>>) attributes {dimension_semantics = [#tpu.dimension_semantics<core_parallel>, #tpu.dimension_semantics<subcore_parallel>], iteration_bounds = array<i64: 2, 16>, scalar_prefetch = 0 : i64, scratch_operands = 5 : i64, tpu.core_type = #tpu.core_type<sc_vector_subcore>, window_params = [{transform_indices = #map}, {transform_indices = #map}, {transform_indices = #map}, {transform_indices = #map}, {transform_indices = #map}]} {
    %mul3A = arith.constant 2 : i32
    %mul3A_0 = arith.muli %arg1, %mul3A : i32
    %add3A = arith.addi %mul3A_0, %arg0 : i32
    "tpu.region"() ({
      %run_scoped3A = tpu.sem_alloc : memref<!tpu.dma_semaphore, #tpu.memory_space<semaphore_mem>>
      tpu.enqueue_dma source(%arg3 : memref<768x16xf32, #tpu.memory_space<hbm>>) target(%arg8 : memref<768x16xf32, #tpu.memory_space<vmem>>) target_semaphore(%run_scoped3A : memref<!tpu.dma_semaphore, #tpu.memory_space<semaphore_mem>>)
      tpu.wait_dma2 semaphore(%run_scoped3A : memref<!tpu.dma_semaphore, #tpu.memory_space<semaphore_mem>>) src(%arg3 : memref<768x16xf32, #tpu.memory_space<hbm>>) dst(%arg8 : memref<768x16xf32, #tpu.memory_space<vmem>>)
      tpu.yield
    }) : () -> ()
    %iota3A = tpu.iota {dimensions = array<i32: 0>} : vector<16xi32>
    %add3A_1 = arith.constant 0 : i32
    %add3A_2 = vector.broadcast %add3A_1 : i32 to vector<16xi32>
    %add3A_3 = arith.addi %iota3A, %add3A_2 : vector<16xi32>
    %add3A_4 = arith.constant 16 : i32
    %add3A_5 = vector.broadcast %add3A_4 : i32 to vector<16xi32>
    %add3A_6 = arith.addi %iota3A, %add3A_5 : vector<16xi32>
    %broadcast_in_dim3A = arith.constant 0 : i32
    %broadcast_in_dim3A_7 = vector.broadcast %broadcast_in_dim3A : i32 to vector<16xi32>
    %broadcast_in_dim3A_8 = arith.constant 1 : i32
    %broadcast_in_dim3A_9 = vector.broadcast %broadcast_in_dim3A_8 : i32 to vector<16xi32>
    %broadcast_in_dim3A_10 = arith.constant 2 : i32
    %broadcast_in_dim3A_11 = vector.broadcast %broadcast_in_dim3A_10 : i32 to vector<16xi32>
    %broadcast_in_dim3A_12 = arith.constant 3 : i32
    %broadcast_in_dim3A_13 = vector.broadcast %broadcast_in_dim3A_12 : i32 to vector<16xi32>
    %broadcast_in_dim3A_14 = arith.constant 4 : i32
    %broadcast_in_dim3A_15 = vector.broadcast %broadcast_in_dim3A_14 : i32 to vector<16xi32>
    %broadcast_in_dim3A_16 = arith.constant 5 : i32
    %broadcast_in_dim3A_17 = vector.broadcast %broadcast_in_dim3A_16 : i32 to vector<16xi32>
    %broadcast_in_dim3A_18 = arith.constant 6 : i32
    %broadcast_in_dim3A_19 = vector.broadcast %broadcast_in_dim3A_18 : i32 to vector<16xi32>
    %broadcast_in_dim3A_20 = arith.constant 7 : i32
    %broadcast_in_dim3A_21 = vector.broadcast %broadcast_in_dim3A_20 : i32 to vector<16xi32>
    %broadcast_in_dim3A_22 = arith.constant 0.000000e+00 : f32
    %broadcast_in_dim3A_23 = vector.broadcast %broadcast_in_dim3A_22 : f32 to vector<16xf32>
    %mul3A_24 = arith.constant 128 : i32
    %mul3A_25 = arith.muli %add3A, %mul3A_24 : i32
    %add3A_26 = arith.constant 0 : i32
    %add3A_27 = arith.addi %mul3A_25, %add3A_26 : i32
    "tpu.region"() ({
      %run_scoped3A = tpu.sem_alloc : memref<!tpu.dma_semaphore, #tpu.memory_space<semaphore_mem>>
      %dma_start3A = arith.constant 0 : i32
      %dma_start3A_1423 = arith.constant 0 : i32
      %dma_start3A_1424 = tpu.memref_slice %arg7[%dma_start3A, %dma_start3A_1423] : memref<32x769xf32, #tpu.memory_space<vmem>> -> memref<32x768xf32, #tpu.memory_space<vmem>>
      %dma_start3A_1425 = arith.constant 0 : i32
      %dma_start3A_1426 = tpu.memref_slice %arg2[%add3A_27, %dma_start3A_1425] : memref<4096x768xf32, #tpu.memory_space<hbm>> -> memref<32x768xf32, #tpu.memory_space<hbm>>
      %dma_start3A_1427 = arith.constant 0 : i32
      %dma_start3A_1428 = arith.constant 0 : i32
      %dma_start3A_1429 = tpu.memref_slice %arg7[%dma_start3A_1427, %dma_start3A_1428] : memref<32x769xf32, #tpu.memory_space<vmem>> -> memref<32x768xf32, #tpu.memory_space<vmem>>
      %dma_start3A_1430 = arith.constant 0 : i32
      %dma_start3A_1431 = tpu.memref_slice %arg2[%add3A_27, %dma_start3A_1430] : memref<4096x768xf32, #tpu.memory_space<hbm>> -> memref<32x768xf32, #tpu.memory_space<hbm>>
      tpu.enqueue_dma source(%dma_start3A_1431 : memref<32x768xf32, #tpu.memory_space<hbm>>) target(%dma_start3A_1429 : memref<32x768xf32, #tpu.memory_space<vmem>>) target_semaphore(%run_scoped3A : memref<!tpu.dma_semaphore, #tpu.memory_space<semaphore_mem>>)
      %dma_wait3A = arith.constant 0 : i32
      %dma_wait3A_1432 = arith.constant 0 : i32
      %dma_wait3A_1433 = tpu.memref_slice %arg7[%dma_wait3A, %dma_wait3A_1432] : memref<32x769xf32, #tpu.memory_space<vmem>> -> memref<32x768xf32, #tpu.memory_space<vmem>>
      %dma_wait3A_1434 = arith.constant 0 : i32
      %dma_wait3A_1435 = tpu.memref_slice %arg2[%add3A_27, %dma_wait3A_1434] : memref<4096x768xf32, #tpu.memory_space<hbm>> -> memref<32x768xf32, #tpu.memory_space<hbm>>
      %dma_wait3A_1436 = arith.constant 0 : i32
      %dma_wait3A_1437 = arith.constant 0 : i32
      %dma_wait3A_1438 = tpu.memref_slice %arg7[%dma_wait3A_1436, %dma_wait3A_1437] : memref<32x769xf32, #tpu.memory_space<vmem>> -> memref<32x768xf32, #tpu.memory_space<vmem>>
      %dma_wait3A_1439 = arith.constant 0 : i32
      %dma_wait3A_1440 = tpu.memref_slice %arg2[%add3A_27, %dma_wait3A_1439] : memref<4096x768xf32, #tpu.memory_space<hbm>> -> memref<32x768xf32, #tpu.memory_space<hbm>>
      tpu.wait_dma2 semaphore(%run_scoped3A : memref<!tpu.dma_semaphore, #tpu.memory_space<semaphore_mem>>) src(%dma_wait3A_1440 : memref<32x768xf32, #tpu.memory_space<hbm>>) dst(%dma_wait3A_1438 : memref<32x768xf32, #tpu.memory_space<vmem>>)
      tpu.yield
    }) : () -> ()
    %scan3A = arith.constant 0 : i32
    %scan3A_28 = arith.constant 768 : i32
    %scan3A_29 = arith.addi %scan3A, %scan3A_28 : i32
    %scan3A_30 = arith.constant 4 : i32
    %scan3A_31:16 = scf.for %scan3A_1423 = %scan3A to %scan3A_29 step %scan3A_30 iter_args(%scan3A_1424 = %broadcast_in_dim3A_23, %scan3A_1425 = %broadcast_in_dim3A_23, %scan3A_1426 = %broadcast_in_dim3A_23, %scan3A_1427 = %broadcast_in_dim3A_23, %scan3A_1428 = %broadcast_in_dim3A_23, %scan3A_1429 = %broadcast_in_dim3A_23, %scan3A_1430 = %broadcast_in_dim3A_23, %scan3A_1431 = %broadcast_in_dim3A_23, %scan3A_1432 = %broadcast_in_dim3A_23, %scan3A_1433 = %broadcast_in_dim3A_23, %scan3A_1434 = %broadcast_in_dim3A_23, %scan3A_1435 = %broadcast_in_dim3A_23, %scan3A_1436 = %broadcast_in_dim3A_23, %scan3A_1437 = %broadcast_in_dim3A_23, %scan3A_1438 = %broadcast_in_dim3A_23, %scan3A_1439 = %broadcast_in_dim3A_23) -> (vector<16xf32>, vector<16xf32>, vector<16xf32>, vector<16xf32>, vector<16xf32>, vector<16xf32>, vector<16xf32>, vector<16xf32>, vector<16xf32>, vector<16xf32>, vector<16xf32>, vector<16xf32>, vector<16xf32>, vector<16xf32>, vector<16xf32>, vector<16xf32>)  : i32 {
      %get3A = arith.index_cast %scan3A_1423 : i32 to index
      %get3A_1440 = arith.constant 0 : index
      %get3A_1441 = tpu.vector_load %arg8[%get3A, %get3A_1440] {strides = array<i32>} : memref<768x16xf32, #tpu.memory_space<vmem>>, vector<16xf32>,
      %lt3A = arith.constant 0 : i32
      %lt3A_1442 = vector.broadcast %lt3A : i32 to vector<16xi32>
      %lt3A_1443 = arith.cmpi slt, %broadcast_in_dim3A_7, %lt3A_1442 : vector<16xi32>
      %add3A_1444 = arith.constant 16 : i32
      %add3A_1445 = vector.broadcast %add3A_1444 : i32 to vector<16xi32>
      %add3A_1446 = arith.addi %broadcast_in_dim3A_7, %add3A_1445 : vector<16xi32>
      %select_n3A_1447 = arith.select %lt3A_1443, %add3A_1446, %broadcast_in_dim3A_7 : vector<16xi1>, vector<16xi32>
      %broadcast_in_dim3A_1448 = vector.shape_cast %select_n3A_1447 : vector<16xi32> to vector<16x1xi32>
      %gather3A = vector.shape_cast %broadcast_in_dim3A_1448 : vector<16x1xi32> to vector<16xi32>
      %gather3A_1449 = tpu.dynamic_gather %get3A_1441[%gather3A] in [0] : vector<16xf32>, vector<16xi32> -> vector<16xf32>
      %lt3A_1450 = arith.constant 0 : i32
      %lt3A_1451 = vector.broadcast %lt3A_1450 : i32 to vector<16xi32>
      %lt3A_1452 = arith.cmpi slt, %broadcast_in_dim3A_9, %lt3A_1451 : vector<16xi32>
      %add3A_1453 = arith.constant 16 : i32
      %add3A_1454 = vector.broadcast %add3A_1453 : i32 to vector<16xi32>
      %add3A_1455 = arith.addi %broadcast_in_dim3A_9, %add3A_1454 : vector<16xi32>
      %select_n3A_1456 = arith.select %lt3A_1452, %add3A_1455, %broadcast_in_dim3A_9 : vector<16xi1>, vector<16xi32>
      %broadcast_in_dim3A_1457 = vector.shape_cast %select_n3A_1456 : vector<16xi32> to vector<16x1xi32>
      %gather3A_1458 = vector.shape_cast %broadcast_in_dim3A_1457 : vector<16x1xi32> to vector<16xi32>
      %gather3A_1459 = tpu.dynamic_gather %get3A_1441[%gather3A_1458] in [0] : vector<16xf32>, vector<16xi32> -> vector<16xf32>
      %lt3A_1460 = arith.constant 0 : i32
      %lt3A_1461 = vector.broadcast %lt3A_1460 : i32 to vector<16xi32>
      %lt3A_1462 = arith.cmpi slt, %broadcast_in_dim3A_11, %lt3A_1461 : vector<16xi32>
      %add3A_1463 = arith.constant 16 : i32
      %add3A_1464 = vector.broadcast %add3A_1463 : i32 to vector<16xi32>
      %add3A_1465 = arith.addi %broadcast_in_dim3A_11, %add3A_1464 : vector<16xi32>
      %select_n3A_1466 = arith.select %lt3A_1462, %add3A_1465, %broadcast_in_dim3A_11 : vector<16xi1>, vector<16xi32>
      %broadcast_in_dim3A_1467 = vector.shape_cast %select_n3A_1466 : vector<16xi32> to vector<16x1xi32>
      %gather3A_1468 = vector.shape_cast %broadcast_in_dim3A_1467 : vector<16x1xi32> to vector<16xi32>
      %gather3A_1469 = tpu.dynamic_gather %get3A_1441[%gather3A_1468] in [0] : vector<16xf32>, vector<16xi32> -> vector<16xf32>
      %lt3A_1470 = arith.constant 0 : i32
      %lt3A_1471 = vector.broadcast %lt3A_1470 : i32 to vector<16xi32>
      %lt3A_1472 = arith.cmpi slt, %broadcast_in_dim3A_13, %lt3A_1471 : vector<16xi32>
      %add3A_1473 = arith.constant 16 : i32
      %add3A_1474 = vector.broadcast %add3A_1473 : i32 to vector<16xi32>
      %add3A_1475 = arith.addi %broadcast_in_dim3A_13, %add3A_1474 : vector<16xi32>
      %select_n3A_1476 = arith.select %lt3A_1472, %add3A_1475, %broadcast_in_dim3A_13 : vector<16xi1>, vector<16xi32>
      %broadcast_in_dim3A_1477 = vector.shape_cast %select_n3A_1476 : vector<16xi32> to vector<16x1xi32>
      %gather3A_1478 = vector.shape_cast %broadcast_in_dim3A_1477 : vector<16x1xi32> to vector<16xi32>
      %gather3A_1479 = tpu.dynamic_gather %get3A_1441[%gather3A_1478] in [0] : vector<16xf32>, vector<16xi32> -> vector<16xf32>
      %lt3A_1480 = arith.constant 0 : i32
      %lt3A_1481 = vector.broadcast %lt3A_1480 : i32 to vector<16xi32>
      %lt3A_1482 = arith.cmpi slt, %broadcast_in_dim3A_15, %lt3A_1481 : vector<16xi32>
      %add3A_1483 = arith.constant 16 : i32
      %add3A_1484 = vector.broadcast %add3A_1483 : i32 to vector<16xi32>
      %add3A_1485 = arith.addi %broadcast_in_dim3A_15, %add3A_1484 : vector<16xi32>
      %select_n3A_1486 = arith.select %lt3A_1482, %add3A_1485, %broadcast_in_dim3A_15 : vector<16xi1>, vector<16xi32>
      %broadcast_in_dim3A_1487 = vector.shape_cast %select_n3A_1486 : vector<16xi32> to vector<16x1xi32>
      %gather3A_1488 = vector.shape_cast %broadcast_in_dim3A_1487 : vector<16x1xi32> to vector<16xi32>
      %gather3A_1489 = tpu.dynamic_gather %get3A_1441[%gather3A_1488] in [0] : vector<16xf32>, vector<16xi32> -> vector<16xf32>
      %lt3A_1490 = arith.constant 0 : i32
      %lt3A_1491 = vector.broadcast %lt3A_1490 : i32 to vector<16xi32>
      %lt3A_1492 = arith.cmpi slt, %broadcast_in_dim3A_17, %lt3A_1491 : vector<16xi32>
      %add3A_1493 = arith.constant 16 : i32
      %add3A_1494 = vector.broadcast %add3A_1493 : i32 to vector<16xi32>
      %add3A_1495 = arith.addi %broadcast_in_dim3A_17, %add3A_1494 : vector<16xi32>
      %select_n3A_1496 = arith.select %lt3A_1492, %add3A_1495, %broadcast_in_dim3A_17 : vector<16xi1>, vector<16xi32>
      %broadcast_in_dim3A_1497 = vector.shape_cast %select_n3A_1496 : vector<16xi32> to vector<16x1xi32>
      %gather3A_1498 = vector.shape_cast %broadcast_in_dim3A_1497 : vector<16x1xi32> to vector<16xi32>
      %gather3A_1499 = tpu.dynamic_gather %get3A_1441[%gather3A_1498] in [0] : vector<16xf32>, vector<16xi32> -> vector<16xf32>
      %lt3A_1500 = arith.constant 0 : i32
      %lt3A_1501 = vector.broadcast %lt3A_1500 : i32 to vector<16xi32>
      %lt3A_1502 = arith.cmpi slt, %broadcast_in_dim3A_19, %lt3A_1501 : vector<16xi32>
      %add3A_1503 = arith.constant 16 : i32
      %add3A_1504 = vector.broadcast %add3A_1503 : i32 to vector<16xi32>
      %add3A_1505 = arith.addi %broadcast_in_dim3A_19, %add3A_1504 : vector<16xi32>
      %select_n3A_1506 = arith.select %lt3A_1502, %add3A_1505, %broadcast_in_dim3A_19 : vector<16xi1>, vector<16xi32>
      %broadcast_in_dim3A_1507 = vector.shape_cast %select_n3A_1506 : vector<16xi32> to vector<16x1xi32>
      %gather3A_1508 = vector.shape_cast %broadcast_in_dim3A_1507 : vector<16x1xi32> to vector<16xi32>
      %gather3A_1509 = tpu.dynamic_gather %get3A_1441[%gather3A_1508] in [0] : vector<16xf32>, vector<16xi32> -> vector<16xf32>
      %lt3A_1510 = arith.constant 0 : i32
      %lt3A_1511 = vector.broadcast %lt3A_1510 : i32 to vector<16xi32>
      %lt3A_1512 = arith.cmpi slt, %broadcast_in_dim3A_21, %lt3A_1511 : vector<16xi32>
      %add3A_1513 = arith.constant 16 : i32
      %add3A_1514 = vector.broadcast %add3A_1513 : i32 to vector<16xi32>
      %add3A_1515 = arith.addi %broadcast_in_dim3A_21, %add3A_1514 : vector<16xi32>
      %select_n3A_1516 = arith.select %lt3A_1512, %add3A_1515, %broadcast_in_dim3A_21 : vector<16xi1>, vector<16xi32>
      %broadcast_in_dim3A_1517 = vector.shape_cast %select_n3A_1516 : vector<16xi32> to vector<16x1xi32>
      %gather3A_1518 = vector.shape_cast %broadcast_in_dim3A_1517 : vector<16x1xi32> to vector<16xi32>
      %gather3A_1519 = tpu.dynamic_gather %get3A_1441[%gather3A_1518] in [0] : vector<16xf32>, vector<16xi32> -> vector<16xf32>
      %broadcast_in_dim3A_1520 = vector.broadcast %scan3A_1423 : i32 to vector<16xi32>
      %gather3A_1521 = tpu.vector_load_idx %arg7[%add3A_3, %broadcast_in_dim3A_1520] : memref<32x769xf32, #tpu.memory_space<vmem>>[vector<16xi32>, vector<16xi32>], vector<16xf32>,
      %bitcast3A = vector.bitcast %gather3A_1521 : vector<16xf32> to vector<16xi32>
      %add3A_1522 = arith.constant 32767 : i32
      %add3A_1523 = vector.broadcast %add3A_1522 : i32 to vector<16xi32>
      %add3A_1524 = arith.addi %bitcast3A, %add3A_1523 : vector<16xi32>
      %shift_right_logical3A = arith.constant 16 : i32
      %shift_right_logical3A_1525 = vector.broadcast %shift_right_logical3A : i32 to vector<16xi32>
      %shift_right_logical3A_1526 = arith.shrui %bitcast3A, %shift_right_logical3A_1525 : vector<16xi32>
      %and3A = arith.constant 1 : i32
      %and3A_1527 = vector.broadcast %and3A : i32 to vector<16xi32>
      %and3A_1528 = arith.andi %shift_right_logical3A_1526, %and3A_1527 : vector<16xi32>
      %add3A_1529 = arith.addi %add3A_1524, %and3A_1528 : vector<16xi32>
      %and3A_1530 = arith.constant -65536 : i32
      %and3A_1531 = vector.broadcast %and3A_1530 : i32 to vector<16xi32>
      %and3A_1532 = arith.andi %add3A_1529, %and3A_1531 : vector<16xi32>
      %bitcast3A_1533 = vector.bitcast %and3A_1532 : vector<16xi32> to vector<16xf32>
      %mul3A_1534 = arith.mulf %bitcast3A_1533, %gather3A_1449 : vector<16xf32>
      %add3A_1535 = arith.addf %scan3A_1424, %mul3A_1534 : vector<16xf32>
      %mul3A_1536 = arith.mulf %bitcast3A_1533, %gather3A_1459 : vector<16xf32>
      %add3A_1537 = arith.addf %scan3A_1425, %mul3A_1536 : vector<16xf32>
      %mul3A_1538 = arith.mulf %bitcast3A_1533, %gather3A_1469 : vector<16xf32>
      %add3A_1539 = arith.addf %scan3A_1426, %mul3A_1538 : vector<16xf32>
      %mul3A_1540 = arith.mulf %bitcast3A_1533, %gather3A_1479 : vector<16xf32>
      %add3A_1541 = arith.addf %scan3A_1427, %mul3A_1540 : vector<16xf32>
      %mul3A_1542 = arith.mulf %bitcast3A_1533, %gather3A_1489 : vector<16xf32>
      %add3A_1543 = arith.addf %scan3A_1428, %mul3A_1542 : vector<16xf32>
      %mul3A_1544 = arith.mulf %bitcast3A_1533, %gather3A_1499 : vector<16xf32>
      %add3A_1545 = arith.addf %scan3A_1429, %mul3A_1544 : vector<16xf32>
      %mul3A_1546 = arith.mulf %bitcast3A_1533, %gather3A_1509 : vector<16xf32>
      %add3A_1547 = arith.addf %scan3A_1430, %mul3A_1546 : vector<16xf32>
      %mul3A_1548 = arith.mulf %bitcast3A_1533, %gather3A_1519 : vector<16xf32>
      %add3A_1549 = arith.addf %scan3A_1431, %mul3A_1548 : vector<16xf32>
      %gather3A_1550 = tpu.vector_load_idx %arg7[%add3A_6, %broadcast_in_dim3A_1520] : memref<32x769xf32, #tpu.memory_space<vmem>>[vector<16xi32>, vector<16xi32>], vector<16xf32>,
      %bitcast3A_1551 = vector.bitcast %gather3A_1550 : vector<16xf32> to vector<16xi32>
      %add3A_1552 = arith.constant 32767 : i32
      %add3A_1553 = vector.broadcast %add3A_1552 : i32 to vector<16xi32>
      %add3A_1554 = arith.addi %bitcast3A_1551, %add3A_1553 : vector<16xi32>
      %shift_right_logical3A_1555 = arith.constant 16 : i32
      %shift_right_logical3A_1556 = vector.broadcast %shift_right_logical3A_1555 : i32 to vector<16xi32>
      %shift_right_logical3A_1557 = arith.shrui %bitcast3A_1551, %shift_right_logical3A_1556 : vector<16xi32>
      %and3A_1558 = arith.constant 1 : i32
      %and3A_1559 = vector.broadcast %and3A_1558 : i32 to vector<16xi32>
      %and3A_1560 = arith.andi %shift_right_logical3A_1557, %and3A_1559 : vector<16xi32>
      %add3A_1561 = arith.addi %add3A_1554, %and3A_1560 : vector<16xi32>
      %and3A_1562 = arith.constant -65536 : i32
      %and3A_1563 = vector.broadcast %and3A_1562 : i32 to vector<16xi32>
      %and3A_1564 = arith.andi %add3A_1561, %and3A_1563 : vector<16xi32>
      %bitcast3A_1565 = vector.bitcast %and3A_1564 : vector<16xi32> to vector<16xf32>
      %mul3A_1566 = arith.mulf %bitcast3A_1565, %gather3A_1449 : vector<16xf32>
      %add3A_1567 = arith.addf %scan3A_1432, %mul3A_1566 : vector<16xf32>
      %mul3A_1568 = arith.mulf %bitcast3A_1565, %gather3A_1459 : vector<16xf32>
      %add3A_1569 = arith.addf %scan3A_1433, %mul3A_1568 : vector<16xf32>
      %mul3A_1570 = arith.mulf %bitcast3A_1565, %gather3A_1469 : vector<16xf32>
      %add3A_1571 = arith.addf %scan3A_1434, %mul3A_1570 : vector<16xf32>
      %mul3A_1572 = arith.mulf %bitcast3A_1565, %gather3A_1479 : vector<16xf32>
      %add3A_1573 = arith.addf %scan3A_1435, %mul3A_1572 : vector<16xf32>
      %mul3A_1574 = arith.mulf %bitcast3A_1565, %gather3A_1489 : vector<16xf32>
      %add3A_1575 = arith.addf %scan3A_1436, %mul3A_1574 : vector<16xf32>
      %mul3A_1576 = arith.mulf %bitcast3A_1565, %gather3A_1499 : vector<16xf32>
      %add3A_1577 = arith.addf %scan3A_1437, %mul3A_1576 : vector<16xf32>
      %mul3A_1578 = arith.mulf %bitcast3A_1565, %gather3A_1509 : vector<16xf32>
      %add3A_1579 = arith.addf %scan3A_1438, %mul3A_1578 : vector<16xf32>
      %mul3A_1580 = arith.mulf %bitcast3A_1565, %gather3A_1519 : vector<16xf32>
      %add3A_1581 = arith.addf %scan3A_1439, %mul3A_1580 : vector<16xf32>
      %scan3A_1582 = arith.constant 1 : i32
      %scan3A_1583 = arith.addi %scan3A_1423, %scan3A_1582 : i32
      %get3A_1584 = arith.index_cast %scan3A_1583 : i32 to index
      %get3A_1585 = arith.constant 0 : index
      %get3A_1586 = tpu.vector_load %arg8[%get3A_1584, %get3A_1585] {strides = array<i32>} : memref<768x16xf32, #tpu.memory_space<vmem>>, vector<16xf32>,
      %lt3A_1587 = arith.constant 0 : i32
      %lt3A_1588 = vector.broadcast %lt3A_1587 : i32 to vector<16xi32>
      %lt3A_1589 = arith.cmpi slt, %broadcast_in_dim3A_7, %lt3A_1588 : vector<16xi32>
      %add3A_1590 = arith.constant 16 : i32
      %add3A_1591 = vector.broadcast %add3A_1590 : i32 to vector<16xi32>
      %add3A_1592 = arith.addi %broadcast_in_dim3A_7, %add3A_1591 : vector<16xi32>
      %select_n3A_1593 = arith.select %lt3A_1589, %add3A_1592, %broadcast_in_dim3A_7 : vector<16xi1>, vector<16xi32>
      %broadcast_in_dim3A_1594 = vector.shape_cast %select_n3A_1593 : vector<16xi32> to vector<16x1xi32>
      %gather3A_1595 = vector.shape_cast %broadcast_in_dim3A_1594 : vector<16x1xi32> to vector<16xi32>
      %gather3A_1596 = tpu.dynamic_gather %get3A_1586[%gather3A_1595] in [0] : vector<16xf32>, vector<16xi32> -> vector<16xf32>
      %lt3A_1597 = arith.constant 0 : i32
      %lt3A_1598 = vector.broadcast %lt3A_1597 : i32 to vector<16xi32>
      %lt3A_1599 = arith.cmpi slt, %broadcast_in_dim3A_9, %lt3A_1598 : vector<16xi32>
      %add3A_1600 = arith.constant 16 : i32
      %add3A_1601 = vector.broadcast %add3A_1600 : i32 to vector<16xi32>
      %add3A_1602 = arith.addi %broadcast_in_dim3A_9, %add3A_1601 : vector<16xi32>
      %select_n3A_1603 = arith.select %lt3A_1599, %add3A_1602, %broadcast_in_dim3A_9 : vector<16xi1>, vector<16xi32>
      %broadcast_in_dim3A_1604 = vector.shape_cast %select_n3A_1603 : vector<16xi32> to vector<16x1xi32>
      %gather3A_1605 = vector.shape_cast %broadcast_in_dim3A_1604 : vector<16x1xi32> to vector<16xi32>
      %gather3A_1606 = tpu.dynamic_gather %get3A_1586[%gather3A_1605] in [0] : vector<16xf32>, vector<16xi32> -> vector<16xf32>
      %lt3A_1607 = arith.constant 0 : i32
      %lt3A_1608 = vector.broadcast %lt3A_1607 : i32 to vector<16xi32>
      %lt3A_1609 = arith.cmpi slt, %broadcast_in_dim3A_11, %lt3A_1608 : vector<16xi32>
      %add3A_1610 = arith.constant 16 : i32
      %add3A_1611 = vector.broadcast %add3A_1610 : i32 to vector<16xi32>
      %add3A_1612 = arith.addi %broadcast_in_dim3A_11, %add3A_1611 : vector<16xi32>
      %select_n3A_1613 = arith.select %lt3A_1609, %add3A_1612, %broadcast_in_dim3A_11 : vector<16xi1>, vector<16xi32>
      %broadcast_in_dim3A_1614 = vector.shape_cast %select_n3A_1613 : vector<16xi32> to vector<16x1xi32>
      %gather3A_1615 = vector.shape_cast %broadcast_in_dim3A_1614 : vector<16x1xi32> to vector<16xi32>
      %gather3A_1616 = tpu.dynamic_gather %get3A_1586[%gather3A_1615] in [0] : vector<16xf32>, vector<16xi32> -> vector<16xf32>
      %lt3A_1617 = arith.constant 0 : i32
      %lt3A_1618 = vector.broadcast %lt3A_1617 : i32 to vector<16xi32>
      %lt3A_1619 = arith.cmpi slt, %broadcast_in_dim3A_13, %lt3A_1618 : vector<16xi32>
      %add3A_1620 = arith.constant 16 : i32
      %add3A_1621 = vector.broadcast %add3A_1620 : i32 to vector<16xi32>
      %add3A_1622 = arith.addi %broadcast_in_dim3A_13, %add3A_1621 : vector<16xi32>
      %select_n3A_1623 = arith.select %lt3A_1619, %add3A_1622, %broadcast_in_dim3A_13 : vector<16xi1>, vector<16xi32>
      %broadcast_in_dim3A_1624 = vector.shape_cast %select_n3A_1623 : vector<16xi32> to vector<16x1xi32>
      %gather3A_1625 = vector.shape_cast %broadcast_in_dim3A_1624 : vector<16x1xi32> to vector<16xi32>
      %gather3A_1626 = tpu.dynamic_gather %get3A_1586[%gather3A_1625] in [0] : vector<16xf32>, vector<16xi32> -> vector<16xf32>
      %lt3A_1627 = arith.constant 0 : i32
      %lt3A_1628 = vector.broadcast %lt3A_1627 : i32 to vector<16xi32>
      %lt3A_1629 = arith.cmpi slt, %broadcast_in_dim3A_15, %lt3A_1628 : vector<16xi32>
      %add3A_1630 = arith.constant 16 : i32
      %add3A_1631 = vector.broadcast %add3A_1630 : i32 to vector<16xi32>
      %add3A_1632 = arith.addi %broadcast_in_dim3A_15, %add3A_1631 : vector<16xi32>
      %select_n3A_1633 = arith.select %lt3A_1629, %add3A_1632, %broadcast_in_dim3A_15 : vector<16xi1>, vector<16xi32>
      %broadcast_in_dim3A_1634 = vector.shape_cast %select_n3A_1633 : vector<16xi32> to vector<16x1xi32>
      %gather3A_1635 = vector.shape_cast %broadcast_in_dim3A_1634 : vector<16x1xi32> to vector<16xi32>
      %gather3A_1636 = tpu.dynamic_gather %get3A_1586[%gather3A_1635] in [0] : vector<16xf32>, vector<16xi32> -> vector<16xf32>
      %lt3A_1637 = arith.constant 0 : i32
      %lt3A_1638 = vector.broadcast %lt3A_1637 : i32 to vector<16xi32>
      %lt3A_1639 = arith.cmpi slt, %broadcast_in_dim3A_17, %lt3A_1638 : vector<16xi32>
      %add3A_1640 = arith.constant 16 : i32
      %add3A_1641 = vector.broadcast %add3A_1640 : i32 to vector<16xi32>
      %add3A_1642 = arith.addi %broadcast_in_dim3A_17, %add3A_1641 : vector<16xi32>
      %select_n3A_1643 = arith.select %lt3A_1639, %add3A_1642, %broadcast_in_dim3A_17 : vector<16xi1>, vector<16xi32>
      %broadcast_in_dim3A_1644 = vector.shape_cast %select_n3A_1643 : vector<16xi32> to vector<16x1xi32>
      %gather3A_1645 = vector.shape_cast %broadcast_in_dim3A_1644 : vector<16x1xi32> to vector<16xi32>
      %gather3A_1646 = tpu.dynamic_gather %get3A_1586[%gather3A_1645] in [0] : vector<16xf32>, vector<16xi32> -> vector<16xf32>
      %lt3A_1647 = arith.constant 0 : i32
      %lt3A_1648 = vector.broadcast %lt3A_1647 : i32 to vector<16xi32>
      %lt3A_1649 = arith.cmpi slt, %broadcast_in_dim3A_19, %lt3A_1648 : vector<16xi32>
      %add3A_1650 = arith.constant 16 : i32
      %add3A_1651 = vector.broadcast %add3A_1650 : i32 to vector<16xi32>
      %add3A_1652 = arith.addi %broadcast_in_dim3A_19, %add3A_1651 : vector<16xi32>
      %select_n3A_1653 = arith.select %lt3A_1649, %add3A_1652, %broadcast_in_dim3A_19 : vector<16xi1>, vector<16xi32>
      %broadcast_in_dim3A_1654 = vector.shape_cast %select_n3A_1653 : vector<16xi32> to vector<16x1xi32>
      %gather3A_1655 = vector.shape_cast %broadcast_in_dim3A_1654 : vector<16x1xi32> to vector<16xi32>
      %gather3A_1656 = tpu.dynamic_gather %get3A_1586[%gather3A_1655] in [0] : vector<16xf32>, vector<16xi32> -> vector<16xf32>
      %lt3A_1657 = arith.constant 0 : i32
      %lt3A_1658 = vector.broadcast %lt3A_1657 : i32 to vector<16xi32>
      %lt3A_1659 = arith.cmpi slt, %broadcast_in_dim3A_21, %lt3A_1658 : vector<16xi32>
      %add3A_1660 = arith.constant 16 : i32
      %add3A_1661 = vector.broadcast %add3A_1660 : i32 to vector<16xi32>
      %add3A_1662 = arith.addi %broadcast_in_dim3A_21, %add3A_1661 : vector<16xi32>
      %select_n3A_1663 = arith.select %lt3A_1659, %add3A_1662, %broadcast_in_dim3A_21 : vector<16xi1>, vector<16xi32>
      %broadcast_in_dim3A_1664 = vector.shape_cast %select_n3A_1663 : vector<16xi32> to vector<16x1xi32>
      %gather3A_1665 = vector.shape_cast %broadcast_in_dim3A_1664 : vector<16x1xi32> to vector<16xi32>
      %gather3A_1666 = tpu.dynamic_gather %get3A_1586[%gather3A_1665] in [0] : vector<16xf32>, vector<16xi32> -> vector<16xf32>
      %broadcast_in_dim3A_1667 = vector.broadcast %scan3A_1583 : i32 to vector<16xi32>
      %gather3A_1668 = tpu.vector_load_idx %arg7[%add3A_3, %broadcast_in_dim3A_1667] : memref<32x769xf32, #tpu.memory_space<vmem>>[vector<16xi32>, vector<16xi32>], vector<16xf32>,
      %bitcast3A_1669 = vector.bitcast %gather3A_1668 : vector<16xf32> to vector<16xi32>
      %add3A_1670 = arith.constant 32767 : i32
      %add3A_1671 = vector.broadcast %add3A_1670 : i32 to vector<16xi32>
      %add3A_1672 = arith.addi %bitcast3A_1669, %add3A_1671 : vector<16xi32>
      %shift_right_logical3A_1673 = arith.constant 16 : i32
      %shift_right_logical3A_1674 = vector.broadcast %shift_right_logical3A_1673 : i32 to vector<16xi32>
      %shift_right_logical3A_1675 = arith.shrui %bitcast3A_1669, %shift_right_logical3A_1674 : vector<16xi32>
      %and3A_1676 = arith.constant 1 : i32
      %and3A_1677 = vector.broadcast %and3A_1676 : i32 to vector<16xi32>
      %and3A_1678 = arith.andi %shift_right_logical3A_1675, %and3A_1677 : vector<16xi32>
      %add3A_1679 = arith.addi %add3A_1672, %and3A_1678 : vector<16xi32>
      %and3A_1680 = arith.constant -65536 : i32
      %and3A_1681 = vector.broadcast %and3A_1680 : i32 to vector<16xi32>
      %and3A_1682 = arith.andi %add3A_1679, %and3A_1681 : vector<16xi32>
      %bitcast3A_1683 = vector.bitcast %and3A_1682 : vector<16xi32> to vector<16xf32>
      %mul3A_1684 = arith.mulf %bitcast3A_1683, %gather3A_1596 : vector<16xf32>
      %add3A_1685 = arith.addf %add3A_1535, %mul3A_1684 : vector<16xf32>
      %mul3A_1686 = arith.mulf %bitcast3A_1683, %gather3A_1606 : vector<16xf32>
      %add3A_1687 = arith.addf %add3A_1537, %mul3A_1686 : vector<16xf32>
      %mul3A_1688 = arith.mulf %bitcast3A_1683, %gather3A_1616 : vector<16xf32>
      %add3A_1689 = arith.addf %add3A_1539, %mul3A_1688 : vector<16xf32>
      %mul3A_1690 = arith.mulf %bitcast3A_1683, %gather3A_1626 : vector<16xf32>
      %add3A_1691 = arith.addf %add3A_1541, %mul3A_1690 : vector<16xf32>
      %mul3A_1692 = arith.mulf %bitcast3A_1683, %gather3A_1636 : vector<16xf32>
      %add3A_1693 = arith.addf %add3A_1543, %mul3A_1692 : vector<16xf32>
      %mul3A_1694 = arith.mulf %bitcast3A_1683, %gather3A_1646 : vector<16xf32>
      %add3A_1695 = arith.addf %add3A_1545, %mul3A_1694 : vector<16xf32>
      %mul3A_1696 = arith.mulf %bitcast3A_1683, %gather3A_1656 : vector<16xf32>
      %add3A_1697 = arith.addf %add3A_1547, %mul3A_1696 : vector<16xf32>
      %mul3A_1698 = arith.mulf %bitcast3A_1683, %gather3A_1666 : vector<16xf32>
      %add3A_1699 = arith.addf %add3A_1549, %mul3A_1698 : vector<16xf32>
      %gather3A_1700 = tpu.vector_load_idx %arg7[%add3A_6, %broadcast_in_dim3A_1667] : memref<32x769xf32, #tpu.memory_space<vmem>>[vector<16xi32>, vector<16xi32>], vector<16xf32>,
      %bitcast3A_1701 = vector.bitcast %gather3A_1700 : vector<16xf32> to vector<16xi32>
      %add3A_1702 = arith.constant 32767 : i32
      %add3A_1703 = vector.broadcast %add3A_1702 : i32 to vector<16xi32>
      %add3A_1704 = arith.addi %bitcast3A_1701, %add3A_1703 : vector<16xi32>
      %shift_right_logical3A_1705 = arith.constant 16 : i32
      %shift_right_logical3A_1706 = vector.broadcast %shift_right_logical3A_1705 : i32 to vector<16xi32>
      %shift_right_logical3A_1707 = arith.shrui %bitcast3A_1701, %shift_right_logical3A_1706 : vector<16xi32>
      %and3A_1708 = arith.constant 1 : i32
      %and3A_1709 = vector.broadcast %and3A_1708 : i32 to vector<16xi32>
      %and3A_1710 = arith.andi %shift_right_logical3A_1707, %and3A_1709 : vector<16xi32>
      %add3A_1711 = arith.addi %add3A_1704, %and3A_1710 : vector<16xi32>
      %and3A_1712 = arith.constant -65536 : i32
      %and3A_1713 = vector.broadcast %and3A_1712 : i32 to vector<16xi32>
      %and3A_1714 = arith.andi %add3A_1711, %and3A_1713 : vector<16xi32>
      %bitcast3A_1715 = vector.bitcast %and3A_1714 : vector<16xi32> to vector<16xf32>
      %mul3A_1716 = arith.mulf %bitcast3A_1715, %gather3A_1596 : vector<16xf32>
      %add3A_1717 = arith.addf %add3A_1567, %mul3A_1716 : vector<16xf32>
      %mul3A_1718 = arith.mulf %bitcast3A_1715, %gather3A_1606 : vector<16xf32>
      %add3A_1719 = arith.addf %add3A_1569, %mul3A_1718 : vector<16xf32>
      %mul3A_1720 = arith.mulf %bitcast3A_1715, %gather3A_1616 : vector<16xf32>
      %add3A_1721 = arith.addf %add3A_1571, %mul3A_1720 : vector<16xf32>
      %mul3A_1722 = arith.mulf %bitcast3A_1715, %gather3A_1626 : vector<16xf32>
      %add3A_1723 = arith.addf %add3A_1573, %mul3A_1722 : vector<16xf32>
      %mul3A_1724 = arith.mulf %bitcast3A_1715, %gather3A_1636 : vector<16xf32>
      %add3A_1725 = arith.addf %add3A_1575, %mul3A_1724 : vector<16xf32>
      %mul3A_1726 = arith.mulf %bitcast3A_1715, %gather3A_1646 : vector<16xf32>
      %add3A_1727 = arith.addf %add3A_1577, %mul3A_1726 : vector<16xf32>
      %mul3A_1728 = arith.mulf %bitcast3A_1715, %gather3A_1656 : vector<16xf32>
      %add3A_1729 = arith.addf %add3A_1579, %mul3A_1728 : vector<16xf32>
      %mul3A_1730 = arith.mulf %bitcast3A_1715, %gather3A_1666 : vector<16xf32>
      %add3A_1731 = arith.addf %add3A_1581, %mul3A_1730 : vector<16xf32>
      %scan3A_1732 = arith.constant 2 : i32
      %scan3A_1733 = arith.addi %scan3A_1423, %scan3A_1732 : i32
      %get3A_1734 = arith.index_cast %scan3A_1733 : i32 to index
      %get3A_1735 = arith.constant 0 : index
      %get3A_1736 = tpu.vector_load %arg8[%get3A_1734, %get3A_1735] {strides = array<i32>} : memref<768x16xf32, #tpu.memory_space<vmem>>, vector<16xf32>,
      %lt3A_1737 = arith.constant 0 : i32
      %lt3A_1738 = vector.broadcast %lt3A_1737 : i32 to vector<16xi32>
      %lt3A_1739 = arith.cmpi slt, %broadcast_in_dim3A_7, %lt3A_1738 : vector<16xi32>
      %add3A_1740 = arith.constant 16 : i32
      %add3A_1741 = vector.broadcast %add3A_1740 : i32 to vector<16xi32>
      %add3A_1742 = arith.addi %broadcast_in_dim3A_7, %add3A_1741 : vector<16xi32>
      %select_n3A_1743 = arith.select %lt3A_1739, %add3A_1742, %broadcast_in_dim3A_7 : vector<16xi1>, vector<16xi32>
      %broadcast_in_dim3A_1744 = vector.shape_cast %select_n3A_1743 : vector<16xi32> to vector<16x1xi32>
      %gather3A_1745 = vector.shape_cast %broadcast_in_dim3A_1744 : vector<16x1xi32> to vector<16xi32>
      %gather3A_1746 = tpu.dynamic_gather %get3A_1736[%gather3A_1745] in [0] : vector<16xf32>, vector<16xi32> -> vector<16xf32>
      %lt3A_1747 = arith.constant 0 : i32
      %lt3A_1748 = vector.broadcast %lt3A_1747 : i32 to vector<16xi32>
      %lt3A_1749 = arith.cmpi slt, %broadcast_in_dim3A_9, %lt3A_1748 : vector<16xi32>
      %add3A_1750 = arith.constant 16 : i32
      %add3A_1751 = vector.broadcast %add3A_1750 : i32 to vector<16xi32>
      %add3A_1752 = arith.addi %broadcast_in_dim3A_9, %add3A_1751 : vector<16xi32>
      %select_n3A_1753 = arith.select %lt3A_1749, %add3A_1752, %broadcast_in_dim3A_9 : vector<16xi1>, vector<16xi32>
      %broadcast_in_dim3A_1754 = vector.shape_cast %select_n3A_1753 : vector<16xi32> to vector<16x1xi32>
      %gather3A_1755 = vector.shape_cast %broadcast_in_dim3A_1754 : vector<16x1xi32> to vector<16xi32>
      %gather3A_1756 = tpu.dynamic_gather %get3A_1736[%gather3A_1755] in [0] : vector<16xf32>, vector<16xi32> -> vector<16xf32>
      %lt3A_1757 = arith.constant 0 : i32
      %lt3A_1758 = vector.broadcast %lt3A_1757 : i32 to vector<16xi32>
      %lt3A_1759 = arith.cmpi slt, %broadcast_in_dim3A_11, %lt3A_1758 : vector<16xi32>
      %add3A_1760 = arith.constant 16 : i32
      %add3A_1761 = vector.broadcast %add3A_1760 : i32 to vector<16xi32>
      %add3A_1762 = arith.addi %broadcast_in_dim3A_11, %add3A_1761 : vector<16xi32>
      %select_n3A_1763 = arith.select %lt3A_1759, %add3A_1762, %broadcast_in_dim3A_11 : vector<16xi1>, vector<16xi32>
      %broadcast_in_dim3A_1764 = vector.shape_cast %select_n3A_1763 : vector<16xi32> to vector<16x1xi32>
      %gather3A_1765 = vector.shape_cast %broadcast_in_dim3A_1764 : vector<16x1xi32> to vector<16xi32>
      %gather3A_1766 = tpu.dynamic_gather %get3A_1736[%gather3A_1765] in [0] : vector<16xf32>, vector<16xi32> -> vector<16xf32>
      %lt3A_1767 = arith.constant 0 : i32
      %lt3A_1768 = vector.broadcast %lt3A_1767 : i32 to vector<16xi32>
      %lt3A_1769 = arith.cmpi slt, %broadcast_in_dim3A_13, %lt3A_1768 : vector<16xi32>
      %add3A_1770 = arith.constant 16 : i32
      %add3A_1771 = vector.broadcast %add3A_1770 : i32 to vector<16xi32>
      %add3A_1772 = arith.addi %broadcast_in_dim3A_13, %add3A_1771 : vector<16xi32>
      %select_n3A_1773 = arith.select %lt3A_1769, %add3A_1772, %broadcast_in_dim3A_13 : vector<16xi1>, vector<16xi32>
      %broadcast_in_dim3A_1774 = vector.shape_cast %select_n3A_1773 : vector<16xi32> to vector<16x1xi32>
      %gather3A_1775 = vector.shape_cast %broadcast_in_dim3A_1774 : vector<16x1xi32> to vector<16xi32>
      %gather3A_1776 = tpu.dynamic_gather %get3A_1736[%gather3A_1775] in [0] : vector<16xf32>, vector<16xi32> -> vector<16xf32>
      %lt3A_1777 = arith.constant 0 : i32
      %lt3A_1778 = vector.broadcast %lt3A_1777 : i32 to vector<16xi32>
      %lt3A_1779 = arith.cmpi slt, %broadcast_in_dim3A_15, %lt3A_1778 : vector<16xi32>
      %add3A_1780 = arith.constant 16 : i32
      %add3A_1781 = vector.broadcast %add3A_1780 : i32 to vector<16xi32>
      %add3A_1782 = arith.addi %broadcast_in_dim3A_15, %add3A_1781 : vector<16xi32>
      %select_n3A_1783 = arith.select %lt3A_1779, %add3A_1782, %broadcast_in_dim3A_15 : vector<16xi1>, vector<16xi32>
      %broadcast_in_dim3A_1784 = vector.shape_cast %select_n3A_1783 : vector<16xi32> to vector<16x1xi32>
      %gather3A_1785 = vector.shape_cast %broadcast_in_dim3A_1784 : vector<16x1xi32> to vector<16xi32>
      %gather3A_1786 = tpu.dynamic_gather %get3A_1736[%gather3A_1785] in [0] : vector<16xf32>, vector<16xi32> -> vector<16xf32>
      %lt3A_1787 = arith.constant 0 : i32
      %lt3A_1788 = vector.broadcast %lt3A_1787 : i32 to vector<16xi32>
      %lt3A_1789 = arith.cmpi slt, %broadcast_in_dim3A_17, %lt3A_1788 : vector<16xi32>
      %add3A_1790 = arith.constant 16 : i32
      %add3A_1791 = vector.broadcast %add3A_1790 : i32 to vector<16xi32>
      %add3A_1792 = arith.addi %broadcast_in_dim3A_17, %add3A_1791 : vector<16xi32>
      %select_n3A_1793 = arith.select %lt3A_1789, %add3A_1792, %broadcast_in_dim3A_17 : vector<16xi1>, vector<16xi32>
      %broadcast_in_dim3A_1794 = vector.shape_cast %select_n3A_1793 : vector<16xi32> to vector<16x1xi32>
      %gather3A_1795 = vector.shape_cast %broadcast_in_dim3A_1794 : vector<16x1xi32> to vector<16xi32>
      %gather3A_1796 = tpu.dynamic_gather %get3A_1736[%gather3A_1795] in [0] : vector<16xf32>, vector<16xi32> -> vector<16xf32>
      %lt3A_1797 = arith.constant 0 : i32
      %lt3A_1798 = vector.broadcast %lt3A_1797 : i32 to vector<16xi32>
      %lt3A_1799 = arith.cmpi slt, %broadcast_in_dim3A_19, %lt3A_1798 : vector<16xi32>
      %add3A_1800 = arith.constant 16 : i32
      %add3A_1801 = vector.broadcast %add3A_1800 : i32 to vector<16xi32>
      %add3A_1802 = arith.addi %broadcast_in_dim3A_19, %add3A_1801 : vector<16xi32>
      %select_n3A_1803 = arith.select %lt3A_1799, %add3A_1802, %broadcast_in_dim3A_19 : vector<16xi1>, vector<16xi32>
      %broadcast_in_dim3A_1804 = vector.shape_cast %select_n3A_1803 : vector<16xi32> to vector<16x1xi32>
      %gather3A_1805 = vector.shape_cast %broadcast_in_dim3A_1804 : vector<16x1xi32> to vector<16xi32>
      %gather3A_1806 = tpu.dynamic_gather %get3A_1736[%gather3A_1805] in [0] : vector<16xf32>, vector<16xi32> -> vector<16xf32>
      %lt3A_1807 = arith.constant 0 : i32
      %lt3A_1808 = vector.broadcast %lt3A_1807 : i32 to vector<16xi32>
      %lt3A_1809 = arith.cmpi slt, %broadcast_in_dim3A_21, %lt3A_1808 : vector<16xi32>
      %add3A_1810 = arith.constant 16 : i32
      %add3A_1811 = vector.broadcast %add3A_1810 : i32 to vector<16xi32>
      %add3A_1812 = arith.addi %broadcast_in_dim3A_21, %add3A_1811 : vector<16xi32>
      %select_n3A_1813 = arith.select %lt3A_1809, %add3A_1812, %broadcast_in_dim3A_21 : vector<16xi1>, vector<16xi32>
      %broadcast_in_dim3A_1814 = vector.shape_cast %select_n3A_1813 : vector<16xi32> to vector<16x1xi32>
      %gather3A_1815 = vector.shape_cast %broadcast_in_dim3A_1814 : vector<16x1xi32> to vector<16xi32>
      %gather3A_1816 = tpu.dynamic_gather %get3A_1736[%gather3A_1815] in [0] : vector<16xf32>, vector<16xi32> -> vector<16xf32>
      %broadcast_in_dim3A_1817 = vector.broadcast %scan3A_1733 : i32 to vector<16xi32>
      %gather3A_1818 = tpu.vector_load_idx %arg7[%add3A_3, %broadcast_in_dim3A_1817] : memref<32x769xf32, #tpu.memory_space<vmem>>[vector<16xi32>, vector<16xi32>], vector<16xf32>,
      %bitcast3A_1819 = vector.bitcast %gather3A_1818 : vector<16xf32> to vector<16xi32>
      %add3A_1820 = arith.constant 32767 : i32
      %add3A_1821 = vector.broadcast %add3A_1820 : i32 to vector<16xi32>
      %add3A_1822 = arith.addi %bitcast3A_1819, %add3A_1821 : vector<16xi32>
      %shift_right_logical3A_1823 = arith.constant 16 : i32
      %shift_right_logical3A_1824 = vector.broadcast %shift_right_logical3A_1823 : i32 to vector<16xi32>
      %shift_right_logical3A_1825 = arith.shrui %bitcast3A_1819, %shift_right_logical3A_1824 : vector<16xi32>
      %and3A_1826 = arith.constant 1 : i32
      %and3A_1827 = vector.broadcast %and3A_1826 : i32 to vector<16xi32>
      %and3A_1828 = arith.andi %shift_right_logical3A_1825, %and3A_1827 : vector<16xi32>
      %add3A_1829 = arith.addi %add3A_1822, %and3A_1828 : vector<16xi32>
      %and3A_1830 = arith.constant -65536 : i32
      %and3A_1831 = vector.broadcast %and3A_1830 : i32 to vector<16xi32>
      %and3A_1832 = arith.andi %add3A_1829, %and3A_1831 : vector<16xi32>
      %bitcast3A_1833 = vector.bitcast %and3A_1832 : vector<16xi32> to vector<16xf32>
      %mul3A_1834 = arith.mulf %bitcast3A_1833, %gather3A_1746 : vector<16xf32>
      %add3A_1835 = arith.addf %add3A_1685, %mul3A_1834 : vector<16xf32>
      %mul3A_1836 = arith.mulf %bitcast3A_1833, %gather3A_1756 : vector<16xf32>
      %add3A_1837 = arith.addf %add3A_1687, %mul3A_1836 : vector<16xf32>
      %mul3A_1838 = arith.mulf %bitcast3A_1833, %gather3A_1766 : vector<16xf32>
      %add3A_1839 = arith.addf %add3A_1689, %mul3A_1838 : vector<16xf32>
      %mul3A_1840 = arith.mulf %bitcast3A_1833, %gather3A_1776 : vector<16xf32>
      %add3A_1841 = arith.addf %add3A_1691, %mul3A_1840 : vector<16xf32>
      %mul3A_1842 = arith.mulf %bitcast3A_1833, %gather3A_1786 : vector<16xf32>
      %add3A_1843 = arith.addf %add3A_1693, %mul3A_1842 : vector<16xf32>
      %mul3A_1844 = arith.mulf %bitcast3A_1833, %gather3A_1796 : vector<16xf32>
      %add3A_1845 = arith.addf %add3A_1695, %mul3A_1844 : vector<16xf32>
      %mul3A_1846 = arith.mulf %bitcast3A_1833, %gather3A_1806 : vector<16xf32>
      %add3A_1847 = arith.addf %add3A_1697, %mul3A_1846 : vector<16xf32>
      %mul3A_1848 = arith.mulf %bitcast3A_1833, %gather3A_1816 : vector<16xf32>
      %add3A_1849 = arith.addf %add3A_1699, %mul3A_1848 : vector<16xf32>
      %gather3A_1850 = tpu.vector_load_idx %arg7[%add3A_6, %broadcast_in_dim3A_1817] : memref<32x769xf32, #tpu.memory_space<vmem>>[vector<16xi32>, vector<16xi32>], vector<16xf32>,
      %bitcast3A_1851 = vector.bitcast %gather3A_1850 : vector<16xf32> to vector<16xi32>
      %add3A_1852 = arith.constant 32767 : i32
      %add3A_1853 = vector.broadcast %add3A_1852 : i32 to vector<16xi32>
      %add3A_1854 = arith.addi %bitcast3A_1851, %add3A_1853 : vector<16xi32>
      %shift_right_logical3A_1855 = arith.constant 16 : i32
      %shift_right_logical3A_1856 = vector.broadcast %shift_right_logical3A_1855 : i32 to vector<16xi32>
      %shift_right_logical3A_1857 = arith.shrui %bitcast3A_1851, %shift_right_logical3A_1856 : vector<16xi32>
      %and3A_1858 = arith.constant 1 : i32
      %and3A_1859 = vector.broadcast %and3A_1858 : i32 to vector<16xi32>
      %and3A_1860 = arith.andi %shift_right_logical3A_1857, %and3A_1859 : vector<16xi32>
      %add3A_1861 = arith.addi %add3A_1854, %and3A_1860 : vector<16xi32>
      %and3A_1862 = arith.constant -65536 : i32
      %and3A_1863 = vector.broadcast %and3A_1862 : i32 to vector<16xi32>
      %and3A_1864 = arith.andi %add3A_1861, %and3A_1863 : vector<16xi32>
      %bitcast3A_1865 = vector.bitcast %and3A_1864 : vector<16xi32> to vector<16xf32>
      %mul3A_1866 = arith.mulf %bitcast3A_1865, %gather3A_1746 : vector<16xf32>
      %add3A_1867 = arith.addf %add3A_1717, %mul3A_1866 : vector<16xf32>
      %mul3A_1868 = arith.mulf %bitcast3A_1865, %gather3A_1756 : vector<16xf32>
      %add3A_1869 = arith.addf %add3A_1719, %mul3A_1868 : vector<16xf32>
      %mul3A_1870 = arith.mulf %bitcast3A_1865, %gather3A_1766 : vector<16xf32>
      %add3A_1871 = arith.addf %add3A_1721, %mul3A_1870 : vector<16xf32>
      %mul3A_1872 = arith.mulf %bitcast3A_1865, %gather3A_1776 : vector<16xf32>
      %add3A_1873 = arith.addf %add3A_1723, %mul3A_1872 : vector<16xf32>
      %mul3A_1874 = arith.mulf %bitcast3A_1865, %gather3A_1786 : vector<16xf32>
      %add3A_1875 = arith.addf %add3A_1725, %mul3A_1874 : vector<16xf32>
      %mul3A_1876 = arith.mulf %bitcast3A_1865, %gather3A_1796 : vector<16xf32>
      %add3A_1877 = arith.addf %add3A_1727, %mul3A_1876 : vector<16xf32>
      %mul3A_1878 = arith.mulf %bitcast3A_1865, %gather3A_1806 : vector<16xf32>
      %add3A_1879 = arith.addf %add3A_1729, %mul3A_1878 : vector<16xf32>
      %mul3A_1880 = arith.mulf %bitcast3A_1865, %gather3A_1816 : vector<16xf32>
      %add3A_1881 = arith.addf %add3A_1731, %mul3A_1880 : vector<16xf32>
      %scan3A_1882 = arith.constant 3 : i32
      %scan3A_1883 = arith.addi %scan3A_1423, %scan3A_1882 : i32
      %get3A_1884 = arith.index_cast %scan3A_1883 : i32 to index
      %get3A_1885 = arith.constant 0 : index
      %get3A_1886 = tpu.vector_load %arg8[%get3A_1884, %get3A_1885] {strides = array<i32>} : memref<768x16xf32, #tpu.memory_space<vmem>>, vector<16xf32>,
      %lt3A_1887 = arith.constant 0 : i32
      %lt3A_1888 = vector.broadcast %lt3A_1887 : i32 to vector<16xi32>
      %lt3A_1889 = arith.cmpi slt, %broadcast_in_dim3A_7, %lt3A_1888 : vector<16xi32>
      %add3A_1890 = arith.constant 16 : i32
      %add3A_1891 = vector.broadcast %add3A_1890 : i32 to vector<16xi32>
      %add3A_1892 = arith.addi %broadcast_in_dim3A_7, %add3A_1891 : vector<16xi32>
      %select_n3A_1893 = arith.select %lt3A_1889, %add3A_1892, %broadcast_in_dim3A_7 : vector<16xi1>, vector<16xi32>
      %broadcast_in_dim3A_1894 = vector.shape_cast %select_n3A_1893 : vector<16xi32> to vector<16x1xi32>
      %gather3A_1895 = vector.shape_cast %broadcast_in_dim3A_1894 : vector<16x1xi32> to vector<16xi32>
      %gather3A_1896 = tpu.dynamic_gather %get3A_1886[%gather3A_1895] in [0] : vector<16xf32>, vector<16xi32> -> vector<16xf32>
      %lt3A_1897 = arith.constant 0 : i32
      %lt3A_1898 = vector.broadcast %lt3A_1897 : i32 to vector<16xi32>
      %lt3A_1899 = arith.cmpi slt, %broadcast_in_dim3A_9, %lt3A_1898 : vector<16xi32>
      %add3A_1900 = arith.constant 16 : i32
      %add3A_1901 = vector.broadcast %add3A_1900 : i32 to vector<16xi32>
      %add3A_1902 = arith.addi %broadcast_in_dim3A_9, %add3A_1901 : vector<16xi32>
      %select_n3A_1903 = arith.select %lt3A_1899, %add3A_1902, %broadcast_in_dim3A_9 : vector<16xi1>, vector<16xi32>
      %broadcast_in_dim3A_1904 = vector.shape_cast %select_n3A_1903 : vector<16xi32> to vector<16x1xi32>
      %gather3A_1905 = vector.shape_cast %broadcast_in_dim3A_1904 : vector<16x1xi32> to vector<16xi32>
      %gather3A_1906 = tpu.dynamic_gather %get3A_1886[%gather3A_1905] in [0] : vector<16xf32>, vector<16xi32> -> vector<16xf32>
      %lt3A_1907 = arith.constant 0 : i32
      %lt3A_1908 = vector.broadcast %lt3A_1907 : i32 to vector<16xi32>
      %lt3A_1909 = arith.cmpi slt, %broadcast_in_dim3A_11, %lt3A_1908 : vector<16xi32>
      %add3A_1910 = arith.constant 16 : i32
      %add3A_1911 = vector.broadcast %add3A_1910 : i32 to vector<16xi32>
      %add3A_1912 = arith.addi %broadcast_in_dim3A_11, %add3A_1911 : vector<16xi32>
      %select_n3A_1913 = arith.select %lt3A_1909, %add3A_1912, %broadcast_in_dim3A_11 : vector<16xi1>, vector<16xi32>
      %broadcast_in_dim3A_1914 = vector.shape_cast %select_n3A_1913 : vector<16xi32> to vector<16x1xi32>
      %gather3A_1915 = vector.shape_cast %broadcast_in_dim3A_1914 : vector<16x1xi32> to vector<16xi32>
      %gather3A_1916 = tpu.dynamic_gather %get3A_1886[%gather3A_1915] in [0] : vector<16xf32>, vector<16xi32> -> vector<16xf32>
      %lt3A_1917 = arith.constant 0 : i32
      %lt3A_1918 = vector.broadcast %lt3A_1917 : i32 to vector<16xi32>
      %lt3A_1919 = arith.cmpi slt, %broadcast_in_dim3A_13, %lt3A_1918 : vector<16xi32>
      %add3A_1920 = arith.constant 16 : i32
      %add3A_1921 = vector.broadcast %add3A_1920 : i32 to vector<16xi32>
      %add3A_1922 = arith.addi %broadcast_in_dim3A_13, %add3A_1921 : vector<16xi32>
      %select_n3A_1923 = arith.select %lt3A_1919, %add3A_1922, %broadcast_in_dim3A_13 : vector<16xi1>, vector<16xi32>
      %broadcast_in_dim3A_1924 = vector.shape_cast %select_n3A_1923 : vector<16xi32> to vector<16x1xi32>
      %gather3A_1925 = vector.shape_cast %broadcast_in_dim3A_1924 : vector<16x1xi32> to vector<16xi32>
      %gather3A_1926 = tpu.dynamic_gather %get3A_1886[%gather3A_1925] in [0] : vector<16xf32>, vector<16xi32> -> vector<16xf32>
      %lt3A_1927 = arith.constant 0 : i32
      %lt3A_1928 = vector.broadcast %lt3A_1927 : i32 to vector<16xi32>
      %lt3A_1929 = arith.cmpi slt, %broadcast_in_dim3A_15, %lt3A_1928 : vector<16xi32>
      %add3A_1930 = arith.constant 16 : i32
      %add3A_1931 = vector.broadcast %add3A_1930 : i32 to vector<16xi32>
      %add3A_1932 = arith.addi %broadcast_in_dim3A_15, %add3A_1931 : vector<16xi32>
      %select_n3A_1933 = arith.select %lt3A_1929, %add3A_1932, %broadcast_in_dim3A_15 : vector<16xi1>, vector<16xi32>
      %broadcast_in_dim3A_1934 = vector.shape_cast %select_n3A_1933 : vector<16xi32> to vector<16x1xi32>
      %gather3A_1935 = vector.shape_cast %broadcast_in_dim3A_1934 : vector<16x1xi32> to vector<16xi32>
      %gather3A_1936 = tpu.dynamic_gather %get3A_1886[%gather3A_1935] in [0] : vector<16xf32>, vector<16xi32> -> vector<16xf32>
      %lt3A_1937 = arith.constant 0 : i32
      %lt3A_1938 = vector.broadcast %lt3A_1937 : i32 to vector<16xi32>
      %lt3A_1939 = arith.cmpi slt, %broadcast_in_dim3A_17, %lt3A_1938 : vector<16xi32>
      %add3A_1940 = arith.constant 16 : i32
      %add3A_1941 = vector.broadcast %add3A_1940 : i32 to vector<16xi32>
      %add3A_1942 = arith.addi %broadcast_in_dim3A_17, %add3A_1941 : vector<16xi32>
      %select_n3A_1943 = arith.select %lt3A_1939, %add3A_1942, %broadcast_in_dim3A_17 : vector<16xi1>, vector<16xi32>
      %broadcast_in_dim3A_1944 = vector.shape_cast %select_n3A_1943 : vector<16xi32> to vector<16x1xi32>
      %gather3A_1945 = vector.shape_cast %broadcast_in_dim3A_1944 : vector<16x1xi32> to vector<16xi32>
      %gather3A_1946 = tpu.dynamic_gather %get3A_1886[%gather3A_1945] in [0] : vector<16xf32>, vector<16xi32> -> vector<16xf32>
      %lt3A_1947 = arith.constant 0 : i32
      %lt3A_1948 = vector.broadcast %lt3A_1947 : i32 to vector<16xi32>
      %lt3A_1949 = arith.cmpi slt, %broadcast_in_dim3A_19, %lt3A_1948 : vector<16xi32>
      %add3A_1950 = arith.constant 16 : i32
      %add3A_1951 = vector.broadcast %add3A_1950 : i32 to vector<16xi32>
      %add3A_1952 = arith.addi %broadcast_in_dim3A_19, %add3A_1951 : vector<16xi32>
      %select_n3A_1953 = arith.select %lt3A_1949, %add3A_1952, %broadcast_in_dim3A_19 : vector<16xi1>, vector<16xi32>
      %broadcast_in_dim3A_1954 = vector.shape_cast %select_n3A_1953 : vector<16xi32> to vector<16x1xi32>
      %gather3A_1955 = vector.shape_cast %broadcast_in_dim3A_1954 : vector<16x1xi32> to vector<16xi32>
      %gather3A_1956 = tpu.dynamic_gather %get3A_1886[%gather3A_1955] in [0] : vector<16xf32>, vector<16xi32> -> vector<16xf32>
      %lt3A_1957 = arith.constant 0 : i32
      %lt3A_1958 = vector.broadcast %lt3A_1957 : i32 to vector<16xi32>
      %lt3A_1959 = arith.cmpi slt, %broadcast_in_dim3A_21, %lt3A_1958 : vector<16xi32>
      %add3A_1960 = arith.constant 16 : i32
      %add3A_1961 = vector.broadcast %add3A_1960 : i32 to vector<16xi32>
      %add3A_1962 = arith.addi %broadcast_in_dim3A_21, %add3A_1961 : vector<16xi32>
      %select_n3A_1963 = arith.select %lt3A_1959, %add3A_1962, %broadcast_in_dim3A_21 : vector<16xi1>, vector<16xi32>
      %broadcast_in_dim3A_1964 = vector.shape_cast %select_n3A_1963 : vector<16xi32> to vector<16x1xi32>
      %gather3A_1965 = vector.shape_cast %broadcast_in_dim3A_1964 : vector<16x1xi32> to vector<16xi32>
      %gather3A_1966 = tpu.dynamic_gather %get3A_1886[%gather3A_1965] in [0] : vector<16xf32>, vector<16xi32> -> vector<16xf32>
      %broadcast_in_dim3A_1967 = vector.broadcast %scan3A_1883 : i32 to vector<16xi32>
      %gather3A_1968 = tpu.vector_load_idx %arg7[%add3A_3, %broadcast_in_dim3A_1967] : memref<32x769xf32, #tpu.memory_space<vmem>>[vector<16xi32>, vector<16xi32>], vector<16xf32>,
      %bitcast3A_1969 = vector.bitcast %gather3A_1968 : vector<16xf32> to vector<16xi32>
      %add3A_1970 = arith.constant 32767 : i32
      %add3A_1971 = vector.broadcast %add3A_1970 : i32 to vector<16xi32>
      %add3A_1972 = arith.addi %bitcast3A_1969, %add3A_1971 : vector<16xi32>
      %shift_right_logical3A_1973 = arith.constant 16 : i32
      %shift_right_logical3A_1974 = vector.broadcast %shift_right_logical3A_1973 : i32 to vector<16xi32>
      %shift_right_logical3A_1975 = arith.shrui %bitcast3A_1969, %shift_right_logical3A_1974 : vector<16xi32>
      %and3A_1976 = arith.constant 1 : i32
      %and3A_1977 = vector.broadcast %and3A_1976 : i32 to vector<16xi32>
      %and3A_1978 = arith.andi %shift_right_logical3A_1975, %and3A_1977 : vector<16xi32>
      %add3A_1979 = arith.addi %add3A_1972, %and3A_1978 : vector<16xi32>
      %and3A_1980 = arith.constant -65536 : i32
      %and3A_1981 = vector.broadcast %and3A_1980 : i32 to vector<16xi32>
      %and3A_1982 = arith.andi %add3A_1979, %and3A_1981 : vector<16xi32>
      %bitcast3A_1983 = vector.bitcast %and3A_1982 : vector<16xi32> to vector<16xf32>
      %mul3A_1984 = arith.mulf %bitcast3A_1983, %gather3A_1896 : vector<16xf32>
      %add3A_1985 = arith.addf %add3A_1835, %mul3A_1984 : vector<16xf32>
      %mul3A_1986 = arith.mulf %bitcast3A_1983, %gather3A_1906 : vector<16xf32>
      %add3A_1987 = arith.addf %add3A_1837, %mul3A_1986 : vector<16xf32>
      %mul3A_1988 = arith.mulf %bitcast3A_1983, %gather3A_1916 : vector<16xf32>
      %add3A_1989 = arith.addf %add3A_1839, %mul3A_1988 : vector<16xf32>
      %mul3A_1990 = arith.mulf %bitcast3A_1983, %gather3A_1926 : vector<16xf32>
      %add3A_1991 = arith.addf %add3A_1841, %mul3A_1990 : vector<16xf32>
      %mul3A_1992 = arith.mulf %bitcast3A_1983, %gather3A_1936 : vector<16xf32>
      %add3A_1993 = arith.addf %add3A_1843, %mul3A_1992 : vector<16xf32>
      %mul3A_1994 = arith.mulf %bitcast3A_1983, %gather3A_1946 : vector<16xf32>
      %add3A_1995 = arith.addf %add3A_1845, %mul3A_1994 : vector<16xf32>
      %mul3A_1996 = arith.mulf %bitcast3A_1983, %gather3A_1956 : vector<16xf32>
      %add3A_1997 = arith.addf %add3A_1847, %mul3A_1996 : vector<16xf32>
      %mul3A_1998 = arith.mulf %bitcast3A_1983, %gather3A_1966 : vector<16xf32>
      %add3A_1999 = arith.addf %add3A_1849, %mul3A_1998 : vector<16xf32>
      %gather3A_2000 = tpu.vector_load_idx %arg7[%add3A_6, %broadcast_in_dim3A_1967] : memref<32x769xf32, #tpu.memory_space<vmem>>[vector<16xi32>, vector<16xi32>], vector<16xf32>,
      %bitcast3A_2001 = vector.bitcast %gather3A_2000 : vector<16xf32> to vector<16xi32>
      %add3A_2002 = arith.constant 32767 : i32
      %add3A_2003 = vector.broadcast %add3A_2002 : i32 to vector<16xi32>
      %add3A_2004 = arith.addi %bitcast3A_2001, %add3A_2003 : vector<16xi32>
      %shift_right_logical3A_2005 = arith.constant 16 : i32
      %shift_right_logical3A_2006 = vector.broadcast %shift_right_logical3A_2005 : i32 to vector<16xi32>
      %shift_right_logical3A_2007 = arith.shrui %bitcast3A_2001, %shift_right_logical3A_2006 : vector<16xi32>
      %and3A_2008 = arith.constant 1 : i32
      %and3A_2009 = vector.broadcast %and3A_2008 : i32 to vector<16xi32>
      %and3A_2010 = arith.andi %shift_right_logical3A_2007, %and3A_2009 : vector<16xi32>
      %add3A_2011 = arith.addi %add3A_2004, %and3A_2010 : vector<16xi32>
      %and3A_2012 = arith.constant -65536 : i32
      %and3A_2013 = vector.broadcast %and3A_2012 : i32 to vector<16xi32>
      %and3A_2014 = arith.andi %add3A_2011, %and3A_2013 : vector<16xi32>
      %bitcast3A_2015 = vector.bitcast %and3A_2014 : vector<16xi32> to vector<16xf32>
      %mul3A_2016 = arith.mulf %bitcast3A_2015, %gather3A_1896 : vector<16xf32>
      %add3A_2017 = arith.addf %add3A_1867, %mul3A_2016 : vector<16xf32>
      %mul3A_2018 = arith.mulf %bitcast3A_2015, %gather3A_1906 : vector<16xf32>
      %add3A_2019 = arith.addf %add3A_1869, %mul3A_2018 : vector<16xf32>
      %mul3A_2020 = arith.mulf %bitcast3A_2015, %gather3A_1916 : vector<16xf32>
      %add3A_2021 = arith.addf %add3A_1871, %mul3A_2020 : vector<16xf32>
      %mul3A_2022 = arith.mulf %bitcast3A_2015, %gather3A_1926 : vector<16xf32>
      %add3A_2023 = arith.addf %add3A_1873, %mul3A_2022 : vector<16xf32>
      %mul3A_2024 = arith.mulf %bitcast3A_2015, %gather3A_1936 : vector<16xf32>
      %add3A_2025 = arith.addf %add3A_1875, %mul3A_2024 : vector<16xf32>
      %mul3A_2026 = arith.mulf %bitcast3A_2015, %gather3A_1946 : vector<16xf32>
      %add3A_2027 = arith.addf %add3A_1877, %mul3A_2026 : vector<16xf32>
      %mul3A_2028 = arith.mulf %bitcast3A_2015, %gather3A_1956 : vector<16xf32>
      %add3A_2029 = arith.addf %add3A_1879, %mul3A_2028 : vector<16xf32>
      %mul3A_2030 = arith.mulf %bitcast3A_2015, %gather3A_1966 : vector<16xf32>
      %add3A_2031 = arith.addf %add3A_1881, %mul3A_2030 : vector<16xf32>
      scf.yield %add3A_1985, %add3A_1987, %add3A_1989, %add3A_1991, %add3A_1993, %add3A_1995, %add3A_1997, %add3A_1999, %add3A_2017, %add3A_2019, %add3A_2021, %add3A_2023, %add3A_2025, %add3A_2027, %add3A_2029, %add3A_2031 : vector<16xf32>, vector<16xf32>, vector<16xf32>, vector<16xf32>, vector<16xf32>, vector<16xf32>, vector<16xf32>, vector<16xf32>, vector<16xf32>, vector<16xf32>, vector<16xf32>, vector<16xf32>, vector<16xf32>, vector<16xf32>, vector<16xf32>, vector<16xf32>
    }
    %scan3A_32 = arith.constant 768 : i32
    %max3A = arith.maximumf %scan3A_31#0, %scan3A_31#1 : vector<16xf32>
    %max3A_33 = arith.maximumf %scan3A_31#2, %scan3A_31#3 : vector<16xf32>
    %max3A_34 = arith.maximumf %scan3A_31#4, %scan3A_31#5 : vector<16xf32>
    %max3A_35 = arith.maximumf %scan3A_31#6, %scan3A_31#7 : vector<16xf32>
    %max3A_36 = arith.maximumf %max3A, %max3A_33 : vector<16xf32>
    %max3A_37 = arith.maximumf %max3A_34, %max3A_35 : vector<16xf32>
    %max3A_38 = arith.maximumf %max3A_36, %max3A_37 : vector<16xf32>
    %sub3A = arith.subf %scan3A_31#0, %max3A_38 : vector<16xf32>
    %exp3A = math.exp %sub3A : vector<16xf32>
    %sub3A_39 = arith.subf %scan3A_31#1, %max3A_38 : vector<16xf32>
    %exp3A_40 = math.exp %sub3A_39 : vector<16xf32>
    %sub3A_41 = arith.subf %scan3A_31#2, %max3A_38 : vector<16xf32>
    %exp3A_42 = math.exp %sub3A_41 : vector<16xf32>
    %sub3A_43 = arith.subf %scan3A_31#3, %max3A_38 : vector<16xf32>
    %exp3A_44 = math.exp %sub3A_43 : vector<16xf32>
    %sub3A_45 = arith.subf %scan3A_31#4, %max3A_38 : vector<16xf32>
    %exp3A_46 = math.exp %sub3A_45 : vector<16xf32>
    %sub3A_47 = arith.subf %scan3A_31#5, %max3A_38 : vector<16xf32>
    %exp3A_48 = math.exp %sub3A_47 : vector<16xf32>
    %sub3A_49 = arith.subf %scan3A_31#6, %max3A_38 : vector<16xf32>
    %exp3A_50 = math.exp %sub3A_49 : vector<16xf32>
    %sub3A_51 = arith.subf %scan3A_31#7, %max3A_38 : vector<16xf32>
    %exp3A_52 = math.exp %sub3A_51 : vector<16xf32>
    %add3A_53 = arith.addf %exp3A, %exp3A_40 : vector<16xf32>
    %add3A_54 = arith.addf %add3A_53, %exp3A_42 : vector<16xf32>
    %add3A_55 = arith.addf %add3A_54, %exp3A_44 : vector<16xf32>
    %add3A_56 = arith.addf %add3A_55, %exp3A_46 : vector<16xf32>
    %add3A_57 = arith.addf %add3A_56, %exp3A_48 : vector<16xf32>
    %add3A_58 = arith.addf %add3A_57, %exp3A_50 : vector<16xf32>
    %add3A_59 = arith.addf %add3A_58, %exp3A_52 : vector<16xf32>
    %div3A = arith.divf %exp3A, %add3A_59 : vector<16xf32>
    %div3A_60 = arith.divf %exp3A_40, %add3A_59 : vector<16xf32>
    %div3A_61 = arith.divf %exp3A_42, %add3A_59 : vector<16xf32>
    %div3A_62 = arith.divf %exp3A_44, %add3A_59 : vector<16xf32>
    %div3A_63 = arith.divf %exp3A_46, %add3A_59 : vector<16xf32>
    %div3A_64 = arith.divf %exp3A_48, %add3A_59 : vector<16xf32>
    %div3A_65 = arith.divf %exp3A_50, %add3A_59 : vector<16xf32>
    %div3A_66 = arith.divf %exp3A_52, %add3A_59 : vector<16xf32>
    %max3A_67 = arith.maximumf %div3A, %div3A_60 : vector<16xf32>
    %max3A_68 = arith.maximumf %div3A_61, %div3A_62 : vector<16xf32>
    %max3A_69 = arith.maximumf %div3A_63, %div3A_64 : vector<16xf32>
    %max3A_70 = arith.maximumf %div3A_65, %div3A_66 : vector<16xf32>
    %max3A_71 = arith.maximumf %max3A_67, %max3A_68 : vector<16xf32>
    %max3A_72 = arith.maximumf %max3A_69, %max3A_70 : vector<16xf32>
    %max3A_73 = arith.maximumf %max3A_71, %max3A_72 : vector<16xf32>
    %broadcast_in_dim3A_74 = arith.constant 8 : i32
    %broadcast_in_dim3A_75 = vector.broadcast %broadcast_in_dim3A_74 : i32 to vector<16xi32>
    %eq3A = arith.cmpf oeq, %div3A_66, %max3A_73 : vector<16xf32>
    %select_n3A = arith.select %eq3A, %broadcast_in_dim3A_21, %broadcast_in_dim3A_75 : vector<16xi1>, vector<16xi32>
    %eq3A_76 = arith.cmpf oeq, %div3A_65, %max3A_73 : vector<16xf32>
    %select_n3A_77 = arith.select %eq3A_76, %broadcast_in_dim3A_19, %select_n3A : vector<16xi1>, vector<16xi32>
    %eq3A_78 = arith.cmpf oeq, %div3A_64, %max3A_73 : vector<16xf32>
    %select_n3A_79 = arith.select %eq3A_78, %broadcast_in_dim3A_17, %select_n3A_77 : vector<16xi1>, vector<16xi32>
    %eq3A_80 = arith.cmpf oeq, %div3A_63, %max3A_73 : vector<16xf32>
    %select_n3A_81 = arith.select %eq3A_80, %broadcast_in_dim3A_15, %select_n3A_79 : vector<16xi1>, vector<16xi32>
    %eq3A_82 = arith.cmpf oeq, %div3A_62, %max3A_73 : vector<16xf32>
    %select_n3A_83 = arith.select %eq3A_82, %broadcast_in_dim3A_13, %select_n3A_81 : vector<16xi1>, vector<16xi32>
    %eq3A_84 = arith.cmpf oeq, %div3A_61, %max3A_73 : vector<16xf32>
    %select_n3A_85 = arith.select %eq3A_84, %broadcast_in_dim3A_11, %select_n3A_83 : vector<16xi1>, vector<16xi32>
    %eq3A_86 = arith.cmpf oeq, %div3A_60, %max3A_73 : vector<16xf32>
    %select_n3A_87 = arith.select %eq3A_86, %broadcast_in_dim3A_9, %select_n3A_85 : vector<16xi1>, vector<16xi32>
    %eq3A_88 = arith.cmpf oeq, %div3A, %max3A_73 : vector<16xf32>
    %select_n3A_89 = arith.select %eq3A_88, %broadcast_in_dim3A_7, %select_n3A_87 : vector<16xi1>, vector<16xi32>
    %eq3A_90 = arith.cmpi eq, %broadcast_in_dim3A_7, %select_n3A_89 : vector<16xi32>
    %jit3A = arith.constant -1.000000e+00 : f32
    %broadcast_in_dim3A_91 = vector.broadcast %jit3A : f32 to vector<16xf32>
    %select_n3A_92 = arith.select %eq3A_90, %broadcast_in_dim3A_91, %div3A : vector<16xi1>, vector<16xf32>
    %eq3A_93 = arith.cmpi eq, %broadcast_in_dim3A_9, %select_n3A_89 : vector<16xi32>
    %jit3A_94 = arith.constant -1.000000e+00 : f32
    %broadcast_in_dim3A_95 = vector.broadcast %jit3A_94 : f32 to vector<16xf32>
    %select_n3A_96 = arith.select %eq3A_93, %broadcast_in_dim3A_95, %div3A_60 : vector<16xi1>, vector<16xf32>
    %eq3A_97 = arith.cmpi eq, %broadcast_in_dim3A_11, %select_n3A_89 : vector<16xi32>
    %jit3A_98 = arith.constant -1.000000e+00 : f32
    %broadcast_in_dim3A_99 = vector.broadcast %jit3A_98 : f32 to vector<16xf32>
    %select_n3A_100 = arith.select %eq3A_97, %broadcast_in_dim3A_99, %div3A_61 : vector<16xi1>, vector<16xf32>
    %eq3A_101 = arith.cmpi eq, %broadcast_in_dim3A_13, %select_n3A_89 : vector<16xi32>
    %jit3A_102 = arith.constant -1.000000e+00 : f32
    %broadcast_in_dim3A_103 = vector.broadcast %jit3A_102 : f32 to vector<16xf32>
    %select_n3A_104 = arith.select %eq3A_101, %broadcast_in_dim3A_103, %div3A_62 : vector<16xi1>, vector<16xf32>
    %eq3A_105 = arith.cmpi eq, %broadcast_in_dim3A_15, %select_n3A_89 : vector<16xi32>
    %jit3A_106 = arith.constant -1.000000e+00 : f32
    %broadcast_in_dim3A_107 = vector.broadcast %jit3A_106 : f32 to vector<16xf32>
    %select_n3A_108 = arith.select %eq3A_105, %broadcast_in_dim3A_107, %div3A_63 : vector<16xi1>, vector<16xf32>
    %eq3A_109 = arith.cmpi eq, %broadcast_in_dim3A_17, %select_n3A_89 : vector<16xi32>
    %jit3A_110 = arith.constant -1.000000e+00 : f32
    %broadcast_in_dim3A_111 = vector.broadcast %jit3A_110 : f32 to vector<16xf32>
    %select_n3A_112 = arith.select %eq3A_109, %broadcast_in_dim3A_111, %div3A_64 : vector<16xi1>, vector<16xf32>
    %eq3A_113 = arith.cmpi eq, %broadcast_in_dim3A_19, %select_n3A_89 : vector<16xi32>
    %jit3A_114 = arith.constant -1.000000e+00 : f32
    %broadcast_in_dim3A_115 = vector.broadcast %jit3A_114 : f32 to vector<16xf32>
    %select_n3A_116 = arith.select %eq3A_113, %broadcast_in_dim3A_115, %div3A_65 : vector<16xi1>, vector<16xf32>
    %eq3A_117 = arith.cmpi eq, %broadcast_in_dim3A_21, %select_n3A_89 : vector<16xi32>
    %jit3A_118 = arith.constant -1.000000e+00 : f32
    %broadcast_in_dim3A_119 = vector.broadcast %jit3A_118 : f32 to vector<16xf32>
    %select_n3A_120 = arith.select %eq3A_117, %broadcast_in_dim3A_119, %div3A_66 : vector<16xi1>, vector<16xf32>
    %max3A_121 = arith.maximumf %select_n3A_92, %select_n3A_96 : vector<16xf32>
    %max3A_122 = arith.maximumf %select_n3A_100, %select_n3A_104 : vector<16xf32>
    %max3A_123 = arith.maximumf %select_n3A_108, %select_n3A_112 : vector<16xf32>
    %max3A_124 = arith.maximumf %select_n3A_116, %select_n3A_120 : vector<16xf32>
    %max3A_125 = arith.maximumf %max3A_121, %max3A_122 : vector<16xf32>
    %max3A_126 = arith.maximumf %max3A_123, %max3A_124 : vector<16xf32>
    %max3A_127 = arith.maximumf %max3A_125, %max3A_126 : vector<16xf32>
    %broadcast_in_dim3A_128 = arith.constant 8 : i32
    %broadcast_in_dim3A_129 = vector.broadcast %broadcast_in_dim3A_128 : i32 to vector<16xi32>
    %eq3A_130 = arith.cmpf oeq, %select_n3A_120, %max3A_127 : vector<16xf32>
    %select_n3A_131 = arith.select %eq3A_130, %broadcast_in_dim3A_21, %broadcast_in_dim3A_129 : vector<16xi1>, vector<16xi32>
    %eq3A_132 = arith.cmpf oeq, %select_n3A_116, %max3A_127 : vector<16xf32>
    %select_n3A_133 = arith.select %eq3A_132, %broadcast_in_dim3A_19, %select_n3A_131 : vector<16xi1>, vector<16xi32>
    %eq3A_134 = arith.cmpf oeq, %select_n3A_112, %max3A_127 : vector<16xf32>
    %select_n3A_135 = arith.select %eq3A_134, %broadcast_in_dim3A_17, %select_n3A_133 : vector<16xi1>, vector<16xi32>
    %eq3A_136 = arith.cmpf oeq, %select_n3A_108, %max3A_127 : vector<16xf32>
    %select_n3A_137 = arith.select %eq3A_136, %broadcast_in_dim3A_15, %select_n3A_135 : vector<16xi1>, vector<16xi32>
    %eq3A_138 = arith.cmpf oeq, %select_n3A_104, %max3A_127 : vector<16xf32>
    %select_n3A_139 = arith.select %eq3A_138, %broadcast_in_dim3A_13, %select_n3A_137 : vector<16xi1>, vector<16xi32>
    %eq3A_140 = arith.cmpf oeq, %select_n3A_100, %max3A_127 : vector<16xf32>
    %select_n3A_141 = arith.select %eq3A_140, %broadcast_in_dim3A_11, %select_n3A_139 : vector<16xi1>, vector<16xi32>
    %eq3A_142 = arith.cmpf oeq, %select_n3A_96, %max3A_127 : vector<16xf32>
    %select_n3A_143 = arith.select %eq3A_142, %broadcast_in_dim3A_9, %select_n3A_141 : vector<16xi1>, vector<16xi32>
    %eq3A_144 = arith.cmpf oeq, %select_n3A_92, %max3A_127 : vector<16xf32>
    %select_n3A_145 = arith.select %eq3A_144, %broadcast_in_dim3A_7, %select_n3A_143 : vector<16xi1>, vector<16xi32>
    %add3A_146 = arith.addf %max3A_73, %max3A_127 : vector<16xf32>
    %swap3A = arith.constant 0 : i32
    %swap3A_147 = arith.index_cast %swap3A : i32 to index
    %swap3A_148 = arith.constant 0 : index
    %swap3A_149 = tpu.vector_load %arg9[%swap3A_147, %swap3A_148] {strides = array<i32>} : memref<8x32xf32, #tpu.memory_space<vmem>>, vector<16xf32>,
    tpu.vector_store %arg9[%swap3A_147, %swap3A_148], %div3A {strides = array<i32>} : memref<8x32xf32, #tpu.memory_space<vmem>>, vector<16xf32>,
    %swap3A_150 = arith.constant 1 : i32
    %swap3A_151 = arith.index_cast %swap3A_150 : i32 to index
    %swap3A_152 = arith.constant 0 : index
    %swap3A_153 = tpu.vector_load %arg9[%swap3A_151, %swap3A_152] {strides = array<i32>} : memref<8x32xf32, #tpu.memory_space<vmem>>, vector<16xf32>,
    tpu.vector_store %arg9[%swap3A_151, %swap3A_152], %div3A_60 {strides = array<i32>} : memref<8x32xf32, #tpu.memory_space<vmem>>, vector<16xf32>,
    %swap3A_154 = arith.constant 2 : i32
    %swap3A_155 = arith.index_cast %swap3A_154 : i32 to index
    %swap3A_156 = arith.constant 0 : index
    %swap3A_157 = tpu.vector_load %arg9[%swap3A_155, %swap3A_156] {strides = array<i32>} : memref<8x32xf32, #tpu.memory_space<vmem>>, vector<16xf32>,
    tpu.vector_store %arg9[%swap3A_155, %swap3A_156], %div3A_61 {strides = array<i32>} : memref<8x32xf32, #tpu.memory_space<vmem>>, vector<16xf32>,
    %swap3A_158 = arith.constant 3 : i32
    %swap3A_159 = arith.index_cast %swap3A_158 : i32 to index
    %swap3A_160 = arith.constant 0 : index
    %swap3A_161 = tpu.vector_load %arg9[%swap3A_159, %swap3A_160] {strides = array<i32>} : memref<8x32xf32, #tpu.memory_space<vmem>>, vector<16xf32>,
    tpu.vector_store %arg9[%swap3A_159, %swap3A_160], %div3A_62 {strides = array<i32>} : memref<8x32xf32, #tpu.memory_space<vmem>>, vector<16xf32>,
    %swap3A_162 = arith.constant 4 : i32
    %swap3A_163 = arith.index_cast %swap3A_162 : i32 to index
    %swap3A_164 = arith.constant 0 : index
    %swap3A_165 = tpu.vector_load %arg9[%swap3A_163, %swap3A_164] {strides = array<i32>} : memref<8x32xf32, #tpu.memory_space<vmem>>, vector<16xf32>,
    tpu.vector_store %arg9[%swap3A_163, %swap3A_164], %div3A_63 {strides = array<i32>} : memref<8x32xf32, #tpu.memory_space<vmem>>, vector<16xf32>,
    %swap3A_166 = arith.constant 5 : i32
    %swap3A_167 = arith.index_cast %swap3A_166 : i32 to index
    %swap3A_168 = arith.constant 0 : index
    %swap3A_169 = tpu.vector_load %arg9[%swap3A_167, %swap3A_168] {strides = array<i32>} : memref<8x32xf32, #tpu.memory_space<vmem>>, vector<16xf32>,
    tpu.vector_store %arg9[%swap3A_167, %swap3A_168], %div3A_64 {strides = array<i32>} : memref<8x32xf32, #tpu.memory_space<vmem>>, vector<16xf32>,
    %swap3A_170 = arith.constant 6 : i32
    %swap3A_171 = arith.index_cast %swap3A_170 : i32 to index
    %swap3A_172 = arith.constant 0 : index
    %swap3A_173 = tpu.vector_load %arg9[%swap3A_171, %swap3A_172] {strides = array<i32>} : memref<8x32xf32, #tpu.memory_space<vmem>>, vector<16xf32>,
    tpu.vector_store %arg9[%swap3A_171, %swap3A_172], %div3A_65 {strides = array<i32>} : memref<8x32xf32, #tpu.memory_space<vmem>>, vector<16xf32>,
    %swap3A_174 = arith.constant 7 : i32
    %swap3A_175 = arith.index_cast %swap3A_174 : i32 to index
    %swap3A_176 = arith.constant 0 : index
    %swap3A_177 = tpu.vector_load %arg9[%swap3A_175, %swap3A_176] {strides = array<i32>} : memref<8x32xf32, #tpu.memory_space<vmem>>, vector<16xf32>,
    tpu.vector_store %arg9[%swap3A_175, %swap3A_176], %div3A_66 {strides = array<i32>} : memref<8x32xf32, #tpu.memory_space<vmem>>, vector<16xf32>,
    %div3A_178 = arith.divf %max3A_73, %add3A_146 : vector<16xf32>
    %swap3A_179 = arith.constant 0 : i32
    %swap3A_180 = arith.index_cast %swap3A_179 : i32 to index
    %swap3A_181 = arith.constant 0 : index
    %swap3A_182 = tpu.vector_load %arg10[%swap3A_180, %swap3A_181] {strides = array<i32>} : memref<2x32xf32, #tpu.memory_space<vmem>>, vector<16xf32>,
    tpu.vector_store %arg10[%swap3A_180, %swap3A_181], %div3A_178 {strides = array<i32>} : memref<2x32xf32, #tpu.memory_space<vmem>>, vector<16xf32>,
    %div3A_183 = arith.divf %max3A_127, %add3A_146 : vector<16xf32>
    %swap3A_184 = arith.constant 1 : i32
    %swap3A_185 = arith.index_cast %swap3A_184 : i32 to index
    %swap3A_186 = arith.constant 0 : index
    %swap3A_187 = tpu.vector_load %arg10[%swap3A_185, %swap3A_186] {strides = array<i32>} : memref<2x32xf32, #tpu.memory_space<vmem>>, vector<16xf32>,
    tpu.vector_store %arg10[%swap3A_185, %swap3A_186], %div3A_183 {strides = array<i32>} : memref<2x32xf32, #tpu.memory_space<vmem>>, vector<16xf32>,
    %swap3A_188 = arith.constant 0 : i32
    %swap3A_189 = arith.index_cast %swap3A_188 : i32 to index
    %swap3A_190 = arith.constant 0 : index
    %swap3A_191 = tpu.vector_load %arg11[%swap3A_189, %swap3A_190] {strides = array<i32>} : memref<2x32xi32, #tpu.memory_space<vmem>>, vector<16xi32>,
    tpu.vector_store %arg11[%swap3A_189, %swap3A_190], %select_n3A_89 {strides = array<i32>} : memref<2x32xi32, #tpu.memory_space<vmem>>, vector<16xi32>,
    %swap3A_192 = arith.constant 1 : i32
    %swap3A_193 = arith.index_cast %swap3A_192 : i32 to index
    %swap3A_194 = arith.constant 0 : index
    %swap3A_195 = tpu.vector_load %arg11[%swap3A_193, %swap3A_194] {strides = array<i32>} : memref<2x32xi32, #tpu.memory_space<vmem>>, vector<16xi32>,
    tpu.vector_store %arg11[%swap3A_193, %swap3A_194], %select_n3A_145 {strides = array<i32>} : memref<2x32xi32, #tpu.memory_space<vmem>>, vector<16xi32>,
    %max3A_196 = arith.maximumf %scan3A_31#8, %scan3A_31#9 : vector<16xf32>
    %max3A_197 = arith.maximumf %scan3A_31#10, %scan3A_31#11 : vector<16xf32>
    %max3A_198 = arith.maximumf %scan3A_31#12, %scan3A_31#13 : vector<16xf32>
    %max3A_199 = arith.maximumf %scan3A_31#14, %scan3A_31#15 : vector<16xf32>
    %max3A_200 = arith.maximumf %max3A_196, %max3A_197 : vector<16xf32>
    %max3A_201 = arith.maximumf %max3A_198, %max3A_199 : vector<16xf32>
    %max3A_202 = arith.maximumf %max3A_200, %max3A_201 : vector<16xf32>
    %sub3A_203 = arith.subf %scan3A_31#8, %max3A_202 : vector<16xf32>
    %exp3A_204 = math.exp %sub3A_203 : vector<16xf32>
    %sub3A_205 = arith.subf %scan3A_31#9, %max3A_202 : vector<16xf32>
    %exp3A_206 = math.exp %sub3A_205 : vector<16xf32>
    %sub3A_207 = arith.subf %scan3A_31#10, %max3A_202 : vector<16xf32>
    %exp3A_208 = math.exp %sub3A_207 : vector<16xf32>
    %sub3A_209 = arith.subf %scan3A_31#11, %max3A_202 : vector<16xf32>
    %exp3A_210 = math.exp %sub3A_209 : vector<16xf32>
    %sub3A_211 = arith.subf %scan3A_31#12, %max3A_202 : vector<16xf32>
    %exp3A_212 = math.exp %sub3A_211 : vector<16xf32>
    %sub3A_213 = arith.subf %scan3A_31#13, %max3A_202 : vector<16xf32>
    %exp3A_214 = math.exp %sub3A_213 : vector<16xf32>
    %sub3A_215 = arith.subf %scan3A_31#14, %max3A_202 : vector<16xf32>
    %exp3A_216 = math.exp %sub3A_215 : vector<16xf32>
    %sub3A_217 = arith.subf %scan3A_31#15, %max3A_202 : vector<16xf32>
    %exp3A_218 = math.exp %sub3A_217 : vector<16xf32>
    %add3A_219 = arith.addf %exp3A_204, %exp3A_206 : vector<16xf32>
    %add3A_220 = arith.addf %add3A_219, %exp3A_208 : vector<16xf32>
    %add3A_221 = arith.addf %add3A_220, %exp3A_210 : vector<16xf32>
    %add3A_222 = arith.addf %add3A_221, %exp3A_212 : vector<16xf32>
    %add3A_223 = arith.addf %add3A_222, %exp3A_214 : vector<16xf32>
    %add3A_224 = arith.addf %add3A_223, %exp3A_216 : vector<16xf32>
    %add3A_225 = arith.addf %add3A_224, %exp3A_218 : vector<16xf32>
    %div3A_226 = arith.divf %exp3A_204, %add3A_225 : vector<16xf32>
    %div3A_227 = arith.divf %exp3A_206, %add3A_225 : vector<16xf32>
    %div3A_228 = arith.divf %exp3A_208, %add3A_225 : vector<16xf32>
    %div3A_229 = arith.divf %exp3A_210, %add3A_225 : vector<16xf32>
    %div3A_230 = arith.divf %exp3A_212, %add3A_225 : vector<16xf32>
    %div3A_231 = arith.divf %exp3A_214, %add3A_225 : vector<16xf32>
    %div3A_232 = arith.divf %exp3A_216, %add3A_225 : vector<16xf32>
    %div3A_233 = arith.divf %exp3A_218, %add3A_225 : vector<16xf32>
    %max3A_234 = arith.maximumf %div3A_226, %div3A_227 : vector<16xf32>
    %max3A_235 = arith.maximumf %div3A_228, %div3A_229 : vector<16xf32>
    %max3A_236 = arith.maximumf %div3A_230, %div3A_231 : vector<16xf32>
    %max3A_237 = arith.maximumf %div3A_232, %div3A_233 : vector<16xf32>
    %max3A_238 = arith.maximumf %max3A_234, %max3A_235 : vector<16xf32>
    %max3A_239 = arith.maximumf %max3A_236, %max3A_237 : vector<16xf32>
    %max3A_240 = arith.maximumf %max3A_238, %max3A_239 : vector<16xf32>
    %broadcast_in_dim3A_241 = arith.constant 8 : i32
    %broadcast_in_dim3A_242 = vector.broadcast %broadcast_in_dim3A_241 : i32 to vector<16xi32>
    %eq3A_243 = arith.cmpf oeq, %div3A_233, %max3A_240 : vector<16xf32>
    %select_n3A_244 = arith.select %eq3A_243, %broadcast_in_dim3A_21, %broadcast_in_dim3A_242 : vector<16xi1>, vector<16xi32>
    %eq3A_245 = arith.cmpf oeq, %div3A_232, %max3A_240 : vector<16xf32>
    %select_n3A_246 = arith.select %eq3A_245, %broadcast_in_dim3A_19, %select_n3A_244 : vector<16xi1>, vector<16xi32>
    %eq3A_247 = arith.cmpf oeq, %div3A_231, %max3A_240 : vector<16xf32>
    %select_n3A_248 = arith.select %eq3A_247, %broadcast_in_dim3A_17, %select_n3A_246 : vector<16xi1>, vector<16xi32>
    %eq3A_249 = arith.cmpf oeq, %div3A_230, %max3A_240 : vector<16xf32>
    %select_n3A_250 = arith.select %eq3A_249, %broadcast_in_dim3A_15, %select_n3A_248 : vector<16xi1>, vector<16xi32>
    %eq3A_251 = arith.cmpf oeq, %div3A_229, %max3A_240 : vector<16xf32>
    %select_n3A_252 = arith.select %eq3A_251, %broadcast_in_dim3A_13, %select_n3A_250 : vector<16xi1>, vector<16xi32>
    %eq3A_253 = arith.cmpf oeq, %div3A_228, %max3A_240 : vector<16xf32>
    %select_n3A_254 = arith.select %eq3A_253, %broadcast_in_dim3A_11, %select_n3A_252 : vector<16xi1>, vector<16xi32>
    %eq3A_255 = arith.cmpf oeq, %div3A_227, %max3A_240 : vector<16xf32>
    %select_n3A_256 = arith.select %eq3A_255, %broadcast_in_dim3A_9, %select_n3A_254 : vector<16xi1>, vector<16xi32>
    %eq3A_257 = arith.cmpf oeq, %div3A_226, %max3A_240 : vector<16xf32>
    %select_n3A_258 = arith.select %eq3A_257, %broadcast_in_dim3A_7, %select_n3A_256 : vector<16xi1>, vector<16xi32>
    %eq3A_259 = arith.cmpi eq, %broadcast_in_dim3A_7, %select_n3A_258 : vector<16xi32>
    %jit3A_260 = arith.constant -1.000000e+00 : f32
    %broadcast_in_dim3A_261 = vector.broadcast %jit3A_260 : f32 to vector<16xf32>
    %select_n3A_262 = arith.select %eq3A_259, %broadcast_in_dim3A_261, %div3A_226 : vector<16xi1>, vector<16xf32>
    %eq3A_263 = arith.cmpi eq, %broadcast_in_dim3A_9, %select_n3A_258 : vector<16xi32>
    %jit3A_264 = arith.constant -1.000000e+00 : f32
    %broadcast_in_dim3A_265 = vector.broadcast %jit3A_264 : f32 to vector<16xf32>
    %select_n3A_266 = arith.select %eq3A_263, %broadcast_in_dim3A_265, %div3A_227 : vector<16xi1>, vector<16xf32>
    %eq3A_267 = arith.cmpi eq, %broadcast_in_dim3A_11, %select_n3A_258 : vector<16xi32>
    %jit3A_268 = arith.constant -1.000000e+00 : f32
    %broadcast_in_dim3A_269 = vector.broadcast %jit3A_268 : f32 to vector<16xf32>
    %select_n3A_270 = arith.select %eq3A_267, %broadcast_in_dim3A_269, %div3A_228 : vector<16xi1>, vector<16xf32>
    %eq3A_271 = arith.cmpi eq, %broadcast_in_dim3A_13, %select_n3A_258 : vector<16xi32>
    %jit3A_272 = arith.constant -1.000000e+00 : f32
    %broadcast_in_dim3A_273 = vector.broadcast %jit3A_272 : f32 to vector<16xf32>
    %select_n3A_274 = arith.select %eq3A_271, %broadcast_in_dim3A_273, %div3A_229 : vector<16xi1>, vector<16xf32>
    %eq3A_275 = arith.cmpi eq, %broadcast_in_dim3A_15, %select_n3A_258 : vector<16xi32>
    %jit3A_276 = arith.constant -1.000000e+00 : f32
    %broadcast_in_dim3A_277 = vector.broadcast %jit3A_276 : f32 to vector<16xf32>
    %select_n3A_278 = arith.select %eq3A_275, %broadcast_in_dim3A_277, %div3A_230 : vector<16xi1>, vector<16xf32>
    %eq3A_279 = arith.cmpi eq, %broadcast_in_dim3A_17, %select_n3A_258 : vector<16xi32>
    %jit3A_280 = arith.constant -1.000000e+00 : f32
    %broadcast_in_dim3A_281 = vector.broadcast %jit3A_280 : f32 to vector<16xf32>
    %select_n3A_282 = arith.select %eq3A_279, %broadcast_in_dim3A_281, %div3A_231 : vector<16xi1>, vector<16xf32>
    %eq3A_283 = arith.cmpi eq, %broadcast_in_dim3A_19, %select_n3A_258 : vector<16xi32>
    %jit3A_284 = arith.constant -1.000000e+00 : f32
    %broadcast_in_dim3A_285 = vector.broadcast %jit3A_284 : f32 to vector<16xf32>
    %select_n3A_286 = arith.select %eq3A_283, %broadcast_in_dim3A_285, %div3A_232 : vector<16xi1>, vector<16xf32>
    %eq3A_287 = arith.cmpi eq, %broadcast_in_dim3A_21, %select_n3A_258 : vector<16xi32>
    %jit3A_288 = arith.constant -1.000000e+00 : f32
    %broadcast_in_dim3A_289 = vector.broadcast %jit3A_288 : f32 to vector<16xf32>
    %select_n3A_290 = arith.select %eq3A_287, %broadcast_in_dim3A_289, %div3A_233 : vector<16xi1>, vector<16xf32>
    %max3A_291 = arith.maximumf %select_n3A_262, %select_n3A_266 : vector<16xf32>
    %max3A_292 = arith.maximumf %select_n3A_270, %select_n3A_274 : vector<16xf32>
    %max3A_293 = arith.maximumf %select_n3A_278, %select_n3A_282 : vector<16xf32>
    %max3A_294 = arith.maximumf %select_n3A_286, %select_n3A_290 : vector<16xf32>
    %max3A_295 = arith.maximumf %max3A_291, %max3A_292 : vector<16xf32>
    %max3A_296 = arith.maximumf %max3A_293, %max3A_294 : vector<16xf32>
    %max3A_297 = arith.maximumf %max3A_295, %max3A_296 : vector<16xf32>
    %broadcast_in_dim3A_298 = arith.constant 8 : i32
    %broadcast_in_dim3A_299 = vector.broadcast %broadcast_in_dim3A_298 : i32 to vector<16xi32>
    %eq3A_300 = arith.cmpf oeq, %select_n3A_290, %max3A_297 : vector<16xf32>
    %select_n3A_301 = arith.select %eq3A_300, %broadcast_in_dim3A_21, %broadcast_in_dim3A_299 : vector<16xi1>, vector<16xi32>
    %eq3A_302 = arith.cmpf oeq, %select_n3A_286, %max3A_297 : vector<16xf32>
    %select_n3A_303 = arith.select %eq3A_302, %broadcast_in_dim3A_19, %select_n3A_301 : vector<16xi1>, vector<16xi32>
    %eq3A_304 = arith.cmpf oeq, %select_n3A_282, %max3A_297 : vector<16xf32>
    %select_n3A_305 = arith.select %eq3A_304, %broadcast_in_dim3A_17, %select_n3A_303 : vector<16xi1>, vector<16xi32>
    %eq3A_306 = arith.cmpf oeq, %select_n3A_278, %max3A_297 : vector<16xf32>
    %select_n3A_307 = arith.select %eq3A_306, %broadcast_in_dim3A_15, %select_n3A_305 : vector<16xi1>, vector<16xi32>
    %eq3A_308 = arith.cmpf oeq, %select_n3A_274, %max3A_297 : vector<16xf32>
    %select_n3A_309 = arith.select %eq3A_308, %broadcast_in_dim3A_13, %select_n3A_307 : vector<16xi1>, vector<16xi32>
    %eq3A_310 = arith.cmpf oeq, %select_n3A_270, %max3A_297 : vector<16xf32>
    %select_n3A_311 = arith.select %eq3A_310, %broadcast_in_dim3A_11, %select_n3A_309 : vector<16xi1>, vector<16xi32>
    %eq3A_312 = arith.cmpf oeq, %select_n3A_266, %max3A_297 : vector<16xf32>
    %select_n3A_313 = arith.select %eq3A_312, %broadcast_in_dim3A_9, %select_n3A_311 : vector<16xi1>, vector<16xi32>
    %eq3A_314 = arith.cmpf oeq, %select_n3A_262, %max3A_297 : vector<16xf32>
    %select_n3A_315 = arith.select %eq3A_314, %broadcast_in_dim3A_7, %select_n3A_313 : vector<16xi1>, vector<16xi32>
    %add3A_316 = arith.addf %max3A_240, %max3A_297 : vector<16xf32>
    %swap3A_317 = arith.constant 0 : i32
    %swap3A_318 = arith.index_cast %swap3A_317 : i32 to index
    %swap3A_319 = arith.constant 16 : index
    %swap3A_320 = tpu.vector_load %arg9[%swap3A_318, %swap3A_319] {strides = array<i32>} : memref<8x32xf32, #tpu.memory_space<vmem>>, vector<16xf32>,
    tpu.vector_store %arg9[%swap3A_318, %swap3A_319], %div3A_226 {strides = array<i32>} : memref<8x32xf32, #tpu.memory_space<vmem>>, vector<16xf32>,
    %swap3A_321 = arith.constant 1 : i32
    %swap3A_322 = arith.index_cast %swap3A_321 : i32 to index
    %swap3A_323 = arith.constant 16 : index
    %swap3A_324 = tpu.vector_load %arg9[%swap3A_322, %swap3A_323] {strides = array<i32>} : memref<8x32xf32, #tpu.memory_space<vmem>>, vector<16xf32>,
    tpu.vector_store %arg9[%swap3A_322, %swap3A_323], %div3A_227 {strides = array<i32>} : memref<8x32xf32, #tpu.memory_space<vmem>>, vector<16xf32>,
    %swap3A_325 = arith.constant 2 : i32
    %swap3A_326 = arith.index_cast %swap3A_325 : i32 to index
    %swap3A_327 = arith.constant 16 : index
    %swap3A_328 = tpu.vector_load %arg9[%swap3A_326, %swap3A_327] {strides = array<i32>} : memref<8x32xf32, #tpu.memory_space<vmem>>, vector<16xf32>,
    tpu.vector_store %arg9[%swap3A_326, %swap3A_327], %div3A_228 {strides = array<i32>} : memref<8x32xf32, #tpu.memory_space<vmem>>, vector<16xf32>,
    %swap3A_329 = arith.constant 3 : i32
    %swap3A_330 = arith.index_cast %swap3A_329 : i32 to index
    %swap3A_331 = arith.constant 16 : index
    %swap3A_332 = tpu.vector_load %arg9[%swap3A_330, %swap3A_331] {strides = array<i32>} : memref<8x32xf32, #tpu.memory_space<vmem>>, vector<16xf32>,
    tpu.vector_store %arg9[%swap3A_330, %swap3A_331], %div3A_229 {strides = array<i32>} : memref<8x32xf32, #tpu.memory_space<vmem>>, vector<16xf32>,
    %swap3A_333 = arith.constant 4 : i32
    %swap3A_334 = arith.index_cast %swap3A_333 : i32 to index
    %swap3A_335 = arith.constant 16 : index
    %swap3A_336 = tpu.vector_load %arg9[%swap3A_334, %swap3A_335] {strides = array<i32>} : memref<8x32xf32, #tpu.memory_space<vmem>>, vector<16xf32>,
    tpu.vector_store %arg9[%swap3A_334, %swap3A_335], %div3A_230 {strides = array<i32>} : memref<8x32xf32, #tpu.memory_space<vmem>>, vector<16xf32>,
    %swap3A_337 = arith.constant 5 : i32
    %swap3A_338 = arith.index_cast %swap3A_337 : i32 to index
    %swap3A_339 = arith.constant 16 : index
    %swap3A_340 = tpu.vector_load %arg9[%swap3A_338, %swap3A_339] {strides = array<i32>} : memref<8x32xf32, #tpu.memory_space<vmem>>, vector<16xf32>,
    tpu.vector_store %arg9[%swap3A_338, %swap3A_339], %div3A_231 {strides = array<i32>} : memref<8x32xf32, #tpu.memory_space<vmem>>, vector<16xf32>,
    %swap3A_341 = arith.constant 6 : i32
    %swap3A_342 = arith.index_cast %swap3A_341 : i32 to index
    %swap3A_343 = arith.constant 16 : index
    %swap3A_344 = tpu.vector_load %arg9[%swap3A_342, %swap3A_343] {strides = array<i32>} : memref<8x32xf32, #tpu.memory_space<vmem>>, vector<16xf32>,
    tpu.vector_store %arg9[%swap3A_342, %swap3A_343], %div3A_232 {strides = array<i32>} : memref<8x32xf32, #tpu.memory_space<vmem>>, vector<16xf32>,
    %swap3A_345 = arith.constant 7 : i32
    %swap3A_346 = arith.index_cast %swap3A_345 : i32 to index
    %swap3A_347 = arith.constant 16 : index
    %swap3A_348 = tpu.vector_load %arg9[%swap3A_346, %swap3A_347] {strides = array<i32>} : memref<8x32xf32, #tpu.memory_space<vmem>>, vector<16xf32>,
    tpu.vector_store %arg9[%swap3A_346, %swap3A_347], %div3A_233 {strides = array<i32>} : memref<8x32xf32, #tpu.memory_space<vmem>>, vector<16xf32>,
    %div3A_349 = arith.divf %max3A_240, %add3A_316 : vector<16xf32>
    %swap3A_350 = arith.constant 0 : i32
    %swap3A_351 = arith.index_cast %swap3A_350 : i32 to index
    %swap3A_352 = arith.constant 16 : index
    %swap3A_353 = tpu.vector_load %arg10[%swap3A_351, %swap3A_352] {strides = array<i32>} : memref<2x32xf32, #tpu.memory_space<vmem>>, vector<16xf32>,
    tpu.vector_store %arg10[%swap3A_351, %swap3A_352], %div3A_349 {strides = array<i32>} : memref<2x32xf32, #tpu.memory_space<vmem>>, vector<16xf32>,
    %div3A_354 = arith.divf %max3A_297, %add3A_316 : vector<16xf32>
    %swap3A_355 = arith.constant 1 : i32
    %swap3A_356 = arith.index_cast %swap3A_355 : i32 to index
    %swap3A_357 = arith.constant 16 : index
    %swap3A_358 = tpu.vector_load %arg10[%swap3A_356, %swap3A_357] {strides = array<i32>} : memref<2x32xf32, #tpu.memory_space<vmem>>, vector<16xf32>,
    tpu.vector_store %arg10[%swap3A_356, %swap3A_357], %div3A_354 {strides = array<i32>} : memref<2x32xf32, #tpu.memory_space<vmem>>, vector<16xf32>,
    %swap3A_359 = arith.constant 0 : i32
    %swap3A_360 = arith.index_cast %swap3A_359 : i32 to index
    %swap3A_361 = arith.constant 16 : index
    %swap3A_362 = tpu.vector_load %arg11[%swap3A_360, %swap3A_361] {strides = array<i32>} : memref<2x32xi32, #tpu.memory_space<vmem>>, vector<16xi32>,
    tpu.vector_store %arg11[%swap3A_360, %swap3A_361], %select_n3A_258 {strides = array<i32>} : memref<2x32xi32, #tpu.memory_space<vmem>>, vector<16xi32>,
    %swap3A_363 = arith.constant 1 : i32
    %swap3A_364 = arith.index_cast %swap3A_363 : i32 to index
    %swap3A_365 = arith.constant 16 : index
    %swap3A_366 = tpu.vector_load %arg11[%swap3A_364, %swap3A_365] {strides = array<i32>} : memref<2x32xi32, #tpu.memory_space<vmem>>, vector<16xi32>,
    tpu.vector_store %arg11[%swap3A_364, %swap3A_365], %select_n3A_315 {strides = array<i32>} : memref<2x32xi32, #tpu.memory_space<vmem>>, vector<16xi32>,
    "tpu.region"() ({
      %run_scoped3A = tpu.sem_alloc : memref<!tpu.dma_semaphore, #tpu.memory_space<semaphore_mem>>
      %dma_start3A = arith.constant 0 : i32
      %dma_start3A_1423 = tpu.memref_slice %arg6[%dma_start3A, %add3A_27] : memref<8x4096xf32, #tpu.memory_space<hbm>> -> memref<8x32xf32, #tpu.memory_space<hbm>>
      %dma_start3A_1424 = arith.constant 0 : i32
      %dma_start3A_1425 = tpu.memref_slice %arg6[%dma_start3A_1424, %add3A_27] : memref<8x4096xf32, #tpu.memory_space<hbm>> -> memref<8x32xf32, #tpu.memory_space<hbm>>
      tpu.enqueue_dma source(%arg9 : memref<8x32xf32, #tpu.memory_space<vmem>>) target(%dma_start3A_1425 : memref<8x32xf32, #tpu.memory_space<hbm>>) target_semaphore(%run_scoped3A : memref<!tpu.dma_semaphore, #tpu.memory_space<semaphore_mem>>)
      %dma_wait3A = arith.constant 0 : i32
      %dma_wait3A_1426 = tpu.memref_slice %arg6[%dma_wait3A, %add3A_27] : memref<8x4096xf32, #tpu.memory_space<hbm>> -> memref<8x32xf32, #tpu.memory_space<hbm>>
      %dma_wait3A_1427 = arith.constant 0 : i32
      %dma_wait3A_1428 = tpu.memref_slice %arg6[%dma_wait3A_1427, %add3A_27] : memref<8x4096xf32, #tpu.memory_space<hbm>> -> memref<8x32xf32, #tpu.memory_space<hbm>>
      tpu.wait_dma2 semaphore(%run_scoped3A : memref<!tpu.dma_semaphore, #tpu.memory_space<semaphore_mem>>) src(%arg9 : memref<8x32xf32, #tpu.memory_space<vmem>>) dst(%dma_wait3A_1428 : memref<8x32xf32, #tpu.memory_space<hbm>>)
      tpu.yield
    }) : () -> ()
    "tpu.region"() ({
      %run_scoped3A = tpu.sem_alloc : memref<!tpu.dma_semaphore, #tpu.memory_space<semaphore_mem>>
      %dma_start3A = arith.constant 0 : i32
      %dma_start3A_1423 = tpu.memref_slice %arg4[%dma_start3A, %add3A_27] : memref<2x4096xf32, #tpu.memory_space<hbm>> -> memref<2x32xf32, #tpu.memory_space<hbm>>
      %dma_start3A_1424 = arith.constant 0 : i32
      %dma_start3A_1425 = tpu.memref_slice %arg4[%dma_start3A_1424, %add3A_27] : memref<2x4096xf32, #tpu.memory_space<hbm>> -> memref<2x32xf32, #tpu.memory_space<hbm>>
      tpu.enqueue_dma source(%arg10 : memref<2x32xf32, #tpu.memory_space<vmem>>) target(%dma_start3A_1425 : memref<2x32xf32, #tpu.memory_space<hbm>>) target_semaphore(%run_scoped3A : memref<!tpu.dma_semaphore, #tpu.memory_space<semaphore_mem>>)
      %dma_wait3A = arith.constant 0 : i32
      %dma_wait3A_1426 = tpu.memref_slice %arg4[%dma_wait3A, %add3A_27] : memref<2x4096xf32, #tpu.memory_space<hbm>> -> memref<2x32xf32, #tpu.memory_space<hbm>>
      %dma_wait3A_1427 = arith.constant 0 : i32
      %dma_wait3A_1428 = tpu.memref_slice %arg4[%dma_wait3A_1427, %add3A_27] : memref<2x4096xf32, #tpu.memory_space<hbm>> -> memref<2x32xf32, #tpu.memory_space<hbm>>
      tpu.wait_dma2 semaphore(%run_scoped3A : memref<!tpu.dma_semaphore, #tpu.memory_space<semaphore_mem>>) src(%arg10 : memref<2x32xf32, #tpu.memory_space<vmem>>) dst(%dma_wait3A_1428 : memref<2x32xf32, #tpu.memory_space<hbm>>)
      tpu.yield
    }) : () -> ()
    "tpu.region"() ({
      %run_scoped3A = tpu.sem_alloc : memref<!tpu.dma_semaphore, #tpu.memory_space<semaphore_mem>>
      %dma_start3A = arith.constant 0 : i32
      %dma_start3A_1423 = tpu.memref_slice %arg5[%dma_start3A, %add3A_27] : memref<2x4096xi32, #tpu.memory_space<hbm>> -> memref<2x32xi32, #tpu.memory_space<hbm>>
      %dma_start3A_1424 = arith.constant 0 : i32
      %dma_start3A_1425 = tpu.memref_slice %arg5[%dma_start3A_1424, %add3A_27] : memref<2x4096xi32, #tpu.memory_space<hbm>> -> memref<2x32xi32, #tpu.memory_space<hbm>>
      tpu.enqueue_dma source(%arg11 : memref<2x32xi32, #tpu.memory_space<vmem>>) target(%dma_start3A_1425 : memref<2x32xi32, #tpu.memory_space<hbm>>) target_semaphore(%run_scoped3A : memref<!tpu.dma_semaphore, #tpu.memory_space<semaphore_mem>>)
      %dma_wait3A = arith.constant 0 : i32
      %dma_wait3A_1426 = tpu.memref_slice %arg5[%dma_wait3A, %add3A_27] : memref<2x4096xi32, #tpu.memory_space<hbm>> -> memref<2x32xi32, #tpu.memory_space<hbm>>
      %dma_wait3A_1427 = arith.constant 0 : i32
      %dma_wait3A_1428 = tpu.memref_slice %arg5[%dma_wait3A_1427, %add3A_27] : memref<2x4096xi32, #tpu.memory_space<hbm>> -> memref<2x32xi32, #tpu.memory_space<hbm>>
      tpu.wait_dma2 semaphore(%run_scoped3A : memref<!tpu.dma_semaphore, #tpu.memory_space<semaphore_mem>>) src(%arg11 : memref<2x32xi32, #tpu.memory_space<vmem>>) dst(%dma_wait3A_1428 : memref<2x32xi32, #tpu.memory_space<hbm>>)
      tpu.yield
    }) : () -> ()
    %mul3A_367 = arith.constant 128 : i32
    %mul3A_368 = arith.muli %add3A, %mul3A_367 : i32
    %add3A_369 = arith.constant 32 : i32
    %add3A_370 = arith.addi %mul3A_368, %add3A_369 : i32
    "tpu.region"() ({
      %run_scoped3A = tpu.sem_alloc : memref<!tpu.dma_semaphore, #tpu.memory_space<semaphore_mem>>
      %dma_start3A = arith.constant 0 : i32
      %dma_start3A_1423 = arith.constant 0 : i32
      %dma_start3A_1424 = tpu.memref_slice %arg7[%dma_start3A, %dma_start3A_1423] : memref<32x769xf32, #tpu.memory_space<vmem>> -> memref<32x768xf32, #tpu.memory_space<vmem>>
      %dma_start3A_1425 = arith.constant 0 : i32
      %dma_start3A_1426 = tpu.memref_slice %arg2[%add3A_370, %dma_start3A_1425] : memref<4096x768xf32, #tpu.memory_space<hbm>> -> memref<32x768xf32, #tpu.memory_space<hbm>>
      %dma_start3A_1427 = arith.constant 0 : i32
      %dma_start3A_1428 = arith.constant 0 : i32
      %dma_start3A_1429 = tpu.memref_slice %arg7[%dma_start3A_1427, %dma_start3A_1428] : memref<32x769xf32, #tpu.memory_space<vmem>> -> memref<32x768xf32, #tpu.memory_space<vmem>>
      %dma_start3A_1430 = arith.constant 0 : i32
      %dma_start3A_1431 = tpu.memref_slice %arg2[%add3A_370, %dma_start3A_1430] : memref<4096x768xf32, #tpu.memory_space<hbm>> -> memref<32x768xf32, #tpu.memory_space<hbm>>
      tpu.enqueue_dma source(%dma_start3A_1431 : memref<32x768xf32, #tpu.memory_space<hbm>>) target(%dma_start3A_1429 : memref<32x768xf32, #tpu.memory_space<vmem>>) target_semaphore(%run_scoped3A : memref<!tpu.dma_semaphore, #tpu.memory_space<semaphore_mem>>)
      %dma_wait3A = arith.constant 0 : i32
      %dma_wait3A_1432 = arith.constant 0 : i32
      %dma_wait3A_1433 = tpu.memref_slice %arg7[%dma_wait3A, %dma_wait3A_1432] : memref<32x769xf32, #tpu.memory_space<vmem>> -> memref<32x768xf32, #tpu.memory_space<vmem>>
      %dma_wait3A_1434 = arith.constant 0 : i32
      %dma_wait3A_1435 = tpu.memref_slice %arg2[%add3A_370, %dma_wait3A_1434] : memref<4096x768xf32, #tpu.memory_space<hbm>> -> memref<32x768xf32, #tpu.memory_space<hbm>>
      %dma_wait3A_1436 = arith.constant 0 : i32
      %dma_wait3A_1437 = arith.constant 0 : i32
      %dma_wait3A_1438 = tpu.memref_slice %arg7[%dma_wait3A_1436, %dma_wait3A_1437] : memref<32x769xf32, #tpu.memory_space<vmem>> -> memref<32x768xf32, #tpu.memory_space<vmem>>
      %dma_wait3A_1439 = arith.constant 0 : i32
      %dma_wait3A_1440 = tpu.memref_slice %arg2[%add3A_370, %dma_wait3A_1439] : memref<4096x768xf32, #tpu.memory_space<hbm>> -> memref<32x768xf32, #tpu.memory_space<hbm>>
      tpu.wait_dma2 semaphore(%run_scoped3A : memref<!tpu.dma_semaphore, #tpu.memory_space<semaphore_mem>>) src(%dma_wait3A_1440 : memref<32x768xf32, #tpu.memory_space<hbm>>) dst(%dma_wait3A_1438 : memref<32x768xf32, #tpu.memory_space<vmem>>)
      tpu.yield
    }) : () -> ()
    %scan3A_371 = arith.constant 0 : i32
    %scan3A_372 = arith.constant 768 : i32
    %scan3A_373 = arith.addi %scan3A_371, %scan3A_372 : i32
    %scan3A_374 = arith.constant 4 : i32
    %scan3A_375:16 = scf.for %scan3A_1423 = %scan3A_371 to %scan3A_373 step %scan3A_374 iter_args(%scan3A_1424 = %broadcast_in_dim3A_23, %scan3A_1425 = %broadcast_in_dim3A_23, %scan3A_1426 = %broadcast_in_dim3A_23, %scan3A_1427 = %broadcast_in_dim3A_23, %scan3A_1428 = %broadcast_in_dim3A_23, %scan3A_1429 = %broadcast_in_dim3A_23, %scan3A_1430 = %broadcast_in_dim3A_23, %scan3A_1431 = %broadcast_in_dim3A_23, %scan3A_1432 = %broadcast_in_dim3A_23, %scan3A_1433 = %broadcast_in_dim3A_23, %scan3A_1434 = %broadcast_in_dim3A_23, %scan3A_1435 = %broadcast_in_dim3A_23, %scan3A_1436 = %broadcast_in_dim3A_23, %scan3A_1437 = %broadcast_in_dim3A_23, %scan3A_1438 = %broadcast_in_dim3A_23, %scan3A_1439 = %broadcast_in_dim3A_23) -> (vector<16xf32>, vector<16xf32>, vector<16xf32>, vector<16xf32>, vector<16xf32>, vector<16xf32>, vector<16xf32>, vector<16xf32>, vector<16xf32>, vector<16xf32>, vector<16xf32>, vector<16xf32>, vector<16xf32>, vector<16xf32>, vector<16xf32>, vector<16xf32>)  : i32 {
      %get3A = arith.index_cast %scan3A_1423 : i32 to index
      %get3A_1440 = arith.constant 0 : index
      %get3A_1441 = tpu.vector_load %arg8[%get3A, %get3A_1440] {strides = array<i32>} : memref<768x16xf32, #tpu.memory_space<vmem>>, vector<16xf32>,
      %lt3A = arith.constant 0 : i32
      %lt3A_1442 = vector.broadcast %lt3A : i32 to vector<16xi32>
      %lt3A_1443 = arith.cmpi slt, %broadcast_in_dim3A_7, %lt3A_1442 : vector<16xi32>
      %add3A_1444 = arith.constant 16 : i32
      %add3A_1445 = vector.broadcast %add3A_1444 : i32 to vector<16xi32>
      %add3A_1446 = arith.addi %broadcast_in_dim3A_7, %add3A_1445 : vector<16xi32>
      %select_n3A_1447 = arith.select %lt3A_1443, %add3A_1446, %broadcast_in_dim3A_7 : vector<16xi1>, vector<16xi32>
      %broadcast_in_dim3A_1448 = vector.shape_cast %select_n3A_1447 : vector<16xi32> to vector<16x1xi32>
      %gather3A = vector.shape_cast %broadcast_in_dim3A_1448 : vector<16x1xi32> to vector<16xi32>
      %gather3A_1449 = tpu.dynamic_gather %get3A_1441[%gather3A] in [0] : vector<16xf32>, vector<16xi32> -> vector<16xf32>
      %lt3A_1450 = arith.constant 0 : i32
      %lt3A_1451 = vector.broadcast %lt3A_1450 : i32 to vector<16xi32>
      %lt3A_1452 = arith.cmpi slt, %broadcast_in_dim3A_9, %lt3A_1451 : vector<16xi32>
      %add3A_1453 = arith.constant 16 : i32
      %add3A_1454 = vector.broadcast %add3A_1453 : i32 to vector<16xi32>
      %add3A_1455 = arith.addi %broadcast_in_dim3A_9, %add3A_1454 : vector<16xi32>
      %select_n3A_1456 = arith.select %lt3A_1452, %add3A_1455, %broadcast_in_dim3A_9 : vector<16xi1>, vector<16xi32>
      %broadcast_in_dim3A_1457 = vector.shape_cast %select_n3A_1456 : vector<16xi32> to vector<16x1xi32>
      %gather3A_1458 = vector.shape_cast %broadcast_in_dim3A_1457 : vector<16x1xi32> to vector<16xi32>
      %gather3A_1459 = tpu.dynamic_gather %get3A_1441[%gather3A_1458] in [0] : vector<16xf32>, vector<16xi32> -> vector<16xf32>
      %lt3A_1460 = arith.constant 0 : i32
      %lt3A_1461 = vector.broadcast %lt3A_1460 : i32 to vector<16xi32>
      %lt3A_1462 = arith.cmpi slt, %broadcast_in_dim3A_11, %lt3A_1461 : vector<16xi32>
      %add3A_1463 = arith.constant 16 : i32
      %add3A_1464 = vector.broadcast %add3A_1463 : i32 to vector<16xi32>
      %add3A_1465 = arith.addi %broadcast_in_dim3A_11, %add3A_1464 : vector<16xi32>
      %select_n3A_1466 = arith.select %lt3A_1462, %add3A_1465, %broadcast_in_dim3A_11 : vector<16xi1>, vector<16xi32>
      %broadcast_in_dim3A_1467 = vector.shape_cast %select_n3A_1466 : vector<16xi32> to vector<16x1xi32>
      %gather3A_1468 = vector.shape_cast %broadcast_in_dim3A_1467 : vector<16x1xi32> to vector<16xi32>
      %gather3A_1469 = tpu.dynamic_gather %get3A_1441[%gather3A_1468] in [0] : vector<16xf32>, vector<16xi32> -> vector<16xf32>
      %lt3A_1470 = arith.constant 0 : i32
      %lt3A_1471 = vector.broadcast %lt3A_1470 : i32 to vector<16xi32>
      %lt3A_1472 = arith.cmpi slt, %broadcast_in_dim3A_13, %lt3A_1471 : vector<16xi32>
      %add3A_1473 = arith.constant 16 : i32
      %add3A_1474 = vector.broadcast %add3A_1473 : i32 to vector<16xi32>
      %add3A_1475 = arith.addi %broadcast_in_dim3A_13, %add3A_1474 : vector<16xi32>
      %select_n3A_1476 = arith.select %lt3A_1472, %add3A_1475, %broadcast_in_dim3A_13 : vector<16xi1>, vector<16xi32>
      %broadcast_in_dim3A_1477 = vector.shape_cast %select_n3A_1476 : vector<16xi32> to vector<16x1xi32>
      %gather3A_1478 = vector.shape_cast %broadcast_in_dim3A_1477 : vector<16x1xi32> to vector<16xi32>
      %gather3A_1479 = tpu.dynamic_gather %get3A_1441[%gather3A_1478] in [0] : vector<16xf32>, vector<16xi32> -> vector<16xf32>
      %lt3A_1480 = arith.constant 0 : i32
      %lt3A_1481 = vector.broadcast %lt3A_1480 : i32 to vector<16xi32>
      %lt3A_1482 = arith.cmpi slt, %broadcast_in_dim3A_15, %lt3A_1481 : vector<16xi32>
      %add3A_1483 = arith.constant 16 : i32
      %add3A_1484 = vector.broadcast %add3A_1483 : i32 to vector<16xi32>
      %add3A_1485 = arith.addi %broadcast_in_dim3A_15, %add3A_1484 : vector<16xi32>
      %select_n3A_1486 = arith.select %lt3A_1482, %add3A_1485, %broadcast_in_dim3A_15 : vector<16xi1>, vector<16xi32>
      %broadcast_in_dim3A_1487 = vector.shape_cast %select_n3A_1486 : vector<16xi32> to vector<16x1xi32>
      %gather3A_1488 = vector.shape_cast %broadcast_in_dim3A_1487 : vector<16x1xi32> to vector<16xi32>
      %gather3A_1489 = tpu.dynamic_gather %get3A_1441[%gather3A_1488] in [0] : vector<16xf32>, vector<16xi32> -> vector<16xf32>
      %lt3A_1490 = arith.constant 0 : i32
      %lt3A_1491 = vector.broadcast %lt3A_1490 : i32 to vector<16xi32>
      %lt3A_1492 = arith.cmpi slt, %broadcast_in_dim3A_17, %lt3A_1491 : vector<16xi32>
      %add3A_1493 = arith.constant 16 : i32
      %add3A_1494 = vector.broadcast %add3A_1493 : i32 to vector<16xi32>
      %add3A_1495 = arith.addi %broadcast_in_dim3A_17, %add3A_1494 : vector<16xi32>
      %select_n3A_1496 = arith.select %lt3A_1492, %add3A_1495, %broadcast_in_dim3A_17 : vector<16xi1>, vector<16xi32>
      %broadcast_in_dim3A_1497 = vector.shape_cast %select_n3A_1496 : vector<16xi32> to vector<16x1xi32>
      %gather3A_1498 = vector.shape_cast %broadcast_in_dim3A_1497 : vector<16x1xi32> to vector<16xi32>
      %gather3A_1499 = tpu.dynamic_gather %get3A_1441[%gather3A_1498] in [0] : vector<16xf32>, vector<16xi32> -> vector<16xf32>
      %lt3A_1500 = arith.constant 0 : i32
      %lt3A_1501 = vector.broadcast %lt3A_1500 : i32 to vector<16xi32>
      %lt3A_1502 = arith.cmpi slt, %broadcast_in_dim3A_19, %lt3A_1501 : vector<16xi32>
      %add3A_1503 = arith.constant 16 : i32
      %add3A_1504 = vector.broadcast %add3A_1503 : i32 to vector<16xi32>
      %add3A_1505 = arith.addi %broadcast_in_dim3A_19, %add3A_1504 : vector<16xi32>
      %select_n3A_1506 = arith.select %lt3A_1502, %add3A_1505, %broadcast_in_dim3A_19 : vector<16xi1>, vector<16xi32>
      %broadcast_in_dim3A_1507 = vector.shape_cast %select_n3A_1506 : vector<16xi32> to vector<16x1xi32>
      %gather3A_1508 = vector.shape_cast %broadcast_in_dim3A_1507 : vector<16x1xi32> to vector<16xi32>
      %gather3A_1509 = tpu.dynamic_gather %get3A_1441[%gather3A_1508] in [0] : vector<16xf32>, vector<16xi32> -> vector<16xf32>
      %lt3A_1510 = arith.constant 0 : i32
      %lt3A_1511 = vector.broadcast %lt3A_1510 : i32 to vector<16xi32>
      %lt3A_1512 = arith.cmpi slt, %broadcast_in_dim3A_21, %lt3A_1511 : vector<16xi32>
      %add3A_1513 = arith.constant 16 : i32
      %add3A_1514 = vector.broadcast %add3A_1513 : i32 to vector<16xi32>
      %add3A_1515 = arith.addi %broadcast_in_dim3A_21, %add3A_1514 : vector<16xi32>
      %select_n3A_1516 = arith.select %lt3A_1512, %add3A_1515, %broadcast_in_dim3A_21 : vector<16xi1>, vector<16xi32>
      %broadcast_in_dim3A_1517 = vector.shape_cast %select_n3A_1516 : vector<16xi32> to vector<16x1xi32>
      %gather3A_1518 = vector.shape_cast %broadcast_in_dim3A_1517 : vector<16x1xi32> to vector<16xi32>
      %gather3A_1519 = tpu.dynamic_gather %get3A_1441[%gather3A_1518] in [0] : vector<16xf32>, vector<16xi32> -> vector<16xf32>
      %broadcast_in_dim3A_1520 = vector.broadcast %scan3A_1423 : i32 to vector<16xi32>
      %gather3A_1521 = tpu.vector_load_idx %arg7[%add3A_3, %broadcast_in_dim3A_1520] : memref<32x769xf32, #tpu.memory_space<vmem>>[vector<16xi32>, vector<16xi32>], vector<16xf32>,
      %bitcast3A = vector.bitcast %gather3A_1521 : vector<16xf32> to vector<16xi32>
      %add3A_1522 = arith.constant 32767 : i32
      %add3A_1523 = vector.broadcast %add3A_1522 : i32 to vector<16xi32>
      %add3A_1524 = arith.addi %bitcast3A, %add3A_1523 : vector<16xi32>
      %shift_right_logical3A = arith.constant 16 : i32
      %shift_right_logical3A_1525 = vector.broadcast %shift_right_logical3A : i32 to vector<16xi32>
      %shift_right_logical3A_1526 = arith.shrui %bitcast3A, %shift_right_logical3A_1525 : vector<16xi32>
      %and3A = arith.constant 1 : i32
      %and3A_1527 = vector.broadcast %and3A : i32 to vector<16xi32>
      %and3A_1528 = arith.andi %shift_right_logical3A_1526, %and3A_1527 : vector<16xi32>
      %add3A_1529 = arith.addi %add3A_1524, %and3A_1528 : vector<16xi32>
      %and3A_1530 = arith.constant -65536 : i32
      %and3A_1531 = vector.broadcast %and3A_1530 : i32 to vector<16xi32>
      %and3A_1532 = arith.andi %add3A_1529, %and3A_1531 : vector<16xi32>
      %bitcast3A_1533 = vector.bitcast %and3A_1532 : vector<16xi32> to vector<16xf32>
      %mul3A_1534 = arith.mulf %bitcast3A_1533, %gather3A_1449 : vector<16xf32>
      %add3A_1535 = arith.addf %scan3A_1424, %mul3A_1534 : vector<16xf32>
      %mul3A_1536 = arith.mulf %bitcast3A_1533, %gather3A_1459 : vector<16xf32>
      %add3A_1537 = arith.addf %scan3A_1425, %mul3A_1536 : vector<16xf32>
      %mul3A_1538 = arith.mulf %bitcast3A_1533, %gather3A_1469 : vector<16xf32>
      %add3A_1539 = arith.addf %scan3A_1426, %mul3A_1538 : vector<16xf32>
      %mul3A_1540 = arith.mulf %bitcast3A_1533, %gather3A_1479 : vector<16xf32>
      %add3A_1541 = arith.addf %scan3A_1427, %mul3A_1540 : vector<16xf32>
      %mul3A_1542 = arith.mulf %bitcast3A_1533, %gather3A_1489 : vector<16xf32>
      %add3A_1543 = arith.addf %scan3A_1428, %mul3A_1542 : vector<16xf32>
      %mul3A_1544 = arith.mulf %bitcast3A_1533, %gather3A_1499 : vector<16xf32>
      %add3A_1545 = arith.addf %scan3A_1429, %mul3A_1544 : vector<16xf32>
      %mul3A_1546 = arith.mulf %bitcast3A_1533, %gather3A_1509 : vector<16xf32>
      %add3A_1547 = arith.addf %scan3A_1430, %mul3A_1546 : vector<16xf32>
      %mul3A_1548 = arith.mulf %bitcast3A_1533, %gather3A_1519 : vector<16xf32>
      %add3A_1549 = arith.addf %scan3A_1431, %mul3A_1548 : vector<16xf32>
      %gather3A_1550 = tpu.vector_load_idx %arg7[%add3A_6, %broadcast_in_dim3A_1520] : memref<32x769xf32, #tpu.memory_space<vmem>>[vector<16xi32>, vector<16xi32>], vector<16xf32>,
      %bitcast3A_1551 = vector.bitcast %gather3A_1550 : vector<16xf32> to vector<16xi32>
      %add3A_1552 = arith.constant 32767 : i32
      %add3A_1553 = vector.broadcast %add3A_1552 : i32 to vector<16xi32>
      %add3A_1554 = arith.addi %bitcast3A_1551, %add3A_1553 : vector<16xi32>
      %shift_right_logical3A_1555 = arith.constant 16 : i32
      %shift_right_logical3A_1556 = vector.broadcast %shift_right_logical3A_1555 : i32 to vector<16xi32>
      %shift_right_logical3A_1557 = arith.shrui %bitcast3A_1551, %shift_right_logical3A_1556 : vector<16xi32>
      %and3A_1558 = arith.constant 1 : i32
      %and3A_1559 = vector.broadcast %and3A_1558 : i32 to vector<16xi32>
      %and3A_1560 = arith.andi %shift_right_logical3A_1557, %and3A_1559 : vector<16xi32>
      %add3A_1561 = arith.addi %add3A_1554, %and3A_1560 : vector<16xi32>
      %and3A_1562 = arith.constant -65536 : i32
      %and3A_1563 = vector.broadcast %and3A_1562 : i32 to vector<16xi32>
      %and3A_1564 = arith.andi %add3A_1561, %and3A_1563 : vector<16xi32>
      %bitcast3A_1565 = vector.bitcast %and3A_1564 : vector<16xi32> to vector<16xf32>
      %mul3A_1566 = arith.mulf %bitcast3A_1565, %gather3A_1449 : vector<16xf32>
      %add3A_1567 = arith.addf %scan3A_1432, %mul3A_1566 : vector<16xf32>
      %mul3A_1568 = arith.mulf %bitcast3A_1565, %gather3A_1459 : vector<16xf32>
      %add3A_1569 = arith.addf %scan3A_1433, %mul3A_1568 : vector<16xf32>
      %mul3A_1570 = arith.mulf %bitcast3A_1565, %gather3A_1469 : vector<16xf32>
      %add3A_1571 = arith.addf %scan3A_1434, %mul3A_1570 : vector<16xf32>
      %mul3A_1572 = arith.mulf %bitcast3A_1565, %gather3A_1479 : vector<16xf32>
      %add3A_1573 = arith.addf %scan3A_1435, %mul3A_1572 : vector<16xf32>
      %mul3A_1574 = arith.mulf %bitcast3A_1565, %gather3A_1489 : vector<16xf32>
      %add3A_1575 = arith.addf %scan3A_1436, %mul3A_1574 : vector<16xf32>
      %mul3A_1576 = arith.mulf %bitcast3A_1565, %gather3A_1499 : vector<16xf32>
      %add3A_1577 = arith.addf %scan3A_1437, %mul3A_1576 : vector<16xf32>
      %mul3A_1578 = arith.mulf %bitcast3A_1565, %gather3A_1509 : vector<16xf32>
      %add3A_1579 = arith.addf %scan3A_1438, %mul3A_1578 : vector<16xf32>
      %mul3A_1580 = arith.mulf %bitcast3A_1565, %gather3A_1519 : vector<16xf32>
      %add3A_1581 = arith.addf %scan3A_1439, %mul3A_1580 : vector<16xf32>
      %scan3A_1582 = arith.constant 1 : i32
      %scan3A_1583 = arith.addi %scan3A_1423, %scan3A_1582 : i32
      %get3A_1584 = arith.index_cast %scan3A_1583 : i32 to index
      %get3A_1585 = arith.constant 0 : index
      %get3A_1586 = tpu.vector_load %arg8[%get3A_1584, %get3A_1585] {strides = array<i32>} : memref<768x16xf32, #tpu.memory_space<vmem>>, vector<16xf32>,
      %lt3A_1587 = arith.constant 0 : i32
      %lt3A_1588 = vector.broadcast %lt3A_1587 : i32 to vector<16xi32>
      %lt3A_1589 = arith.cmpi slt, %broadcast_in_dim3A_7, %lt3A_1588 : vector<16xi32>
      %add3A_1590 = arith.constant 16 : i32
      %add3A_1591 = vector.broadcast %add3A_1590 : i32 to vector<16xi32>
      %add3A_1592 = arith.addi %broadcast_in_dim3A_7, %add3A_1591 : vector<16xi32>
      %select_n3A_1593 = arith.select %lt3A_1589, %add3A_1592, %broadcast_in_dim3A_7 : vector<16xi1>, vector<16xi32>
      %broadcast_in_dim3A_1594 = vector.shape_cast %select_n3A_1593 : vector<16xi32> to vector<16x1xi32>
      %gather3A_1595 = vector.shape_cast %broadcast_in_dim3A_1594 : vector<16x1xi32> to vector<16xi32>
      %gather3A_1596 = tpu.dynamic_gather %get3A_1586[%gather3A_1595] in [0] : vector<16xf32>, vector<16xi32> -> vector<16xf32>
      %lt3A_1597 = arith.constant 0 : i32
      %lt3A_1598 = vector.broadcast %lt3A_1597 : i32 to vector<16xi32>
      %lt3A_1599 = arith.cmpi slt, %broadcast_in_dim3A_9, %lt3A_1598 : vector<16xi32>
      %add3A_1600 = arith.constant 16 : i32
      %add3A_1601 = vector.broadcast %add3A_1600 : i32 to vector<16xi32>
      %add3A_1602 = arith.addi %broadcast_in_dim3A_9, %add3A_1601 : vector<16xi32>
      %select_n3A_1603 = arith.select %lt3A_1599, %add3A_1602, %broadcast_in_dim3A_9 : vector<16xi1>, vector<16xi32>
      %broadcast_in_dim3A_1604 = vector.shape_cast %select_n3A_1603 : vector<16xi32> to vector<16x1xi32>
      %gather3A_1605 = vector.shape_cast %broadcast_in_dim3A_1604 : vector<16x1xi32> to vector<16xi32>
      %gather3A_1606 = tpu.dynamic_gather %get3A_1586[%gather3A_1605] in [0] : vector<16xf32>, vector<16xi32> -> vector<16xf32>
      %lt3A_1607 = arith.constant 0 : i32
      %lt3A_1608 = vector.broadcast %lt3A_1607 : i32 to vector<16xi32>
      %lt3A_1609 = arith.cmpi slt, %broadcast_in_dim3A_11, %lt3A_1608 : vector<16xi32>
      %add3A_1610 = arith.constant 16 : i32
      %add3A_1611 = vector.broadcast %add3A_1610 : i32 to vector<16xi32>
      %add3A_1612 = arith.addi %broadcast_in_dim3A_11, %add3A_1611 : vector<16xi32>
      %select_n3A_1613 = arith.select %lt3A_1609, %add3A_1612, %broadcast_in_dim3A_11 : vector<16xi1>, vector<16xi32>
      %broadcast_in_dim3A_1614 = vector.shape_cast %select_n3A_1613 : vector<16xi32> to vector<16x1xi32>
      %gather3A_1615 = vector.shape_cast %broadcast_in_dim3A_1614 : vector<16x1xi32> to vector<16xi32>
      %gather3A_1616 = tpu.dynamic_gather %get3A_1586[%gather3A_1615] in [0] : vector<16xf32>, vector<16xi32> -> vector<16xf32>
      %lt3A_1617 = arith.constant 0 : i32
      %lt3A_1618 = vector.broadcast %lt3A_1617 : i32 to vector<16xi32>
      %lt3A_1619 = arith.cmpi slt, %broadcast_in_dim3A_13, %lt3A_1618 : vector<16xi32>
      %add3A_1620 = arith.constant 16 : i32
      %add3A_1621 = vector.broadcast %add3A_1620 : i32 to vector<16xi32>
      %add3A_1622 = arith.addi %broadcast_in_dim3A_13, %add3A_1621 : vector<16xi32>
      %select_n3A_1623 = arith.select %lt3A_1619, %add3A_1622, %broadcast_in_dim3A_13 : vector<16xi1>, vector<16xi32>
      %broadcast_in_dim3A_1624 = vector.shape_cast %select_n3A_1623 : vector<16xi32> to vector<16x1xi32>
      %gather3A_1625 = vector.shape_cast %broadcast_in_dim3A_1624 : vector<16x1xi32> to vector<16xi32>
      %gather3A_1626 = tpu.dynamic_gather %get3A_1586[%gather3A_1625] in [0] : vector<16xf32>, vector<16xi32> -> vector<16xf32>
      %lt3A_1627 = arith.constant 0 : i32
      %lt3A_1628 = vector.broadcast %lt3A_1627 : i32 to vector<16xi32>
      %lt3A_1629 = arith.cmpi slt, %broadcast_in_dim3A_15, %lt3A_1628 : vector<16xi32>
      %add3A_1630 = arith.constant 16 : i32
      %add3A_1631 = vector.broadcast %add3A_1630 : i32 to vector<16xi32>
      %add3A_1632 = arith.addi %broadcast_in_dim3A_15, %add3A_1631 : vector<16xi32>
      %select_n3A_1633 = arith.select %lt3A_1629, %add3A_1632, %broadcast_in_dim3A_15 : vector<16xi1>, vector<16xi32>
      %broadcast_in_dim3A_1634 = vector.shape_cast %select_n3A_1633 : vector<16xi32> to vector<16x1xi32>
      %gather3A_1635 = vector.shape_cast %broadcast_in_dim3A_1634 : vector<16x1xi32> to vector<16xi32>
      %gather3A_1636 = tpu.dynamic_gather %get3A_1586[%gather3A_1635] in [0] : vector<16xf32>, vector<16xi32> -> vector<16xf32>
      %lt3A_1637 = arith.constant 0 : i32
      %lt3A_1638 = vector.broadcast %lt3A_1637 : i32 to vector<16xi32>
      %lt3A_1639 = arith.cmpi slt, %broadcast_in_dim3A_17, %lt3A_1638 : vector<16xi32>
      %add3A_1640 = arith.constant 16 : i32
      %add3A_1641 = vector.broadcast %add3A_1640 : i32 to vector<16xi32>
      %add3A_1642 = arith.addi %broadcast_in_dim3A_17, %add3A_1641 : vector<16xi32>
      %select_n3A_1643 = arith.select %lt3A_1639, %add3A_1642, %broadcast_in_dim3A_17 : vector<16xi1>, vector<16xi32>
      %broadcast_in_dim3A_1644 = vector.shape_cast %select_n3A_1643 : vector<16xi32> to vector<16x1xi32>
      %gather3A_1645 = vector.shape_cast %broadcast_in_dim3A_1644 : vector<16x1xi32> to vector<16xi32>
      %gather3A_1646 = tpu.dynamic_gather %get3A_1586[%gather3A_1645] in [0] : vector<16xf32>, vector<16xi32> -> vector<16xf32>
      %lt3A_1647 = arith.constant 0 : i32
      %lt3A_1648 = vector.broadcast %lt3A_1647 : i32 to vector<16xi32>
      %lt3A_1649 = arith.cmpi slt, %broadcast_in_dim3A_19, %lt3A_1648 : vector<16xi32>
      %add3A_1650 = arith.constant 16 : i32
      %add3A_1651 = vector.broadcast %add3A_1650 : i32 to vector<16xi32>
      %add3A_1652 = arith.addi %broadcast_in_dim3A_19, %add3A_1651 : vector<16xi32>
      %select_n3A_1653 = arith.select %lt3A_1649, %add3A_1652, %broadcast_in_dim3A_19 : vector<16xi1>, vector<16xi32>
      %broadcast_in_dim3A_1654 = vector.shape_cast %select_n3A_1653 : vector<16xi32> to vector<16x1xi32>
      %gather3A_1655 = vector.shape_cast %broadcast_in_dim3A_1654 : vector<16x1xi32> to vector<16xi32>
      %gather3A_1656 = tpu.dynamic_gather %get3A_1586[%gather3A_1655] in [0] : vector<16xf32>, vector<16xi32> -> vector<16xf32>
      %lt3A_1657 = arith.constant 0 : i32
      %lt3A_1658 = vector.broadcast %lt3A_1657 : i32 to vector<16xi32>
      %lt3A_1659 = arith.cmpi slt, %broadcast_in_dim3A_21, %lt3A_1658 : vector<16xi32>
      %add3A_1660 = arith.constant 16 : i32
      %add3A_1661 = vector.broadcast %add3A_1660 : i32 to vector<16xi32>
      %add3A_1662 = arith.addi %broadcast_in_dim3A_21, %add3A_1661 : vector<16xi32>
      %select_n3A_1663 = arith.select %lt3A_1659, %add3A_1662, %broadcast_in_dim3A_21 : vector<16xi1>, vector<16xi32>
      %broadcast_in_dim3A_1664 = vector.shape_cast %select_n3A_1663 : vector<16xi32> to vector<16x1xi32>
      %gather3A_1665 = vector.shape_cast %broadcast_in_dim3A_1664 : vector<16x1xi32> to vector<16xi32>
      %gather3A_1666 = tpu.dynamic_gather %get3A_1586[%gather3A_1665] in [0] : vector<16xf32>, vector<16xi32> -> vector<16xf32>
      %broadcast_in_dim3A_1667 = vector.broadcast %scan3A_1583 : i32 to vector<16xi32>
      %gather3A_1668 = tpu.vector_load_idx %arg7[%add3A_3, %broadcast_in_dim3A_1667] : memref<32x769xf32, #tpu.memory_space<vmem>>[vector<16xi32>, vector<16xi32>], vector<16xf32>,
      %bitcast3A_1669 = vector.bitcast %gather3A_1668 : vector<16xf32> to vector<16xi32>
      %add3A_1670 = arith.constant 32767 : i32
      %add3A_1671 = vector.broadcast %add3A_1670 : i32 to vector<16xi32>
      %add3A_1672 = arith.addi %bitcast3A_1669, %add3A_1671 : vector<16xi32>
      %shift_right_logical3A_1673 = arith.constant 16 : i32
      %shift_right_logical3A_1674 = vector.broadcast %shift_right_logical3A_1673 : i32 to vector<16xi32>
      %shift_right_logical3A_1675 = arith.shrui %bitcast3A_1669, %shift_right_logical3A_1674 : vector<16xi32>
      %and3A_1676 = arith.constant 1 : i32
      %and3A_1677 = vector.broadcast %and3A_1676 : i32 to vector<16xi32>
      %and3A_1678 = arith.andi %shift_right_logical3A_1675, %and3A_1677 : vector<16xi32>
      %add3A_1679 = arith.addi %add3A_1672, %and3A_1678 : vector<16xi32>
      %and3A_1680 = arith.constant -65536 : i32
      %and3A_1681 = vector.broadcast %and3A_1680 : i32 to vector<16xi32>
      %and3A_1682 = arith.andi %add3A_1679, %and3A_1681 : vector<16xi32>
      %bitcast3A_1683 = vector.bitcast %and3A_1682 : vector<16xi32> to vector<16xf32>
      %mul3A_1684 = arith.mulf %bitcast3A_1683, %gather3A_1596 : vector<16xf32>
      %add3A_1685 = arith.addf %add3A_1535, %mul3A_1684 : vector<16xf32>
      %mul3A_1686 = arith.mulf %bitcast3A_1683, %gather3A_1606 : vector<16xf32>
      %add3A_1687 = arith.addf %add3A_1537, %mul3A_1686 : vector<16xf32>
      %mul3A_1688 = arith.mulf %bitcast3A_1683, %gather3A_1616 : vector<16xf32>
      %add3A_1689 = arith.addf %add3A_1539, %mul3A_1688 : vector<16xf32>
      %mul3A_1690 = arith.mulf %bitcast3A_1683, %gather3A_1626 : vector<16xf32>
      %add3A_1691 = arith.addf %add3A_1541, %mul3A_1690 : vector<16xf32>
      %mul3A_1692 = arith.mulf %bitcast3A_1683, %gather3A_1636 : vector<16xf32>
      %add3A_1693 = arith.addf %add3A_1543, %mul3A_1692 : vector<16xf32>
      %mul3A_1694 = arith.mulf %bitcast3A_1683, %gather3A_1646 : vector<16xf32>
      %add3A_1695 = arith.addf %add3A_1545, %mul3A_1694 : vector<16xf32>
      %mul3A_1696 = arith.mulf %bitcast3A_1683, %gather3A_1656 : vector<16xf32>
      %add3A_1697 = arith.addf %add3A_1547, %mul3A_1696 : vector<16xf32>
      %mul3A_1698 = arith.mulf %bitcast3A_1683, %gather3A_1666 : vector<16xf32>
      %add3A_1699 = arith.addf %add3A_1549, %mul3A_1698 : vector<16xf32>
      %gather3A_1700 = tpu.vector_load_idx %arg7[%add3A_6, %broadcast_in_dim3A_1667] : memref<32x769xf32, #tpu.memory_space<vmem>>[vector<16xi32>, vector<16xi32>], vector<16xf32>,
      %bitcast3A_1701 = vector.bitcast %gather3A_1700 : vector<16xf32> to vector<16xi32>
      %add3A_1702 = arith.constant 32767 : i32
      %add3A_1703 = vector.broadcast %add3A_1702 : i32 to vector<16xi32>
      %add3A_1704 = arith.addi %bitcast3A_1701, %add3A_1703 : vector<16xi32>
      %shift_right_logical3A_1705 = arith.constant 16 : i32
      %shift_right_logical3A_1706 = vector.broadcast %shift_right_logical3A_1705 : i32 to vector<16xi32>
      %shift_right_logical3A_1707 = arith.shrui %bitcast3A_1701, %shift_right_logical3A_1706 : vector<16xi32>
      %and3A_1708 = arith.constant 1 : i32
      %and3A_1709 = vector.broadcast %and3A_1708 : i32 to vector<16xi32>
      %and3A_1710 = arith.andi %shift_right_logical3A_1707, %and3A_1709 : vector<16xi32>
      %add3A_1711 = arith.addi %add3A_1704, %and3A_1710 : vector<16xi32>
      %and3A_1712 = arith.constant -65536 : i32
      %and3A_1713 = vector.broadcast %and3A_1712 : i32 to vector<16xi32>
      %and3A_1714 = arith.andi %add3A_1711, %and3A_1713 : vector<16xi32>
      %bitcast3A_1715 = vector.bitcast %and3A_1714 : vector<16xi32> to vector<16xf32>
      %mul3A_1716 = arith.mulf %bitcast3A_1715, %gather3A_1596 : vector<16xf32>
      %add3A_1717 = arith.addf %add3A_1567, %mul3A_1716 : vector<16xf32>
      %mul3A_1718 = arith.mulf %bitcast3A_1715, %gather3A_1606 : vector<16xf32>
      %add3A_1719 = arith.addf %add3A_1569, %mul3A_1718 : vector<16xf32>
      %mul3A_1720 = arith.mulf %bitcast3A_1715, %gather3A_1616 : vector<16xf32>
      %add3A_1721 = arith.addf %add3A_1571, %mul3A_1720 : vector<16xf32>
      %mul3A_1722 = arith.mulf %bitcast3A_1715, %gather3A_1626 : vector<16xf32>
      %add3A_1723 = arith.addf %add3A_1573, %mul3A_1722 : vector<16xf32>
      %mul3A_1724 = arith.mulf %bitcast3A_1715, %gather3A_1636 : vector<16xf32>
      %add3A_1725 = arith.addf %add3A_1575, %mul3A_1724 : vector<16xf32>
      %mul3A_1726 = arith.mulf %bitcast3A_1715, %gather3A_1646 : vector<16xf32>
      %add3A_1727 = arith.addf %add3A_1577, %mul3A_1726 : vector<16xf32>
      %mul3A_1728 = arith.mulf %bitcast3A_1715, %gather3A_1656 : vector<16xf32>
      %add3A_1729 = arith.addf %add3A_1579, %mul3A_1728 : vector<16xf32>
      %mul3A_1730 = arith.mulf %bitcast3A_1715, %gather3A_1666 : vector<16xf32>
      %add3A_1731 = arith.addf %add3A_1581, %mul3A_1730 : vector<16xf32>
      %scan3A_1732 = arith.constant 2 : i32
      %scan3A_1733 = arith.addi %scan3A_1423, %scan3A_1732 : i32
      %get3A_1734 = arith.index_cast %scan3A_1733 : i32 to index
      %get3A_1735 = arith.constant 0 : index
      %get3A_1736 = tpu.vector_load %arg8[%get3A_1734, %get3A_1735] {strides = array<i32>} : memref<768x16xf32, #tpu.memory_space<vmem>>, vector<16xf32>,
      %lt3A_1737 = arith.constant 0 : i32
      %lt3A_1738 = vector.broadcast %lt3A_1737 : i32 to vector<16xi32>
      %lt3A_1739 = arith.cmpi slt, %broadcast_in_dim3A_7, %lt3A_1738 : vector<16xi32>
      %add3A_1740 = arith.constant 16 : i32
      %add3A_1741 = vector.broadcast %add3A_1740 : i32 to vector<16xi32>
      %add3A_1742 = arith.addi %broadcast_in_dim3A_7, %add3A_1741 : vector<16xi32>
      %select_n3A_1743 = arith.select %lt3A_1739, %add3A_1742, %broadcast_in_dim3A_7 : vector<16xi1>, vector<16xi32>
      %broadcast_in_dim3A_1744 = vector.shape_cast %select_n3A_1743 : vector<16xi32> to vector<16x1xi32>
      %gather3A_1745 = vector.shape_cast %broadcast_in_dim3A_1744 : vector<16x1xi32> to vector<16xi32>
      %gather3A_1746 = tpu.dynamic_gather %get3A_1736[%gather3A_1745] in [0] : vector<16xf32>, vector<16xi32> -> vector<16xf32>
      %lt3A_1747 = arith.constant 0 : i32
      %lt3A_1748 = vector.broadcast %lt3A_1747 : i32 to vector<16xi32>
      %lt3A_1749 = arith.cmpi slt, %broadcast_in_dim3A_9, %lt3A_1748 : vector<16xi32>
      %add3A_1750 = arith.constant 16 : i32
      %add3A_1751 = vector.broadcast %add3A_1750 : i32 to vector<16xi32>
      %add3A_1752 = arith.addi %broadcast_in_dim3A_9, %add3A_1751 : vector<16xi32>
      %select_n3A_1753 = arith.select %lt3A_1749, %add3A_1752, %broadcast_in_dim3A_9 : vector<16xi1>, vector<16xi32>
      %broadcast_in_dim3A_1754 = vector.shape_cast %select_n3A_1753 : vector<16xi32> to vector<16x1xi32>
      %gather3A_1755 = vector.shape_cast %broadcast_in_dim3A_1754 : vector<16x1xi32> to vector<16xi32>
      %gather3A_1756 = tpu.dynamic_gather %get3A_1736[%gather3A_1755] in [0] : vector<16xf32>, vector<16xi32> -> vector<16xf32>
      %lt3A_1757 = arith.constant 0 : i32
      %lt3A_1758 = vector.broadcast %lt3A_1757 : i32 to vector<16xi32>
      %lt3A_1759 = arith.cmpi slt, %broadcast_in_dim3A_11, %lt3A_1758 : vector<16xi32>
      %add3A_1760 = arith.constant 16 : i32
      %add3A_1761 = vector.broadcast %add3A_1760 : i32 to vector<16xi32>
      %add3A_1762 = arith.addi %broadcast_in_dim3A_11, %add3A_1761 : vector<16xi32>
      %select_n3A_1763 = arith.select %lt3A_1759, %add3A_1762, %broadcast_in_dim3A_11 : vector<16xi1>, vector<16xi32>
      %broadcast_in_dim3A_1764 = vector.shape_cast %select_n3A_1763 : vector<16xi32> to vector<16x1xi32>
      %gather3A_1765 = vector.shape_cast %broadcast_in_dim3A_1764 : vector<16x1xi32> to vector<16xi32>
      %gather3A_1766 = tpu.dynamic_gather %get3A_1736[%gather3A_1765] in [0] : vector<16xf32>, vector<16xi32> -> vector<16xf32>
      %lt3A_1767 = arith.constant 0 : i32
      %lt3A_1768 = vector.broadcast %lt3A_1767 : i32 to vector<16xi32>
      %lt3A_1769 = arith.cmpi slt, %broadcast_in_dim3A_13, %lt3A_1768 : vector<16xi32>
      %add3A_1770 = arith.constant 16 : i32
      %add3A_1771 = vector.broadcast %add3A_1770 : i32 to vector<16xi32>
      %add3A_1772 = arith.addi %broadcast_in_dim3A_13, %add3A_1771 : vector<16xi32>
      %select_n3A_1773 = arith.select %lt3A_1769, %add3A_1772, %broadcast_in_dim3A_13 : vector<16xi1>, vector<16xi32>
      %broadcast_in_dim3A_1774 = vector.shape_cast %select_n3A_1773 : vector<16xi32> to vector<16x1xi32>
      %gather3A_1775 = vector.shape_cast %broadcast_in_dim3A_1774 : vector<16x1xi32> to vector<16xi32>
      %gather3A_1776 = tpu.dynamic_gather %get3A_1736[%gather3A_1775] in [0] : vector<16xf32>, vector<16xi32> -> vector<16xf32>
      %lt3A_1777 = arith.constant 0 : i32
      %lt3A_1778 = vector.broadcast %lt3A_1777 : i32 to vector<16xi32>
      %lt3A_1779 = arith.cmpi slt, %broadcast_in_dim3A_15, %lt3A_1778 : vector<16xi32>
      %add3A_1780 = arith.constant 16 : i32
      %add3A_1781 = vector.broadcast %add3A_1780 : i32 to vector<16xi32>
      %add3A_1782 = arith.addi %broadcast_in_dim3A_15, %add3A_1781 : vector<16xi32>
      %select_n3A_1783 = arith.select %lt3A_1779, %add3A_1782, %broadcast_in_dim3A_15 : vector<16xi1>, vector<16xi32>
      %broadcast_in_dim3A_1784 = vector.shape_cast %select_n3A_1783 : vector<16xi32> to vector<16x1xi32>
      %gather3A_1785 = vector.shape_cast %broadcast_in_dim3A_1784 : vector<16x1xi32> to vector<16xi32>
      %gather3A_1786 = tpu.dynamic_gather %get3A_1736[%gather3A_1785] in [0] : vector<16xf32>, vector<16xi32> -> vector<16xf32>
      %lt3A_1787 = arith.constant 0 : i32
      %lt3A_1788 = vector.broadcast %lt3A_1787 : i32 to vector<16xi32>
      %lt3A_1789 = arith.cmpi slt, %broadcast_in_dim3A_17, %lt3A_1788 : vector<16xi32>
      %add3A_1790 = arith.constant 16 : i32
      %add3A_1791 = vector.broadcast %add3A_1790 : i32 to vector<16xi32>
      %add3A_1792 = arith.addi %broadcast_in_dim3A_17, %add3A_1791 : vector<16xi32>
      %select_n3A_1793 = arith.select %lt3A_1789, %add3A_1792, %broadcast_in_dim3A_17 : vector<16xi1>, vector<16xi32>
      %broadcast_in_dim3A_1794 = vector.shape_cast %select_n3A_1793 : vector<16xi32> to vector<16x1xi32>
      %gather3A_1795 = vector.shape_cast %broadcast_in_dim3A_1794 : vector<16x1xi32> to vector<16xi32>
      %gather3A_1796 = tpu.dynamic_gather %get3A_1736[%gather3A_1795] in [0] : vector<16xf32>, vector<16xi32> -> vector<16xf32>
      %lt3A_1797 = arith.constant 0 : i32
      %lt3A_1798 = vector.broadcast %lt3A_1797 : i32 to vector<16xi32>
      %lt3A_1799 = arith.cmpi slt, %broadcast_in_dim3A_19, %lt3A_1798 : vector<16xi32>
      %add3A_1800 = arith.constant 16 : i32
      %add3A_1801 = vector.broadcast %add3A_1800 : i32 to vector<16xi32>
      %add3A_1802 = arith.addi %broadcast_in_dim3A_19, %add3A_1801 : vector<16xi32>
      %select_n3A_1803 = arith.select %lt3A_1799, %add3A_1802, %broadcast_in_dim3A_19 : vector<16xi1>, vector<16xi32>
      %broadcast_in_dim3A_1804 = vector.shape_cast %select_n3A_1803 : vector<16xi32> to vector<16x1xi32>
      %gather3A_1805 = vector.shape_cast %broadcast_in_dim3A_1804 : vector<16x1xi32> to vector<16xi32>
      %gather3A_1806 = tpu.dynamic_gather %get3A_1736[%gather3A_1805] in [0] : vector<16xf32>, vector<16xi32> -> vector<16xf32>
      %lt3A_1807 = arith.constant 0 : i32
      %lt3A_1808 = vector.broadcast %lt3A_1807 : i32 to vector<16xi32>
      %lt3A_1809 = arith.cmpi slt, %broadcast_in_dim3A_21, %lt3A_1808 : vector<16xi32>
      %add3A_1810 = arith.constant 16 : i32
      %add3A_1811 = vector.broadcast %add3A_1810 : i32 to vector<16xi32>
      %add3A_1812 = arith.addi %broadcast_in_dim3A_21, %add3A_1811 : vector<16xi32>
      %select_n3A_1813 = arith.select %lt3A_1809, %add3A_1812, %broadcast_in_dim3A_21 : vector<16xi1>, vector<16xi32>
      %broadcast_in_dim3A_1814 = vector.shape_cast %select_n3A_1813 : vector<16xi32> to vector<16x1xi32>
      %gather3A_1815 = vector.shape_cast %broadcast_in_dim3A_1814 : vector<16x1xi32> to vector<16xi32>
      %gather3A_1816 = tpu.dynamic_gather %get3A_1736[%gather3A_1815] in [0] : vector<16xf32>, vector<16xi32> -> vector<16xf32>
      %broadcast_in_dim3A_1817 = vector.broadcast %scan3A_1733 : i32 to vector<16xi32>
      %gather3A_1818 = tpu.vector_load_idx %arg7[%add3A_3, %broadcast_in_dim3A_1817] : memref<32x769xf32, #tpu.memory_space<vmem>>[vector<16xi32>, vector<16xi32>], vector<16xf32>,
      %bitcast3A_1819 = vector.bitcast %gather3A_1818 : vector<16xf32> to vector<16xi32>
      %add3A_1820 = arith.constant 32767 : i32
      %add3A_1821 = vector.broadcast %add3A_1820 : i32 to vector<16xi32>
      %add3A_1822 = arith.addi %bitcast3A_1819, %add3A_1821 : vector<16xi32>
      %shift_right_logical3A_1823 = arith.constant 16 : i32
      %shift_right_logical3A_1824 = vector.broadcast %shift_right_logical3A_1823 : i32 to vector<16xi32>
      %shift_right_logical3A_1825 = arith.shrui %bitcast3A_1819, %shift_right_logical3A_1824 : vector<16xi32>
      %and3A_1826 = arith.constant 1 : i32
      %and3A_1827 = vector.broadcast %and3A_1826 : i32 to vector<16xi32>
      %and3A_1828 = arith.andi %shift_right_logical3A_1825, %and3A_1827 : vector<16xi32>
      %add3A_1829 = arith.addi %add3A_1822, %and3A_1828 : vector<16xi32>
      %and3A_1830 = arith.constant -65536 : i32
      %and3A_1831 = vector.broadcast %and3A_1830 : i32 to vector<16xi32>
      %and3A_1832 = arith.andi %add3A_1829, %and3A_1831 : vector<16xi32>
      %bitcast3A_1833 = vector.bitcast %and3A_1832 : vector<16xi32> to vector<16xf32>
      %mul3A_1834 = arith.mulf %bitcast3A_1833, %gather3A_1746 : vector<16xf32>
      %add3A_1835 = arith.addf %add3A_1685, %mul3A_1834 : vector<16xf32>
      %mul3A_1836 = arith.mulf %bitcast3A_1833, %gather3A_1756 : vector<16xf32>
      %add3A_1837 = arith.addf %add3A_1687, %mul3A_1836 : vector<16xf32>
      %mul3A_1838 = arith.mulf %bitcast3A_1833, %gather3A_1766 : vector<16xf32>
      %add3A_1839 = arith.addf %add3A_1689, %mul3A_1838 : vector<16xf32>
      %mul3A_1840 = arith.mulf %bitcast3A_1833, %gather3A_1776 : vector<16xf32>
      %add3A_1841 = arith.addf %add3A_1691, %mul3A_1840 : vector<16xf32>
      %mul3A_1842 = arith.mulf %bitcast3A_1833, %gather3A_1786 : vector<16xf32>
      %add3A_1843 = arith.addf %add3A_1693, %mul3A_1842 : vector<16xf32>
      %mul3A_1844 = arith.mulf %bitcast3A_1833, %gather3A_1796 : vector<16xf32>
      %add3A_1845 = arith.addf %add3A_1695, %mul3A_1844 : vector<16xf32>
      %mul3A_1846 = arith.mulf %bitcast3A_1833, %gather3A_1806 : vector<16xf32>
      %add3A_1847 = arith.addf %add3A_1697, %mul3A_1846 : vector<16xf32>
      %mul3A_1848 = arith.mulf %bitcast3A_1833, %gather3A_1816 : vector<16xf32>
      %add3A_1849 = arith.addf %add3A_1699, %mul3A_1848 : vector<16xf32>
      %gather3A_1850 = tpu.vector_load_idx %arg7[%add3A_6, %broadcast_in_dim3A_1817] : memref<32x769xf32, #tpu.memory_space<vmem>>[vector<16xi32>, vector<16xi32>], vector<16xf32>,
      %bitcast3A_1851 = vector.bitcast %gather3A_1850 : vector<16xf32> to vector<16xi32>
      %add3A_1852 = arith.constant 32767 : i32
      %add3A_1853 = vector.broadcast %add3A_1852 : i32 to vector<16xi32>
      %add3A_1854 = arith.addi %bitcast3A_1851, %add3A_1853 : vector<16xi32>
      %shift_right_logical3A_1855 = arith.constant 16 : i32
      %shift_right_logical3A_1856 = vector.broadcast %shift_right_logical3A_1855 : i32 to vector<16xi32>
      %shift_right_logical3A_1857 = arith.shrui %bitcast3A_1851, %shift_right_logical3A_1856 : vector<16xi32>
      %and3A_1858 = arith.constant 1 : i32
      %and3A_1859 = vector.broadcast %and3A_1858 : i32 to vector<16xi32>
      %and3A_1860 = arith.andi %shift_right_logical3A_1857, %and3A_1859 : vector<16xi32>
      %add3A_1861 = arith.addi %add3A_1854, %and3A_1860 : vector<16xi32>
      %and3A_1862 = arith.constant -65536 : i32
      %and3A_1863 = vector.broadcast %and3A_1862 : i32 to vector<16xi32>
      %and3A_1864 = arith.andi %add3A_1861, %and3A_1863 : vector<16xi32>
      %bitcast3A_1865 = vector.bitcast %and3A_1864 : vector<16xi32> to vector<16xf32>
      %mul3A_1866 = arith.mulf %bitcast3A_1865, %gather3A_1746 : vector<16xf32>
      %add3A_1867 = arith.addf %add3A_1717, %mul3A_1866 : vector<16xf32>
      %mul3A_1868 = arith.mulf %bitcast3A_1865, %gather3A_1756 : vector<16xf32>
      %add3A_1869 = arith.addf %add3A_1719, %mul3A_1868 : vector<16xf32>
      %mul3A_1870 = arith.mulf %bitcast3A_1865, %gather3A_1766 : vector<16xf32>
      %add3A_1871 = arith.addf %add3A_1721, %mul3A_1870 : vector<16xf32>
      %mul3A_1872 = arith.mulf %bitcast3A_1865, %gather3A_1776 : vector<16xf32>
      %add3A_1873 = arith.addf %add3A_1723, %mul3A_1872 : vector<16xf32>
      %mul3A_1874 = arith.mulf %bitcast3A_1865, %gather3A_1786 : vector<16xf32>
      %add3A_1875 = arith.addf %add3A_1725, %mul3A_1874 : vector<16xf32>
      %mul3A_1876 = arith.mulf %bitcast3A_1865, %gather3A_1796 : vector<16xf32>
      %add3A_1877 = arith.addf %add3A_1727, %mul3A_1876 : vector<16xf32>
      %mul3A_1878 = arith.mulf %bitcast3A_1865, %gather3A_1806 : vector<16xf32>
      %add3A_1879 = arith.addf %add3A_1729, %mul3A_1878 : vector<16xf32>
      %mul3A_1880 = arith.mulf %bitcast3A_1865, %gather3A_1816 : vector<16xf32>
      %add3A_1881 = arith.addf %add3A_1731, %mul3A_1880 : vector<16xf32>
      %scan3A_1882 = arith.constant 3 : i32
      %scan3A_1883 = arith.addi %scan3A_1423, %scan3A_1882 : i32
      %get3A_1884 = arith.index_cast %scan3A_1883 : i32 to index
      %get3A_1885 = arith.constant 0 : index
      %get3A_1886 = tpu.vector_load %arg8[%get3A_1884, %get3A_1885] {strides = array<i32>} : memref<768x16xf32, #tpu.memory_space<vmem>>, vector<16xf32>,
      %lt3A_1887 = arith.constant 0 : i32
      %lt3A_1888 = vector.broadcast %lt3A_1887 : i32 to vector<16xi32>
      %lt3A_1889 = arith.cmpi slt, %broadcast_in_dim3A_7, %lt3A_1888 : vector<16xi32>
      %add3A_1890 = arith.constant 16 : i32
      %add3A_1891 = vector.broadcast %add3A_1890 : i32 to vector<16xi32>
      %add3A_1892 = arith.addi %broadcast_in_dim3A_7, %add3A_1891 : vector<16xi32>
      %select_n3A_1893 = arith.select %lt3A_1889, %add3A_1892, %broadcast_in_dim3A_7 : vector<16xi1>, vector<16xi32>
      %broadcast_in_dim3A_1894 = vector.shape_cast %select_n3A_1893 : vector<16xi32> to vector<16x1xi32>
      %gather3A_1895 = vector.shape_cast %broadcast_in_dim3A_1894 : vector<16x1xi32> to vector<16xi32>
      %gather3A_1896 = tpu.dynamic_gather %get3A_1886[%gather3A_1895] in [0] : vector<16xf32>, vector<16xi32> -> vector<16xf32>
      %lt3A_1897 = arith.constant 0 : i32
      %lt3A_1898 = vector.broadcast %lt3A_1897 : i32 to vector<16xi32>
      %lt3A_1899 = arith.cmpi slt, %broadcast_in_dim3A_9, %lt3A_1898 : vector<16xi32>
      %add3A_1900 = arith.constant 16 : i32
      %add3A_1901 = vector.broadcast %add3A_1900 : i32 to vector<16xi32>
      %add3A_1902 = arith.addi %broadcast_in_dim3A_9, %add3A_1901 : vector<16xi32>
      %select_n3A_1903 = arith.select %lt3A_1899, %add3A_1902, %broadcast_in_dim3A_9 : vector<16xi1>, vector<16xi32>
      %broadcast_in_dim3A_1904 = vector.shape_cast %select_n3A_1903 : vector<16xi32> to vector<16x1xi32>
      %gather3A_1905 = vector.shape_cast %broadcast_in_dim3A_1904 : vector<16x1xi32> to vector<16xi32>
      %gather3A_1906 = tpu.dynamic_gather %get3A_1886[%gather3A_1905] in [0] : vector<16xf32>, vector<16xi32> -> vector<16xf32>
      %lt3A_1907 = arith.constant 0 : i32
      %lt3A_1908 = vector.broadcast %lt3A_1907 : i32 to vector<16xi32>
      %lt3A_1909 = arith.cmpi slt, %broadcast_in_dim3A_11, %lt3A_1908 : vector<16xi32>
      %add3A_1910 = arith.constant 16 : i32
      %add3A_1911 = vector.broadcast %add3A_1910 : i32 to vector<16xi32>
      %add3A_1912 = arith.addi %broadcast_in_dim3A_11, %add3A_1911 : vector<16xi32>
      %select_n3A_1913 = arith.select %lt3A_1909, %add3A_1912, %broadcast_in_dim3A_11 : vector<16xi1>, vector<16xi32>
      %broadcast_in_dim3A_1914 = vector.shape_cast %select_n3A_1913 : vector<16xi32> to vector<16x1xi32>
      %gather3A_1915 = vector.shape_cast %broadcast_in_dim3A_1914 : vector<16x1xi32> to vector<16xi32>
      %gather3A_1916 = tpu.dynamic_gather %get3A_1886[%gather3A_1915] in [0] : vector<16xf32>, vector<16xi32> -> vector<16xf32>
      %lt3A_1917 = arith.constant 0 : i32
      %lt3A_1918 = vector.broadcast %lt3A_1917 : i32 to vector<16xi32>
      %lt3A_1919 = arith.cmpi slt, %broadcast_in_dim3A_13, %lt3A_1918 : vector<16xi32>
      %add3A_1920 = arith.constant 16 : i32
      %add3A_1921 = vector.broadcast %add3A_1920 : i32 to vector<16xi32>
      %add3A_1922 = arith.addi %broadcast_in_dim3A_13, %add3A_1921 : vector<16xi32>
      %select_n3A_1923 = arith.select %lt3A_1919, %add3A_1922, %broadcast_in_dim3A_13 : vector<16xi1>, vector<16xi32>
      %broadcast_in_dim3A_1924 = vector.shape_cast %select_n3A_1923 : vector<16xi32> to vector<16x1xi32>
      %gather3A_1925 = vector.shape_cast %broadcast_in_dim3A_1924 : vector<16x1xi32> to vector<16xi32>
      %gather3A_1926 = tpu.dynamic_gather %get3A_1886[%gather3A_1925] in [0] : vector<16xf32>, vector<16xi32> -> vector<16xf32>
      %lt3A_1927 = arith.constant 0 : i32
      %lt3A_1928 = vector.broadcast %lt3A_1927 : i32 to vector<16xi32>
      %lt3A_1929 = arith.cmpi slt, %broadcast_in_dim3A_15, %lt3A_1928 : vector<16xi32>
      %add3A_1930 = arith.constant 16 : i32
      %add3A_1931 = vector.broadcast %add3A_1930 : i32 to vector<16xi32>
      %add3A_1932 = arith.addi %broadcast_in_dim3A_15, %add3A_1931 : vector<16xi32>
      %select_n3A_1933 = arith.select %lt3A_1929, %add3A_1932, %broadcast_in_dim3A_15 : vector<16xi1>, vector<16xi32>
      %broadcast_in_dim3A_1934 = vector.shape_cast %select_n3A_1933 : vector<16xi32> to vector<16x1xi32>
      %gather3A_1935 = vector.shape_cast %broadcast_in_dim3A_1934 : vector<16x1xi32> to vector<16xi32>
      %gather3A_1936 = tpu.dynamic_gather %get3A_1886[%gather3A_1935] in [0] : vector<16xf32>, vector<16xi32> -> vector<16xf32>
      %lt3A_1937 = arith.constant 0 : i32
      %lt3A_1938 = vector.broadcast %lt3A_1937 : i32 to vector<16xi32>
      %lt3A_1939 = arith.cmpi slt, %broadcast_in_dim3A_17, %lt3A_1938 : vector<16xi32>
      %add3A_1940 = arith.constant 16 : i32
      %add3A_1941 = vector.broadcast %add3A_1940 : i32 to vector<16xi32>
      %add3A_1942 = arith.addi %broadcast_in_dim3A_17, %add3A_1941 : vector<16xi32>
      %select_n3A_1943 = arith.select %lt3A_1939, %add3A_1942, %broadcast_in_dim3A_17 : vector<16xi1>, vector<16xi32>
      %broadcast_in_dim3A_1944 = vector.shape_cast %select_n3A_1943 : vector<16xi32> to vector<16x1xi32>
      %gather3A_1945 = vector.shape_cast %broadcast_in_dim3A_1944 : vector<16x1xi32> to vector<16xi32>
      %gather3A_1946 = tpu.dynamic_gather %get3A_1886[%gather3A_1945] in [0] : vector<16xf32>, vector<16xi32> -> vector<16xf32>
      %lt3A_1947 = arith.constant 0 : i32
      %lt3A_1948 = vector.broadcast %lt3A_1947 : i32 to vector<16xi32>
      %lt3A_1949 = arith.cmpi slt, %broadcast_in_dim3A_19, %lt3A_1948 : vector<16xi32>
      %add3A_1950 = arith.constant 16 : i32
      %add3A_1951 = vector.broadcast %add3A_1950 : i32 to vector<16xi32>
      %add3A_1952 = arith.addi %broadcast_in_dim3A_19, %add3A_1951 : vector<16xi32>
      %select_n3A_1953 = arith.select %lt3A_1949, %add3A_1952, %broadcast_in_dim3A_19 : vector<16xi1>, vector<16xi32>
      %broadcast_in_dim3A_1954 = vector.shape_cast %select_n3A_1953 : vector<16xi32> to vector<16x1xi32>
      %gather3A_1955 = vector.shape_cast %broadcast_in_dim3A_1954 : vector<16x1xi32> to vector<16xi32>
      %gather3A_1956 = tpu.dynamic_gather %get3A_1886[%gather3A_1955] in [0] : vector<16xf32>, vector<16xi32> -> vector<16xf32>
      %lt3A_1957 = arith.constant 0 : i32
      %lt3A_1958 = vector.broadcast %lt3A_1957 : i32 to vector<16xi32>
      %lt3A_1959 = arith.cmpi slt, %broadcast_in_dim3A_21, %lt3A_1958 : vector<16xi32>
      %add3A_1960 = arith.constant 16 : i32
      %add3A_1961 = vector.broadcast %add3A_1960 : i32 to vector<16xi32>
      %add3A_1962 = arith.addi %broadcast_in_dim3A_21, %add3A_1961 : vector<16xi32>
      %select_n3A_1963 = arith.select %lt3A_1959, %add3A_1962, %broadcast_in_dim3A_21 : vector<16xi1>, vector<16xi32>
      %broadcast_in_dim3A_1964 = vector.shape_cast %select_n3A_1963 : vector<16xi32> to vector<16x1xi32>
      %gather3A_1965 = vector.shape_cast %broadcast_in_dim3A_1964 : vector<16x1xi32> to vector<16xi32>
      %gather3A_1966 = tpu.dynamic_gather %get3A_1886[%gather3A_1965] in [0] : vector<16xf32>, vector<16xi32> -> vector<16xf32>
      %broadcast_in_dim3A_1967 = vector.broadcast %scan3A_1883 : i32 to vector<16xi32>
      %gather3A_1968 = tpu.vector_load_idx %arg7[%add3A_3, %broadcast_in_dim3A_1967] : memref<32x769xf32, #tpu.memory_space<vmem>>[vector<16xi32>, vector<16xi32>], vector<16xf32>,
      %bitcast3A_1969 = vector.bitcast %gather3A_1968 : vector<16xf32> to vector<16xi32>
      %add3A_1970 = arith.constant 32767 : i32
      %add3A_1971 = vector.broadcast %add3A_1970 : i32 to vector<16xi32>
      %add3A_1972 = arith.addi %bitcast3A_1969, %add3A_1971 : vector<16xi32>
      %shift_right_logical3A_1973 = arith.constant 16 : i32
      %shift_right_logical3A_1974 = vector.broadcast %shift_right_logical3A_1973 : i32 to vector<16xi32>
      %shift_right_logical3A_1975 = arith.shrui %bitcast3A_1969, %shift_right_logical3A_1974 : vector<16xi32>
      %and3A_1976 = arith.constant 1 : i32
      %and3A_1977 = vector.broadcast %and3A_1976 : i32 to vector<16xi32>
      %and3A_1978 = arith.andi %shift_right_logical3A_1975, %and3A_1977 : vector<16xi32>
      %add3A_1979 = arith.addi %add3A_1972, %and3A_1978 : vector<16xi32>
      %and3A_1980 = arith.constant -65536 : i32
      %and3A_1981 = vector.broadcast %and3A_1980 : i32 to vector<16xi32>
      %and3A_1982 = arith.andi %add3A_1979, %and3A_1981 : vector<16xi32>
      %bitcast3A_1983 = vector.bitcast %and3A_1982 : vector<16xi32> to vector<16xf32>
      %mul3A_1984 = arith.mulf %bitcast3A_1983, %gather3A_1896 : vector<16xf32>
      %add3A_1985 = arith.addf %add3A_1835, %mul3A_1984 : vector<16xf32>
      %mul3A_1986 = arith.mulf %bitcast3A_1983, %gather3A_1906 : vector<16xf32>
      %add3A_1987 = arith.addf %add3A_1837, %mul3A_1986 : vector<16xf32>
      %mul3A_1988 = arith.mulf %bitcast3A_1983, %gather3A_1916 : vector<16xf32>
      %add3A_1989 = arith.addf %add3A_1839, %mul3A_1988 : vector<16xf32>
      %mul3A_1990 = arith.mulf %bitcast3A_1983, %gather3A_1926 : vector<16xf32>
      %add3A_1991 = arith.addf %add3A_1841, %mul3A_1990 : vector<16xf32>
      %mul3A_1992 = arith.mulf %bitcast3A_1983, %gather3A_1936 : vector<16xf32>
      %add3A_1993 = arith.addf %add3A_1843, %mul3A_1992 : vector<16xf32>
      %mul3A_1994 = arith.mulf %bitcast3A_1983, %gather3A_1946 : vector<16xf32>
      %add3A_1995 = arith.addf %add3A_1845, %mul3A_1994 : vector<16xf32>
      %mul3A_1996 = arith.mulf %bitcast3A_1983, %gather3A_1956 : vector<16xf32>
      %add3A_1997 = arith.addf %add3A_1847, %mul3A_1996 : vector<16xf32>
      %mul3A_1998 = arith.mulf %bitcast3A_1983, %gather3A_1966 : vector<16xf32>
      %add3A_1999 = arith.addf %add3A_1849, %mul3A_1998 : vector<16xf32>
      %gather3A_2000 = tpu.vector_load_idx %arg7[%add3A_6, %broadcast_in_dim3A_1967] : memref<32x769xf32, #tpu.memory_space<vmem>>[vector<16xi32>, vector<16xi32>], vector<16xf32>,
      %bitcast3A_2001 = vector.bitcast %gather3A_2000 : vector<16xf32> to vector<16xi32>
      %add3A_2002 = arith.constant 32767 : i32
      %add3A_2003 = vector.broadcast %add3A_2002 : i32 to vector<16xi32>
      %add3A_2004 = arith.addi %bitcast3A_2001, %add3A_2003 : vector<16xi32>
      %shift_right_logical3A_2005 = arith.constant 16 : i32
      %shift_right_logical3A_2006 = vector.broadcast %shift_right_logical3A_2005 : i32 to vector<16xi32>
      %shift_right_logical3A_2007 = arith.shrui %bitcast3A_2001, %shift_right_logical3A_2006 : vector<16xi32>
      %and3A_2008 = arith.constant 1 : i32
      %and3A_2009 = vector.broadcast %and3A_2008 : i32 to vector<16xi32>
      %and3A_2010 = arith.andi %shift_right_logical3A_2007, %and3A_2009 : vector<16xi32>
      %add3A_2011 = arith.addi %add3A_2004, %and3A_2010 : vector<16xi32>
      %and3A_2012 = arith.constant -65536 : i32
      %and3A_2013 = vector.broadcast %and3A_2012 : i32 to vector<16xi32>
      %and3A_2014 = arith.andi %add3A_2011, %and3A_2013 : vector<16xi32>
      %bitcast3A_2015 = vector.bitcast %and3A_2014 : vector<16xi32> to vector<16xf32>
      %mul3A_2016 = arith.mulf %bitcast3A_2015, %gather3A_1896 : vector<16xf32>
      %add3A_2017 = arith.addf %add3A_1867, %mul3A_2016 : vector<16xf32>
      %mul3A_2018 = arith.mulf %bitcast3A_2015, %gather3A_1906 : vector<16xf32>
      %add3A_2019 = arith.addf %add3A_1869, %mul3A_2018 : vector<16xf32>
      %mul3A_2020 = arith.mulf %bitcast3A_2015, %gather3A_1916 : vector<16xf32>
      %add3A_2021 = arith.addf %add3A_1871, %mul3A_2020 : vector<16xf32>
      %mul3A_2022 = arith.mulf %bitcast3A_2015, %gather3A_1926 : vector<16xf32>
      %add3A_2023 = arith.addf %add3A_1873, %mul3A_2022 : vector<16xf32>
      %mul3A_2024 = arith.mulf %bitcast3A_2015, %gather3A_1936 : vector<16xf32>
      %add3A_2025 = arith.addf %add3A_1875, %mul3A_2024 : vector<16xf32>
      %mul3A_2026 = arith.mulf %bitcast3A_2015, %gather3A_1946 : vector<16xf32>
      %add3A_2027 = arith.addf %add3A_1877, %mul3A_2026 : vector<16xf32>
      %mul3A_2028 = arith.mulf %bitcast3A_2015, %gather3A_1956 : vector<16xf32>
      %add3A_2029 = arith.addf %add3A_1879, %mul3A_2028 : vector<16xf32>
      %mul3A_2030 = arith.mulf %bitcast3A_2015, %gather3A_1966 : vector<16xf32>
      %add3A_2031 = arith.addf %add3A_1881, %mul3A_2030 : vector<16xf32>
      scf.yield %add3A_1985, %add3A_1987, %add3A_1989, %add3A_1991, %add3A_1993, %add3A_1995, %add3A_1997, %add3A_1999, %add3A_2017, %add3A_2019, %add3A_2021, %add3A_2023, %add3A_2025, %add3A_2027, %add3A_2029, %add3A_2031 : vector<16xf32>, vector<16xf32>, vector<16xf32>, vector<16xf32>, vector<16xf32>, vector<16xf32>, vector<16xf32>, vector<16xf32>, vector<16xf32>, vector<16xf32>, vector<16xf32>, vector<16xf32>, vector<16xf32>, vector<16xf32>, vector<16xf32>, vector<16xf32>
    }
    %scan3A_376 = arith.constant 768 : i32
    %max3A_377 = arith.maximumf %scan3A_375#0, %scan3A_375#1 : vector<16xf32>
    %max3A_378 = arith.maximumf %scan3A_375#2, %scan3A_375#3 : vector<16xf32>
    %max3A_379 = arith.maximumf %scan3A_375#4, %scan3A_375#5 : vector<16xf32>
    %max3A_380 = arith.maximumf %scan3A_375#6, %scan3A_375#7 : vector<16xf32>
    %max3A_381 = arith.maximumf %max3A_377, %max3A_378 : vector<16xf32>
    %max3A_382 = arith.maximumf %max3A_379, %max3A_380 : vector<16xf32>
    %max3A_383 = arith.maximumf %max3A_381, %max3A_382 : vector<16xf32>
    %sub3A_384 = arith.subf %scan3A_375#0, %max3A_383 : vector<16xf32>
    %exp3A_385 = math.exp %sub3A_384 : vector<16xf32>
    %sub3A_386 = arith.subf %scan3A_375#1, %max3A_383 : vector<16xf32>
    %exp3A_387 = math.exp %sub3A_386 : vector<16xf32>
    %sub3A_388 = arith.subf %scan3A_375#2, %max3A_383 : vector<16xf32>
    %exp3A_389 = math.exp %sub3A_388 : vector<16xf32>
    %sub3A_390 = arith.subf %scan3A_375#3, %max3A_383 : vector<16xf32>
    %exp3A_391 = math.exp %sub3A_390 : vector<16xf32>
    %sub3A_392 = arith.subf %scan3A_375#4, %max3A_383 : vector<16xf32>
    %exp3A_393 = math.exp %sub3A_392 : vector<16xf32>
    %sub3A_394 = arith.subf %scan3A_375#5, %max3A_383 : vector<16xf32>
    %exp3A_395 = math.exp %sub3A_394 : vector<16xf32>
    %sub3A_396 = arith.subf %scan3A_375#6, %max3A_383 : vector<16xf32>
    %exp3A_397 = math.exp %sub3A_396 : vector<16xf32>
    %sub3A_398 = arith.subf %scan3A_375#7, %max3A_383 : vector<16xf32>
    %exp3A_399 = math.exp %sub3A_398 : vector<16xf32>
    %add3A_400 = arith.addf %exp3A_385, %exp3A_387 : vector<16xf32>
    %add3A_401 = arith.addf %add3A_400, %exp3A_389 : vector<16xf32>
    %add3A_402 = arith.addf %add3A_401, %exp3A_391 : vector<16xf32>
    %add3A_403 = arith.addf %add3A_402, %exp3A_393 : vector<16xf32>
    %add3A_404 = arith.addf %add3A_403, %exp3A_395 : vector<16xf32>
    %add3A_405 = arith.addf %add3A_404, %exp3A_397 : vector<16xf32>
    %add3A_406 = arith.addf %add3A_405, %exp3A_399 : vector<16xf32>
    %div3A_407 = arith.divf %exp3A_385, %add3A_406 : vector<16xf32>
    %div3A_408 = arith.divf %exp3A_387, %add3A_406 : vector<16xf32>
    %div3A_409 = arith.divf %exp3A_389, %add3A_406 : vector<16xf32>
    %div3A_410 = arith.divf %exp3A_391, %add3A_406 : vector<16xf32>
    %div3A_411 = arith.divf %exp3A_393, %add3A_406 : vector<16xf32>
    %div3A_412 = arith.divf %exp3A_395, %add3A_406 : vector<16xf32>
    %div3A_413 = arith.divf %exp3A_397, %add3A_406 : vector<16xf32>
    %div3A_414 = arith.divf %exp3A_399, %add3A_406 : vector<16xf32>
    %max3A_415 = arith.maximumf %div3A_407, %div3A_408 : vector<16xf32>
    %max3A_416 = arith.maximumf %div3A_409, %div3A_410 : vector<16xf32>
    %max3A_417 = arith.maximumf %div3A_411, %div3A_412 : vector<16xf32>
    %max3A_418 = arith.maximumf %div3A_413, %div3A_414 : vector<16xf32>
    %max3A_419 = arith.maximumf %max3A_415, %max3A_416 : vector<16xf32>
    %max3A_420 = arith.maximumf %max3A_417, %max3A_418 : vector<16xf32>
    %max3A_421 = arith.maximumf %max3A_419, %max3A_420 : vector<16xf32>
    %broadcast_in_dim3A_422 = arith.constant 8 : i32
    %broadcast_in_dim3A_423 = vector.broadcast %broadcast_in_dim3A_422 : i32 to vector<16xi32>
    %eq3A_424 = arith.cmpf oeq, %div3A_414, %max3A_421 : vector<16xf32>
    %select_n3A_425 = arith.select %eq3A_424, %broadcast_in_dim3A_21, %broadcast_in_dim3A_423 : vector<16xi1>, vector<16xi32>
    %eq3A_426 = arith.cmpf oeq, %div3A_413, %max3A_421 : vector<16xf32>
    %select_n3A_427 = arith.select %eq3A_426, %broadcast_in_dim3A_19, %select_n3A_425 : vector<16xi1>, vector<16xi32>
    %eq3A_428 = arith.cmpf oeq, %div3A_412, %max3A_421 : vector<16xf32>
    %select_n3A_429 = arith.select %eq3A_428, %broadcast_in_dim3A_17, %select_n3A_427 : vector<16xi1>, vector<16xi32>
    %eq3A_430 = arith.cmpf oeq, %div3A_411, %max3A_421 : vector<16xf32>
    %select_n3A_431 = arith.select %eq3A_430, %broadcast_in_dim3A_15, %select_n3A_429 : vector<16xi1>, vector<16xi32>
    %eq3A_432 = arith.cmpf oeq, %div3A_410, %max3A_421 : vector<16xf32>
    %select_n3A_433 = arith.select %eq3A_432, %broadcast_in_dim3A_13, %select_n3A_431 : vector<16xi1>, vector<16xi32>
    %eq3A_434 = arith.cmpf oeq, %div3A_409, %max3A_421 : vector<16xf32>
    %select_n3A_435 = arith.select %eq3A_434, %broadcast_in_dim3A_11, %select_n3A_433 : vector<16xi1>, vector<16xi32>
    %eq3A_436 = arith.cmpf oeq, %div3A_408, %max3A_421 : vector<16xf32>
    %select_n3A_437 = arith.select %eq3A_436, %broadcast_in_dim3A_9, %select_n3A_435 : vector<16xi1>, vector<16xi32>
    %eq3A_438 = arith.cmpf oeq, %div3A_407, %max3A_421 : vector<16xf32>
    %select_n3A_439 = arith.select %eq3A_438, %broadcast_in_dim3A_7, %select_n3A_437 : vector<16xi1>, vector<16xi32>
    %eq3A_440 = arith.cmpi eq, %broadcast_in_dim3A_7, %select_n3A_439 : vector<16xi32>
    %jit3A_441 = arith.constant -1.000000e+00 : f32
    %broadcast_in_dim3A_442 = vector.broadcast %jit3A_441 : f32 to vector<16xf32>
    %select_n3A_443 = arith.select %eq3A_440, %broadcast_in_dim3A_442, %div3A_407 : vector<16xi1>, vector<16xf32>
    %eq3A_444 = arith.cmpi eq, %broadcast_in_dim3A_9, %select_n3A_439 : vector<16xi32>
    %jit3A_445 = arith.constant -1.000000e+00 : f32
    %broadcast_in_dim3A_446 = vector.broadcast %jit3A_445 : f32 to vector<16xf32>
    %select_n3A_447 = arith.select %eq3A_444, %broadcast_in_dim3A_446, %div3A_408 : vector<16xi1>, vector<16xf32>
    %eq3A_448 = arith.cmpi eq, %broadcast_in_dim3A_11, %select_n3A_439 : vector<16xi32>
    %jit3A_449 = arith.constant -1.000000e+00 : f32
    %broadcast_in_dim3A_450 = vector.broadcast %jit3A_449 : f32 to vector<16xf32>
    %select_n3A_451 = arith.select %eq3A_448, %broadcast_in_dim3A_450, %div3A_409 : vector<16xi1>, vector<16xf32>
    %eq3A_452 = arith.cmpi eq, %broadcast_in_dim3A_13, %select_n3A_439 : vector<16xi32>
    %jit3A_453 = arith.constant -1.000000e+00 : f32
    %broadcast_in_dim3A_454 = vector.broadcast %jit3A_453 : f32 to vector<16xf32>
    %select_n3A_455 = arith.select %eq3A_452, %broadcast_in_dim3A_454, %div3A_410 : vector<16xi1>, vector<16xf32>
    %eq3A_456 = arith.cmpi eq, %broadcast_in_dim3A_15, %select_n3A_439 : vector<16xi32>
    %jit3A_457 = arith.constant -1.000000e+00 : f32
    %broadcast_in_dim3A_458 = vector.broadcast %jit3A_457 : f32 to vector<16xf32>
    %select_n3A_459 = arith.select %eq3A_456, %broadcast_in_dim3A_458, %div3A_411 : vector<16xi1>, vector<16xf32>
    %eq3A_460 = arith.cmpi eq, %broadcast_in_dim3A_17, %select_n3A_439 : vector<16xi32>
    %jit3A_461 = arith.constant -1.000000e+00 : f32
    %broadcast_in_dim3A_462 = vector.broadcast %jit3A_461 : f32 to vector<16xf32>
    %select_n3A_463 = arith.select %eq3A_460, %broadcast_in_dim3A_462, %div3A_412 : vector<16xi1>, vector<16xf32>
    %eq3A_464 = arith.cmpi eq, %broadcast_in_dim3A_19, %select_n3A_439 : vector<16xi32>
    %jit3A_465 = arith.constant -1.000000e+00 : f32
    %broadcast_in_dim3A_466 = vector.broadcast %jit3A_465 : f32 to vector<16xf32>
    %select_n3A_467 = arith.select %eq3A_464, %broadcast_in_dim3A_466, %div3A_413 : vector<16xi1>, vector<16xf32>
    %eq3A_468 = arith.cmpi eq, %broadcast_in_dim3A_21, %select_n3A_439 : vector<16xi32>
    %jit3A_469 = arith.constant -1.000000e+00 : f32
    %broadcast_in_dim3A_470 = vector.broadcast %jit3A_469 : f32 to vector<16xf32>
    %select_n3A_471 = arith.select %eq3A_468, %broadcast_in_dim3A_470, %div3A_414 : vector<16xi1>, vector<16xf32>
    %max3A_472 = arith.maximumf %select_n3A_443, %select_n3A_447 : vector<16xf32>
    %max3A_473 = arith.maximumf %select_n3A_451, %select_n3A_455 : vector<16xf32>
    %max3A_474 = arith.maximumf %select_n3A_459, %select_n3A_463 : vector<16xf32>
    %max3A_475 = arith.maximumf %select_n3A_467, %select_n3A_471 : vector<16xf32>
    %max3A_476 = arith.maximumf %max3A_472, %max3A_473 : vector<16xf32>
    %max3A_477 = arith.maximumf %max3A_474, %max3A_475 : vector<16xf32>
    %max3A_478 = arith.maximumf %max3A_476, %max3A_477 : vector<16xf32>
    %broadcast_in_dim3A_479 = arith.constant 8 : i32
    %broadcast_in_dim3A_480 = vector.broadcast %broadcast_in_dim3A_479 : i32 to vector<16xi32>
    %eq3A_481 = arith.cmpf oeq, %select_n3A_471, %max3A_478 : vector<16xf32>
    %select_n3A_482 = arith.select %eq3A_481, %broadcast_in_dim3A_21, %broadcast_in_dim3A_480 : vector<16xi1>, vector<16xi32>
    %eq3A_483 = arith.cmpf oeq, %select_n3A_467, %max3A_478 : vector<16xf32>
    %select_n3A_484 = arith.select %eq3A_483, %broadcast_in_dim3A_19, %select_n3A_482 : vector<16xi1>, vector<16xi32>
    %eq3A_485 = arith.cmpf oeq, %select_n3A_463, %max3A_478 : vector<16xf32>
    %select_n3A_486 = arith.select %eq3A_485, %broadcast_in_dim3A_17, %select_n3A_484 : vector<16xi1>, vector<16xi32>
    %eq3A_487 = arith.cmpf oeq, %select_n3A_459, %max3A_478 : vector<16xf32>
    %select_n3A_488 = arith.select %eq3A_487, %broadcast_in_dim3A_15, %select_n3A_486 : vector<16xi1>, vector<16xi32>
    %eq3A_489 = arith.cmpf oeq, %select_n3A_455, %max3A_478 : vector<16xf32>
    %select_n3A_490 = arith.select %eq3A_489, %broadcast_in_dim3A_13, %select_n3A_488 : vector<16xi1>, vector<16xi32>
    %eq3A_491 = arith.cmpf oeq, %select_n3A_451, %max3A_478 : vector<16xf32>
    %select_n3A_492 = arith.select %eq3A_491, %broadcast_in_dim3A_11, %select_n3A_490 : vector<16xi1>, vector<16xi32>
    %eq3A_493 = arith.cmpf oeq, %select_n3A_447, %max3A_478 : vector<16xf32>
    %select_n3A_494 = arith.select %eq3A_493, %broadcast_in_dim3A_9, %select_n3A_492 : vector<16xi1>, vector<16xi32>
    %eq3A_495 = arith.cmpf oeq, %select_n3A_443, %max3A_478 : vector<16xf32>
    %select_n3A_496 = arith.select %eq3A_495, %broadcast_in_dim3A_7, %select_n3A_494 : vector<16xi1>, vector<16xi32>
    %add3A_497 = arith.addf %max3A_421, %max3A_478 : vector<16xf32>
    %swap3A_498 = arith.constant 0 : i32
    %swap3A_499 = arith.index_cast %swap3A_498 : i32 to index
    %swap3A_500 = arith.constant 0 : index
    %swap3A_501 = tpu.vector_load %arg9[%swap3A_499, %swap3A_500] {strides = array<i32>} : memref<8x32xf32, #tpu.memory_space<vmem>>, vector<16xf32>,
    tpu.vector_store %arg9[%swap3A_499, %swap3A_500], %div3A_407 {strides = array<i32>} : memref<8x32xf32, #tpu.memory_space<vmem>>, vector<16xf32>,
    %swap3A_502 = arith.constant 1 : i32
    %swap3A_503 = arith.index_cast %swap3A_502 : i32 to index
    %swap3A_504 = arith.constant 0 : index
    %swap3A_505 = tpu.vector_load %arg9[%swap3A_503, %swap3A_504] {strides = array<i32>} : memref<8x32xf32, #tpu.memory_space<vmem>>, vector<16xf32>,
    tpu.vector_store %arg9[%swap3A_503, %swap3A_504], %div3A_408 {strides = array<i32>} : memref<8x32xf32, #tpu.memory_space<vmem>>, vector<16xf32>,
    %swap3A_506 = arith.constant 2 : i32
    %swap3A_507 = arith.index_cast %swap3A_506 : i32 to index
    %swap3A_508 = arith.constant 0 : index
    %swap3A_509 = tpu.vector_load %arg9[%swap3A_507, %swap3A_508] {strides = array<i32>} : memref<8x32xf32, #tpu.memory_space<vmem>>, vector<16xf32>,
    tpu.vector_store %arg9[%swap3A_507, %swap3A_508], %div3A_409 {strides = array<i32>} : memref<8x32xf32, #tpu.memory_space<vmem>>, vector<16xf32>,
    %swap3A_510 = arith.constant 3 : i32
    %swap3A_511 = arith.index_cast %swap3A_510 : i32 to index
    %swap3A_512 = arith.constant 0 : index
    %swap3A_513 = tpu.vector_load %arg9[%swap3A_511, %swap3A_512] {strides = array<i32>} : memref<8x32xf32, #tpu.memory_space<vmem>>, vector<16xf32>,
    tpu.vector_store %arg9[%swap3A_511, %swap3A_512], %div3A_410 {strides = array<i32>} : memref<8x32xf32, #tpu.memory_space<vmem>>, vector<16xf32>,
    %swap3A_514 = arith.constant 4 : i32
    %swap3A_515 = arith.index_cast %swap3A_514 : i32 to index
    %swap3A_516 = arith.constant 0 : index
    %swap3A_517 = tpu.vector_load %arg9[%swap3A_515, %swap3A_516] {strides = array<i32>} : memref<8x32xf32, #tpu.memory_space<vmem>>, vector<16xf32>,
    tpu.vector_store %arg9[%swap3A_515, %swap3A_516], %div3A_411 {strides = array<i32>} : memref<8x32xf32, #tpu.memory_space<vmem>>, vector<16xf32>,
    %swap3A_518 = arith.constant 5 : i32
    %swap3A_519 = arith.index_cast %swap3A_518 : i32 to index
    %swap3A_520 = arith.constant 0 : index
    %swap3A_521 = tpu.vector_load %arg9[%swap3A_519, %swap3A_520] {strides = array<i32>} : memref<8x32xf32, #tpu.memory_space<vmem>>, vector<16xf32>,
    tpu.vector_store %arg9[%swap3A_519, %swap3A_520], %div3A_412 {strides = array<i32>} : memref<8x32xf32, #tpu.memory_space<vmem>>, vector<16xf32>,
    %swap3A_522 = arith.constant 6 : i32
    %swap3A_523 = arith.index_cast %swap3A_522 : i32 to index
    %swap3A_524 = arith.constant 0 : index
    %swap3A_525 = tpu.vector_load %arg9[%swap3A_523, %swap3A_524] {strides = array<i32>} : memref<8x32xf32, #tpu.memory_space<vmem>>, vector<16xf32>,
    tpu.vector_store %arg9[%swap3A_523, %swap3A_524], %div3A_413 {strides = array<i32>} : memref<8x32xf32, #tpu.memory_space<vmem>>, vector<16xf32>,
    %swap3A_526 = arith.constant 7 : i32
    %swap3A_527 = arith.index_cast %swap3A_526 : i32 to index
    %swap3A_528 = arith.constant 0 : index
    %swap3A_529 = tpu.vector_load %arg9[%swap3A_527, %swap3A_528] {strides = array<i32>} : memref<8x32xf32, #tpu.memory_space<vmem>>, vector<16xf32>,
    tpu.vector_store %arg9[%swap3A_527, %swap3A_528], %div3A_414 {strides = array<i32>} : memref<8x32xf32, #tpu.memory_space<vmem>>, vector<16xf32>,
    %div3A_530 = arith.divf %max3A_421, %add3A_497 : vector<16xf32>
    %swap3A_531 = arith.constant 0 : i32
    %swap3A_532 = arith.index_cast %swap3A_531 : i32 to index
    %swap3A_533 = arith.constant 0 : index
    %swap3A_534 = tpu.vector_load %arg10[%swap3A_532, %swap3A_533] {strides = array<i32>} : memref<2x32xf32, #tpu.memory_space<vmem>>, vector<16xf32>,
    tpu.vector_store %arg10[%swap3A_532, %swap3A_533], %div3A_530 {strides = array<i32>} : memref<2x32xf32, #tpu.memory_space<vmem>>, vector<16xf32>,
    %div3A_535 = arith.divf %max3A_478, %add3A_497 : vector<16xf32>
    %swap3A_536 = arith.constant 1 : i32
    %swap3A_537 = arith.index_cast %swap3A_536 : i32 to index
    %swap3A_538 = arith.constant 0 : index
    %swap3A_539 = tpu.vector_load %arg10[%swap3A_537, %swap3A_538] {strides = array<i32>} : memref<2x32xf32, #tpu.memory_space<vmem>>, vector<16xf32>,
    tpu.vector_store %arg10[%swap3A_537, %swap3A_538], %div3A_535 {strides = array<i32>} : memref<2x32xf32, #tpu.memory_space<vmem>>, vector<16xf32>,
    %swap3A_540 = arith.constant 0 : i32
    %swap3A_541 = arith.index_cast %swap3A_540 : i32 to index
    %swap3A_542 = arith.constant 0 : index
    %swap3A_543 = tpu.vector_load %arg11[%swap3A_541, %swap3A_542] {strides = array<i32>} : memref<2x32xi32, #tpu.memory_space<vmem>>, vector<16xi32>,
    tpu.vector_store %arg11[%swap3A_541, %swap3A_542], %select_n3A_439 {strides = array<i32>} : memref<2x32xi32, #tpu.memory_space<vmem>>, vector<16xi32>,
    %swap3A_544 = arith.constant 1 : i32
    %swap3A_545 = arith.index_cast %swap3A_544 : i32 to index
    %swap3A_546 = arith.constant 0 : index
    %swap3A_547 = tpu.vector_load %arg11[%swap3A_545, %swap3A_546] {strides = array<i32>} : memref<2x32xi32, #tpu.memory_space<vmem>>, vector<16xi32>,
    tpu.vector_store %arg11[%swap3A_545, %swap3A_546], %select_n3A_496 {strides = array<i32>} : memref<2x32xi32, #tpu.memory_space<vmem>>, vector<16xi32>,
    %max3A_548 = arith.maximumf %scan3A_375#8, %scan3A_375#9 : vector<16xf32>
    %max3A_549 = arith.maximumf %scan3A_375#10, %scan3A_375#11 : vector<16xf32>
    %max3A_550 = arith.maximumf %scan3A_375#12, %scan3A_375#13 : vector<16xf32>
    %max3A_551 = arith.maximumf %scan3A_375#14, %scan3A_375#15 : vector<16xf32>
    %max3A_552 = arith.maximumf %max3A_548, %max3A_549 : vector<16xf32>
    %max3A_553 = arith.maximumf %max3A_550, %max3A_551 : vector<16xf32>
    %max3A_554 = arith.maximumf %max3A_552, %max3A_553 : vector<16xf32>
    %sub3A_555 = arith.subf %scan3A_375#8, %max3A_554 : vector<16xf32>
    %exp3A_556 = math.exp %sub3A_555 : vector<16xf32>
    %sub3A_557 = arith.subf %scan3A_375#9, %max3A_554 : vector<16xf32>
    %exp3A_558 = math.exp %sub3A_557 : vector<16xf32>
    %sub3A_559 = arith.subf %scan3A_375#10, %max3A_554 : vector<16xf32>
    %exp3A_560 = math.exp %sub3A_559 : vector<16xf32>
    %sub3A_561 = arith.subf %scan3A_375#11, %max3A_554 : vector<16xf32>
    %exp3A_562 = math.exp %sub3A_561 : vector<16xf32>
    %sub3A_563 = arith.subf %scan3A_375#12, %max3A_554 : vector<16xf32>
    %exp3A_564 = math.exp %sub3A_563 : vector<16xf32>
    %sub3A_565 = arith.subf %scan3A_375#13, %max3A_554 : vector<16xf32>
    %exp3A_566 = math.exp %sub3A_565 : vector<16xf32>
    %sub3A_567 = arith.subf %scan3A_375#14, %max3A_554 : vector<16xf32>
    %exp3A_568 = math.exp %sub3A_567 : vector<16xf32>
    %sub3A_569 = arith.subf %scan3A_375#15, %max3A_554 : vector<16xf32>
    %exp3A_570 = math.exp %sub3A_569 : vector<16xf32>
    %add3A_571 = arith.addf %exp3A_556, %exp3A_558 : vector<16xf32>
    %add3A_572 = arith.addf %add3A_571, %exp3A_560 : vector<16xf32>
    %add3A_573 = arith.addf %add3A_572, %exp3A_562 : vector<16xf32>
    %add3A_574 = arith.addf %add3A_573, %exp3A_564 : vector<16xf32>
    %add3A_575 = arith.addf %add3A_574, %exp3A_566 : vector<16xf32>
    %add3A_576 = arith.addf %add3A_575, %exp3A_568 : vector<16xf32>
    %add3A_577 = arith.addf %add3A_576, %exp3A_570 : vector<16xf32>
    %div3A_578 = arith.divf %exp3A_556, %add3A_577 : vector<16xf32>
    %div3A_579 = arith.divf %exp3A_558, %add3A_577 : vector<16xf32>
    %div3A_580 = arith.divf %exp3A_560, %add3A_577 : vector<16xf32>
    %div3A_581 = arith.divf %exp3A_562, %add3A_577 : vector<16xf32>
    %div3A_582 = arith.divf %exp3A_564, %add3A_577 : vector<16xf32>
    %div3A_583 = arith.divf %exp3A_566, %add3A_577 : vector<16xf32>
    %div3A_584 = arith.divf %exp3A_568, %add3A_577 : vector<16xf32>
    %div3A_585 = arith.divf %exp3A_570, %add3A_577 : vector<16xf32>
    %max3A_586 = arith.maximumf %div3A_578, %div3A_579 : vector<16xf32>
    %max3A_587 = arith.maximumf %div3A_580, %div3A_581 : vector<16xf32>
    %max3A_588 = arith.maximumf %div3A_582, %div3A_583 : vector<16xf32>
    %max3A_589 = arith.maximumf %div3A_584, %div3A_585 : vector<16xf32>
    %max3A_590 = arith.maximumf %max3A_586, %max3A_587 : vector<16xf32>
    %max3A_591 = arith.maximumf %max3A_588, %max3A_589 : vector<16xf32>
    %max3A_592 = arith.maximumf %max3A_590, %max3A_591 : vector<16xf32>
    %broadcast_in_dim3A_593 = arith.constant 8 : i32
    %broadcast_in_dim3A_594 = vector.broadcast %broadcast_in_dim3A_593 : i32 to vector<16xi32>
    %eq3A_595 = arith.cmpf oeq, %div3A_585, %max3A_592 : vector<16xf32>
    %select_n3A_596 = arith.select %eq3A_595, %broadcast_in_dim3A_21, %broadcast_in_dim3A_594 : vector<16xi1>, vector<16xi32>
    %eq3A_597 = arith.cmpf oeq, %div3A_584, %max3A_592 : vector<16xf32>
    %select_n3A_598 = arith.select %eq3A_597, %broadcast_in_dim3A_19, %select_n3A_596 : vector<16xi1>, vector<16xi32>
    %eq3A_599 = arith.cmpf oeq, %div3A_583, %max3A_592 : vector<16xf32>
    %select_n3A_600 = arith.select %eq3A_599, %broadcast_in_dim3A_17, %select_n3A_598 : vector<16xi1>, vector<16xi32>
    %eq3A_601 = arith.cmpf oeq, %div3A_582, %max3A_592 : vector<16xf32>
    %select_n3A_602 = arith.select %eq3A_601, %broadcast_in_dim3A_15, %select_n3A_600 : vector<16xi1>, vector<16xi32>
    %eq3A_603 = arith.cmpf oeq, %div3A_581, %max3A_592 : vector<16xf32>
    %select_n3A_604 = arith.select %eq3A_603, %broadcast_in_dim3A_13, %select_n3A_602 : vector<16xi1>, vector<16xi32>
    %eq3A_605 = arith.cmpf oeq, %div3A_580, %max3A_592 : vector<16xf32>
    %select_n3A_606 = arith.select %eq3A_605, %broadcast_in_dim3A_11, %select_n3A_604 : vector<16xi1>, vector<16xi32>
    %eq3A_607 = arith.cmpf oeq, %div3A_579, %max3A_592 : vector<16xf32>
    %select_n3A_608 = arith.select %eq3A_607, %broadcast_in_dim3A_9, %select_n3A_606 : vector<16xi1>, vector<16xi32>
    %eq3A_609 = arith.cmpf oeq, %div3A_578, %max3A_592 : vector<16xf32>
    %select_n3A_610 = arith.select %eq3A_609, %broadcast_in_dim3A_7, %select_n3A_608 : vector<16xi1>, vector<16xi32>
    %eq3A_611 = arith.cmpi eq, %broadcast_in_dim3A_7, %select_n3A_610 : vector<16xi32>
    %jit3A_612 = arith.constant -1.000000e+00 : f32
    %broadcast_in_dim3A_613 = vector.broadcast %jit3A_612 : f32 to vector<16xf32>
    %select_n3A_614 = arith.select %eq3A_611, %broadcast_in_dim3A_613, %div3A_578 : vector<16xi1>, vector<16xf32>
    %eq3A_615 = arith.cmpi eq, %broadcast_in_dim3A_9, %select_n3A_610 : vector<16xi32>
    %jit3A_616 = arith.constant -1.000000e+00 : f32
    %broadcast_in_dim3A_617 = vector.broadcast %jit3A_616 : f32 to vector<16xf32>
    %select_n3A_618 = arith.select %eq3A_615, %broadcast_in_dim3A_617, %div3A_579 : vector<16xi1>, vector<16xf32>
    %eq3A_619 = arith.cmpi eq, %broadcast_in_dim3A_11, %select_n3A_610 : vector<16xi32>
    %jit3A_620 = arith.constant -1.000000e+00 : f32
    %broadcast_in_dim3A_621 = vector.broadcast %jit3A_620 : f32 to vector<16xf32>
    %select_n3A_622 = arith.select %eq3A_619, %broadcast_in_dim3A_621, %div3A_580 : vector<16xi1>, vector<16xf32>
    %eq3A_623 = arith.cmpi eq, %broadcast_in_dim3A_13, %select_n3A_610 : vector<16xi32>
    %jit3A_624 = arith.constant -1.000000e+00 : f32
    %broadcast_in_dim3A_625 = vector.broadcast %jit3A_624 : f32 to vector<16xf32>
    %select_n3A_626 = arith.select %eq3A_623, %broadcast_in_dim3A_625, %div3A_581 : vector<16xi1>, vector<16xf32>
    %eq3A_627 = arith.cmpi eq, %broadcast_in_dim3A_15, %select_n3A_610 : vector<16xi32>
    %jit3A_628 = arith.constant -1.000000e+00 : f32
    %broadcast_in_dim3A_629 = vector.broadcast %jit3A_628 : f32 to vector<16xf32>
    %select_n3A_630 = arith.select %eq3A_627, %broadcast_in_dim3A_629, %div3A_582 : vector<16xi1>, vector<16xf32>
    %eq3A_631 = arith.cmpi eq, %broadcast_in_dim3A_17, %select_n3A_610 : vector<16xi32>
    %jit3A_632 = arith.constant -1.000000e+00 : f32
    %broadcast_in_dim3A_633 = vector.broadcast %jit3A_632 : f32 to vector<16xf32>
    %select_n3A_634 = arith.select %eq3A_631, %broadcast_in_dim3A_633, %div3A_583 : vector<16xi1>, vector<16xf32>
    %eq3A_635 = arith.cmpi eq, %broadcast_in_dim3A_19, %select_n3A_610 : vector<16xi32>
    %jit3A_636 = arith.constant -1.000000e+00 : f32
    %broadcast_in_dim3A_637 = vector.broadcast %jit3A_636 : f32 to vector<16xf32>
    %select_n3A_638 = arith.select %eq3A_635, %broadcast_in_dim3A_637, %div3A_584 : vector<16xi1>, vector<16xf32>
    %eq3A_639 = arith.cmpi eq, %broadcast_in_dim3A_21, %select_n3A_610 : vector<16xi32>
    %jit3A_640 = arith.constant -1.000000e+00 : f32
    %broadcast_in_dim3A_641 = vector.broadcast %jit3A_640 : f32 to vector<16xf32>
    %select_n3A_642 = arith.select %eq3A_639, %broadcast_in_dim3A_641, %div3A_585 : vector<16xi1>, vector<16xf32>
    %max3A_643 = arith.maximumf %select_n3A_614, %select_n3A_618 : vector<16xf32>
    %max3A_644 = arith.maximumf %select_n3A_622, %select_n3A_626 : vector<16xf32>
    %max3A_645 = arith.maximumf %select_n3A_630, %select_n3A_634 : vector<16xf32>
    %max3A_646 = arith.maximumf %select_n3A_638, %select_n3A_642 : vector<16xf32>
    %max3A_647 = arith.maximumf %max3A_643, %max3A_644 : vector<16xf32>
    %max3A_648 = arith.maximumf %max3A_645, %max3A_646 : vector<16xf32>
    %max3A_649 = arith.maximumf %max3A_647, %max3A_648 : vector<16xf32>
    %broadcast_in_dim3A_650 = arith.constant 8 : i32
    %broadcast_in_dim3A_651 = vector.broadcast %broadcast_in_dim3A_650 : i32 to vector<16xi32>
    %eq3A_652 = arith.cmpf oeq, %select_n3A_642, %max3A_649 : vector<16xf32>
    %select_n3A_653 = arith.select %eq3A_652, %broadcast_in_dim3A_21, %broadcast_in_dim3A_651 : vector<16xi1>, vector<16xi32>
    %eq3A_654 = arith.cmpf oeq, %select_n3A_638, %max3A_649 : vector<16xf32>
    %select_n3A_655 = arith.select %eq3A_654, %broadcast_in_dim3A_19, %select_n3A_653 : vector<16xi1>, vector<16xi32>
    %eq3A_656 = arith.cmpf oeq, %select_n3A_634, %max3A_649 : vector<16xf32>
    %select_n3A_657 = arith.select %eq3A_656, %broadcast_in_dim3A_17, %select_n3A_655 : vector<16xi1>, vector<16xi32>
    %eq3A_658 = arith.cmpf oeq, %select_n3A_630, %max3A_649 : vector<16xf32>
    %select_n3A_659 = arith.select %eq3A_658, %broadcast_in_dim3A_15, %select_n3A_657 : vector<16xi1>, vector<16xi32>
    %eq3A_660 = arith.cmpf oeq, %select_n3A_626, %max3A_649 : vector<16xf32>
    %select_n3A_661 = arith.select %eq3A_660, %broadcast_in_dim3A_13, %select_n3A_659 : vector<16xi1>, vector<16xi32>
    %eq3A_662 = arith.cmpf oeq, %select_n3A_622, %max3A_649 : vector<16xf32>
    %select_n3A_663 = arith.select %eq3A_662, %broadcast_in_dim3A_11, %select_n3A_661 : vector<16xi1>, vector<16xi32>
    %eq3A_664 = arith.cmpf oeq, %select_n3A_618, %max3A_649 : vector<16xf32>
    %select_n3A_665 = arith.select %eq3A_664, %broadcast_in_dim3A_9, %select_n3A_663 : vector<16xi1>, vector<16xi32>
    %eq3A_666 = arith.cmpf oeq, %select_n3A_614, %max3A_649 : vector<16xf32>
    %select_n3A_667 = arith.select %eq3A_666, %broadcast_in_dim3A_7, %select_n3A_665 : vector<16xi1>, vector<16xi32>
    %add3A_668 = arith.addf %max3A_592, %max3A_649 : vector<16xf32>
    %swap3A_669 = arith.constant 0 : i32
    %swap3A_670 = arith.index_cast %swap3A_669 : i32 to index
    %swap3A_671 = arith.constant 16 : index
    %swap3A_672 = tpu.vector_load %arg9[%swap3A_670, %swap3A_671] {strides = array<i32>} : memref<8x32xf32, #tpu.memory_space<vmem>>, vector<16xf32>,
    tpu.vector_store %arg9[%swap3A_670, %swap3A_671], %div3A_578 {strides = array<i32>} : memref<8x32xf32, #tpu.memory_space<vmem>>, vector<16xf32>,
    %swap3A_673 = arith.constant 1 : i32
    %swap3A_674 = arith.index_cast %swap3A_673 : i32 to index
    %swap3A_675 = arith.constant 16 : index
    %swap3A_676 = tpu.vector_load %arg9[%swap3A_674, %swap3A_675] {strides = array<i32>} : memref<8x32xf32, #tpu.memory_space<vmem>>, vector<16xf32>,
    tpu.vector_store %arg9[%swap3A_674, %swap3A_675], %div3A_579 {strides = array<i32>} : memref<8x32xf32, #tpu.memory_space<vmem>>, vector<16xf32>,
    %swap3A_677 = arith.constant 2 : i32
    %swap3A_678 = arith.index_cast %swap3A_677 : i32 to index
    %swap3A_679 = arith.constant 16 : index
    %swap3A_680 = tpu.vector_load %arg9[%swap3A_678, %swap3A_679] {strides = array<i32>} : memref<8x32xf32, #tpu.memory_space<vmem>>, vector<16xf32>,
    tpu.vector_store %arg9[%swap3A_678, %swap3A_679], %div3A_580 {strides = array<i32>} : memref<8x32xf32, #tpu.memory_space<vmem>>, vector<16xf32>,
    %swap3A_681 = arith.constant 3 : i32
    %swap3A_682 = arith.index_cast %swap3A_681 : i32 to index
    %swap3A_683 = arith.constant 16 : index
    %swap3A_684 = tpu.vector_load %arg9[%swap3A_682, %swap3A_683] {strides = array<i32>} : memref<8x32xf32, #tpu.memory_space<vmem>>, vector<16xf32>,
    tpu.vector_store %arg9[%swap3A_682, %swap3A_683], %div3A_581 {strides = array<i32>} : memref<8x32xf32, #tpu.memory_space<vmem>>, vector<16xf32>,
    %swap3A_685 = arith.constant 4 : i32
    %swap3A_686 = arith.index_cast %swap3A_685 : i32 to index
    %swap3A_687 = arith.constant 16 : index
    %swap3A_688 = tpu.vector_load %arg9[%swap3A_686, %swap3A_687] {strides = array<i32>} : memref<8x32xf32, #tpu.memory_space<vmem>>, vector<16xf32>,
    tpu.vector_store %arg9[%swap3A_686, %swap3A_687], %div3A_582 {strides = array<i32>} : memref<8x32xf32, #tpu.memory_space<vmem>>, vector<16xf32>,
    %swap3A_689 = arith.constant 5 : i32
    %swap3A_690 = arith.index_cast %swap3A_689 : i32 to index
    %swap3A_691 = arith.constant 16 : index
    %swap3A_692 = tpu.vector_load %arg9[%swap3A_690, %swap3A_691] {strides = array<i32>} : memref<8x32xf32, #tpu.memory_space<vmem>>, vector<16xf32>,
    tpu.vector_store %arg9[%swap3A_690, %swap3A_691], %div3A_583 {strides = array<i32>} : memref<8x32xf32, #tpu.memory_space<vmem>>, vector<16xf32>,
    %swap3A_693 = arith.constant 6 : i32
    %swap3A_694 = arith.index_cast %swap3A_693 : i32 to index
    %swap3A_695 = arith.constant 16 : index
    %swap3A_696 = tpu.vector_load %arg9[%swap3A_694, %swap3A_695] {strides = array<i32>} : memref<8x32xf32, #tpu.memory_space<vmem>>, vector<16xf32>,
    tpu.vector_store %arg9[%swap3A_694, %swap3A_695], %div3A_584 {strides = array<i32>} : memref<8x32xf32, #tpu.memory_space<vmem>>, vector<16xf32>,
    %swap3A_697 = arith.constant 7 : i32
    %swap3A_698 = arith.index_cast %swap3A_697 : i32 to index
    %swap3A_699 = arith.constant 16 : index
    %swap3A_700 = tpu.vector_load %arg9[%swap3A_698, %swap3A_699] {strides = array<i32>} : memref<8x32xf32, #tpu.memory_space<vmem>>, vector<16xf32>,
    tpu.vector_store %arg9[%swap3A_698, %swap3A_699], %div3A_585 {strides = array<i32>} : memref<8x32xf32, #tpu.memory_space<vmem>>, vector<16xf32>,
    %div3A_701 = arith.divf %max3A_592, %add3A_668 : vector<16xf32>
    %swap3A_702 = arith.constant 0 : i32
    %swap3A_703 = arith.index_cast %swap3A_702 : i32 to index
    %swap3A_704 = arith.constant 16 : index
    %swap3A_705 = tpu.vector_load %arg10[%swap3A_703, %swap3A_704] {strides = array<i32>} : memref<2x32xf32, #tpu.memory_space<vmem>>, vector<16xf32>,
    tpu.vector_store %arg10[%swap3A_703, %swap3A_704], %div3A_701 {strides = array<i32>} : memref<2x32xf32, #tpu.memory_space<vmem>>, vector<16xf32>,
    %div3A_706 = arith.divf %max3A_649, %add3A_668 : vector<16xf32>
    %swap3A_707 = arith.constant 1 : i32
    %swap3A_708 = arith.index_cast %swap3A_707 : i32 to index
    %swap3A_709 = arith.constant 16 : index
    %swap3A_710 = tpu.vector_load %arg10[%swap3A_708, %swap3A_709] {strides = array<i32>} : memref<2x32xf32, #tpu.memory_space<vmem>>, vector<16xf32>,
    tpu.vector_store %arg10[%swap3A_708, %swap3A_709], %div3A_706 {strides = array<i32>} : memref<2x32xf32, #tpu.memory_space<vmem>>, vector<16xf32>,
    %swap3A_711 = arith.constant 0 : i32
    %swap3A_712 = arith.index_cast %swap3A_711 : i32 to index
    %swap3A_713 = arith.constant 16 : index
    %swap3A_714 = tpu.vector_load %arg11[%swap3A_712, %swap3A_713] {strides = array<i32>} : memref<2x32xi32, #tpu.memory_space<vmem>>, vector<16xi32>,
    tpu.vector_store %arg11[%swap3A_712, %swap3A_713], %select_n3A_610 {strides = array<i32>} : memref<2x32xi32, #tpu.memory_space<vmem>>, vector<16xi32>,
    %swap3A_715 = arith.constant 1 : i32
    %swap3A_716 = arith.index_cast %swap3A_715 : i32 to index
    %swap3A_717 = arith.constant 16 : index
    %swap3A_718 = tpu.vector_load %arg11[%swap3A_716, %swap3A_717] {strides = array<i32>} : memref<2x32xi32, #tpu.memory_space<vmem>>, vector<16xi32>,
    tpu.vector_store %arg11[%swap3A_716, %swap3A_717], %select_n3A_667 {strides = array<i32>} : memref<2x32xi32, #tpu.memory_space<vmem>>, vector<16xi32>,
    "tpu.region"() ({
      %run_scoped3A = tpu.sem_alloc : memref<!tpu.dma_semaphore, #tpu.memory_space<semaphore_mem>>
      %dma_start3A = arith.constant 0 : i32
      %dma_start3A_1423 = tpu.memref_slice %arg6[%dma_start3A, %add3A_370] : memref<8x4096xf32, #tpu.memory_space<hbm>> -> memref<8x32xf32, #tpu.memory_space<hbm>>
      %dma_start3A_1424 = arith.constant 0 : i32
      %dma_start3A_1425 = tpu.memref_slice %arg6[%dma_start3A_1424, %add3A_370] : memref<8x4096xf32, #tpu.memory_space<hbm>> -> memref<8x32xf32, #tpu.memory_space<hbm>>
      tpu.enqueue_dma source(%arg9 : memref<8x32xf32, #tpu.memory_space<vmem>>) target(%dma_start3A_1425 : memref<8x32xf32, #tpu.memory_space<hbm>>) target_semaphore(%run_scoped3A : memref<!tpu.dma_semaphore, #tpu.memory_space<semaphore_mem>>)
      %dma_wait3A = arith.constant 0 : i32
      %dma_wait3A_1426 = tpu.memref_slice %arg6[%dma_wait3A, %add3A_370] : memref<8x4096xf32, #tpu.memory_space<hbm>> -> memref<8x32xf32, #tpu.memory_space<hbm>>
      %dma_wait3A_1427 = arith.constant 0 : i32
      %dma_wait3A_1428 = tpu.memref_slice %arg6[%dma_wait3A_1427, %add3A_370] : memref<8x4096xf32, #tpu.memory_space<hbm>> -> memref<8x32xf32, #tpu.memory_space<hbm>>
      tpu.wait_dma2 semaphore(%run_scoped3A : memref<!tpu.dma_semaphore, #tpu.memory_space<semaphore_mem>>) src(%arg9 : memref<8x32xf32, #tpu.memory_space<vmem>>) dst(%dma_wait3A_1428 : memref<8x32xf32, #tpu.memory_space<hbm>>)
      tpu.yield
    }) : () -> ()
    "tpu.region"() ({
      %run_scoped3A = tpu.sem_alloc : memref<!tpu.dma_semaphore, #tpu.memory_space<semaphore_mem>>
      %dma_start3A = arith.constant 0 : i32
      %dma_start3A_1423 = tpu.memref_slice %arg4[%dma_start3A, %add3A_370] : memref<2x4096xf32, #tpu.memory_space<hbm>> -> memref<2x32xf32, #tpu.memory_space<hbm>>
      %dma_start3A_1424 = arith.constant 0 : i32
      %dma_start3A_1425 = tpu.memref_slice %arg4[%dma_start3A_1424, %add3A_370] : memref<2x4096xf32, #tpu.memory_space<hbm>> -> memref<2x32xf32, #tpu.memory_space<hbm>>
      tpu.enqueue_dma source(%arg10 : memref<2x32xf32, #tpu.memory_space<vmem>>) target(%dma_start3A_1425 : memref<2x32xf32, #tpu.memory_space<hbm>>) target_semaphore(%run_scoped3A : memref<!tpu.dma_semaphore, #tpu.memory_space<semaphore_mem>>)
      %dma_wait3A = arith.constant 0 : i32
      %dma_wait3A_1426 = tpu.memref_slice %arg4[%dma_wait3A, %add3A_370] : memref<2x4096xf32, #tpu.memory_space<hbm>> -> memref<2x32xf32, #tpu.memory_space<hbm>>
      %dma_wait3A_1427 = arith.constant 0 : i32
      %dma_wait3A_1428 = tpu.memref_slice %arg4[%dma_wait3A_1427, %add3A_370] : memref<2x4096xf32, #tpu.memory_space<hbm>> -> memref<2x32xf32, #tpu.memory_space<hbm>>
      tpu.wait_dma2 semaphore(%run_scoped3A : memref<!tpu.dma_semaphore, #tpu.memory_space<semaphore_mem>>) src(%arg10 : memref<2x32xf32, #tpu.memory_space<vmem>>) dst(%dma_wait3A_1428 : memref<2x32xf32, #tpu.memory_space<hbm>>)
      tpu.yield
    }) : () -> ()
    "tpu.region"() ({
      %run_scoped3A = tpu.sem_alloc : memref<!tpu.dma_semaphore, #tpu.memory_space<semaphore_mem>>
      %dma_start3A = arith.constant 0 : i32
      %dma_start3A_1423 = tpu.memref_slice %arg5[%dma_start3A, %add3A_370] : memref<2x4096xi32, #tpu.memory_space<hbm>> -> memref<2x32xi32, #tpu.memory_space<hbm>>
      %dma_start3A_1424 = arith.constant 0 : i32
      %dma_start3A_1425 = tpu.memref_slice %arg5[%dma_start3A_1424, %add3A_370] : memref<2x4096xi32, #tpu.memory_space<hbm>> -> memref<2x32xi32, #tpu.memory_space<hbm>>
      tpu.enqueue_dma source(%arg11 : memref<2x32xi32, #tpu.memory_space<vmem>>) target(%dma_start3A_1425 : memref<2x32xi32, #tpu.memory_space<hbm>>) target_semaphore(%run_scoped3A : memref<!tpu.dma_semaphore, #tpu.memory_space<semaphore_mem>>)
      %dma_wait3A = arith.constant 0 : i32
      %dma_wait3A_1426 = tpu.memref_slice %arg5[%dma_wait3A, %add3A_370] : memref<2x4096xi32, #tpu.memory_space<hbm>> -> memref<2x32xi32, #tpu.memory_space<hbm>>
      %dma_wait3A_1427 = arith.constant 0 : i32
      %dma_wait3A_1428 = tpu.memref_slice %arg5[%dma_wait3A_1427, %add3A_370] : memref<2x4096xi32, #tpu.memory_space<hbm>> -> memref<2x32xi32, #tpu.memory_space<hbm>>
      tpu.wait_dma2 semaphore(%run_scoped3A : memref<!tpu.dma_semaphore, #tpu.memory_space<semaphore_mem>>) src(%arg11 : memref<2x32xi32, #tpu.memory_space<vmem>>) dst(%dma_wait3A_1428 : memref<2x32xi32, #tpu.memory_space<hbm>>)
      tpu.yield
    }) : () -> ()
    %mul3A_719 = arith.constant 128 : i32
    %mul3A_720 = arith.muli %add3A, %mul3A_719 : i32
    %add3A_721 = arith.constant 64 : i32
    %add3A_722 = arith.addi %mul3A_720, %add3A_721 : i32
    "tpu.region"() ({
      %run_scoped3A = tpu.sem_alloc : memref<!tpu.dma_semaphore, #tpu.memory_space<semaphore_mem>>
      %dma_start3A = arith.constant 0 : i32
      %dma_start3A_1423 = arith.constant 0 : i32
      %dma_start3A_1424 = tpu.memref_slice %arg7[%dma_start3A, %dma_start3A_1423] : memref<32x769xf32, #tpu.memory_space<vmem>> -> memref<32x768xf32, #tpu.memory_space<vmem>>
      %dma_start3A_1425 = arith.constant 0 : i32
      %dma_start3A_1426 = tpu.memref_slice %arg2[%add3A_722, %dma_start3A_1425] : memref<4096x768xf32, #tpu.memory_space<hbm>> -> memref<32x768xf32, #tpu.memory_space<hbm>>
      %dma_start3A_1427 = arith.constant 0 : i32
      %dma_start3A_1428 = arith.constant 0 : i32
      %dma_start3A_1429 = tpu.memref_slice %arg7[%dma_start3A_1427, %dma_start3A_1428] : memref<32x769xf32, #tpu.memory_space<vmem>> -> memref<32x768xf32, #tpu.memory_space<vmem>>
      %dma_start3A_1430 = arith.constant 0 : i32
      %dma_start3A_1431 = tpu.memref_slice %arg2[%add3A_722, %dma_start3A_1430] : memref<4096x768xf32, #tpu.memory_space<hbm>> -> memref<32x768xf32, #tpu.memory_space<hbm>>
      tpu.enqueue_dma source(%dma_start3A_1431 : memref<32x768xf32, #tpu.memory_space<hbm>>) target(%dma_start3A_1429 : memref<32x768xf32, #tpu.memory_space<vmem>>) target_semaphore(%run_scoped3A : memref<!tpu.dma_semaphore, #tpu.memory_space<semaphore_mem>>)
      %dma_wait3A = arith.constant 0 : i32
      %dma_wait3A_1432 = arith.constant 0 : i32
      %dma_wait3A_1433 = tpu.memref_slice %arg7[%dma_wait3A, %dma_wait3A_1432] : memref<32x769xf32, #tpu.memory_space<vmem>> -> memref<32x768xf32, #tpu.memory_space<vmem>>
      %dma_wait3A_1434 = arith.constant 0 : i32
      %dma_wait3A_1435 = tpu.memref_slice %arg2[%add3A_722, %dma_wait3A_1434] : memref<4096x768xf32, #tpu.memory_space<hbm>> -> memref<32x768xf32, #tpu.memory_space<hbm>>
      %dma_wait3A_1436 = arith.constant 0 : i32
      %dma_wait3A_1437 = arith.constant 0 : i32
      %dma_wait3A_1438 = tpu.memref_slice %arg7[%dma_wait3A_1436, %dma_wait3A_1437] : memref<32x769xf32, #tpu.memory_space<vmem>> -> memref<32x768xf32, #tpu.memory_space<vmem>>
      %dma_wait3A_1439 = arith.constant 0 : i32
      %dma_wait3A_1440 = tpu.memref_slice %arg2[%add3A_722, %dma_wait3A_1439] : memref<4096x768xf32, #tpu.memory_space<hbm>> -> memref<32x768xf32, #tpu.memory_space<hbm>>
      tpu.wait_dma2 semaphore(%run_scoped3A : memref<!tpu.dma_semaphore, #tpu.memory_space<semaphore_mem>>) src(%dma_wait3A_1440 : memref<32x768xf32, #tpu.memory_space<hbm>>) dst(%dma_wait3A_1438 : memref<32x768xf32, #tpu.memory_space<vmem>>)
      tpu.yield
    }) : () -> ()
    %scan3A_723 = arith.constant 0 : i32
    %scan3A_724 = arith.constant 768 : i32
    %scan3A_725 = arith.addi %scan3A_723, %scan3A_724 : i32
    %scan3A_726 = arith.constant 4 : i32
    %scan3A_727:16 = scf.for %scan3A_1423 = %scan3A_723 to %scan3A_725 step %scan3A_726 iter_args(%scan3A_1424 = %broadcast_in_dim3A_23, %scan3A_1425 = %broadcast_in_dim3A_23, %scan3A_1426 = %broadcast_in_dim3A_23, %scan3A_1427 = %broadcast_in_dim3A_23, %scan3A_1428 = %broadcast_in_dim3A_23, %scan3A_1429 = %broadcast_in_dim3A_23, %scan3A_1430 = %broadcast_in_dim3A_23, %scan3A_1431 = %broadcast_in_dim3A_23, %scan3A_1432 = %broadcast_in_dim3A_23, %scan3A_1433 = %broadcast_in_dim3A_23, %scan3A_1434 = %broadcast_in_dim3A_23, %scan3A_1435 = %broadcast_in_dim3A_23, %scan3A_1436 = %broadcast_in_dim3A_23, %scan3A_1437 = %broadcast_in_dim3A_23, %scan3A_1438 = %broadcast_in_dim3A_23, %scan3A_1439 = %broadcast_in_dim3A_23) -> (vector<16xf32>, vector<16xf32>, vector<16xf32>, vector<16xf32>, vector<16xf32>, vector<16xf32>, vector<16xf32>, vector<16xf32>, vector<16xf32>, vector<16xf32>, vector<16xf32>, vector<16xf32>, vector<16xf32>, vector<16xf32>, vector<16xf32>, vector<16xf32>)  : i32 {
      %get3A = arith.index_cast %scan3A_1423 : i32 to index
      %get3A_1440 = arith.constant 0 : index
      %get3A_1441 = tpu.vector_load %arg8[%get3A, %get3A_1440] {strides = array<i32>} : memref<768x16xf32, #tpu.memory_space<vmem>>, vector<16xf32>,
      %lt3A = arith.constant 0 : i32
      %lt3A_1442 = vector.broadcast %lt3A : i32 to vector<16xi32>
      %lt3A_1443 = arith.cmpi slt, %broadcast_in_dim3A_7, %lt3A_1442 : vector<16xi32>
      %add3A_1444 = arith.constant 16 : i32
      %add3A_1445 = vector.broadcast %add3A_1444 : i32 to vector<16xi32>
      %add3A_1446 = arith.addi %broadcast_in_dim3A_7, %add3A_1445 : vector<16xi32>
      %select_n3A_1447 = arith.select %lt3A_1443, %add3A_1446, %broadcast_in_dim3A_7 : vector<16xi1>, vector<16xi32>
      %broadcast_in_dim3A_1448 = vector.shape_cast %select_n3A_1447 : vector<16xi32> to vector<16x1xi32>
      %gather3A = vector.shape_cast %broadcast_in_dim3A_1448 : vector<16x1xi32> to vector<16xi32>
      %gather3A_1449 = tpu.dynamic_gather %get3A_1441[%gather3A] in [0] : vector<16xf32>, vector<16xi32> -> vector<16xf32>
      %lt3A_1450 = arith.constant 0 : i32
      %lt3A_1451 = vector.broadcast %lt3A_1450 : i32 to vector<16xi32>
      %lt3A_1452 = arith.cmpi slt, %broadcast_in_dim3A_9, %lt3A_1451 : vector<16xi32>
      %add3A_1453 = arith.constant 16 : i32
      %add3A_1454 = vector.broadcast %add3A_1453 : i32 to vector<16xi32>
      %add3A_1455 = arith.addi %broadcast_in_dim3A_9, %add3A_1454 : vector<16xi32>
      %select_n3A_1456 = arith.select %lt3A_1452, %add3A_1455, %broadcast_in_dim3A_9 : vector<16xi1>, vector<16xi32>
      %broadcast_in_dim3A_1457 = vector.shape_cast %select_n3A_1456 : vector<16xi32> to vector<16x1xi32>
      %gather3A_1458 = vector.shape_cast %broadcast_in_dim3A_1457 : vector<16x1xi32> to vector<16xi32>
      %gather3A_1459 = tpu.dynamic_gather %get3A_1441[%gather3A_1458] in [0] : vector<16xf32>, vector<16xi32> -> vector<16xf32>
      %lt3A_1460 = arith.constant 0 : i32
      %lt3A_1461 = vector.broadcast %lt3A_1460 : i32 to vector<16xi32>
      %lt3A_1462 = arith.cmpi slt, %broadcast_in_dim3A_11, %lt3A_1461 : vector<16xi32>
      %add3A_1463 = arith.constant 16 : i32
      %add3A_1464 = vector.broadcast %add3A_1463 : i32 to vector<16xi32>
      %add3A_1465 = arith.addi %broadcast_in_dim3A_11, %add3A_1464 : vector<16xi32>
      %select_n3A_1466 = arith.select %lt3A_1462, %add3A_1465, %broadcast_in_dim3A_11 : vector<16xi1>, vector<16xi32>
      %broadcast_in_dim3A_1467 = vector.shape_cast %select_n3A_1466 : vector<16xi32> to vector<16x1xi32>
      %gather3A_1468 = vector.shape_cast %broadcast_in_dim3A_1467 : vector<16x1xi32> to vector<16xi32>
      %gather3A_1469 = tpu.dynamic_gather %get3A_1441[%gather3A_1468] in [0] : vector<16xf32>, vector<16xi32> -> vector<16xf32>
      %lt3A_1470 = arith.constant 0 : i32
      %lt3A_1471 = vector.broadcast %lt3A_1470 : i32 to vector<16xi32>
      %lt3A_1472 = arith.cmpi slt, %broadcast_in_dim3A_13, %lt3A_1471 : vector<16xi32>
      %add3A_1473 = arith.constant 16 : i32
      %add3A_1474 = vector.broadcast %add3A_1473 : i32 to vector<16xi32>
      %add3A_1475 = arith.addi %broadcast_in_dim3A_13, %add3A_1474 : vector<16xi32>
      %select_n3A_1476 = arith.select %lt3A_1472, %add3A_1475, %broadcast_in_dim3A_13 : vector<16xi1>, vector<16xi32>
      %broadcast_in_dim3A_1477 = vector.shape_cast %select_n3A_1476 : vector<16xi32> to vector<16x1xi32>
      %gather3A_1478 = vector.shape_cast %broadcast_in_dim3A_1477 : vector<16x1xi32> to vector<16xi32>
      %gather3A_1479 = tpu.dynamic_gather %get3A_1441[%gather3A_1478] in [0] : vector<16xf32>, vector<16xi32> -> vector<16xf32>
      %lt3A_1480 = arith.constant 0 : i32
      %lt3A_1481 = vector.broadcast %lt3A_1480 : i32 to vector<16xi32>
      %lt3A_1482 = arith.cmpi slt, %broadcast_in_dim3A_15, %lt3A_1481 : vector<16xi32>
      %add3A_1483 = arith.constant 16 : i32
      %add3A_1484 = vector.broadcast %add3A_1483 : i32 to vector<16xi32>
      %add3A_1485 = arith.addi %broadcast_in_dim3A_15, %add3A_1484 : vector<16xi32>
      %select_n3A_1486 = arith.select %lt3A_1482, %add3A_1485, %broadcast_in_dim3A_15 : vector<16xi1>, vector<16xi32>
      %broadcast_in_dim3A_1487 = vector.shape_cast %select_n3A_1486 : vector<16xi32> to vector<16x1xi32>
      %gather3A_1488 = vector.shape_cast %broadcast_in_dim3A_1487 : vector<16x1xi32> to vector<16xi32>
      %gather3A_1489 = tpu.dynamic_gather %get3A_1441[%gather3A_1488] in [0] : vector<16xf32>, vector<16xi32> -> vector<16xf32>
      %lt3A_1490 = arith.constant 0 : i32
      %lt3A_1491 = vector.broadcast %lt3A_1490 : i32 to vector<16xi32>
      %lt3A_1492 = arith.cmpi slt, %broadcast_in_dim3A_17, %lt3A_1491 : vector<16xi32>
      %add3A_1493 = arith.constant 16 : i32
      %add3A_1494 = vector.broadcast %add3A_1493 : i32 to vector<16xi32>
      %add3A_1495 = arith.addi %broadcast_in_dim3A_17, %add3A_1494 : vector<16xi32>
      %select_n3A_1496 = arith.select %lt3A_1492, %add3A_1495, %broadcast_in_dim3A_17 : vector<16xi1>, vector<16xi32>
      %broadcast_in_dim3A_1497 = vector.shape_cast %select_n3A_1496 : vector<16xi32> to vector<16x1xi32>
      %gather3A_1498 = vector.shape_cast %broadcast_in_dim3A_1497 : vector<16x1xi32> to vector<16xi32>
      %gather3A_1499 = tpu.dynamic_gather %get3A_1441[%gather3A_1498] in [0] : vector<16xf32>, vector<16xi32> -> vector<16xf32>
      %lt3A_1500 = arith.constant 0 : i32
      %lt3A_1501 = vector.broadcast %lt3A_1500 : i32 to vector<16xi32>
      %lt3A_1502 = arith.cmpi slt, %broadcast_in_dim3A_19, %lt3A_1501 : vector<16xi32>
      %add3A_1503 = arith.constant 16 : i32
      %add3A_1504 = vector.broadcast %add3A_1503 : i32 to vector<16xi32>
      %add3A_1505 = arith.addi %broadcast_in_dim3A_19, %add3A_1504 : vector<16xi32>
      %select_n3A_1506 = arith.select %lt3A_1502, %add3A_1505, %broadcast_in_dim3A_19 : vector<16xi1>, vector<16xi32>
      %broadcast_in_dim3A_1507 = vector.shape_cast %select_n3A_1506 : vector<16xi32> to vector<16x1xi32>
      %gather3A_1508 = vector.shape_cast %broadcast_in_dim3A_1507 : vector<16x1xi32> to vector<16xi32>
      %gather3A_1509 = tpu.dynamic_gather %get3A_1441[%gather3A_1508] in [0] : vector<16xf32>, vector<16xi32> -> vector<16xf32>
      %lt3A_1510 = arith.constant 0 : i32
      %lt3A_1511 = vector.broadcast %lt3A_1510 : i32 to vector<16xi32>
      %lt3A_1512 = arith.cmpi slt, %broadcast_in_dim3A_21, %lt3A_1511 : vector<16xi32>
      %add3A_1513 = arith.constant 16 : i32
      %add3A_1514 = vector.broadcast %add3A_1513 : i32 to vector<16xi32>
      %add3A_1515 = arith.addi %broadcast_in_dim3A_21, %add3A_1514 : vector<16xi32>
      %select_n3A_1516 = arith.select %lt3A_1512, %add3A_1515, %broadcast_in_dim3A_21 : vector<16xi1>, vector<16xi32>
      %broadcast_in_dim3A_1517 = vector.shape_cast %select_n3A_1516 : vector<16xi32> to vector<16x1xi32>
      %gather3A_1518 = vector.shape_cast %broadcast_in_dim3A_1517 : vector<16x1xi32> to vector<16xi32>
      %gather3A_1519 = tpu.dynamic_gather %get3A_1441[%gather3A_1518] in [0] : vector<16xf32>, vector<16xi32> -> vector<16xf32>
      %broadcast_in_dim3A_1520 = vector.broadcast %scan3A_1423 : i32 to vector<16xi32>
      %gather3A_1521 = tpu.vector_load_idx %arg7[%add3A_3, %broadcast_in_dim3A_1520] : memref<32x769xf32, #tpu.memory_space<vmem>>[vector<16xi32>, vector<16xi32>], vector<16xf32>,
      %bitcast3A = vector.bitcast %gather3A_1521 : vector<16xf32> to vector<16xi32>
      %add3A_1522 = arith.constant 32767 : i32
      %add3A_1523 = vector.broadcast %add3A_1522 : i32 to vector<16xi32>
      %add3A_1524 = arith.addi %bitcast3A, %add3A_1523 : vector<16xi32>
      %shift_right_logical3A = arith.constant 16 : i32
      %shift_right_logical3A_1525 = vector.broadcast %shift_right_logical3A : i32 to vector<16xi32>
      %shift_right_logical3A_1526 = arith.shrui %bitcast3A, %shift_right_logical3A_1525 : vector<16xi32>
      %and3A = arith.constant 1 : i32
      %and3A_1527 = vector.broadcast %and3A : i32 to vector<16xi32>
      %and3A_1528 = arith.andi %shift_right_logical3A_1526, %and3A_1527 : vector<16xi32>
      %add3A_1529 = arith.addi %add3A_1524, %and3A_1528 : vector<16xi32>
      %and3A_1530 = arith.constant -65536 : i32
      %and3A_1531 = vector.broadcast %and3A_1530 : i32 to vector<16xi32>
      %and3A_1532 = arith.andi %add3A_1529, %and3A_1531 : vector<16xi32>
      %bitcast3A_1533 = vector.bitcast %and3A_1532 : vector<16xi32> to vector<16xf32>
      %mul3A_1534 = arith.mulf %bitcast3A_1533, %gather3A_1449 : vector<16xf32>
      %add3A_1535 = arith.addf %scan3A_1424, %mul3A_1534 : vector<16xf32>
      %mul3A_1536 = arith.mulf %bitcast3A_1533, %gather3A_1459 : vector<16xf32>
      %add3A_1537 = arith.addf %scan3A_1425, %mul3A_1536 : vector<16xf32>
      %mul3A_1538 = arith.mulf %bitcast3A_1533, %gather3A_1469 : vector<16xf32>
      %add3A_1539 = arith.addf %scan3A_1426, %mul3A_1538 : vector<16xf32>
      %mul3A_1540 = arith.mulf %bitcast3A_1533, %gather3A_1479 : vector<16xf32>
      %add3A_1541 = arith.addf %scan3A_1427, %mul3A_1540 : vector<16xf32>
      %mul3A_1542 = arith.mulf %bitcast3A_1533, %gather3A_1489 : vector<16xf32>
      %add3A_1543 = arith.addf %scan3A_1428, %mul3A_1542 : vector<16xf32>
      %mul3A_1544 = arith.mulf %bitcast3A_1533, %gather3A_1499 : vector<16xf32>
      %add3A_1545 = arith.addf %scan3A_1429, %mul3A_1544 : vector<16xf32>
      %mul3A_1546 = arith.mulf %bitcast3A_1533, %gather3A_1509 : vector<16xf32>
      %add3A_1547 = arith.addf %scan3A_1430, %mul3A_1546 : vector<16xf32>
      %mul3A_1548 = arith.mulf %bitcast3A_1533, %gather3A_1519 : vector<16xf32>
      %add3A_1549 = arith.addf %scan3A_1431, %mul3A_1548 : vector<16xf32>
      %gather3A_1550 = tpu.vector_load_idx %arg7[%add3A_6, %broadcast_in_dim3A_1520] : memref<32x769xf32, #tpu.memory_space<vmem>>[vector<16xi32>, vector<16xi32>], vector<16xf32>,
      %bitcast3A_1551 = vector.bitcast %gather3A_1550 : vector<16xf32> to vector<16xi32>
      %add3A_1552 = arith.constant 32767 : i32
      %add3A_1553 = vector.broadcast %add3A_1552 : i32 to vector<16xi32>
      %add3A_1554 = arith.addi %bitcast3A_1551, %add3A_1553 : vector<16xi32>
      %shift_right_logical3A_1555 = arith.constant 16 : i32
      %shift_right_logical3A_1556 = vector.broadcast %shift_right_logical3A_1555 : i32 to vector<16xi32>
      %shift_right_logical3A_1557 = arith.shrui %bitcast3A_1551, %shift_right_logical3A_1556 : vector<16xi32>
      %and3A_1558 = arith.constant 1 : i32
      %and3A_1559 = vector.broadcast %and3A_1558 : i32 to vector<16xi32>
      %and3A_1560 = arith.andi %shift_right_logical3A_1557, %and3A_1559 : vector<16xi32>
      %add3A_1561 = arith.addi %add3A_1554, %and3A_1560 : vector<16xi32>
      %and3A_1562 = arith.constant -65536 : i32
      %and3A_1563 = vector.broadcast %and3A_1562 : i32 to vector<16xi32>
      %and3A_1564 = arith.andi %add3A_1561, %and3A_1563 : vector<16xi32>
      %bitcast3A_1565 = vector.bitcast %and3A_1564 : vector<16xi32> to vector<16xf32>
      %mul3A_1566 = arith.mulf %bitcast3A_1565, %gather3A_1449 : vector<16xf32>
      %add3A_1567 = arith.addf %scan3A_1432, %mul3A_1566 : vector<16xf32>
      %mul3A_1568 = arith.mulf %bitcast3A_1565, %gather3A_1459 : vector<16xf32>
      %add3A_1569 = arith.addf %scan3A_1433, %mul3A_1568 : vector<16xf32>
      %mul3A_1570 = arith.mulf %bitcast3A_1565, %gather3A_1469 : vector<16xf32>
      %add3A_1571 = arith.addf %scan3A_1434, %mul3A_1570 : vector<16xf32>
      %mul3A_1572 = arith.mulf %bitcast3A_1565, %gather3A_1479 : vector<16xf32>
      %add3A_1573 = arith.addf %scan3A_1435, %mul3A_1572 : vector<16xf32>
      %mul3A_1574 = arith.mulf %bitcast3A_1565, %gather3A_1489 : vector<16xf32>
      %add3A_1575 = arith.addf %scan3A_1436, %mul3A_1574 : vector<16xf32>
      %mul3A_1576 = arith.mulf %bitcast3A_1565, %gather3A_1499 : vector<16xf32>
      %add3A_1577 = arith.addf %scan3A_1437, %mul3A_1576 : vector<16xf32>
      %mul3A_1578 = arith.mulf %bitcast3A_1565, %gather3A_1509 : vector<16xf32>
      %add3A_1579 = arith.addf %scan3A_1438, %mul3A_1578 : vector<16xf32>
      %mul3A_1580 = arith.mulf %bitcast3A_1565, %gather3A_1519 : vector<16xf32>
      %add3A_1581 = arith.addf %scan3A_1439, %mul3A_1580 : vector<16xf32>
      %scan3A_1582 = arith.constant 1 : i32
      %scan3A_1583 = arith.addi %scan3A_1423, %scan3A_1582 : i32
      %get3A_1584 = arith.index_cast %scan3A_1583 : i32 to index
      %get3A_1585 = arith.constant 0 : index
      %get3A_1586 = tpu.vector_load %arg8[%get3A_1584, %get3A_1585] {strides = array<i32>} : memref<768x16xf32, #tpu.memory_space<vmem>>, vector<16xf32>,
      %lt3A_1587 = arith.constant 0 : i32
      %lt3A_1588 = vector.broadcast %lt3A_1587 : i32 to vector<16xi32>
      %lt3A_1589 = arith.cmpi slt, %broadcast_in_dim3A_7, %lt3A_1588 : vector<16xi32>
      %add3A_1590 = arith.constant 16 : i32
      %add3A_1591 = vector.broadcast %add3A_1590 : i32 to vector<16xi32>
      %add3A_1592 = arith.addi %broadcast_in_dim3A_7, %add3A_1591 : vector<16xi32>
      %select_n3A_1593 = arith.select %lt3A_1589, %add3A_1592, %broadcast_in_dim3A_7 : vector<16xi1>, vector<16xi32>
      %broadcast_in_dim3A_1594 = vector.shape_cast %select_n3A_1593 : vector<16xi32> to vector<16x1xi32>
      %gather3A_1595 = vector.shape_cast %broadcast_in_dim3A_1594 : vector<16x1xi32> to vector<16xi32>
      %gather3A_1596 = tpu.dynamic_gather %get3A_1586[%gather3A_1595] in [0] : vector<16xf32>, vector<16xi32> -> vector<16xf32>
      %lt3A_1597 = arith.constant 0 : i32
      %lt3A_1598 = vector.broadcast %lt3A_1597 : i32 to vector<16xi32>
      %lt3A_1599 = arith.cmpi slt, %broadcast_in_dim3A_9, %lt3A_1598 : vector<16xi32>
      %add3A_1600 = arith.constant 16 : i32
      %add3A_1601 = vector.broadcast %add3A_1600 : i32 to vector<16xi32>
      %add3A_1602 = arith.addi %broadcast_in_dim3A_9, %add3A_1601 : vector<16xi32>
      %select_n3A_1603 = arith.select %lt3A_1599, %add3A_1602, %broadcast_in_dim3A_9 : vector<16xi1>, vector<16xi32>
      %broadcast_in_dim3A_1604 = vector.shape_cast %select_n3A_1603 : vector<16xi32> to vector<16x1xi32>
      %gather3A_1605 = vector.shape_cast %broadcast_in_dim3A_1604 : vector<16x1xi32> to vector<16xi32>
      %gather3A_1606 = tpu.dynamic_gather %get3A_1586[%gather3A_1605] in [0] : vector<16xf32>, vector<16xi32> -> vector<16xf32>
      %lt3A_1607 = arith.constant 0 : i32
      %lt3A_1608 = vector.broadcast %lt3A_1607 : i32 to vector<16xi32>
      %lt3A_1609 = arith.cmpi slt, %broadcast_in_dim3A_11, %lt3A_1608 : vector<16xi32>
      %add3A_1610 = arith.constant 16 : i32
      %add3A_1611 = vector.broadcast %add3A_1610 : i32 to vector<16xi32>
      %add3A_1612 = arith.addi %broadcast_in_dim3A_11, %add3A_1611 : vector<16xi32>
      %select_n3A_1613 = arith.select %lt3A_1609, %add3A_1612, %broadcast_in_dim3A_11 : vector<16xi1>, vector<16xi32>
      %broadcast_in_dim3A_1614 = vector.shape_cast %select_n3A_1613 : vector<16xi32> to vector<16x1xi32>
      %gather3A_1615 = vector.shape_cast %broadcast_in_dim3A_1614 : vector<16x1xi32> to vector<16xi32>
      %gather3A_1616 = tpu.dynamic_gather %get3A_1586[%gather3A_1615] in [0] : vector<16xf32>, vector<16xi32> -> vector<16xf32>
      %lt3A_1617 = arith.constant 0 : i32
      %lt3A_1618 = vector.broadcast %lt3A_1617 : i32 to vector<16xi32>
      %lt3A_1619 = arith.cmpi slt, %broadcast_in_dim3A_13, %lt3A_1618 : vector<16xi32>
      %add3A_1620 = arith.constant 16 : i32
      %add3A_1621 = vector.broadcast %add3A_1620 : i32 to vector<16xi32>
      %add3A_1622 = arith.addi %broadcast_in_dim3A_13, %add3A_1621 : vector<16xi32>
      %select_n3A_1623 = arith.select %lt3A_1619, %add3A_1622, %broadcast_in_dim3A_13 : vector<16xi1>, vector<16xi32>
      %broadcast_in_dim3A_1624 = vector.shape_cast %select_n3A_1623 : vector<16xi32> to vector<16x1xi32>
      %gather3A_1625 = vector.shape_cast %broadcast_in_dim3A_1624 : vector<16x1xi32> to vector<16xi32>
      %gather3A_1626 = tpu.dynamic_gather %get3A_1586[%gather3A_1625] in [0] : vector<16xf32>, vector<16xi32> -> vector<16xf32>
      %lt3A_1627 = arith.constant 0 : i32
      %lt3A_1628 = vector.broadcast %lt3A_1627 : i32 to vector<16xi32>
      %lt3A_1629 = arith.cmpi slt, %broadcast_in_dim3A_15, %lt3A_1628 : vector<16xi32>
      %add3A_1630 = arith.constant 16 : i32
      %add3A_1631 = vector.broadcast %add3A_1630 : i32 to vector<16xi32>
      %add3A_1632 = arith.addi %broadcast_in_dim3A_15, %add3A_1631 : vector<16xi32>
      %select_n3A_1633 = arith.select %lt3A_1629, %add3A_1632, %broadcast_in_dim3A_15 : vector<16xi1>, vector<16xi32>
      %broadcast_in_dim3A_1634 = vector.shape_cast %select_n3A_1633 : vector<16xi32> to vector<16x1xi32>
      %gather3A_1635 = vector.shape_cast %broadcast_in_dim3A_1634 : vector<16x1xi32> to vector<16xi32>
      %gather3A_1636 = tpu.dynamic_gather %get3A_1586[%gather3A_1635] in [0] : vector<16xf32>, vector<16xi32> -> vector<16xf32>
      %lt3A_1637 = arith.constant 0 : i32
      %lt3A_1638 = vector.broadcast %lt3A_1637 : i32 to vector<16xi32>
      %lt3A_1639 = arith.cmpi slt, %broadcast_in_dim3A_17, %lt3A_1638 : vector<16xi32>
      %add3A_1640 = arith.constant 16 : i32
      %add3A_1641 = vector.broadcast %add3A_1640 : i32 to vector<16xi32>
      %add3A_1642 = arith.addi %broadcast_in_dim3A_17, %add3A_1641 : vector<16xi32>
      %select_n3A_1643 = arith.select %lt3A_1639, %add3A_1642, %broadcast_in_dim3A_17 : vector<16xi1>, vector<16xi32>
      %broadcast_in_dim3A_1644 = vector.shape_cast %select_n3A_1643 : vector<16xi32> to vector<16x1xi32>
      %gather3A_1645 = vector.shape_cast %broadcast_in_dim3A_1644 : vector<16x1xi32> to vector<16xi32>
      %gather3A_1646 = tpu.dynamic_gather %get3A_1586[%gather3A_1645] in [0] : vector<16xf32>, vector<16xi32> -> vector<16xf32>
      %lt3A_1647 = arith.constant 0 : i32
      %lt3A_1648 = vector.broadcast %lt3A_1647 : i32 to vector<16xi32>
      %lt3A_1649 = arith.cmpi slt, %broadcast_in_dim3A_19, %lt3A_1648 : vector<16xi32>
      %add3A_1650 = arith.constant 16 : i32
      %add3A_1651 = vector.broadcast %add3A_1650 : i32 to vector<16xi32>
      %add3A_1652 = arith.addi %broadcast_in_dim3A_19, %add3A_1651 : vector<16xi32>
      %select_n3A_1653 = arith.select %lt3A_1649, %add3A_1652, %broadcast_in_dim3A_19 : vector<16xi1>, vector<16xi32>
      %broadcast_in_dim3A_1654 = vector.shape_cast %select_n3A_1653 : vector<16xi32> to vector<16x1xi32>
      %gather3A_1655 = vector.shape_cast %broadcast_in_dim3A_1654 : vector<16x1xi32> to vector<16xi32>
      %gather3A_1656 = tpu.dynamic_gather %get3A_1586[%gather3A_1655] in [0] : vector<16xf32>, vector<16xi32> -> vector<16xf32>
      %lt3A_1657 = arith.constant 0 : i32
      %lt3A_1658 = vector.broadcast %lt3A_1657 : i32 to vector<16xi32>
      %lt3A_1659 = arith.cmpi slt, %broadcast_in_dim3A_21, %lt3A_1658 : vector<16xi32>
      %add3A_1660 = arith.constant 16 : i32
      %add3A_1661 = vector.broadcast %add3A_1660 : i32 to vector<16xi32>
      %add3A_1662 = arith.addi %broadcast_in_dim3A_21, %add3A_1661 : vector<16xi32>
      %select_n3A_1663 = arith.select %lt3A_1659, %add3A_1662, %broadcast_in_dim3A_21 : vector<16xi1>, vector<16xi32>
      %broadcast_in_dim3A_1664 = vector.shape_cast %select_n3A_1663 : vector<16xi32> to vector<16x1xi32>
      %gather3A_1665 = vector.shape_cast %broadcast_in_dim3A_1664 : vector<16x1xi32> to vector<16xi32>
      %gather3A_1666 = tpu.dynamic_gather %get3A_1586[%gather3A_1665] in [0] : vector<16xf32>, vector<16xi32> -> vector<16xf32>
      %broadcast_in_dim3A_1667 = vector.broadcast %scan3A_1583 : i32 to vector<16xi32>
      %gather3A_1668 = tpu.vector_load_idx %arg7[%add3A_3, %broadcast_in_dim3A_1667] : memref<32x769xf32, #tpu.memory_space<vmem>>[vector<16xi32>, vector<16xi32>], vector<16xf32>,
      %bitcast3A_1669 = vector.bitcast %gather3A_1668 : vector<16xf32> to vector<16xi32>
      %add3A_1670 = arith.constant 32767 : i32
      %add3A_1671 = vector.broadcast %add3A_1670 : i32 to vector<16xi32>
      %add3A_1672 = arith.addi %bitcast3A_1669, %add3A_1671 : vector<16xi32>
      %shift_right_logical3A_1673 = arith.constant 16 : i32
      %shift_right_logical3A_1674 = vector.broadcast %shift_right_logical3A_1673 : i32 to vector<16xi32>
      %shift_right_logical3A_1675 = arith.shrui %bitcast3A_1669, %shift_right_logical3A_1674 : vector<16xi32>
      %and3A_1676 = arith.constant 1 : i32
      %and3A_1677 = vector.broadcast %and3A_1676 : i32 to vector<16xi32>
      %and3A_1678 = arith.andi %shift_right_logical3A_1675, %and3A_1677 : vector<16xi32>
      %add3A_1679 = arith.addi %add3A_1672, %and3A_1678 : vector<16xi32>
      %and3A_1680 = arith.constant -65536 : i32
      %and3A_1681 = vector.broadcast %and3A_1680 : i32 to vector<16xi32>
      %and3A_1682 = arith.andi %add3A_1679, %and3A_1681 : vector<16xi32>
      %bitcast3A_1683 = vector.bitcast %and3A_1682 : vector<16xi32> to vector<16xf32>
      %mul3A_1684 = arith.mulf %bitcast3A_1683, %gather3A_1596 : vector<16xf32>
      %add3A_1685 = arith.addf %add3A_1535, %mul3A_1684 : vector<16xf32>
      %mul3A_1686 = arith.mulf %bitcast3A_1683, %gather3A_1606 : vector<16xf32>
      %add3A_1687 = arith.addf %add3A_1537, %mul3A_1686 : vector<16xf32>
      %mul3A_1688 = arith.mulf %bitcast3A_1683, %gather3A_1616 : vector<16xf32>
      %add3A_1689 = arith.addf %add3A_1539, %mul3A_1688 : vector<16xf32>
      %mul3A_1690 = arith.mulf %bitcast3A_1683, %gather3A_1626 : vector<16xf32>
      %add3A_1691 = arith.addf %add3A_1541, %mul3A_1690 : vector<16xf32>
      %mul3A_1692 = arith.mulf %bitcast3A_1683, %gather3A_1636 : vector<16xf32>
      %add3A_1693 = arith.addf %add3A_1543, %mul3A_1692 : vector<16xf32>
      %mul3A_1694 = arith.mulf %bitcast3A_1683, %gather3A_1646 : vector<16xf32>
      %add3A_1695 = arith.addf %add3A_1545, %mul3A_1694 : vector<16xf32>
      %mul3A_1696 = arith.mulf %bitcast3A_1683, %gather3A_1656 : vector<16xf32>
      %add3A_1697 = arith.addf %add3A_1547, %mul3A_1696 : vector<16xf32>
      %mul3A_1698 = arith.mulf %bitcast3A_1683, %gather3A_1666 : vector<16xf32>
      %add3A_1699 = arith.addf %add3A_1549, %mul3A_1698 : vector<16xf32>
      %gather3A_1700 = tpu.vector_load_idx %arg7[%add3A_6, %broadcast_in_dim3A_1667] : memref<32x769xf32, #tpu.memory_space<vmem>>[vector<16xi32>, vector<16xi32>], vector<16xf32>,
      %bitcast3A_1701 = vector.bitcast %gather3A_1700 : vector<16xf32> to vector<16xi32>
      %add3A_1702 = arith.constant 32767 : i32
      %add3A_1703 = vector.broadcast %add3A_1702 : i32 to vector<16xi32>
      %add3A_1704 = arith.addi %bitcast3A_1701, %add3A_1703 : vector<16xi32>
      %shift_right_logical3A_1705 = arith.constant 16 : i32
      %shift_right_logical3A_1706 = vector.broadcast %shift_right_logical3A_1705 : i32 to vector<16xi32>
      %shift_right_logical3A_1707 = arith.shrui %bitcast3A_1701, %shift_right_logical3A_1706 : vector<16xi32>
      %and3A_1708 = arith.constant 1 : i32
      %and3A_1709 = vector.broadcast %and3A_1708 : i32 to vector<16xi32>
      %and3A_1710 = arith.andi %shift_right_logical3A_1707, %and3A_1709 : vector<16xi32>
      %add3A_1711 = arith.addi %add3A_1704, %and3A_1710 : vector<16xi32>
      %and3A_1712 = arith.constant -65536 : i32
      %and3A_1713 = vector.broadcast %and3A_1712 : i32 to vector<16xi32>
      %and3A_1714 = arith.andi %add3A_1711, %and3A_1713 : vector<16xi32>
      %bitcast3A_1715 = vector.bitcast %and3A_1714 : vector<16xi32> to vector<16xf32>
      %mul3A_1716 = arith.mulf %bitcast3A_1715, %gather3A_1596 : vector<16xf32>
      %add3A_1717 = arith.addf %add3A_1567, %mul3A_1716 : vector<16xf32>
      %mul3A_1718 = arith.mulf %bitcast3A_1715, %gather3A_1606 : vector<16xf32>
      %add3A_1719 = arith.addf %add3A_1569, %mul3A_1718 : vector<16xf32>
      %mul3A_1720 = arith.mulf %bitcast3A_1715, %gather3A_1616 : vector<16xf32>
      %add3A_1721 = arith.addf %add3A_1571, %mul3A_1720 : vector<16xf32>
      %mul3A_1722 = arith.mulf %bitcast3A_1715, %gather3A_1626 : vector<16xf32>
      %add3A_1723 = arith.addf %add3A_1573, %mul3A_1722 : vector<16xf32>
      %mul3A_1724 = arith.mulf %bitcast3A_1715, %gather3A_1636 : vector<16xf32>
      %add3A_1725 = arith.addf %add3A_1575, %mul3A_1724 : vector<16xf32>
      %mul3A_1726 = arith.mulf %bitcast3A_1715, %gather3A_1646 : vector<16xf32>
      %add3A_1727 = arith.addf %add3A_1577, %mul3A_1726 : vector<16xf32>
      %mul3A_1728 = arith.mulf %bitcast3A_1715, %gather3A_1656 : vector<16xf32>
      %add3A_1729 = arith.addf %add3A_1579, %mul3A_1728 : vector<16xf32>
      %mul3A_1730 = arith.mulf %bitcast3A_1715, %gather3A_1666 : vector<16xf32>
      %add3A_1731 = arith.addf %add3A_1581, %mul3A_1730 : vector<16xf32>
      %scan3A_1732 = arith.constant 2 : i32
      %scan3A_1733 = arith.addi %scan3A_1423, %scan3A_1732 : i32
      %get3A_1734 = arith.index_cast %scan3A_1733 : i32 to index
      %get3A_1735 = arith.constant 0 : index
      %get3A_1736 = tpu.vector_load %arg8[%get3A_1734, %get3A_1735] {strides = array<i32>} : memref<768x16xf32, #tpu.memory_space<vmem>>, vector<16xf32>,
      %lt3A_1737 = arith.constant 0 : i32
      %lt3A_1738 = vector.broadcast %lt3A_1737 : i32 to vector<16xi32>
      %lt3A_1739 = arith.cmpi slt, %broadcast_in_dim3A_7, %lt3A_1738 : vector<16xi32>
      %add3A_1740 = arith.constant 16 : i32
      %add3A_1741 = vector.broadcast %add3A_1740 : i32 to vector<16xi32>
      %add3A_1742 = arith.addi %broadcast_in_dim3A_7, %add3A_1741 : vector<16xi32>
      %select_n3A_1743 = arith.select %lt3A_1739, %add3A_1742, %broadcast_in_dim3A_7 : vector<16xi1>, vector<16xi32>
      %broadcast_in_dim3A_1744 = vector.shape_cast %select_n3A_1743 : vector<16xi32> to vector<16x1xi32>
      %gather3A_1745 = vector.shape_cast %broadcast_in_dim3A_1744 : vector<16x1xi32> to vector<16xi32>
      %gather3A_1746 = tpu.dynamic_gather %get3A_1736[%gather3A_1745] in [0] : vector<16xf32>, vector<16xi32> -> vector<16xf32>
      %lt3A_1747 = arith.constant 0 : i32
      %lt3A_1748 = vector.broadcast %lt3A_1747 : i32 to vector<16xi32>
      %lt3A_1749 = arith.cmpi slt, %broadcast_in_dim3A_9, %lt3A_1748 : vector<16xi32>
      %add3A_1750 = arith.constant 16 : i32
      %add3A_1751 = vector.broadcast %add3A_1750 : i32 to vector<16xi32>
      %add3A_1752 = arith.addi %broadcast_in_dim3A_9, %add3A_1751 : vector<16xi32>
      %select_n3A_1753 = arith.select %lt3A_1749, %add3A_1752, %broadcast_in_dim3A_9 : vector<16xi1>, vector<16xi32>
      %broadcast_in_dim3A_1754 = vector.shape_cast %select_n3A_1753 : vector<16xi32> to vector<16x1xi32>
      %gather3A_1755 = vector.shape_cast %broadcast_in_dim3A_1754 : vector<16x1xi32> to vector<16xi32>
      %gather3A_1756 = tpu.dynamic_gather %get3A_1736[%gather3A_1755] in [0] : vector<16xf32>, vector<16xi32> -> vector<16xf32>
      %lt3A_1757 = arith.constant 0 : i32
      %lt3A_1758 = vector.broadcast %lt3A_1757 : i32 to vector<16xi32>
      %lt3A_1759 = arith.cmpi slt, %broadcast_in_dim3A_11, %lt3A_1758 : vector<16xi32>
      %add3A_1760 = arith.constant 16 : i32
      %add3A_1761 = vector.broadcast %add3A_1760 : i32 to vector<16xi32>
      %add3A_1762 = arith.addi %broadcast_in_dim3A_11, %add3A_1761 : vector<16xi32>
      %select_n3A_1763 = arith.select %lt3A_1759, %add3A_1762, %broadcast_in_dim3A_11 : vector<16xi1>, vector<16xi32>
      %broadcast_in_dim3A_1764 = vector.shape_cast %select_n3A_1763 : vector<16xi32> to vector<16x1xi32>
      %gather3A_1765 = vector.shape_cast %broadcast_in_dim3A_1764 : vector<16x1xi32> to vector<16xi32>
      %gather3A_1766 = tpu.dynamic_gather %get3A_1736[%gather3A_1765] in [0] : vector<16xf32>, vector<16xi32> -> vector<16xf32>
      %lt3A_1767 = arith.constant 0 : i32
      %lt3A_1768 = vector.broadcast %lt3A_1767 : i32 to vector<16xi32>
      %lt3A_1769 = arith.cmpi slt, %broadcast_in_dim3A_13, %lt3A_1768 : vector<16xi32>
      %add3A_1770 = arith.constant 16 : i32
      %add3A_1771 = vector.broadcast %add3A_1770 : i32 to vector<16xi32>
      %add3A_1772 = arith.addi %broadcast_in_dim3A_13, %add3A_1771 : vector<16xi32>
      %select_n3A_1773 = arith.select %lt3A_1769, %add3A_1772, %broadcast_in_dim3A_13 : vector<16xi1>, vector<16xi32>
      %broadcast_in_dim3A_1774 = vector.shape_cast %select_n3A_1773 : vector<16xi32> to vector<16x1xi32>
      %gather3A_1775 = vector.shape_cast %broadcast_in_dim3A_1774 : vector<16x1xi32> to vector<16xi32>
      %gather3A_1776 = tpu.dynamic_gather %get3A_1736[%gather3A_1775] in [0] : vector<16xf32>, vector<16xi32> -> vector<16xf32>
      %lt3A_1777 = arith.constant 0 : i32
      %lt3A_1778 = vector.broadcast %lt3A_1777 : i32 to vector<16xi32>
      %lt3A_1779 = arith.cmpi slt, %broadcast_in_dim3A_15, %lt3A_1778 : vector<16xi32>
      %add3A_1780 = arith.constant 16 : i32
      %add3A_1781 = vector.broadcast %add3A_1780 : i32 to vector<16xi32>
      %add3A_1782 = arith.addi %broadcast_in_dim3A_15, %add3A_1781 : vector<16xi32>
      %select_n3A_1783 = arith.select %lt3A_1779, %add3A_1782, %broadcast_in_dim3A_15 : vector<16xi1>, vector<16xi32>
      %broadcast_in_dim3A_1784 = vector.shape_cast %select_n3A_1783 : vector<16xi32> to vector<16x1xi32>
      %gather3A_1785 = vector.shape_cast %broadcast_in_dim3A_1784 : vector<16x1xi32> to vector<16xi32>
      %gather3A_1786 = tpu.dynamic_gather %get3A_1736[%gather3A_1785] in [0] : vector<16xf32>, vector<16xi32> -> vector<16xf32>
      %lt3A_1787 = arith.constant 0 : i32
      %lt3A_1788 = vector.broadcast %lt3A_1787 : i32 to vector<16xi32>
      %lt3A_1789 = arith.cmpi slt, %broadcast_in_dim3A_17, %lt3A_1788 : vector<16xi32>
      %add3A_1790 = arith.constant 16 : i32
      %add3A_1791 = vector.broadcast %add3A_1790 : i32 to vector<16xi32>
      %add3A_1792 = arith.addi %broadcast_in_dim3A_17, %add3A_1791 : vector<16xi32>
      %select_n3A_1793 = arith.select %lt3A_1789, %add3A_1792, %broadcast_in_dim3A_17 : vector<16xi1>, vector<16xi32>
      %broadcast_in_dim3A_1794 = vector.shape_cast %select_n3A_1793 : vector<16xi32> to vector<16x1xi32>
      %gather3A_1795 = vector.shape_cast %broadcast_in_dim3A_1794 : vector<16x1xi32> to vector<16xi32>
      %gather3A_1796 = tpu.dynamic_gather %get3A_1736[%gather3A_1795] in [0] : vector<16xf32>, vector<16xi32> -> vector<16xf32>
      %lt3A_1797 = arith.constant 0 : i32
      %lt3A_1798 = vector.broadcast %lt3A_1797 : i32 to vector<16xi32>
      %lt3A_1799 = arith.cmpi slt, %broadcast_in_dim3A_19, %lt3A_1798 : vector<16xi32>
      %add3A_1800 = arith.constant 16 : i32
      %add3A_1801 = vector.broadcast %add3A_1800 : i32 to vector<16xi32>
      %add3A_1802 = arith.addi %broadcast_in_dim3A_19, %add3A_1801 : vector<16xi32>
      %select_n3A_1803 = arith.select %lt3A_1799, %add3A_1802, %broadcast_in_dim3A_19 : vector<16xi1>, vector<16xi32>
      %broadcast_in_dim3A_1804 = vector.shape_cast %select_n3A_1803 : vector<16xi32> to vector<16x1xi32>
      %gather3A_1805 = vector.shape_cast %broadcast_in_dim3A_1804 : vector<16x1xi32> to vector<16xi32>
      %gather3A_1806 = tpu.dynamic_gather %get3A_1736[%gather3A_1805] in [0] : vector<16xf32>, vector<16xi32> -> vector<16xf32>
      %lt3A_1807 = arith.constant 0 : i32
      %lt3A_1808 = vector.broadcast %lt3A_1807 : i32 to vector<16xi32>
      %lt3A_1809 = arith.cmpi slt, %broadcast_in_dim3A_21, %lt3A_1808 : vector<16xi32>
      %add3A_1810 = arith.constant 16 : i32
      %add3A_1811 = vector.broadcast %add3A_1810 : i32 to vector<16xi32>
      %add3A_1812 = arith.addi %broadcast_in_dim3A_21, %add3A_1811 : vector<16xi32>
      %select_n3A_1813 = arith.select %lt3A_1809, %add3A_1812, %broadcast_in_dim3A_21 : vector<16xi1>, vector<16xi32>
      %broadcast_in_dim3A_1814 = vector.shape_cast %select_n3A_1813 : vector<16xi32> to vector<16x1xi32>
      %gather3A_1815 = vector.shape_cast %broadcast_in_dim3A_1814 : vector<16x1xi32> to vector<16xi32>
      %gather3A_1816 = tpu.dynamic_gather %get3A_1736[%gather3A_1815] in [0] : vector<16xf32>, vector<16xi32> -> vector<16xf32>
      %broadcast_in_dim3A_1817 = vector.broadcast %scan3A_1733 : i32 to vector<16xi32>
      %gather3A_1818 = tpu.vector_load_idx %arg7[%add3A_3, %broadcast_in_dim3A_1817] : memref<32x769xf32, #tpu.memory_space<vmem>>[vector<16xi32>, vector<16xi32>], vector<16xf32>,
      %bitcast3A_1819 = vector.bitcast %gather3A_1818 : vector<16xf32> to vector<16xi32>
      %add3A_1820 = arith.constant 32767 : i32
      %add3A_1821 = vector.broadcast %add3A_1820 : i32 to vector<16xi32>
      %add3A_1822 = arith.addi %bitcast3A_1819, %add3A_1821 : vector<16xi32>
      %shift_right_logical3A_1823 = arith.constant 16 : i32
      %shift_right_logical3A_1824 = vector.broadcast %shift_right_logical3A_1823 : i32 to vector<16xi32>
      %shift_right_logical3A_1825 = arith.shrui %bitcast3A_1819, %shift_right_logical3A_1824 : vector<16xi32>
      %and3A_1826 = arith.constant 1 : i32
      %and3A_1827 = vector.broadcast %and3A_1826 : i32 to vector<16xi32>
      %and3A_1828 = arith.andi %shift_right_logical3A_1825, %and3A_1827 : vector<16xi32>
      %add3A_1829 = arith.addi %add3A_1822, %and3A_1828 : vector<16xi32>
      %and3A_1830 = arith.constant -65536 : i32
      %and3A_1831 = vector.broadcast %and3A_1830 : i32 to vector<16xi32>
      %and3A_1832 = arith.andi %add3A_1829, %and3A_1831 : vector<16xi32>
      %bitcast3A_1833 = vector.bitcast %and3A_1832 : vector<16xi32> to vector<16xf32>
      %mul3A_1834 = arith.mulf %bitcast3A_1833, %gather3A_1746 : vector<16xf32>
      %add3A_1835 = arith.addf %add3A_1685, %mul3A_1834 : vector<16xf32>
      %mul3A_1836 = arith.mulf %bitcast3A_1833, %gather3A_1756 : vector<16xf32>
      %add3A_1837 = arith.addf %add3A_1687, %mul3A_1836 : vector<16xf32>
      %mul3A_1838 = arith.mulf %bitcast3A_1833, %gather3A_1766 : vector<16xf32>
      %add3A_1839 = arith.addf %add3A_1689, %mul3A_1838 : vector<16xf32>
      %mul3A_1840 = arith.mulf %bitcast3A_1833, %gather3A_1776 : vector<16xf32>
      %add3A_1841 = arith.addf %add3A_1691, %mul3A_1840 : vector<16xf32>
      %mul3A_1842 = arith.mulf %bitcast3A_1833, %gather3A_1786 : vector<16xf32>
      %add3A_1843 = arith.addf %add3A_1693, %mul3A_1842 : vector<16xf32>
      %mul3A_1844 = arith.mulf %bitcast3A_1833, %gather3A_1796 : vector<16xf32>
      %add3A_1845 = arith.addf %add3A_1695, %mul3A_1844 : vector<16xf32>
      %mul3A_1846 = arith.mulf %bitcast3A_1833, %gather3A_1806 : vector<16xf32>
      %add3A_1847 = arith.addf %add3A_1697, %mul3A_1846 : vector<16xf32>
      %mul3A_1848 = arith.mulf %bitcast3A_1833, %gather3A_1816 : vector<16xf32>
      %add3A_1849 = arith.addf %add3A_1699, %mul3A_1848 : vector<16xf32>
      %gather3A_1850 = tpu.vector_load_idx %arg7[%add3A_6, %broadcast_in_dim3A_1817] : memref<32x769xf32, #tpu.memory_space<vmem>>[vector<16xi32>, vector<16xi32>], vector<16xf32>,
      %bitcast3A_1851 = vector.bitcast %gather3A_1850 : vector<16xf32> to vector<16xi32>
      %add3A_1852 = arith.constant 32767 : i32
      %add3A_1853 = vector.broadcast %add3A_1852 : i32 to vector<16xi32>
      %add3A_1854 = arith.addi %bitcast3A_1851, %add3A_1853 : vector<16xi32>
      %shift_right_logical3A_1855 = arith.constant 16 : i32
      %shift_right_logical3A_1856 = vector.broadcast %shift_right_logical3A_1855 : i32 to vector<16xi32>
      %shift_right_logical3A_1857 = arith.shrui %bitcast3A_1851, %shift_right_logical3A_1856 : vector<16xi32>
      %and3A_1858 = arith.constant 1 : i32
      %and3A_1859 = vector.broadcast %and3A_1858 : i32 to vector<16xi32>
      %and3A_1860 = arith.andi %shift_right_logical3A_1857, %and3A_1859 : vector<16xi32>
      %add3A_1861 = arith.addi %add3A_1854, %and3A_1860 : vector<16xi32>
      %and3A_1862 = arith.constant -65536 : i32
      %and3A_1863 = vector.broadcast %and3A_1862 : i32 to vector<16xi32>
      %and3A_1864 = arith.andi %add3A_1861, %and3A_1863 : vector<16xi32>
      %bitcast3A_1865 = vector.bitcast %and3A_1864 : vector<16xi32> to vector<16xf32>
      %mul3A_1866 = arith.mulf %bitcast3A_1865, %gather3A_1746 : vector<16xf32>
      %add3A_1867 = arith.addf %add3A_1717, %mul3A_1866 : vector<16xf32>
      %mul3A_1868 = arith.mulf %bitcast3A_1865, %gather3A_1756 : vector<16xf32>
      %add3A_1869 = arith.addf %add3A_1719, %mul3A_1868 : vector<16xf32>
      %mul3A_1870 = arith.mulf %bitcast3A_1865, %gather3A_1766 : vector<16xf32>
      %add3A_1871 = arith.addf %add3A_1721, %mul3A_1870 : vector<16xf32>
      %mul3A_1872 = arith.mulf %bitcast3A_1865, %gather3A_1776 : vector<16xf32>
      %add3A_1873 = arith.addf %add3A_1723, %mul3A_1872 : vector<16xf32>
      %mul3A_1874 = arith.mulf %bitcast3A_1865, %gather3A_1786 : vector<16xf32>
      %add3A_1875 = arith.addf %add3A_1725, %mul3A_1874 : vector<16xf32>
      %mul3A_1876 = arith.mulf %bitcast3A_1865, %gather3A_1796 : vector<16xf32>
      %add3A_1877 = arith.addf %add3A_1727, %mul3A_1876 : vector<16xf32>
      %mul3A_1878 = arith.mulf %bitcast3A_1865, %gather3A_1806 : vector<16xf32>
      %add3A_1879 = arith.addf %add3A_1729, %mul3A_1878 : vector<16xf32>
      %mul3A_1880 = arith.mulf %bitcast3A_1865, %gather3A_1816 : vector<16xf32>
      %add3A_1881 = arith.addf %add3A_1731, %mul3A_1880 : vector<16xf32>
      %scan3A_1882 = arith.constant 3 : i32
      %scan3A_1883 = arith.addi %scan3A_1423, %scan3A_1882 : i32
      %get3A_1884 = arith.index_cast %scan3A_1883 : i32 to index
      %get3A_1885 = arith.constant 0 : index
      %get3A_1886 = tpu.vector_load %arg8[%get3A_1884, %get3A_1885] {strides = array<i32>} : memref<768x16xf32, #tpu.memory_space<vmem>>, vector<16xf32>,
      %lt3A_1887 = arith.constant 0 : i32
      %lt3A_1888 = vector.broadcast %lt3A_1887 : i32 to vector<16xi32>
      %lt3A_1889 = arith.cmpi slt, %broadcast_in_dim3A_7, %lt3A_1888 : vector<16xi32>
      %add3A_1890 = arith.constant 16 : i32
      %add3A_1891 = vector.broadcast %add3A_1890 : i32 to vector<16xi32>
      %add3A_1892 = arith.addi %broadcast_in_dim3A_7, %add3A_1891 : vector<16xi32>
      %select_n3A_1893 = arith.select %lt3A_1889, %add3A_1892, %broadcast_in_dim3A_7 : vector<16xi1>, vector<16xi32>
      %broadcast_in_dim3A_1894 = vector.shape_cast %select_n3A_1893 : vector<16xi32> to vector<16x1xi32>
      %gather3A_1895 = vector.shape_cast %broadcast_in_dim3A_1894 : vector<16x1xi32> to vector<16xi32>
      %gather3A_1896 = tpu.dynamic_gather %get3A_1886[%gather3A_1895] in [0] : vector<16xf32>, vector<16xi32> -> vector<16xf32>
      %lt3A_1897 = arith.constant 0 : i32
      %lt3A_1898 = vector.broadcast %lt3A_1897 : i32 to vector<16xi32>
      %lt3A_1899 = arith.cmpi slt, %broadcast_in_dim3A_9, %lt3A_1898 : vector<16xi32>
      %add3A_1900 = arith.constant 16 : i32
      %add3A_1901 = vector.broadcast %add3A_1900 : i32 to vector<16xi32>
      %add3A_1902 = arith.addi %broadcast_in_dim3A_9, %add3A_1901 : vector<16xi32>
      %select_n3A_1903 = arith.select %lt3A_1899, %add3A_1902, %broadcast_in_dim3A_9 : vector<16xi1>, vector<16xi32>
      %broadcast_in_dim3A_1904 = vector.shape_cast %select_n3A_1903 : vector<16xi32> to vector<16x1xi32>
      %gather3A_1905 = vector.shape_cast %broadcast_in_dim3A_1904 : vector<16x1xi32> to vector<16xi32>
      %gather3A_1906 = tpu.dynamic_gather %get3A_1886[%gather3A_1905] in [0] : vector<16xf32>, vector<16xi32> -> vector<16xf32>
      %lt3A_1907 = arith.constant 0 : i32
      %lt3A_1908 = vector.broadcast %lt3A_1907 : i32 to vector<16xi32>
      %lt3A_1909 = arith.cmpi slt, %broadcast_in_dim3A_11, %lt3A_1908 : vector<16xi32>
      %add3A_1910 = arith.constant 16 : i32
      %add3A_1911 = vector.broadcast %add3A_1910 : i32 to vector<16xi32>
      %add3A_1912 = arith.addi %broadcast_in_dim3A_11, %add3A_1911 : vector<16xi32>
      %select_n3A_1913 = arith.select %lt3A_1909, %add3A_1912, %broadcast_in_dim3A_11 : vector<16xi1>, vector<16xi32>
      %broadcast_in_dim3A_1914 = vector.shape_cast %select_n3A_1913 : vector<16xi32> to vector<16x1xi32>
      %gather3A_1915 = vector.shape_cast %broadcast_in_dim3A_1914 : vector<16x1xi32> to vector<16xi32>
      %gather3A_1916 = tpu.dynamic_gather %get3A_1886[%gather3A_1915] in [0] : vector<16xf32>, vector<16xi32> -> vector<16xf32>
      %lt3A_1917 = arith.constant 0 : i32
      %lt3A_1918 = vector.broadcast %lt3A_1917 : i32 to vector<16xi32>
      %lt3A_1919 = arith.cmpi slt, %broadcast_in_dim3A_13, %lt3A_1918 : vector<16xi32>
      %add3A_1920 = arith.constant 16 : i32
      %add3A_1921 = vector.broadcast %add3A_1920 : i32 to vector<16xi32>
      %add3A_1922 = arith.addi %broadcast_in_dim3A_13, %add3A_1921 : vector<16xi32>
      %select_n3A_1923 = arith.select %lt3A_1919, %add3A_1922, %broadcast_in_dim3A_13 : vector<16xi1>, vector<16xi32>
      %broadcast_in_dim3A_1924 = vector.shape_cast %select_n3A_1923 : vector<16xi32> to vector<16x1xi32>
      %gather3A_1925 = vector.shape_cast %broadcast_in_dim3A_1924 : vector<16x1xi32> to vector<16xi32>
      %gather3A_1926 = tpu.dynamic_gather %get3A_1886[%gather3A_1925] in [0] : vector<16xf32>, vector<16xi32> -> vector<16xf32>
      %lt3A_1927 = arith.constant 0 : i32
      %lt3A_1928 = vector.broadcast %lt3A_1927 : i32 to vector<16xi32>
      %lt3A_1929 = arith.cmpi slt, %broadcast_in_dim3A_15, %lt3A_1928 : vector<16xi32>
      %add3A_1930 = arith.constant 16 : i32
      %add3A_1931 = vector.broadcast %add3A_1930 : i32 to vector<16xi32>
      %add3A_1932 = arith.addi %broadcast_in_dim3A_15, %add3A_1931 : vector<16xi32>
      %select_n3A_1933 = arith.select %lt3A_1929, %add3A_1932, %broadcast_in_dim3A_15 : vector<16xi1>, vector<16xi32>
      %broadcast_in_dim3A_1934 = vector.shape_cast %select_n3A_1933 : vector<16xi32> to vector<16x1xi32>
      %gather3A_1935 = vector.shape_cast %broadcast_in_dim3A_1934 : vector<16x1xi32> to vector<16xi32>
      %gather3A_1936 = tpu.dynamic_gather %get3A_1886[%gather3A_1935] in [0] : vector<16xf32>, vector<16xi32> -> vector<16xf32>
      %lt3A_1937 = arith.constant 0 : i32
      %lt3A_1938 = vector.broadcast %lt3A_1937 : i32 to vector<16xi32>
      %lt3A_1939 = arith.cmpi slt, %broadcast_in_dim3A_17, %lt3A_1938 : vector<16xi32>
      %add3A_1940 = arith.constant 16 : i32
      %add3A_1941 = vector.broadcast %add3A_1940 : i32 to vector<16xi32>
      %add3A_1942 = arith.addi %broadcast_in_dim3A_17, %add3A_1941 : vector<16xi32>
      %select_n3A_1943 = arith.select %lt3A_1939, %add3A_1942, %broadcast_in_dim3A_17 : vector<16xi1>, vector<16xi32>
      %broadcast_in_dim3A_1944 = vector.shape_cast %select_n3A_1943 : vector<16xi32> to vector<16x1xi32>
      %gather3A_1945 = vector.shape_cast %broadcast_in_dim3A_1944 : vector<16x1xi32> to vector<16xi32>
      %gather3A_1946 = tpu.dynamic_gather %get3A_1886[%gather3A_1945] in [0] : vector<16xf32>, vector<16xi32> -> vector<16xf32>
      %lt3A_1947 = arith.constant 0 : i32
      %lt3A_1948 = vector.broadcast %lt3A_1947 : i32 to vector<16xi32>
      %lt3A_1949 = arith.cmpi slt, %broadcast_in_dim3A_19, %lt3A_1948 : vector<16xi32>
      %add3A_1950 = arith.constant 16 : i32
      %add3A_1951 = vector.broadcast %add3A_1950 : i32 to vector<16xi32>
      %add3A_1952 = arith.addi %broadcast_in_dim3A_19, %add3A_1951 : vector<16xi32>
      %select_n3A_1953 = arith.select %lt3A_1949, %add3A_1952, %broadcast_in_dim3A_19 : vector<16xi1>, vector<16xi32>
      %broadcast_in_dim3A_1954 = vector.shape_cast %select_n3A_1953 : vector<16xi32> to vector<16x1xi32>
      %gather3A_1955 = vector.shape_cast %broadcast_in_dim3A_1954 : vector<16x1xi32> to vector<16xi32>
      %gather3A_1956 = tpu.dynamic_gather %get3A_1886[%gather3A_1955] in [0] : vector<16xf32>, vector<16xi32> -> vector<16xf32>
      %lt3A_1957 = arith.constant 0 : i32
      %lt3A_1958 = vector.broadcast %lt3A_1957 : i32 to vector<16xi32>
      %lt3A_1959 = arith.cmpi slt, %broadcast_in_dim3A_21, %lt3A_1958 : vector<16xi32>
      %add3A_1960 = arith.constant 16 : i32
      %add3A_1961 = vector.broadcast %add3A_1960 : i32 to vector<16xi32>
      %add3A_1962 = arith.addi %broadcast_in_dim3A_21, %add3A_1961 : vector<16xi32>
      %select_n3A_1963 = arith.select %lt3A_1959, %add3A_1962, %broadcast_in_dim3A_21 : vector<16xi1>, vector<16xi32>
      %broadcast_in_dim3A_1964 = vector.shape_cast %select_n3A_1963 : vector<16xi32> to vector<16x1xi32>
      %gather3A_1965 = vector.shape_cast %broadcast_in_dim3A_1964 : vector<16x1xi32> to vector<16xi32>
      %gather3A_1966 = tpu.dynamic_gather %get3A_1886[%gather3A_1965] in [0] : vector<16xf32>, vector<16xi32> -> vector<16xf32>
      %broadcast_in_dim3A_1967 = vector.broadcast %scan3A_1883 : i32 to vector<16xi32>
      %gather3A_1968 = tpu.vector_load_idx %arg7[%add3A_3, %broadcast_in_dim3A_1967] : memref<32x769xf32, #tpu.memory_space<vmem>>[vector<16xi32>, vector<16xi32>], vector<16xf32>,
      %bitcast3A_1969 = vector.bitcast %gather3A_1968 : vector<16xf32> to vector<16xi32>
      %add3A_1970 = arith.constant 32767 : i32
      %add3A_1971 = vector.broadcast %add3A_1970 : i32 to vector<16xi32>
      %add3A_1972 = arith.addi %bitcast3A_1969, %add3A_1971 : vector<16xi32>
      %shift_right_logical3A_1973 = arith.constant 16 : i32
      %shift_right_logical3A_1974 = vector.broadcast %shift_right_logical3A_1973 : i32 to vector<16xi32>
      %shift_right_logical3A_1975 = arith.shrui %bitcast3A_1969, %shift_right_logical3A_1974 : vector<16xi32>
      %and3A_1976 = arith.constant 1 : i32
      %and3A_1977 = vector.broadcast %and3A_1976 : i32 to vector<16xi32>
      %and3A_1978 = arith.andi %shift_right_logical3A_1975, %and3A_1977 : vector<16xi32>
      %add3A_1979 = arith.addi %add3A_1972, %and3A_1978 : vector<16xi32>
      %and3A_1980 = arith.constant -65536 : i32
      %and3A_1981 = vector.broadcast %and3A_1980 : i32 to vector<16xi32>
      %and3A_1982 = arith.andi %add3A_1979, %and3A_1981 : vector<16xi32>
      %bitcast3A_1983 = vector.bitcast %and3A_1982 : vector<16xi32> to vector<16xf32>
      %mul3A_1984 = arith.mulf %bitcast3A_1983, %gather3A_1896 : vector<16xf32>
      %add3A_1985 = arith.addf %add3A_1835, %mul3A_1984 : vector<16xf32>
      %mul3A_1986 = arith.mulf %bitcast3A_1983, %gather3A_1906 : vector<16xf32>
      %add3A_1987 = arith.addf %add3A_1837, %mul3A_1986 : vector<16xf32>
      %mul3A_1988 = arith.mulf %bitcast3A_1983, %gather3A_1916 : vector<16xf32>
      %add3A_1989 = arith.addf %add3A_1839, %mul3A_1988 : vector<16xf32>
      %mul3A_1990 = arith.mulf %bitcast3A_1983, %gather3A_1926 : vector<16xf32>
      %add3A_1991 = arith.addf %add3A_1841, %mul3A_1990 : vector<16xf32>
      %mul3A_1992 = arith.mulf %bitcast3A_1983, %gather3A_1936 : vector<16xf32>
      %add3A_1993 = arith.addf %add3A_1843, %mul3A_1992 : vector<16xf32>
      %mul3A_1994 = arith.mulf %bitcast3A_1983, %gather3A_1946 : vector<16xf32>
      %add3A_1995 = arith.addf %add3A_1845, %mul3A_1994 : vector<16xf32>
      %mul3A_1996 = arith.mulf %bitcast3A_1983, %gather3A_1956 : vector<16xf32>
      %add3A_1997 = arith.addf %add3A_1847, %mul3A_1996 : vector<16xf32>
      %mul3A_1998 = arith.mulf %bitcast3A_1983, %gather3A_1966 : vector<16xf32>
      %add3A_1999 = arith.addf %add3A_1849, %mul3A_1998 : vector<16xf32>
      %gather3A_2000 = tpu.vector_load_idx %arg7[%add3A_6, %broadcast_in_dim3A_1967] : memref<32x769xf32, #tpu.memory_space<vmem>>[vector<16xi32>, vector<16xi32>], vector<16xf32>,
      %bitcast3A_2001 = vector.bitcast %gather3A_2000 : vector<16xf32> to vector<16xi32>
      %add3A_2002 = arith.constant 32767 : i32
      %add3A_2003 = vector.broadcast %add3A_2002 : i32 to vector<16xi32>
      %add3A_2004 = arith.addi %bitcast3A_2001, %add3A_2003 : vector<16xi32>
      %shift_right_logical3A_2005 = arith.constant 16 : i32
      %shift_right_logical3A_2006 = vector.broadcast %shift_right_logical3A_2005 : i32 to vector<16xi32>
      %shift_right_logical3A_2007 = arith.shrui %bitcast3A_2001, %shift_right_logical3A_2006 : vector<16xi32>
      %and3A_2008 = arith.constant 1 : i32
      %and3A_2009 = vector.broadcast %and3A_2008 : i32 to vector<16xi32>
      %and3A_2010 = arith.andi %shift_right_logical3A_2007, %and3A_2009 : vector<16xi32>
      %add3A_2011 = arith.addi %add3A_2004, %and3A_2010 : vector<16xi32>
      %and3A_2012 = arith.constant -65536 : i32
      %and3A_2013 = vector.broadcast %and3A_2012 : i32 to vector<16xi32>
      %and3A_2014 = arith.andi %add3A_2011, %and3A_2013 : vector<16xi32>
      %bitcast3A_2015 = vector.bitcast %and3A_2014 : vector<16xi32> to vector<16xf32>
      %mul3A_2016 = arith.mulf %bitcast3A_2015, %gather3A_1896 : vector<16xf32>
      %add3A_2017 = arith.addf %add3A_1867, %mul3A_2016 : vector<16xf32>
      %mul3A_2018 = arith.mulf %bitcast3A_2015, %gather3A_1906 : vector<16xf32>
      %add3A_2019 = arith.addf %add3A_1869, %mul3A_2018 : vector<16xf32>
      %mul3A_2020 = arith.mulf %bitcast3A_2015, %gather3A_1916 : vector<16xf32>
      %add3A_2021 = arith.addf %add3A_1871, %mul3A_2020 : vector<16xf32>
      %mul3A_2022 = arith.mulf %bitcast3A_2015, %gather3A_1926 : vector<16xf32>
      %add3A_2023 = arith.addf %add3A_1873, %mul3A_2022 : vector<16xf32>
      %mul3A_2024 = arith.mulf %bitcast3A_2015, %gather3A_1936 : vector<16xf32>
      %add3A_2025 = arith.addf %add3A_1875, %mul3A_2024 : vector<16xf32>
      %mul3A_2026 = arith.mulf %bitcast3A_2015, %gather3A_1946 : vector<16xf32>
      %add3A_2027 = arith.addf %add3A_1877, %mul3A_2026 : vector<16xf32>
      %mul3A_2028 = arith.mulf %bitcast3A_2015, %gather3A_1956 : vector<16xf32>
      %add3A_2029 = arith.addf %add3A_1879, %mul3A_2028 : vector<16xf32>
      %mul3A_2030 = arith.mulf %bitcast3A_2015, %gather3A_1966 : vector<16xf32>
      %add3A_2031 = arith.addf %add3A_1881, %mul3A_2030 : vector<16xf32>
      scf.yield %add3A_1985, %add3A_1987, %add3A_1989, %add3A_1991, %add3A_1993, %add3A_1995, %add3A_1997, %add3A_1999, %add3A_2017, %add3A_2019, %add3A_2021, %add3A_2023, %add3A_2025, %add3A_2027, %add3A_2029, %add3A_2031 : vector<16xf32>, vector<16xf32>, vector<16xf32>, vector<16xf32>, vector<16xf32>, vector<16xf32>, vector<16xf32>, vector<16xf32>, vector<16xf32>, vector<16xf32>, vector<16xf32>, vector<16xf32>, vector<16xf32>, vector<16xf32>, vector<16xf32>, vector<16xf32>
    }
    %scan3A_728 = arith.constant 768 : i32
    %max3A_729 = arith.maximumf %scan3A_727#0, %scan3A_727#1 : vector<16xf32>
    %max3A_730 = arith.maximumf %scan3A_727#2, %scan3A_727#3 : vector<16xf32>
    %max3A_731 = arith.maximumf %scan3A_727#4, %scan3A_727#5 : vector<16xf32>
    %max3A_732 = arith.maximumf %scan3A_727#6, %scan3A_727#7 : vector<16xf32>
    %max3A_733 = arith.maximumf %max3A_729, %max3A_730 : vector<16xf32>
    %max3A_734 = arith.maximumf %max3A_731, %max3A_732 : vector<16xf32>
    %max3A_735 = arith.maximumf %max3A_733, %max3A_734 : vector<16xf32>
    %sub3A_736 = arith.subf %scan3A_727#0, %max3A_735 : vector<16xf32>
    %exp3A_737 = math.exp %sub3A_736 : vector<16xf32>
    %sub3A_738 = arith.subf %scan3A_727#1, %max3A_735 : vector<16xf32>
    %exp3A_739 = math.exp %sub3A_738 : vector<16xf32>
    %sub3A_740 = arith.subf %scan3A_727#2, %max3A_735 : vector<16xf32>
    %exp3A_741 = math.exp %sub3A_740 : vector<16xf32>
    %sub3A_742 = arith.subf %scan3A_727#3, %max3A_735 : vector<16xf32>
    %exp3A_743 = math.exp %sub3A_742 : vector<16xf32>
    %sub3A_744 = arith.subf %scan3A_727#4, %max3A_735 : vector<16xf32>
    %exp3A_745 = math.exp %sub3A_744 : vector<16xf32>
    %sub3A_746 = arith.subf %scan3A_727#5, %max3A_735 : vector<16xf32>
    %exp3A_747 = math.exp %sub3A_746 : vector<16xf32>
    %sub3A_748 = arith.subf %scan3A_727#6, %max3A_735 : vector<16xf32>
    %exp3A_749 = math.exp %sub3A_748 : vector<16xf32>
    %sub3A_750 = arith.subf %scan3A_727#7, %max3A_735 : vector<16xf32>
    %exp3A_751 = math.exp %sub3A_750 : vector<16xf32>
    %add3A_752 = arith.addf %exp3A_737, %exp3A_739 : vector<16xf32>
    %add3A_753 = arith.addf %add3A_752, %exp3A_741 : vector<16xf32>
    %add3A_754 = arith.addf %add3A_753, %exp3A_743 : vector<16xf32>
    %add3A_755 = arith.addf %add3A_754, %exp3A_745 : vector<16xf32>
    %add3A_756 = arith.addf %add3A_755, %exp3A_747 : vector<16xf32>
    %add3A_757 = arith.addf %add3A_756, %exp3A_749 : vector<16xf32>
    %add3A_758 = arith.addf %add3A_757, %exp3A_751 : vector<16xf32>
    %div3A_759 = arith.divf %exp3A_737, %add3A_758 : vector<16xf32>
    %div3A_760 = arith.divf %exp3A_739, %add3A_758 : vector<16xf32>
    %div3A_761 = arith.divf %exp3A_741, %add3A_758 : vector<16xf32>
    %div3A_762 = arith.divf %exp3A_743, %add3A_758 : vector<16xf32>
    %div3A_763 = arith.divf %exp3A_745, %add3A_758 : vector<16xf32>
    %div3A_764 = arith.divf %exp3A_747, %add3A_758 : vector<16xf32>
    %div3A_765 = arith.divf %exp3A_749, %add3A_758 : vector<16xf32>
    %div3A_766 = arith.divf %exp3A_751, %add3A_758 : vector<16xf32>
    %max3A_767 = arith.maximumf %div3A_759, %div3A_760 : vector<16xf32>
    %max3A_768 = arith.maximumf %div3A_761, %div3A_762 : vector<16xf32>
    %max3A_769 = arith.maximumf %div3A_763, %div3A_764 : vector<16xf32>
    %max3A_770 = arith.maximumf %div3A_765, %div3A_766 : vector<16xf32>
    %max3A_771 = arith.maximumf %max3A_767, %max3A_768 : vector<16xf32>
    %max3A_772 = arith.maximumf %max3A_769, %max3A_770 : vector<16xf32>
    %max3A_773 = arith.maximumf %max3A_771, %max3A_772 : vector<16xf32>
    %broadcast_in_dim3A_774 = arith.constant 8 : i32
    %broadcast_in_dim3A_775 = vector.broadcast %broadcast_in_dim3A_774 : i32 to vector<16xi32>
    %eq3A_776 = arith.cmpf oeq, %div3A_766, %max3A_773 : vector<16xf32>
    %select_n3A_777 = arith.select %eq3A_776, %broadcast_in_dim3A_21, %broadcast_in_dim3A_775 : vector<16xi1>, vector<16xi32>
    %eq3A_778 = arith.cmpf oeq, %div3A_765, %max3A_773 : vector<16xf32>
    %select_n3A_779 = arith.select %eq3A_778, %broadcast_in_dim3A_19, %select_n3A_777 : vector<16xi1>, vector<16xi32>
    %eq3A_780 = arith.cmpf oeq, %div3A_764, %max3A_773 : vector<16xf32>
    %select_n3A_781 = arith.select %eq3A_780, %broadcast_in_dim3A_17, %select_n3A_779 : vector<16xi1>, vector<16xi32>
    %eq3A_782 = arith.cmpf oeq, %div3A_763, %max3A_773 : vector<16xf32>
    %select_n3A_783 = arith.select %eq3A_782, %broadcast_in_dim3A_15, %select_n3A_781 : vector<16xi1>, vector<16xi32>
    %eq3A_784 = arith.cmpf oeq, %div3A_762, %max3A_773 : vector<16xf32>
    %select_n3A_785 = arith.select %eq3A_784, %broadcast_in_dim3A_13, %select_n3A_783 : vector<16xi1>, vector<16xi32>
    %eq3A_786 = arith.cmpf oeq, %div3A_761, %max3A_773 : vector<16xf32>
    %select_n3A_787 = arith.select %eq3A_786, %broadcast_in_dim3A_11, %select_n3A_785 : vector<16xi1>, vector<16xi32>
    %eq3A_788 = arith.cmpf oeq, %div3A_760, %max3A_773 : vector<16xf32>
    %select_n3A_789 = arith.select %eq3A_788, %broadcast_in_dim3A_9, %select_n3A_787 : vector<16xi1>, vector<16xi32>
    %eq3A_790 = arith.cmpf oeq, %div3A_759, %max3A_773 : vector<16xf32>
    %select_n3A_791 = arith.select %eq3A_790, %broadcast_in_dim3A_7, %select_n3A_789 : vector<16xi1>, vector<16xi32>
    %eq3A_792 = arith.cmpi eq, %broadcast_in_dim3A_7, %select_n3A_791 : vector<16xi32>
    %jit3A_793 = arith.constant -1.000000e+00 : f32
    %broadcast_in_dim3A_794 = vector.broadcast %jit3A_793 : f32 to vector<16xf32>
    %select_n3A_795 = arith.select %eq3A_792, %broadcast_in_dim3A_794, %div3A_759 : vector<16xi1>, vector<16xf32>
    %eq3A_796 = arith.cmpi eq, %broadcast_in_dim3A_9, %select_n3A_791 : vector<16xi32>
    %jit3A_797 = arith.constant -1.000000e+00 : f32
    %broadcast_in_dim3A_798 = vector.broadcast %jit3A_797 : f32 to vector<16xf32>
    %select_n3A_799 = arith.select %eq3A_796, %broadcast_in_dim3A_798, %div3A_760 : vector<16xi1>, vector<16xf32>
    %eq3A_800 = arith.cmpi eq, %broadcast_in_dim3A_11, %select_n3A_791 : vector<16xi32>
    %jit3A_801 = arith.constant -1.000000e+00 : f32
    %broadcast_in_dim3A_802 = vector.broadcast %jit3A_801 : f32 to vector<16xf32>
    %select_n3A_803 = arith.select %eq3A_800, %broadcast_in_dim3A_802, %div3A_761 : vector<16xi1>, vector<16xf32>
    %eq3A_804 = arith.cmpi eq, %broadcast_in_dim3A_13, %select_n3A_791 : vector<16xi32>
    %jit3A_805 = arith.constant -1.000000e+00 : f32
    %broadcast_in_dim3A_806 = vector.broadcast %jit3A_805 : f32 to vector<16xf32>
    %select_n3A_807 = arith.select %eq3A_804, %broadcast_in_dim3A_806, %div3A_762 : vector<16xi1>, vector<16xf32>
    %eq3A_808 = arith.cmpi eq, %broadcast_in_dim3A_15, %select_n3A_791 : vector<16xi32>
    %jit3A_809 = arith.constant -1.000000e+00 : f32
    %broadcast_in_dim3A_810 = vector.broadcast %jit3A_809 : f32 to vector<16xf32>
    %select_n3A_811 = arith.select %eq3A_808, %broadcast_in_dim3A_810, %div3A_763 : vector<16xi1>, vector<16xf32>
    %eq3A_812 = arith.cmpi eq, %broadcast_in_dim3A_17, %select_n3A_791 : vector<16xi32>
    %jit3A_813 = arith.constant -1.000000e+00 : f32
    %broadcast_in_dim3A_814 = vector.broadcast %jit3A_813 : f32 to vector<16xf32>
    %select_n3A_815 = arith.select %eq3A_812, %broadcast_in_dim3A_814, %div3A_764 : vector<16xi1>, vector<16xf32>
    %eq3A_816 = arith.cmpi eq, %broadcast_in_dim3A_19, %select_n3A_791 : vector<16xi32>
    %jit3A_817 = arith.constant -1.000000e+00 : f32
    %broadcast_in_dim3A_818 = vector.broadcast %jit3A_817 : f32 to vector<16xf32>
    %select_n3A_819 = arith.select %eq3A_816, %broadcast_in_dim3A_818, %div3A_765 : vector<16xi1>, vector<16xf32>
    %eq3A_820 = arith.cmpi eq, %broadcast_in_dim3A_21, %select_n3A_791 : vector<16xi32>
    %jit3A_821 = arith.constant -1.000000e+00 : f32
    %broadcast_in_dim3A_822 = vector.broadcast %jit3A_821 : f32 to vector<16xf32>
    %select_n3A_823 = arith.select %eq3A_820, %broadcast_in_dim3A_822, %div3A_766 : vector<16xi1>, vector<16xf32>
    %max3A_824 = arith.maximumf %select_n3A_795, %select_n3A_799 : vector<16xf32>
    %max3A_825 = arith.maximumf %select_n3A_803, %select_n3A_807 : vector<16xf32>
    %max3A_826 = arith.maximumf %select_n3A_811, %select_n3A_815 : vector<16xf32>
    %max3A_827 = arith.maximumf %select_n3A_819, %select_n3A_823 : vector<16xf32>
    %max3A_828 = arith.maximumf %max3A_824, %max3A_825 : vector<16xf32>
    %max3A_829 = arith.maximumf %max3A_826, %max3A_827 : vector<16xf32>
    %max3A_830 = arith.maximumf %max3A_828, %max3A_829 : vector<16xf32>
    %broadcast_in_dim3A_831 = arith.constant 8 : i32
    %broadcast_in_dim3A_832 = vector.broadcast %broadcast_in_dim3A_831 : i32 to vector<16xi32>
    %eq3A_833 = arith.cmpf oeq, %select_n3A_823, %max3A_830 : vector<16xf32>
    %select_n3A_834 = arith.select %eq3A_833, %broadcast_in_dim3A_21, %broadcast_in_dim3A_832 : vector<16xi1>, vector<16xi32>
    %eq3A_835 = arith.cmpf oeq, %select_n3A_819, %max3A_830 : vector<16xf32>
    %select_n3A_836 = arith.select %eq3A_835, %broadcast_in_dim3A_19, %select_n3A_834 : vector<16xi1>, vector<16xi32>
    %eq3A_837 = arith.cmpf oeq, %select_n3A_815, %max3A_830 : vector<16xf32>
    %select_n3A_838 = arith.select %eq3A_837, %broadcast_in_dim3A_17, %select_n3A_836 : vector<16xi1>, vector<16xi32>
    %eq3A_839 = arith.cmpf oeq, %select_n3A_811, %max3A_830 : vector<16xf32>
    %select_n3A_840 = arith.select %eq3A_839, %broadcast_in_dim3A_15, %select_n3A_838 : vector<16xi1>, vector<16xi32>
    %eq3A_841 = arith.cmpf oeq, %select_n3A_807, %max3A_830 : vector<16xf32>
    %select_n3A_842 = arith.select %eq3A_841, %broadcast_in_dim3A_13, %select_n3A_840 : vector<16xi1>, vector<16xi32>
    %eq3A_843 = arith.cmpf oeq, %select_n3A_803, %max3A_830 : vector<16xf32>
    %select_n3A_844 = arith.select %eq3A_843, %broadcast_in_dim3A_11, %select_n3A_842 : vector<16xi1>, vector<16xi32>
    %eq3A_845 = arith.cmpf oeq, %select_n3A_799, %max3A_830 : vector<16xf32>
    %select_n3A_846 = arith.select %eq3A_845, %broadcast_in_dim3A_9, %select_n3A_844 : vector<16xi1>, vector<16xi32>
    %eq3A_847 = arith.cmpf oeq, %select_n3A_795, %max3A_830 : vector<16xf32>
    %select_n3A_848 = arith.select %eq3A_847, %broadcast_in_dim3A_7, %select_n3A_846 : vector<16xi1>, vector<16xi32>
    %add3A_849 = arith.addf %max3A_773, %max3A_830 : vector<16xf32>
    %swap3A_850 = arith.constant 0 : i32
    %swap3A_851 = arith.index_cast %swap3A_850 : i32 to index
    %swap3A_852 = arith.constant 0 : index
    %swap3A_853 = tpu.vector_load %arg9[%swap3A_851, %swap3A_852] {strides = array<i32>} : memref<8x32xf32, #tpu.memory_space<vmem>>, vector<16xf32>,
    tpu.vector_store %arg9[%swap3A_851, %swap3A_852], %div3A_759 {strides = array<i32>} : memref<8x32xf32, #tpu.memory_space<vmem>>, vector<16xf32>,
    %swap3A_854 = arith.constant 1 : i32
    %swap3A_855 = arith.index_cast %swap3A_854 : i32 to index
    %swap3A_856 = arith.constant 0 : index
    %swap3A_857 = tpu.vector_load %arg9[%swap3A_855, %swap3A_856] {strides = array<i32>} : memref<8x32xf32, #tpu.memory_space<vmem>>, vector<16xf32>,
    tpu.vector_store %arg9[%swap3A_855, %swap3A_856], %div3A_760 {strides = array<i32>} : memref<8x32xf32, #tpu.memory_space<vmem>>, vector<16xf32>,
    %swap3A_858 = arith.constant 2 : i32
    %swap3A_859 = arith.index_cast %swap3A_858 : i32 to index
    %swap3A_860 = arith.constant 0 : index
    %swap3A_861 = tpu.vector_load %arg9[%swap3A_859, %swap3A_860] {strides = array<i32>} : memref<8x32xf32, #tpu.memory_space<vmem>>, vector<16xf32>,
    tpu.vector_store %arg9[%swap3A_859, %swap3A_860], %div3A_761 {strides = array<i32>} : memref<8x32xf32, #tpu.memory_space<vmem>>, vector<16xf32>,
    %swap3A_862 = arith.constant 3 : i32
    %swap3A_863 = arith.index_cast %swap3A_862 : i32 to index
    %swap3A_864 = arith.constant 0 : index
    %swap3A_865 = tpu.vector_load %arg9[%swap3A_863, %swap3A_864] {strides = array<i32>} : memref<8x32xf32, #tpu.memory_space<vmem>>, vector<16xf32>,
    tpu.vector_store %arg9[%swap3A_863, %swap3A_864], %div3A_762 {strides = array<i32>} : memref<8x32xf32, #tpu.memory_space<vmem>>, vector<16xf32>,
    %swap3A_866 = arith.constant 4 : i32
    %swap3A_867 = arith.index_cast %swap3A_866 : i32 to index
    %swap3A_868 = arith.constant 0 : index
    %swap3A_869 = tpu.vector_load %arg9[%swap3A_867, %swap3A_868] {strides = array<i32>} : memref<8x32xf32, #tpu.memory_space<vmem>>, vector<16xf32>,
    tpu.vector_store %arg9[%swap3A_867, %swap3A_868], %div3A_763 {strides = array<i32>} : memref<8x32xf32, #tpu.memory_space<vmem>>, vector<16xf32>,
    %swap3A_870 = arith.constant 5 : i32
    %swap3A_871 = arith.index_cast %swap3A_870 : i32 to index
    %swap3A_872 = arith.constant 0 : index
    %swap3A_873 = tpu.vector_load %arg9[%swap3A_871, %swap3A_872] {strides = array<i32>} : memref<8x32xf32, #tpu.memory_space<vmem>>, vector<16xf32>,
    tpu.vector_store %arg9[%swap3A_871, %swap3A_872], %div3A_764 {strides = array<i32>} : memref<8x32xf32, #tpu.memory_space<vmem>>, vector<16xf32>,
    %swap3A_874 = arith.constant 6 : i32
    %swap3A_875 = arith.index_cast %swap3A_874 : i32 to index
    %swap3A_876 = arith.constant 0 : index
    %swap3A_877 = tpu.vector_load %arg9[%swap3A_875, %swap3A_876] {strides = array<i32>} : memref<8x32xf32, #tpu.memory_space<vmem>>, vector<16xf32>,
    tpu.vector_store %arg9[%swap3A_875, %swap3A_876], %div3A_765 {strides = array<i32>} : memref<8x32xf32, #tpu.memory_space<vmem>>, vector<16xf32>,
    %swap3A_878 = arith.constant 7 : i32
    %swap3A_879 = arith.index_cast %swap3A_878 : i32 to index
    %swap3A_880 = arith.constant 0 : index
    %swap3A_881 = tpu.vector_load %arg9[%swap3A_879, %swap3A_880] {strides = array<i32>} : memref<8x32xf32, #tpu.memory_space<vmem>>, vector<16xf32>,
    tpu.vector_store %arg9[%swap3A_879, %swap3A_880], %div3A_766 {strides = array<i32>} : memref<8x32xf32, #tpu.memory_space<vmem>>, vector<16xf32>,
    %div3A_882 = arith.divf %max3A_773, %add3A_849 : vector<16xf32>
    %swap3A_883 = arith.constant 0 : i32
    %swap3A_884 = arith.index_cast %swap3A_883 : i32 to index
    %swap3A_885 = arith.constant 0 : index
    %swap3A_886 = tpu.vector_load %arg10[%swap3A_884, %swap3A_885] {strides = array<i32>} : memref<2x32xf32, #tpu.memory_space<vmem>>, vector<16xf32>,
    tpu.vector_store %arg10[%swap3A_884, %swap3A_885], %div3A_882 {strides = array<i32>} : memref<2x32xf32, #tpu.memory_space<vmem>>, vector<16xf32>,
    %div3A_887 = arith.divf %max3A_830, %add3A_849 : vector<16xf32>
    %swap3A_888 = arith.constant 1 : i32
    %swap3A_889 = arith.index_cast %swap3A_888 : i32 to index
    %swap3A_890 = arith.constant 0 : index
    %swap3A_891 = tpu.vector_load %arg10[%swap3A_889, %swap3A_890] {strides = array<i32>} : memref<2x32xf32, #tpu.memory_space<vmem>>, vector<16xf32>,
    tpu.vector_store %arg10[%swap3A_889, %swap3A_890], %div3A_887 {strides = array<i32>} : memref<2x32xf32, #tpu.memory_space<vmem>>, vector<16xf32>,
    %swap3A_892 = arith.constant 0 : i32
    %swap3A_893 = arith.index_cast %swap3A_892 : i32 to index
    %swap3A_894 = arith.constant 0 : index
    %swap3A_895 = tpu.vector_load %arg11[%swap3A_893, %swap3A_894] {strides = array<i32>} : memref<2x32xi32, #tpu.memory_space<vmem>>, vector<16xi32>,
    tpu.vector_store %arg11[%swap3A_893, %swap3A_894], %select_n3A_791 {strides = array<i32>} : memref<2x32xi32, #tpu.memory_space<vmem>>, vector<16xi32>,
    %swap3A_896 = arith.constant 1 : i32
    %swap3A_897 = arith.index_cast %swap3A_896 : i32 to index
    %swap3A_898 = arith.constant 0 : index
    %swap3A_899 = tpu.vector_load %arg11[%swap3A_897, %swap3A_898] {strides = array<i32>} : memref<2x32xi32, #tpu.memory_space<vmem>>, vector<16xi32>,
    tpu.vector_store %arg11[%swap3A_897, %swap3A_898], %select_n3A_848 {strides = array<i32>} : memref<2x32xi32, #tpu.memory_space<vmem>>, vector<16xi32>,
    %max3A_900 = arith.maximumf %scan3A_727#8, %scan3A_727#9 : vector<16xf32>
    %max3A_901 = arith.maximumf %scan3A_727#10, %scan3A_727#11 : vector<16xf32>
    %max3A_902 = arith.maximumf %scan3A_727#12, %scan3A_727#13 : vector<16xf32>
    %max3A_903 = arith.maximumf %scan3A_727#14, %scan3A_727#15 : vector<16xf32>
    %max3A_904 = arith.maximumf %max3A_900, %max3A_901 : vector<16xf32>
    %max3A_905 = arith.maximumf %max3A_902, %max3A_903 : vector<16xf32>
    %max3A_906 = arith.maximumf %max3A_904, %max3A_905 : vector<16xf32>
    %sub3A_907 = arith.subf %scan3A_727#8, %max3A_906 : vector<16xf32>
    %exp3A_908 = math.exp %sub3A_907 : vector<16xf32>
    %sub3A_909 = arith.subf %scan3A_727#9, %max3A_906 : vector<16xf32>
    %exp3A_910 = math.exp %sub3A_909 : vector<16xf32>
    %sub3A_911 = arith.subf %scan3A_727#10, %max3A_906 : vector<16xf32>
    %exp3A_912 = math.exp %sub3A_911 : vector<16xf32>
    %sub3A_913 = arith.subf %scan3A_727#11, %max3A_906 : vector<16xf32>
    %exp3A_914 = math.exp %sub3A_913 : vector<16xf32>
    %sub3A_915 = arith.subf %scan3A_727#12, %max3A_906 : vector<16xf32>
    %exp3A_916 = math.exp %sub3A_915 : vector<16xf32>
    %sub3A_917 = arith.subf %scan3A_727#13, %max3A_906 : vector<16xf32>
    %exp3A_918 = math.exp %sub3A_917 : vector<16xf32>
    %sub3A_919 = arith.subf %scan3A_727#14, %max3A_906 : vector<16xf32>
    %exp3A_920 = math.exp %sub3A_919 : vector<16xf32>
    %sub3A_921 = arith.subf %scan3A_727#15, %max3A_906 : vector<16xf32>
    %exp3A_922 = math.exp %sub3A_921 : vector<16xf32>
    %add3A_923 = arith.addf %exp3A_908, %exp3A_910 : vector<16xf32>
    %add3A_924 = arith.addf %add3A_923, %exp3A_912 : vector<16xf32>
    %add3A_925 = arith.addf %add3A_924, %exp3A_914 : vector<16xf32>
    %add3A_926 = arith.addf %add3A_925, %exp3A_916 : vector<16xf32>
    %add3A_927 = arith.addf %add3A_926, %exp3A_918 : vector<16xf32>
    %add3A_928 = arith.addf %add3A_927, %exp3A_920 : vector<16xf32>
    %add3A_929 = arith.addf %add3A_928, %exp3A_922 : vector<16xf32>
    %div3A_930 = arith.divf %exp3A_908, %add3A_929 : vector<16xf32>
    %div3A_931 = arith.divf %exp3A_910, %add3A_929 : vector<16xf32>
    %div3A_932 = arith.divf %exp3A_912, %add3A_929 : vector<16xf32>
    %div3A_933 = arith.divf %exp3A_914, %add3A_929 : vector<16xf32>
    %div3A_934 = arith.divf %exp3A_916, %add3A_929 : vector<16xf32>
    %div3A_935 = arith.divf %exp3A_918, %add3A_929 : vector<16xf32>
    %div3A_936 = arith.divf %exp3A_920, %add3A_929 : vector<16xf32>
    %div3A_937 = arith.divf %exp3A_922, %add3A_929 : vector<16xf32>
    %max3A_938 = arith.maximumf %div3A_930, %div3A_931 : vector<16xf32>
    %max3A_939 = arith.maximumf %div3A_932, %div3A_933 : vector<16xf32>
    %max3A_940 = arith.maximumf %div3A_934, %div3A_935 : vector<16xf32>
    %max3A_941 = arith.maximumf %div3A_936, %div3A_937 : vector<16xf32>
    %max3A_942 = arith.maximumf %max3A_938, %max3A_939 : vector<16xf32>
    %max3A_943 = arith.maximumf %max3A_940, %max3A_941 : vector<16xf32>
    %max3A_944 = arith.maximumf %max3A_942, %max3A_943 : vector<16xf32>
    %broadcast_in_dim3A_945 = arith.constant 8 : i32
    %broadcast_in_dim3A_946 = vector.broadcast %broadcast_in_dim3A_945 : i32 to vector<16xi32>
    %eq3A_947 = arith.cmpf oeq, %div3A_937, %max3A_944 : vector<16xf32>
    %select_n3A_948 = arith.select %eq3A_947, %broadcast_in_dim3A_21, %broadcast_in_dim3A_946 : vector<16xi1>, vector<16xi32>
    %eq3A_949 = arith.cmpf oeq, %div3A_936, %max3A_944 : vector<16xf32>
    %select_n3A_950 = arith.select %eq3A_949, %broadcast_in_dim3A_19, %select_n3A_948 : vector<16xi1>, vector<16xi32>
    %eq3A_951 = arith.cmpf oeq, %div3A_935, %max3A_944 : vector<16xf32>
    %select_n3A_952 = arith.select %eq3A_951, %broadcast_in_dim3A_17, %select_n3A_950 : vector<16xi1>, vector<16xi32>
    %eq3A_953 = arith.cmpf oeq, %div3A_934, %max3A_944 : vector<16xf32>
    %select_n3A_954 = arith.select %eq3A_953, %broadcast_in_dim3A_15, %select_n3A_952 : vector<16xi1>, vector<16xi32>
    %eq3A_955 = arith.cmpf oeq, %div3A_933, %max3A_944 : vector<16xf32>
    %select_n3A_956 = arith.select %eq3A_955, %broadcast_in_dim3A_13, %select_n3A_954 : vector<16xi1>, vector<16xi32>
    %eq3A_957 = arith.cmpf oeq, %div3A_932, %max3A_944 : vector<16xf32>
    %select_n3A_958 = arith.select %eq3A_957, %broadcast_in_dim3A_11, %select_n3A_956 : vector<16xi1>, vector<16xi32>
    %eq3A_959 = arith.cmpf oeq, %div3A_931, %max3A_944 : vector<16xf32>
    %select_n3A_960 = arith.select %eq3A_959, %broadcast_in_dim3A_9, %select_n3A_958 : vector<16xi1>, vector<16xi32>
    %eq3A_961 = arith.cmpf oeq, %div3A_930, %max3A_944 : vector<16xf32>
    %select_n3A_962 = arith.select %eq3A_961, %broadcast_in_dim3A_7, %select_n3A_960 : vector<16xi1>, vector<16xi32>
    %eq3A_963 = arith.cmpi eq, %broadcast_in_dim3A_7, %select_n3A_962 : vector<16xi32>
    %jit3A_964 = arith.constant -1.000000e+00 : f32
    %broadcast_in_dim3A_965 = vector.broadcast %jit3A_964 : f32 to vector<16xf32>
    %select_n3A_966 = arith.select %eq3A_963, %broadcast_in_dim3A_965, %div3A_930 : vector<16xi1>, vector<16xf32>
    %eq3A_967 = arith.cmpi eq, %broadcast_in_dim3A_9, %select_n3A_962 : vector<16xi32>
    %jit3A_968 = arith.constant -1.000000e+00 : f32
    %broadcast_in_dim3A_969 = vector.broadcast %jit3A_968 : f32 to vector<16xf32>
    %select_n3A_970 = arith.select %eq3A_967, %broadcast_in_dim3A_969, %div3A_931 : vector<16xi1>, vector<16xf32>
    %eq3A_971 = arith.cmpi eq, %broadcast_in_dim3A_11, %select_n3A_962 : vector<16xi32>
    %jit3A_972 = arith.constant -1.000000e+00 : f32
    %broadcast_in_dim3A_973 = vector.broadcast %jit3A_972 : f32 to vector<16xf32>
    %select_n3A_974 = arith.select %eq3A_971, %broadcast_in_dim3A_973, %div3A_932 : vector<16xi1>, vector<16xf32>
    %eq3A_975 = arith.cmpi eq, %broadcast_in_dim3A_13, %select_n3A_962 : vector<16xi32>
    %jit3A_976 = arith.constant -1.000000e+00 : f32
    %broadcast_in_dim3A_977 = vector.broadcast %jit3A_976 : f32 to vector<16xf32>
    %select_n3A_978 = arith.select %eq3A_975, %broadcast_in_dim3A_977, %div3A_933 : vector<16xi1>, vector<16xf32>
    %eq3A_979 = arith.cmpi eq, %broadcast_in_dim3A_15, %select_n3A_962 : vector<16xi32>
    %jit3A_980 = arith.constant -1.000000e+00 : f32
    %broadcast_in_dim3A_981 = vector.broadcast %jit3A_980 : f32 to vector<16xf32>
    %select_n3A_982 = arith.select %eq3A_979, %broadcast_in_dim3A_981, %div3A_934 : vector<16xi1>, vector<16xf32>
    %eq3A_983 = arith.cmpi eq, %broadcast_in_dim3A_17, %select_n3A_962 : vector<16xi32>
    %jit3A_984 = arith.constant -1.000000e+00 : f32
    %broadcast_in_dim3A_985 = vector.broadcast %jit3A_984 : f32 to vector<16xf32>
    %select_n3A_986 = arith.select %eq3A_983, %broadcast_in_dim3A_985, %div3A_935 : vector<16xi1>, vector<16xf32>
    %eq3A_987 = arith.cmpi eq, %broadcast_in_dim3A_19, %select_n3A_962 : vector<16xi32>
    %jit3A_988 = arith.constant -1.000000e+00 : f32
    %broadcast_in_dim3A_989 = vector.broadcast %jit3A_988 : f32 to vector<16xf32>
    %select_n3A_990 = arith.select %eq3A_987, %broadcast_in_dim3A_989, %div3A_936 : vector<16xi1>, vector<16xf32>
    %eq3A_991 = arith.cmpi eq, %broadcast_in_dim3A_21, %select_n3A_962 : vector<16xi32>
    %jit3A_992 = arith.constant -1.000000e+00 : f32
    %broadcast_in_dim3A_993 = vector.broadcast %jit3A_992 : f32 to vector<16xf32>
    %select_n3A_994 = arith.select %eq3A_991, %broadcast_in_dim3A_993, %div3A_937 : vector<16xi1>, vector<16xf32>
    %max3A_995 = arith.maximumf %select_n3A_966, %select_n3A_970 : vector<16xf32>
    %max3A_996 = arith.maximumf %select_n3A_974, %select_n3A_978 : vector<16xf32>
    %max3A_997 = arith.maximumf %select_n3A_982, %select_n3A_986 : vector<16xf32>
    %max3A_998 = arith.maximumf %select_n3A_990, %select_n3A_994 : vector<16xf32>
    %max3A_999 = arith.maximumf %max3A_995, %max3A_996 : vector<16xf32>
    %max3A_1000 = arith.maximumf %max3A_997, %max3A_998 : vector<16xf32>
    %max3A_1001 = arith.maximumf %max3A_999, %max3A_1000 : vector<16xf32>
    %broadcast_in_dim3A_1002 = arith.constant 8 : i32
    %broadcast_in_dim3A_1003 = vector.broadcast %broadcast_in_dim3A_1002 : i32 to vector<16xi32>
    %eq3A_1004 = arith.cmpf oeq, %select_n3A_994, %max3A_1001 : vector<16xf32>
    %select_n3A_1005 = arith.select %eq3A_1004, %broadcast_in_dim3A_21, %broadcast_in_dim3A_1003 : vector<16xi1>, vector<16xi32>
    %eq3A_1006 = arith.cmpf oeq, %select_n3A_990, %max3A_1001 : vector<16xf32>
    %select_n3A_1007 = arith.select %eq3A_1006, %broadcast_in_dim3A_19, %select_n3A_1005 : vector<16xi1>, vector<16xi32>
    %eq3A_1008 = arith.cmpf oeq, %select_n3A_986, %max3A_1001 : vector<16xf32>
    %select_n3A_1009 = arith.select %eq3A_1008, %broadcast_in_dim3A_17, %select_n3A_1007 : vector<16xi1>, vector<16xi32>
    %eq3A_1010 = arith.cmpf oeq, %select_n3A_982, %max3A_1001 : vector<16xf32>
    %select_n3A_1011 = arith.select %eq3A_1010, %broadcast_in_dim3A_15, %select_n3A_1009 : vector<16xi1>, vector<16xi32>
    %eq3A_1012 = arith.cmpf oeq, %select_n3A_978, %max3A_1001 : vector<16xf32>
    %select_n3A_1013 = arith.select %eq3A_1012, %broadcast_in_dim3A_13, %select_n3A_1011 : vector<16xi1>, vector<16xi32>
    %eq3A_1014 = arith.cmpf oeq, %select_n3A_974, %max3A_1001 : vector<16xf32>
    %select_n3A_1015 = arith.select %eq3A_1014, %broadcast_in_dim3A_11, %select_n3A_1013 : vector<16xi1>, vector<16xi32>
    %eq3A_1016 = arith.cmpf oeq, %select_n3A_970, %max3A_1001 : vector<16xf32>
    %select_n3A_1017 = arith.select %eq3A_1016, %broadcast_in_dim3A_9, %select_n3A_1015 : vector<16xi1>, vector<16xi32>
    %eq3A_1018 = arith.cmpf oeq, %select_n3A_966, %max3A_1001 : vector<16xf32>
    %select_n3A_1019 = arith.select %eq3A_1018, %broadcast_in_dim3A_7, %select_n3A_1017 : vector<16xi1>, vector<16xi32>
    %add3A_1020 = arith.addf %max3A_944, %max3A_1001 : vector<16xf32>
    %swap3A_1021 = arith.constant 0 : i32
    %swap3A_1022 = arith.index_cast %swap3A_1021 : i32 to index
    %swap3A_1023 = arith.constant 16 : index
    %swap3A_1024 = tpu.vector_load %arg9[%swap3A_1022, %swap3A_1023] {strides = array<i32>} : memref<8x32xf32, #tpu.memory_space<vmem>>, vector<16xf32>,
    tpu.vector_store %arg9[%swap3A_1022, %swap3A_1023], %div3A_930 {strides = array<i32>} : memref<8x32xf32, #tpu.memory_space<vmem>>, vector<16xf32>,
    %swap3A_1025 = arith.constant 1 : i32
    %swap3A_1026 = arith.index_cast %swap3A_1025 : i32 to index
    %swap3A_1027 = arith.constant 16 : index
    %swap3A_1028 = tpu.vector_load %arg9[%swap3A_1026, %swap3A_1027] {strides = array<i32>} : memref<8x32xf32, #tpu.memory_space<vmem>>, vector<16xf32>,
    tpu.vector_store %arg9[%swap3A_1026, %swap3A_1027], %div3A_931 {strides = array<i32>} : memref<8x32xf32, #tpu.memory_space<vmem>>, vector<16xf32>,
    %swap3A_1029 = arith.constant 2 : i32
    %swap3A_1030 = arith.index_cast %swap3A_1029 : i32 to index
    %swap3A_1031 = arith.constant 16 : index
    %swap3A_1032 = tpu.vector_load %arg9[%swap3A_1030, %swap3A_1031] {strides = array<i32>} : memref<8x32xf32, #tpu.memory_space<vmem>>, vector<16xf32>,
    tpu.vector_store %arg9[%swap3A_1030, %swap3A_1031], %div3A_932 {strides = array<i32>} : memref<8x32xf32, #tpu.memory_space<vmem>>, vector<16xf32>,
    %swap3A_1033 = arith.constant 3 : i32
    %swap3A_1034 = arith.index_cast %swap3A_1033 : i32 to index
    %swap3A_1035 = arith.constant 16 : index
    %swap3A_1036 = tpu.vector_load %arg9[%swap3A_1034, %swap3A_1035] {strides = array<i32>} : memref<8x32xf32, #tpu.memory_space<vmem>>, vector<16xf32>,
    tpu.vector_store %arg9[%swap3A_1034, %swap3A_1035], %div3A_933 {strides = array<i32>} : memref<8x32xf32, #tpu.memory_space<vmem>>, vector<16xf32>,
    %swap3A_1037 = arith.constant 4 : i32
    %swap3A_1038 = arith.index_cast %swap3A_1037 : i32 to index
    %swap3A_1039 = arith.constant 16 : index
    %swap3A_1040 = tpu.vector_load %arg9[%swap3A_1038, %swap3A_1039] {strides = array<i32>} : memref<8x32xf32, #tpu.memory_space<vmem>>, vector<16xf32>,
    tpu.vector_store %arg9[%swap3A_1038, %swap3A_1039], %div3A_934 {strides = array<i32>} : memref<8x32xf32, #tpu.memory_space<vmem>>, vector<16xf32>,
    %swap3A_1041 = arith.constant 5 : i32
    %swap3A_1042 = arith.index_cast %swap3A_1041 : i32 to index
    %swap3A_1043 = arith.constant 16 : index
    %swap3A_1044 = tpu.vector_load %arg9[%swap3A_1042, %swap3A_1043] {strides = array<i32>} : memref<8x32xf32, #tpu.memory_space<vmem>>, vector<16xf32>,
    tpu.vector_store %arg9[%swap3A_1042, %swap3A_1043], %div3A_935 {strides = array<i32>} : memref<8x32xf32, #tpu.memory_space<vmem>>, vector<16xf32>,
    %swap3A_1045 = arith.constant 6 : i32
    %swap3A_1046 = arith.index_cast %swap3A_1045 : i32 to index
    %swap3A_1047 = arith.constant 16 : index
    %swap3A_1048 = tpu.vector_load %arg9[%swap3A_1046, %swap3A_1047] {strides = array<i32>} : memref<8x32xf32, #tpu.memory_space<vmem>>, vector<16xf32>,
    tpu.vector_store %arg9[%swap3A_1046, %swap3A_1047], %div3A_936 {strides = array<i32>} : memref<8x32xf32, #tpu.memory_space<vmem>>, vector<16xf32>,
    %swap3A_1049 = arith.constant 7 : i32
    %swap3A_1050 = arith.index_cast %swap3A_1049 : i32 to index
    %swap3A_1051 = arith.constant 16 : index
    %swap3A_1052 = tpu.vector_load %arg9[%swap3A_1050, %swap3A_1051] {strides = array<i32>} : memref<8x32xf32, #tpu.memory_space<vmem>>, vector<16xf32>,
    tpu.vector_store %arg9[%swap3A_1050, %swap3A_1051], %div3A_937 {strides = array<i32>} : memref<8x32xf32, #tpu.memory_space<vmem>>, vector<16xf32>,
    %div3A_1053 = arith.divf %max3A_944, %add3A_1020 : vector<16xf32>
    %swap3A_1054 = arith.constant 0 : i32
    %swap3A_1055 = arith.index_cast %swap3A_1054 : i32 to index
    %swap3A_1056 = arith.constant 16 : index
    %swap3A_1057 = tpu.vector_load %arg10[%swap3A_1055, %swap3A_1056] {strides = array<i32>} : memref<2x32xf32, #tpu.memory_space<vmem>>, vector<16xf32>,
    tpu.vector_store %arg10[%swap3A_1055, %swap3A_1056], %div3A_1053 {strides = array<i32>} : memref<2x32xf32, #tpu.memory_space<vmem>>, vector<16xf32>,
    %div3A_1058 = arith.divf %max3A_1001, %add3A_1020 : vector<16xf32>
    %swap3A_1059 = arith.constant 1 : i32
    %swap3A_1060 = arith.index_cast %swap3A_1059 : i32 to index
    %swap3A_1061 = arith.constant 16 : index
    %swap3A_1062 = tpu.vector_load %arg10[%swap3A_1060, %swap3A_1061] {strides = array<i32>} : memref<2x32xf32, #tpu.memory_space<vmem>>, vector<16xf32>,
    tpu.vector_store %arg10[%swap3A_1060, %swap3A_1061], %div3A_1058 {strides = array<i32>} : memref<2x32xf32, #tpu.memory_space<vmem>>, vector<16xf32>,
    %swap3A_1063 = arith.constant 0 : i32
    %swap3A_1064 = arith.index_cast %swap3A_1063 : i32 to index
    %swap3A_1065 = arith.constant 16 : index
    %swap3A_1066 = tpu.vector_load %arg11[%swap3A_1064, %swap3A_1065] {strides = array<i32>} : memref<2x32xi32, #tpu.memory_space<vmem>>, vector<16xi32>,
    tpu.vector_store %arg11[%swap3A_1064, %swap3A_1065], %select_n3A_962 {strides = array<i32>} : memref<2x32xi32, #tpu.memory_space<vmem>>, vector<16xi32>,
    %swap3A_1067 = arith.constant 1 : i32
    %swap3A_1068 = arith.index_cast %swap3A_1067 : i32 to index
    %swap3A_1069 = arith.constant 16 : index
    %swap3A_1070 = tpu.vector_load %arg11[%swap3A_1068, %swap3A_1069] {strides = array<i32>} : memref<2x32xi32, #tpu.memory_space<vmem>>, vector<16xi32>,
    tpu.vector_store %arg11[%swap3A_1068, %swap3A_1069], %select_n3A_1019 {strides = array<i32>} : memref<2x32xi32, #tpu.memory_space<vmem>>, vector<16xi32>,
    "tpu.region"() ({
      %run_scoped3A = tpu.sem_alloc : memref<!tpu.dma_semaphore, #tpu.memory_space<semaphore_mem>>
      %dma_start3A = arith.constant 0 : i32
      %dma_start3A_1423 = tpu.memref_slice %arg6[%dma_start3A, %add3A_722] : memref<8x4096xf32, #tpu.memory_space<hbm>> -> memref<8x32xf32, #tpu.memory_space<hbm>>
      %dma_start3A_1424 = arith.constant 0 : i32
      %dma_start3A_1425 = tpu.memref_slice %arg6[%dma_start3A_1424, %add3A_722] : memref<8x4096xf32, #tpu.memory_space<hbm>> -> memref<8x32xf32, #tpu.memory_space<hbm>>
      tpu.enqueue_dma source(%arg9 : memref<8x32xf32, #tpu.memory_space<vmem>>) target(%dma_start3A_1425 : memref<8x32xf32, #tpu.memory_space<hbm>>) target_semaphore(%run_scoped3A : memref<!tpu.dma_semaphore, #tpu.memory_space<semaphore_mem>>)
      %dma_wait3A = arith.constant 0 : i32
      %dma_wait3A_1426 = tpu.memref_slice %arg6[%dma_wait3A, %add3A_722] : memref<8x4096xf32, #tpu.memory_space<hbm>> -> memref<8x32xf32, #tpu.memory_space<hbm>>
      %dma_wait3A_1427 = arith.constant 0 : i32
      %dma_wait3A_1428 = tpu.memref_slice %arg6[%dma_wait3A_1427, %add3A_722] : memref<8x4096xf32, #tpu.memory_space<hbm>> -> memref<8x32xf32, #tpu.memory_space<hbm>>
      tpu.wait_dma2 semaphore(%run_scoped3A : memref<!tpu.dma_semaphore, #tpu.memory_space<semaphore_mem>>) src(%arg9 : memref<8x32xf32, #tpu.memory_space<vmem>>) dst(%dma_wait3A_1428 : memref<8x32xf32, #tpu.memory_space<hbm>>)
      tpu.yield
    }) : () -> ()
    "tpu.region"() ({
      %run_scoped3A = tpu.sem_alloc : memref<!tpu.dma_semaphore, #tpu.memory_space<semaphore_mem>>
      %dma_start3A = arith.constant 0 : i32
      %dma_start3A_1423 = tpu.memref_slice %arg4[%dma_start3A, %add3A_722] : memref<2x4096xf32, #tpu.memory_space<hbm>> -> memref<2x32xf32, #tpu.memory_space<hbm>>
      %dma_start3A_1424 = arith.constant 0 : i32
      %dma_start3A_1425 = tpu.memref_slice %arg4[%dma_start3A_1424, %add3A_722] : memref<2x4096xf32, #tpu.memory_space<hbm>> -> memref<2x32xf32, #tpu.memory_space<hbm>>
      tpu.enqueue_dma source(%arg10 : memref<2x32xf32, #tpu.memory_space<vmem>>) target(%dma_start3A_1425 : memref<2x32xf32, #tpu.memory_space<hbm>>) target_semaphore(%run_scoped3A : memref<!tpu.dma_semaphore, #tpu.memory_space<semaphore_mem>>)
      %dma_wait3A = arith.constant 0 : i32
      %dma_wait3A_1426 = tpu.memref_slice %arg4[%dma_wait3A, %add3A_722] : memref<2x4096xf32, #tpu.memory_space<hbm>> -> memref<2x32xf32, #tpu.memory_space<hbm>>
      %dma_wait3A_1427 = arith.constant 0 : i32
      %dma_wait3A_1428 = tpu.memref_slice %arg4[%dma_wait3A_1427, %add3A_722] : memref<2x4096xf32, #tpu.memory_space<hbm>> -> memref<2x32xf32, #tpu.memory_space<hbm>>
      tpu.wait_dma2 semaphore(%run_scoped3A : memref<!tpu.dma_semaphore, #tpu.memory_space<semaphore_mem>>) src(%arg10 : memref<2x32xf32, #tpu.memory_space<vmem>>) dst(%dma_wait3A_1428 : memref<2x32xf32, #tpu.memory_space<hbm>>)
      tpu.yield
    }) : () -> ()
    "tpu.region"() ({
      %run_scoped3A = tpu.sem_alloc : memref<!tpu.dma_semaphore, #tpu.memory_space<semaphore_mem>>
      %dma_start3A = arith.constant 0 : i32
      %dma_start3A_1423 = tpu.memref_slice %arg5[%dma_start3A, %add3A_722] : memref<2x4096xi32, #tpu.memory_space<hbm>> -> memref<2x32xi32, #tpu.memory_space<hbm>>
      %dma_start3A_1424 = arith.constant 0 : i32
      %dma_start3A_1425 = tpu.memref_slice %arg5[%dma_start3A_1424, %add3A_722] : memref<2x4096xi32, #tpu.memory_space<hbm>> -> memref<2x32xi32, #tpu.memory_space<hbm>>
      tpu.enqueue_dma source(%arg11 : memref<2x32xi32, #tpu.memory_space<vmem>>) target(%dma_start3A_1425 : memref<2x32xi32, #tpu.memory_space<hbm>>) target_semaphore(%run_scoped3A : memref<!tpu.dma_semaphore, #tpu.memory_space<semaphore_mem>>)
      %dma_wait3A = arith.constant 0 : i32
      %dma_wait3A_1426 = tpu.memref_slice %arg5[%dma_wait3A, %add3A_722] : memref<2x4096xi32, #tpu.memory_space<hbm>> -> memref<2x32xi32, #tpu.memory_space<hbm>>
      %dma_wait3A_1427 = arith.constant 0 : i32
      %dma_wait3A_1428 = tpu.memref_slice %arg5[%dma_wait3A_1427, %add3A_722] : memref<2x4096xi32, #tpu.memory_space<hbm>> -> memref<2x32xi32, #tpu.memory_space<hbm>>
      tpu.wait_dma2 semaphore(%run_scoped3A : memref<!tpu.dma_semaphore, #tpu.memory_space<semaphore_mem>>) src(%arg11 : memref<2x32xi32, #tpu.memory_space<vmem>>) dst(%dma_wait3A_1428 : memref<2x32xi32, #tpu.memory_space<hbm>>)
      tpu.yield
    }) : () -> ()
    %mul3A_1071 = arith.constant 128 : i32
    %mul3A_1072 = arith.muli %add3A, %mul3A_1071 : i32
    %add3A_1073 = arith.constant 96 : i32
    %add3A_1074 = arith.addi %mul3A_1072, %add3A_1073 : i32
    "tpu.region"() ({
      %run_scoped3A = tpu.sem_alloc : memref<!tpu.dma_semaphore, #tpu.memory_space<semaphore_mem>>
      %dma_start3A = arith.constant 0 : i32
      %dma_start3A_1423 = arith.constant 0 : i32
      %dma_start3A_1424 = tpu.memref_slice %arg7[%dma_start3A, %dma_start3A_1423] : memref<32x769xf32, #tpu.memory_space<vmem>> -> memref<32x768xf32, #tpu.memory_space<vmem>>
      %dma_start3A_1425 = arith.constant 0 : i32
      %dma_start3A_1426 = tpu.memref_slice %arg2[%add3A_1074, %dma_start3A_1425] : memref<4096x768xf32, #tpu.memory_space<hbm>> -> memref<32x768xf32, #tpu.memory_space<hbm>>
      %dma_start3A_1427 = arith.constant 0 : i32
      %dma_start3A_1428 = arith.constant 0 : i32
      %dma_start3A_1429 = tpu.memref_slice %arg7[%dma_start3A_1427, %dma_start3A_1428] : memref<32x769xf32, #tpu.memory_space<vmem>> -> memref<32x768xf32, #tpu.memory_space<vmem>>
      %dma_start3A_1430 = arith.constant 0 : i32
      %dma_start3A_1431 = tpu.memref_slice %arg2[%add3A_1074, %dma_start3A_1430] : memref<4096x768xf32, #tpu.memory_space<hbm>> -> memref<32x768xf32, #tpu.memory_space<hbm>>
      tpu.enqueue_dma source(%dma_start3A_1431 : memref<32x768xf32, #tpu.memory_space<hbm>>) target(%dma_start3A_1429 : memref<32x768xf32, #tpu.memory_space<vmem>>) target_semaphore(%run_scoped3A : memref<!tpu.dma_semaphore, #tpu.memory_space<semaphore_mem>>)
      %dma_wait3A = arith.constant 0 : i32
      %dma_wait3A_1432 = arith.constant 0 : i32
      %dma_wait3A_1433 = tpu.memref_slice %arg7[%dma_wait3A, %dma_wait3A_1432] : memref<32x769xf32, #tpu.memory_space<vmem>> -> memref<32x768xf32, #tpu.memory_space<vmem>>
      %dma_wait3A_1434 = arith.constant 0 : i32
      %dma_wait3A_1435 = tpu.memref_slice %arg2[%add3A_1074, %dma_wait3A_1434] : memref<4096x768xf32, #tpu.memory_space<hbm>> -> memref<32x768xf32, #tpu.memory_space<hbm>>
      %dma_wait3A_1436 = arith.constant 0 : i32
      %dma_wait3A_1437 = arith.constant 0 : i32
      %dma_wait3A_1438 = tpu.memref_slice %arg7[%dma_wait3A_1436, %dma_wait3A_1437] : memref<32x769xf32, #tpu.memory_space<vmem>> -> memref<32x768xf32, #tpu.memory_space<vmem>>
      %dma_wait3A_1439 = arith.constant 0 : i32
      %dma_wait3A_1440 = tpu.memref_slice %arg2[%add3A_1074, %dma_wait3A_1439] : memref<4096x768xf32, #tpu.memory_space<hbm>> -> memref<32x768xf32, #tpu.memory_space<hbm>>
      tpu.wait_dma2 semaphore(%run_scoped3A : memref<!tpu.dma_semaphore, #tpu.memory_space<semaphore_mem>>) src(%dma_wait3A_1440 : memref<32x768xf32, #tpu.memory_space<hbm>>) dst(%dma_wait3A_1438 : memref<32x768xf32, #tpu.memory_space<vmem>>)
      tpu.yield
    }) : () -> ()
    %scan3A_1075 = arith.constant 0 : i32
    %scan3A_1076 = arith.constant 768 : i32
    %scan3A_1077 = arith.addi %scan3A_1075, %scan3A_1076 : i32
    %scan3A_1078 = arith.constant 4 : i32
    %scan3A_1079:16 = scf.for %scan3A_1423 = %scan3A_1075 to %scan3A_1077 step %scan3A_1078 iter_args(%scan3A_1424 = %broadcast_in_dim3A_23, %scan3A_1425 = %broadcast_in_dim3A_23, %scan3A_1426 = %broadcast_in_dim3A_23, %scan3A_1427 = %broadcast_in_dim3A_23, %scan3A_1428 = %broadcast_in_dim3A_23, %scan3A_1429 = %broadcast_in_dim3A_23, %scan3A_1430 = %broadcast_in_dim3A_23, %scan3A_1431 = %broadcast_in_dim3A_23, %scan3A_1432 = %broadcast_in_dim3A_23, %scan3A_1433 = %broadcast_in_dim3A_23, %scan3A_1434 = %broadcast_in_dim3A_23, %scan3A_1435 = %broadcast_in_dim3A_23, %scan3A_1436 = %broadcast_in_dim3A_23, %scan3A_1437 = %broadcast_in_dim3A_23, %scan3A_1438 = %broadcast_in_dim3A_23, %scan3A_1439 = %broadcast_in_dim3A_23) -> (vector<16xf32>, vector<16xf32>, vector<16xf32>, vector<16xf32>, vector<16xf32>, vector<16xf32>, vector<16xf32>, vector<16xf32>, vector<16xf32>, vector<16xf32>, vector<16xf32>, vector<16xf32>, vector<16xf32>, vector<16xf32>, vector<16xf32>, vector<16xf32>)  : i32 {
      %get3A = arith.index_cast %scan3A_1423 : i32 to index
      %get3A_1440 = arith.constant 0 : index
      %get3A_1441 = tpu.vector_load %arg8[%get3A, %get3A_1440] {strides = array<i32>} : memref<768x16xf32, #tpu.memory_space<vmem>>, vector<16xf32>,
      %lt3A = arith.constant 0 : i32
      %lt3A_1442 = vector.broadcast %lt3A : i32 to vector<16xi32>
      %lt3A_1443 = arith.cmpi slt, %broadcast_in_dim3A_7, %lt3A_1442 : vector<16xi32>
      %add3A_1444 = arith.constant 16 : i32
      %add3A_1445 = vector.broadcast %add3A_1444 : i32 to vector<16xi32>
      %add3A_1446 = arith.addi %broadcast_in_dim3A_7, %add3A_1445 : vector<16xi32>
      %select_n3A_1447 = arith.select %lt3A_1443, %add3A_1446, %broadcast_in_dim3A_7 : vector<16xi1>, vector<16xi32>
      %broadcast_in_dim3A_1448 = vector.shape_cast %select_n3A_1447 : vector<16xi32> to vector<16x1xi32>
      %gather3A = vector.shape_cast %broadcast_in_dim3A_1448 : vector<16x1xi32> to vector<16xi32>
      %gather3A_1449 = tpu.dynamic_gather %get3A_1441[%gather3A] in [0] : vector<16xf32>, vector<16xi32> -> vector<16xf32>
      %lt3A_1450 = arith.constant 0 : i32
      %lt3A_1451 = vector.broadcast %lt3A_1450 : i32 to vector<16xi32>
      %lt3A_1452 = arith.cmpi slt, %broadcast_in_dim3A_9, %lt3A_1451 : vector<16xi32>
      %add3A_1453 = arith.constant 16 : i32
      %add3A_1454 = vector.broadcast %add3A_1453 : i32 to vector<16xi32>
      %add3A_1455 = arith.addi %broadcast_in_dim3A_9, %add3A_1454 : vector<16xi32>
      %select_n3A_1456 = arith.select %lt3A_1452, %add3A_1455, %broadcast_in_dim3A_9 : vector<16xi1>, vector<16xi32>
      %broadcast_in_dim3A_1457 = vector.shape_cast %select_n3A_1456 : vector<16xi32> to vector<16x1xi32>
      %gather3A_1458 = vector.shape_cast %broadcast_in_dim3A_1457 : vector<16x1xi32> to vector<16xi32>
      %gather3A_1459 = tpu.dynamic_gather %get3A_1441[%gather3A_1458] in [0] : vector<16xf32>, vector<16xi32> -> vector<16xf32>
      %lt3A_1460 = arith.constant 0 : i32
      %lt3A_1461 = vector.broadcast %lt3A_1460 : i32 to vector<16xi32>
      %lt3A_1462 = arith.cmpi slt, %broadcast_in_dim3A_11, %lt3A_1461 : vector<16xi32>
      %add3A_1463 = arith.constant 16 : i32
      %add3A_1464 = vector.broadcast %add3A_1463 : i32 to vector<16xi32>
      %add3A_1465 = arith.addi %broadcast_in_dim3A_11, %add3A_1464 : vector<16xi32>
      %select_n3A_1466 = arith.select %lt3A_1462, %add3A_1465, %broadcast_in_dim3A_11 : vector<16xi1>, vector<16xi32>
      %broadcast_in_dim3A_1467 = vector.shape_cast %select_n3A_1466 : vector<16xi32> to vector<16x1xi32>
      %gather3A_1468 = vector.shape_cast %broadcast_in_dim3A_1467 : vector<16x1xi32> to vector<16xi32>
      %gather3A_1469 = tpu.dynamic_gather %get3A_1441[%gather3A_1468] in [0] : vector<16xf32>, vector<16xi32> -> vector<16xf32>
      %lt3A_1470 = arith.constant 0 : i32
      %lt3A_1471 = vector.broadcast %lt3A_1470 : i32 to vector<16xi32>
      %lt3A_1472 = arith.cmpi slt, %broadcast_in_dim3A_13, %lt3A_1471 : vector<16xi32>
      %add3A_1473 = arith.constant 16 : i32
      %add3A_1474 = vector.broadcast %add3A_1473 : i32 to vector<16xi32>
      %add3A_1475 = arith.addi %broadcast_in_dim3A_13, %add3A_1474 : vector<16xi32>
      %select_n3A_1476 = arith.select %lt3A_1472, %add3A_1475, %broadcast_in_dim3A_13 : vector<16xi1>, vector<16xi32>
      %broadcast_in_dim3A_1477 = vector.shape_cast %select_n3A_1476 : vector<16xi32> to vector<16x1xi32>
      %gather3A_1478 = vector.shape_cast %broadcast_in_dim3A_1477 : vector<16x1xi32> to vector<16xi32>
      %gather3A_1479 = tpu.dynamic_gather %get3A_1441[%gather3A_1478] in [0] : vector<16xf32>, vector<16xi32> -> vector<16xf32>
      %lt3A_1480 = arith.constant 0 : i32
      %lt3A_1481 = vector.broadcast %lt3A_1480 : i32 to vector<16xi32>
      %lt3A_1482 = arith.cmpi slt, %broadcast_in_dim3A_15, %lt3A_1481 : vector<16xi32>
      %add3A_1483 = arith.constant 16 : i32
      %add3A_1484 = vector.broadcast %add3A_1483 : i32 to vector<16xi32>
      %add3A_1485 = arith.addi %broadcast_in_dim3A_15, %add3A_1484 : vector<16xi32>
      %select_n3A_1486 = arith.select %lt3A_1482, %add3A_1485, %broadcast_in_dim3A_15 : vector<16xi1>, vector<16xi32>
      %broadcast_in_dim3A_1487 = vector.shape_cast %select_n3A_1486 : vector<16xi32> to vector<16x1xi32>
      %gather3A_1488 = vector.shape_cast %broadcast_in_dim3A_1487 : vector<16x1xi32> to vector<16xi32>
      %gather3A_1489 = tpu.dynamic_gather %get3A_1441[%gather3A_1488] in [0] : vector<16xf32>, vector<16xi32> -> vector<16xf32>
      %lt3A_1490 = arith.constant 0 : i32
      %lt3A_1491 = vector.broadcast %lt3A_1490 : i32 to vector<16xi32>
      %lt3A_1492 = arith.cmpi slt, %broadcast_in_dim3A_17, %lt3A_1491 : vector<16xi32>
      %add3A_1493 = arith.constant 16 : i32
      %add3A_1494 = vector.broadcast %add3A_1493 : i32 to vector<16xi32>
      %add3A_1495 = arith.addi %broadcast_in_dim3A_17, %add3A_1494 : vector<16xi32>
      %select_n3A_1496 = arith.select %lt3A_1492, %add3A_1495, %broadcast_in_dim3A_17 : vector<16xi1>, vector<16xi32>
      %broadcast_in_dim3A_1497 = vector.shape_cast %select_n3A_1496 : vector<16xi32> to vector<16x1xi32>
      %gather3A_1498 = vector.shape_cast %broadcast_in_dim3A_1497 : vector<16x1xi32> to vector<16xi32>
      %gather3A_1499 = tpu.dynamic_gather %get3A_1441[%gather3A_1498] in [0] : vector<16xf32>, vector<16xi32> -> vector<16xf32>
      %lt3A_1500 = arith.constant 0 : i32
      %lt3A_1501 = vector.broadcast %lt3A_1500 : i32 to vector<16xi32>
      %lt3A_1502 = arith.cmpi slt, %broadcast_in_dim3A_19, %lt3A_1501 : vector<16xi32>
      %add3A_1503 = arith.constant 16 : i32
      %add3A_1504 = vector.broadcast %add3A_1503 : i32 to vector<16xi32>
      %add3A_1505 = arith.addi %broadcast_in_dim3A_19, %add3A_1504 : vector<16xi32>
      %select_n3A_1506 = arith.select %lt3A_1502, %add3A_1505, %broadcast_in_dim3A_19 : vector<16xi1>, vector<16xi32>
      %broadcast_in_dim3A_1507 = vector.shape_cast %select_n3A_1506 : vector<16xi32> to vector<16x1xi32>
      %gather3A_1508 = vector.shape_cast %broadcast_in_dim3A_1507 : vector<16x1xi32> to vector<16xi32>
      %gather3A_1509 = tpu.dynamic_gather %get3A_1441[%gather3A_1508] in [0] : vector<16xf32>, vector<16xi32> -> vector<16xf32>
      %lt3A_1510 = arith.constant 0 : i32
      %lt3A_1511 = vector.broadcast %lt3A_1510 : i32 to vector<16xi32>
      %lt3A_1512 = arith.cmpi slt, %broadcast_in_dim3A_21, %lt3A_1511 : vector<16xi32>
      %add3A_1513 = arith.constant 16 : i32
      %add3A_1514 = vector.broadcast %add3A_1513 : i32 to vector<16xi32>
      %add3A_1515 = arith.addi %broadcast_in_dim3A_21, %add3A_1514 : vector<16xi32>
      %select_n3A_1516 = arith.select %lt3A_1512, %add3A_1515, %broadcast_in_dim3A_21 : vector<16xi1>, vector<16xi32>
      %broadcast_in_dim3A_1517 = vector.shape_cast %select_n3A_1516 : vector<16xi32> to vector<16x1xi32>
      %gather3A_1518 = vector.shape_cast %broadcast_in_dim3A_1517 : vector<16x1xi32> to vector<16xi32>
      %gather3A_1519 = tpu.dynamic_gather %get3A_1441[%gather3A_1518] in [0] : vector<16xf32>, vector<16xi32> -> vector<16xf32>
      %broadcast_in_dim3A_1520 = vector.broadcast %scan3A_1423 : i32 to vector<16xi32>
      %gather3A_1521 = tpu.vector_load_idx %arg7[%add3A_3, %broadcast_in_dim3A_1520] : memref<32x769xf32, #tpu.memory_space<vmem>>[vector<16xi32>, vector<16xi32>], vector<16xf32>,
      %bitcast3A = vector.bitcast %gather3A_1521 : vector<16xf32> to vector<16xi32>
      %add3A_1522 = arith.constant 32767 : i32
      %add3A_1523 = vector.broadcast %add3A_1522 : i32 to vector<16xi32>
      %add3A_1524 = arith.addi %bitcast3A, %add3A_1523 : vector<16xi32>
      %shift_right_logical3A = arith.constant 16 : i32
      %shift_right_logical3A_1525 = vector.broadcast %shift_right_logical3A : i32 to vector<16xi32>
      %shift_right_logical3A_1526 = arith.shrui %bitcast3A, %shift_right_logical3A_1525 : vector<16xi32>
      %and3A = arith.constant 1 : i32
      %and3A_1527 = vector.broadcast %and3A : i32 to vector<16xi32>
      %and3A_1528 = arith.andi %shift_right_logical3A_1526, %and3A_1527 : vector<16xi32>
      %add3A_1529 = arith.addi %add3A_1524, %and3A_1528 : vector<16xi32>
      %and3A_1530 = arith.constant -65536 : i32
      %and3A_1531 = vector.broadcast %and3A_1530 : i32 to vector<16xi32>
      %and3A_1532 = arith.andi %add3A_1529, %and3A_1531 : vector<16xi32>
      %bitcast3A_1533 = vector.bitcast %and3A_1532 : vector<16xi32> to vector<16xf32>
      %mul3A_1534 = arith.mulf %bitcast3A_1533, %gather3A_1449 : vector<16xf32>
      %add3A_1535 = arith.addf %scan3A_1424, %mul3A_1534 : vector<16xf32>
      %mul3A_1536 = arith.mulf %bitcast3A_1533, %gather3A_1459 : vector<16xf32>
      %add3A_1537 = arith.addf %scan3A_1425, %mul3A_1536 : vector<16xf32>
      %mul3A_1538 = arith.mulf %bitcast3A_1533, %gather3A_1469 : vector<16xf32>
      %add3A_1539 = arith.addf %scan3A_1426, %mul3A_1538 : vector<16xf32>
      %mul3A_1540 = arith.mulf %bitcast3A_1533, %gather3A_1479 : vector<16xf32>
      %add3A_1541 = arith.addf %scan3A_1427, %mul3A_1540 : vector<16xf32>
      %mul3A_1542 = arith.mulf %bitcast3A_1533, %gather3A_1489 : vector<16xf32>
      %add3A_1543 = arith.addf %scan3A_1428, %mul3A_1542 : vector<16xf32>
      %mul3A_1544 = arith.mulf %bitcast3A_1533, %gather3A_1499 : vector<16xf32>
      %add3A_1545 = arith.addf %scan3A_1429, %mul3A_1544 : vector<16xf32>
      %mul3A_1546 = arith.mulf %bitcast3A_1533, %gather3A_1509 : vector<16xf32>
      %add3A_1547 = arith.addf %scan3A_1430, %mul3A_1546 : vector<16xf32>
      %mul3A_1548 = arith.mulf %bitcast3A_1533, %gather3A_1519 : vector<16xf32>
      %add3A_1549 = arith.addf %scan3A_1431, %mul3A_1548 : vector<16xf32>
      %gather3A_1550 = tpu.vector_load_idx %arg7[%add3A_6, %broadcast_in_dim3A_1520] : memref<32x769xf32, #tpu.memory_space<vmem>>[vector<16xi32>, vector<16xi32>], vector<16xf32>,
      %bitcast3A_1551 = vector.bitcast %gather3A_1550 : vector<16xf32> to vector<16xi32>
      %add3A_1552 = arith.constant 32767 : i32
      %add3A_1553 = vector.broadcast %add3A_1552 : i32 to vector<16xi32>
      %add3A_1554 = arith.addi %bitcast3A_1551, %add3A_1553 : vector<16xi32>
      %shift_right_logical3A_1555 = arith.constant 16 : i32
      %shift_right_logical3A_1556 = vector.broadcast %shift_right_logical3A_1555 : i32 to vector<16xi32>
      %shift_right_logical3A_1557 = arith.shrui %bitcast3A_1551, %shift_right_logical3A_1556 : vector<16xi32>
      %and3A_1558 = arith.constant 1 : i32
      %and3A_1559 = vector.broadcast %and3A_1558 : i32 to vector<16xi32>
      %and3A_1560 = arith.andi %shift_right_logical3A_1557, %and3A_1559 : vector<16xi32>
      %add3A_1561 = arith.addi %add3A_1554, %and3A_1560 : vector<16xi32>
      %and3A_1562 = arith.constant -65536 : i32
      %and3A_1563 = vector.broadcast %and3A_1562 : i32 to vector<16xi32>
      %and3A_1564 = arith.andi %add3A_1561, %and3A_1563 : vector<16xi32>
      %bitcast3A_1565 = vector.bitcast %and3A_1564 : vector<16xi32> to vector<16xf32>
      %mul3A_1566 = arith.mulf %bitcast3A_1565, %gather3A_1449 : vector<16xf32>
      %add3A_1567 = arith.addf %scan3A_1432, %mul3A_1566 : vector<16xf32>
      %mul3A_1568 = arith.mulf %bitcast3A_1565, %gather3A_1459 : vector<16xf32>
      %add3A_1569 = arith.addf %scan3A_1433, %mul3A_1568 : vector<16xf32>
      %mul3A_1570 = arith.mulf %bitcast3A_1565, %gather3A_1469 : vector<16xf32>
      %add3A_1571 = arith.addf %scan3A_1434, %mul3A_1570 : vector<16xf32>
      %mul3A_1572 = arith.mulf %bitcast3A_1565, %gather3A_1479 : vector<16xf32>
      %add3A_1573 = arith.addf %scan3A_1435, %mul3A_1572 : vector<16xf32>
      %mul3A_1574 = arith.mulf %bitcast3A_1565, %gather3A_1489 : vector<16xf32>
      %add3A_1575 = arith.addf %scan3A_1436, %mul3A_1574 : vector<16xf32>
      %mul3A_1576 = arith.mulf %bitcast3A_1565, %gather3A_1499 : vector<16xf32>
      %add3A_1577 = arith.addf %scan3A_1437, %mul3A_1576 : vector<16xf32>
      %mul3A_1578 = arith.mulf %bitcast3A_1565, %gather3A_1509 : vector<16xf32>
      %add3A_1579 = arith.addf %scan3A_1438, %mul3A_1578 : vector<16xf32>
      %mul3A_1580 = arith.mulf %bitcast3A_1565, %gather3A_1519 : vector<16xf32>
      %add3A_1581 = arith.addf %scan3A_1439, %mul3A_1580 : vector<16xf32>
      %scan3A_1582 = arith.constant 1 : i32
      %scan3A_1583 = arith.addi %scan3A_1423, %scan3A_1582 : i32
      %get3A_1584 = arith.index_cast %scan3A_1583 : i32 to index
      %get3A_1585 = arith.constant 0 : index
      %get3A_1586 = tpu.vector_load %arg8[%get3A_1584, %get3A_1585] {strides = array<i32>} : memref<768x16xf32, #tpu.memory_space<vmem>>, vector<16xf32>,
      %lt3A_1587 = arith.constant 0 : i32
      %lt3A_1588 = vector.broadcast %lt3A_1587 : i32 to vector<16xi32>
      %lt3A_1589 = arith.cmpi slt, %broadcast_in_dim3A_7, %lt3A_1588 : vector<16xi32>
      %add3A_1590 = arith.constant 16 : i32
      %add3A_1591 = vector.broadcast %add3A_1590 : i32 to vector<16xi32>
      %add3A_1592 = arith.addi %broadcast_in_dim3A_7, %add3A_1591 : vector<16xi32>
      %select_n3A_1593 = arith.select %lt3A_1589, %add3A_1592, %broadcast_in_dim3A_7 : vector<16xi1>, vector<16xi32>
      %broadcast_in_dim3A_1594 = vector.shape_cast %select_n3A_1593 : vector<16xi32> to vector<16x1xi32>
      %gather3A_1595 = vector.shape_cast %broadcast_in_dim3A_1594 : vector<16x1xi32> to vector<16xi32>
      %gather3A_1596 = tpu.dynamic_gather %get3A_1586[%gather3A_1595] in [0] : vector<16xf32>, vector<16xi32> -> vector<16xf32>
      %lt3A_1597 = arith.constant 0 : i32
      %lt3A_1598 = vector.broadcast %lt3A_1597 : i32 to vector<16xi32>
      %lt3A_1599 = arith.cmpi slt, %broadcast_in_dim3A_9, %lt3A_1598 : vector<16xi32>
      %add3A_1600 = arith.constant 16 : i32
      %add3A_1601 = vector.broadcast %add3A_1600 : i32 to vector<16xi32>
      %add3A_1602 = arith.addi %broadcast_in_dim3A_9, %add3A_1601 : vector<16xi32>
      %select_n3A_1603 = arith.select %lt3A_1599, %add3A_1602, %broadcast_in_dim3A_9 : vector<16xi1>, vector<16xi32>
      %broadcast_in_dim3A_1604 = vector.shape_cast %select_n3A_1603 : vector<16xi32> to vector<16x1xi32>
      %gather3A_1605 = vector.shape_cast %broadcast_in_dim3A_1604 : vector<16x1xi32> to vector<16xi32>
      %gather3A_1606 = tpu.dynamic_gather %get3A_1586[%gather3A_1605] in [0] : vector<16xf32>, vector<16xi32> -> vector<16xf32>
      %lt3A_1607 = arith.constant 0 : i32
      %lt3A_1608 = vector.broadcast %lt3A_1607 : i32 to vector<16xi32>
      %lt3A_1609 = arith.cmpi slt, %broadcast_in_dim3A_11, %lt3A_1608 : vector<16xi32>
      %add3A_1610 = arith.constant 16 : i32
      %add3A_1611 = vector.broadcast %add3A_1610 : i32 to vector<16xi32>
      %add3A_1612 = arith.addi %broadcast_in_dim3A_11, %add3A_1611 : vector<16xi32>
      %select_n3A_1613 = arith.select %lt3A_1609, %add3A_1612, %broadcast_in_dim3A_11 : vector<16xi1>, vector<16xi32>
      %broadcast_in_dim3A_1614 = vector.shape_cast %select_n3A_1613 : vector<16xi32> to vector<16x1xi32>
      %gather3A_1615 = vector.shape_cast %broadcast_in_dim3A_1614 : vector<16x1xi32> to vector<16xi32>
      %gather3A_1616 = tpu.dynamic_gather %get3A_1586[%gather3A_1615] in [0] : vector<16xf32>, vector<16xi32> -> vector<16xf32>
      %lt3A_1617 = arith.constant 0 : i32
      %lt3A_1618 = vector.broadcast %lt3A_1617 : i32 to vector<16xi32>
      %lt3A_1619 = arith.cmpi slt, %broadcast_in_dim3A_13, %lt3A_1618 : vector<16xi32>
      %add3A_1620 = arith.constant 16 : i32
      %add3A_1621 = vector.broadcast %add3A_1620 : i32 to vector<16xi32>
      %add3A_1622 = arith.addi %broadcast_in_dim3A_13, %add3A_1621 : vector<16xi32>
      %select_n3A_1623 = arith.select %lt3A_1619, %add3A_1622, %broadcast_in_dim3A_13 : vector<16xi1>, vector<16xi32>
      %broadcast_in_dim3A_1624 = vector.shape_cast %select_n3A_1623 : vector<16xi32> to vector<16x1xi32>
      %gather3A_1625 = vector.shape_cast %broadcast_in_dim3A_1624 : vector<16x1xi32> to vector<16xi32>
      %gather3A_1626 = tpu.dynamic_gather %get3A_1586[%gather3A_1625] in [0] : vector<16xf32>, vector<16xi32> -> vector<16xf32>
      %lt3A_1627 = arith.constant 0 : i32
      %lt3A_1628 = vector.broadcast %lt3A_1627 : i32 to vector<16xi32>
      %lt3A_1629 = arith.cmpi slt, %broadcast_in_dim3A_15, %lt3A_1628 : vector<16xi32>
      %add3A_1630 = arith.constant 16 : i32
      %add3A_1631 = vector.broadcast %add3A_1630 : i32 to vector<16xi32>
      %add3A_1632 = arith.addi %broadcast_in_dim3A_15, %add3A_1631 : vector<16xi32>
      %select_n3A_1633 = arith.select %lt3A_1629, %add3A_1632, %broadcast_in_dim3A_15 : vector<16xi1>, vector<16xi32>
      %broadcast_in_dim3A_1634 = vector.shape_cast %select_n3A_1633 : vector<16xi32> to vector<16x1xi32>
      %gather3A_1635 = vector.shape_cast %broadcast_in_dim3A_1634 : vector<16x1xi32> to vector<16xi32>
      %gather3A_1636 = tpu.dynamic_gather %get3A_1586[%gather3A_1635] in [0] : vector<16xf32>, vector<16xi32> -> vector<16xf32>
      %lt3A_1637 = arith.constant 0 : i32
      %lt3A_1638 = vector.broadcast %lt3A_1637 : i32 to vector<16xi32>
      %lt3A_1639 = arith.cmpi slt, %broadcast_in_dim3A_17, %lt3A_1638 : vector<16xi32>
      %add3A_1640 = arith.constant 16 : i32
      %add3A_1641 = vector.broadcast %add3A_1640 : i32 to vector<16xi32>
      %add3A_1642 = arith.addi %broadcast_in_dim3A_17, %add3A_1641 : vector<16xi32>
      %select_n3A_1643 = arith.select %lt3A_1639, %add3A_1642, %broadcast_in_dim3A_17 : vector<16xi1>, vector<16xi32>
      %broadcast_in_dim3A_1644 = vector.shape_cast %select_n3A_1643 : vector<16xi32> to vector<16x1xi32>
      %gather3A_1645 = vector.shape_cast %broadcast_in_dim3A_1644 : vector<16x1xi32> to vector<16xi32>
      %gather3A_1646 = tpu.dynamic_gather %get3A_1586[%gather3A_1645] in [0] : vector<16xf32>, vector<16xi32> -> vector<16xf32>
      %lt3A_1647 = arith.constant 0 : i32
      %lt3A_1648 = vector.broadcast %lt3A_1647 : i32 to vector<16xi32>
      %lt3A_1649 = arith.cmpi slt, %broadcast_in_dim3A_19, %lt3A_1648 : vector<16xi32>
      %add3A_1650 = arith.constant 16 : i32
      %add3A_1651 = vector.broadcast %add3A_1650 : i32 to vector<16xi32>
      %add3A_1652 = arith.addi %broadcast_in_dim3A_19, %add3A_1651 : vector<16xi32>
      %select_n3A_1653 = arith.select %lt3A_1649, %add3A_1652, %broadcast_in_dim3A_19 : vector<16xi1>, vector<16xi32>
      %broadcast_in_dim3A_1654 = vector.shape_cast %select_n3A_1653 : vector<16xi32> to vector<16x1xi32>
      %gather3A_1655 = vector.shape_cast %broadcast_in_dim3A_1654 : vector<16x1xi32> to vector<16xi32>
      %gather3A_1656 = tpu.dynamic_gather %get3A_1586[%gather3A_1655] in [0] : vector<16xf32>, vector<16xi32> -> vector<16xf32>
      %lt3A_1657 = arith.constant 0 : i32
      %lt3A_1658 = vector.broadcast %lt3A_1657 : i32 to vector<16xi32>
      %lt3A_1659 = arith.cmpi slt, %broadcast_in_dim3A_21, %lt3A_1658 : vector<16xi32>
      %add3A_1660 = arith.constant 16 : i32
      %add3A_1661 = vector.broadcast %add3A_1660 : i32 to vector<16xi32>
      %add3A_1662 = arith.addi %broadcast_in_dim3A_21, %add3A_1661 : vector<16xi32>
      %select_n3A_1663 = arith.select %lt3A_1659, %add3A_1662, %broadcast_in_dim3A_21 : vector<16xi1>, vector<16xi32>
      %broadcast_in_dim3A_1664 = vector.shape_cast %select_n3A_1663 : vector<16xi32> to vector<16x1xi32>
      %gather3A_1665 = vector.shape_cast %broadcast_in_dim3A_1664 : vector<16x1xi32> to vector<16xi32>
      %gather3A_1666 = tpu.dynamic_gather %get3A_1586[%gather3A_1665] in [0] : vector<16xf32>, vector<16xi32> -> vector<16xf32>
      %broadcast_in_dim3A_1667 = vector.broadcast %scan3A_1583 : i32 to vector<16xi32>
      %gather3A_1668 = tpu.vector_load_idx %arg7[%add3A_3, %broadcast_in_dim3A_1667] : memref<32x769xf32, #tpu.memory_space<vmem>>[vector<16xi32>, vector<16xi32>], vector<16xf32>,
      %bitcast3A_1669 = vector.bitcast %gather3A_1668 : vector<16xf32> to vector<16xi32>
      %add3A_1670 = arith.constant 32767 : i32
      %add3A_1671 = vector.broadcast %add3A_1670 : i32 to vector<16xi32>
      %add3A_1672 = arith.addi %bitcast3A_1669, %add3A_1671 : vector<16xi32>
      %shift_right_logical3A_1673 = arith.constant 16 : i32
      %shift_right_logical3A_1674 = vector.broadcast %shift_right_logical3A_1673 : i32 to vector<16xi32>
      %shift_right_logical3A_1675 = arith.shrui %bitcast3A_1669, %shift_right_logical3A_1674 : vector<16xi32>
      %and3A_1676 = arith.constant 1 : i32
      %and3A_1677 = vector.broadcast %and3A_1676 : i32 to vector<16xi32>
      %and3A_1678 = arith.andi %shift_right_logical3A_1675, %and3A_1677 : vector<16xi32>
      %add3A_1679 = arith.addi %add3A_1672, %and3A_1678 : vector<16xi32>
      %and3A_1680 = arith.constant -65536 : i32
      %and3A_1681 = vector.broadcast %and3A_1680 : i32 to vector<16xi32>
      %and3A_1682 = arith.andi %add3A_1679, %and3A_1681 : vector<16xi32>
      %bitcast3A_1683 = vector.bitcast %and3A_1682 : vector<16xi32> to vector<16xf32>
      %mul3A_1684 = arith.mulf %bitcast3A_1683, %gather3A_1596 : vector<16xf32>
      %add3A_1685 = arith.addf %add3A_1535, %mul3A_1684 : vector<16xf32>
      %mul3A_1686 = arith.mulf %bitcast3A_1683, %gather3A_1606 : vector<16xf32>
      %add3A_1687 = arith.addf %add3A_1537, %mul3A_1686 : vector<16xf32>
      %mul3A_1688 = arith.mulf %bitcast3A_1683, %gather3A_1616 : vector<16xf32>
      %add3A_1689 = arith.addf %add3A_1539, %mul3A_1688 : vector<16xf32>
      %mul3A_1690 = arith.mulf %bitcast3A_1683, %gather3A_1626 : vector<16xf32>
      %add3A_1691 = arith.addf %add3A_1541, %mul3A_1690 : vector<16xf32>
      %mul3A_1692 = arith.mulf %bitcast3A_1683, %gather3A_1636 : vector<16xf32>
      %add3A_1693 = arith.addf %add3A_1543, %mul3A_1692 : vector<16xf32>
      %mul3A_1694 = arith.mulf %bitcast3A_1683, %gather3A_1646 : vector<16xf32>
      %add3A_1695 = arith.addf %add3A_1545, %mul3A_1694 : vector<16xf32>
      %mul3A_1696 = arith.mulf %bitcast3A_1683, %gather3A_1656 : vector<16xf32>
      %add3A_1697 = arith.addf %add3A_1547, %mul3A_1696 : vector<16xf32>
      %mul3A_1698 = arith.mulf %bitcast3A_1683, %gather3A_1666 : vector<16xf32>
      %add3A_1699 = arith.addf %add3A_1549, %mul3A_1698 : vector<16xf32>
      %gather3A_1700 = tpu.vector_load_idx %arg7[%add3A_6, %broadcast_in_dim3A_1667] : memref<32x769xf32, #tpu.memory_space<vmem>>[vector<16xi32>, vector<16xi32>], vector<16xf32>,
      %bitcast3A_1701 = vector.bitcast %gather3A_1700 : vector<16xf32> to vector<16xi32>
      %add3A_1702 = arith.constant 32767 : i32
      %add3A_1703 = vector.broadcast %add3A_1702 : i32 to vector<16xi32>
      %add3A_1704 = arith.addi %bitcast3A_1701, %add3A_1703 : vector<16xi32>
      %shift_right_logical3A_1705 = arith.constant 16 : i32
      %shift_right_logical3A_1706 = vector.broadcast %shift_right_logical3A_1705 : i32 to vector<16xi32>
      %shift_right_logical3A_1707 = arith.shrui %bitcast3A_1701, %shift_right_logical3A_1706 : vector<16xi32>
      %and3A_1708 = arith.constant 1 : i32
      %and3A_1709 = vector.broadcast %and3A_1708 : i32 to vector<16xi32>
      %and3A_1710 = arith.andi %shift_right_logical3A_1707, %and3A_1709 : vector<16xi32>
      %add3A_1711 = arith.addi %add3A_1704, %and3A_1710 : vector<16xi32>
      %and3A_1712 = arith.constant -65536 : i32
      %and3A_1713 = vector.broadcast %and3A_1712 : i32 to vector<16xi32>
      %and3A_1714 = arith.andi %add3A_1711, %and3A_1713 : vector<16xi32>
      %bitcast3A_1715 = vector.bitcast %and3A_1714 : vector<16xi32> to vector<16xf32>
      %mul3A_1716 = arith.mulf %bitcast3A_1715, %gather3A_1596 : vector<16xf32>
      %add3A_1717 = arith.addf %add3A_1567, %mul3A_1716 : vector<16xf32>
      %mul3A_1718 = arith.mulf %bitcast3A_1715, %gather3A_1606 : vector<16xf32>
      %add3A_1719 = arith.addf %add3A_1569, %mul3A_1718 : vector<16xf32>
      %mul3A_1720 = arith.mulf %bitcast3A_1715, %gather3A_1616 : vector<16xf32>
      %add3A_1721 = arith.addf %add3A_1571, %mul3A_1720 : vector<16xf32>
      %mul3A_1722 = arith.mulf %bitcast3A_1715, %gather3A_1626 : vector<16xf32>
      %add3A_1723 = arith.addf %add3A_1573, %mul3A_1722 : vector<16xf32>
      %mul3A_1724 = arith.mulf %bitcast3A_1715, %gather3A_1636 : vector<16xf32>
      %add3A_1725 = arith.addf %add3A_1575, %mul3A_1724 : vector<16xf32>
      %mul3A_1726 = arith.mulf %bitcast3A_1715, %gather3A_1646 : vector<16xf32>
      %add3A_1727 = arith.addf %add3A_1577, %mul3A_1726 : vector<16xf32>
      %mul3A_1728 = arith.mulf %bitcast3A_1715, %gather3A_1656 : vector<16xf32>
      %add3A_1729 = arith.addf %add3A_1579, %mul3A_1728 : vector<16xf32>
      %mul3A_1730 = arith.mulf %bitcast3A_1715, %gather3A_1666 : vector<16xf32>
      %add3A_1731 = arith.addf %add3A_1581, %mul3A_1730 : vector<16xf32>
      %scan3A_1732 = arith.constant 2 : i32
      %scan3A_1733 = arith.addi %scan3A_1423, %scan3A_1732 : i32
      %get3A_1734 = arith.index_cast %scan3A_1733 : i32 to index
      %get3A_1735 = arith.constant 0 : index
      %get3A_1736 = tpu.vector_load %arg8[%get3A_1734, %get3A_1735] {strides = array<i32>} : memref<768x16xf32, #tpu.memory_space<vmem>>, vector<16xf32>,
      %lt3A_1737 = arith.constant 0 : i32
      %lt3A_1738 = vector.broadcast %lt3A_1737 : i32 to vector<16xi32>
      %lt3A_1739 = arith.cmpi slt, %broadcast_in_dim3A_7, %lt3A_1738 : vector<16xi32>
      %add3A_1740 = arith.constant 16 : i32
      %add3A_1741 = vector.broadcast %add3A_1740 : i32 to vector<16xi32>
      %add3A_1742 = arith.addi %broadcast_in_dim3A_7, %add3A_1741 : vector<16xi32>
      %select_n3A_1743 = arith.select %lt3A_1739, %add3A_1742, %broadcast_in_dim3A_7 : vector<16xi1>, vector<16xi32>
      %broadcast_in_dim3A_1744 = vector.shape_cast %select_n3A_1743 : vector<16xi32> to vector<16x1xi32>
      %gather3A_1745 = vector.shape_cast %broadcast_in_dim3A_1744 : vector<16x1xi32> to vector<16xi32>
      %gather3A_1746 = tpu.dynamic_gather %get3A_1736[%gather3A_1745] in [0] : vector<16xf32>, vector<16xi32> -> vector<16xf32>
      %lt3A_1747 = arith.constant 0 : i32
      %lt3A_1748 = vector.broadcast %lt3A_1747 : i32 to vector<16xi32>
      %lt3A_1749 = arith.cmpi slt, %broadcast_in_dim3A_9, %lt3A_1748 : vector<16xi32>
      %add3A_1750 = arith.constant 16 : i32
      %add3A_1751 = vector.broadcast %add3A_1750 : i32 to vector<16xi32>
      %add3A_1752 = arith.addi %broadcast_in_dim3A_9, %add3A_1751 : vector<16xi32>
      %select_n3A_1753 = arith.select %lt3A_1749, %add3A_1752, %broadcast_in_dim3A_9 : vector<16xi1>, vector<16xi32>
      %broadcast_in_dim3A_1754 = vector.shape_cast %select_n3A_1753 : vector<16xi32> to vector<16x1xi32>
      %gather3A_1755 = vector.shape_cast %broadcast_in_dim3A_1754 : vector<16x1xi32> to vector<16xi32>
      %gather3A_1756 = tpu.dynamic_gather %get3A_1736[%gather3A_1755] in [0] : vector<16xf32>, vector<16xi32> -> vector<16xf32>
      %lt3A_1757 = arith.constant 0 : i32
      %lt3A_1758 = vector.broadcast %lt3A_1757 : i32 to vector<16xi32>
      %lt3A_1759 = arith.cmpi slt, %broadcast_in_dim3A_11, %lt3A_1758 : vector<16xi32>
      %add3A_1760 = arith.constant 16 : i32
      %add3A_1761 = vector.broadcast %add3A_1760 : i32 to vector<16xi32>
      %add3A_1762 = arith.addi %broadcast_in_dim3A_11, %add3A_1761 : vector<16xi32>
      %select_n3A_1763 = arith.select %lt3A_1759, %add3A_1762, %broadcast_in_dim3A_11 : vector<16xi1>, vector<16xi32>
      %broadcast_in_dim3A_1764 = vector.shape_cast %select_n3A_1763 : vector<16xi32> to vector<16x1xi32>
      %gather3A_1765 = vector.shape_cast %broadcast_in_dim3A_1764 : vector<16x1xi32> to vector<16xi32>
      %gather3A_1766 = tpu.dynamic_gather %get3A_1736[%gather3A_1765] in [0] : vector<16xf32>, vector<16xi32> -> vector<16xf32>
      %lt3A_1767 = arith.constant 0 : i32
      %lt3A_1768 = vector.broadcast %lt3A_1767 : i32 to vector<16xi32>
      %lt3A_1769 = arith.cmpi slt, %broadcast_in_dim3A_13, %lt3A_1768 : vector<16xi32>
      %add3A_1770 = arith.constant 16 : i32
      %add3A_1771 = vector.broadcast %add3A_1770 : i32 to vector<16xi32>
      %add3A_1772 = arith.addi %broadcast_in_dim3A_13, %add3A_1771 : vector<16xi32>
      %select_n3A_1773 = arith.select %lt3A_1769, %add3A_1772, %broadcast_in_dim3A_13 : vector<16xi1>, vector<16xi32>
      %broadcast_in_dim3A_1774 = vector.shape_cast %select_n3A_1773 : vector<16xi32> to vector<16x1xi32>
      %gather3A_1775 = vector.shape_cast %broadcast_in_dim3A_1774 : vector<16x1xi32> to vector<16xi32>
      %gather3A_1776 = tpu.dynamic_gather %get3A_1736[%gather3A_1775] in [0] : vector<16xf32>, vector<16xi32> -> vector<16xf32>
      %lt3A_1777 = arith.constant 0 : i32
      %lt3A_1778 = vector.broadcast %lt3A_1777 : i32 to vector<16xi32>
      %lt3A_1779 = arith.cmpi slt, %broadcast_in_dim3A_15, %lt3A_1778 : vector<16xi32>
      %add3A_1780 = arith.constant 16 : i32
      %add3A_1781 = vector.broadcast %add3A_1780 : i32 to vector<16xi32>
      %add3A_1782 = arith.addi %broadcast_in_dim3A_15, %add3A_1781 : vector<16xi32>
      %select_n3A_1783 = arith.select %lt3A_1779, %add3A_1782, %broadcast_in_dim3A_15 : vector<16xi1>, vector<16xi32>
      %broadcast_in_dim3A_1784 = vector.shape_cast %select_n3A_1783 : vector<16xi32> to vector<16x1xi32>
      %gather3A_1785 = vector.shape_cast %broadcast_in_dim3A_1784 : vector<16x1xi32> to vector<16xi32>
      %gather3A_1786 = tpu.dynamic_gather %get3A_1736[%gather3A_1785] in [0] : vector<16xf32>, vector<16xi32> -> vector<16xf32>
      %lt3A_1787 = arith.constant 0 : i32
      %lt3A_1788 = vector.broadcast %lt3A_1787 : i32 to vector<16xi32>
      %lt3A_1789 = arith.cmpi slt, %broadcast_in_dim3A_17, %lt3A_1788 : vector<16xi32>
      %add3A_1790 = arith.constant 16 : i32
      %add3A_1791 = vector.broadcast %add3A_1790 : i32 to vector<16xi32>
      %add3A_1792 = arith.addi %broadcast_in_dim3A_17, %add3A_1791 : vector<16xi32>
      %select_n3A_1793 = arith.select %lt3A_1789, %add3A_1792, %broadcast_in_dim3A_17 : vector<16xi1>, vector<16xi32>
      %broadcast_in_dim3A_1794 = vector.shape_cast %select_n3A_1793 : vector<16xi32> to vector<16x1xi32>
      %gather3A_1795 = vector.shape_cast %broadcast_in_dim3A_1794 : vector<16x1xi32> to vector<16xi32>
      %gather3A_1796 = tpu.dynamic_gather %get3A_1736[%gather3A_1795] in [0] : vector<16xf32>, vector<16xi32> -> vector<16xf32>
      %lt3A_1797 = arith.constant 0 : i32
      %lt3A_1798 = vector.broadcast %lt3A_1797 : i32 to vector<16xi32>
      %lt3A_1799 = arith.cmpi slt, %broadcast_in_dim3A_19, %lt3A_1798 : vector<16xi32>
      %add3A_1800 = arith.constant 16 : i32
      %add3A_1801 = vector.broadcast %add3A_1800 : i32 to vector<16xi32>
      %add3A_1802 = arith.addi %broadcast_in_dim3A_19, %add3A_1801 : vector<16xi32>
      %select_n3A_1803 = arith.select %lt3A_1799, %add3A_1802, %broadcast_in_dim3A_19 : vector<16xi1>, vector<16xi32>
      %broadcast_in_dim3A_1804 = vector.shape_cast %select_n3A_1803 : vector<16xi32> to vector<16x1xi32>
      %gather3A_1805 = vector.shape_cast %broadcast_in_dim3A_1804 : vector<16x1xi32> to vector<16xi32>
      %gather3A_1806 = tpu.dynamic_gather %get3A_1736[%gather3A_1805] in [0] : vector<16xf32>, vector<16xi32> -> vector<16xf32>
      %lt3A_1807 = arith.constant 0 : i32
      %lt3A_1808 = vector.broadcast %lt3A_1807 : i32 to vector<16xi32>
      %lt3A_1809 = arith.cmpi slt, %broadcast_in_dim3A_21, %lt3A_1808 : vector<16xi32>
      %add3A_1810 = arith.constant 16 : i32
      %add3A_1811 = vector.broadcast %add3A_1810 : i32 to vector<16xi32>
      %add3A_1812 = arith.addi %broadcast_in_dim3A_21, %add3A_1811 : vector<16xi32>
      %select_n3A_1813 = arith.select %lt3A_1809, %add3A_1812, %broadcast_in_dim3A_21 : vector<16xi1>, vector<16xi32>
      %broadcast_in_dim3A_1814 = vector.shape_cast %select_n3A_1813 : vector<16xi32> to vector<16x1xi32>
      %gather3A_1815 = vector.shape_cast %broadcast_in_dim3A_1814 : vector<16x1xi32> to vector<16xi32>
      %gather3A_1816 = tpu.dynamic_gather %get3A_1736[%gather3A_1815] in [0] : vector<16xf32>, vector<16xi32> -> vector<16xf32>
      %broadcast_in_dim3A_1817 = vector.broadcast %scan3A_1733 : i32 to vector<16xi32>
      %gather3A_1818 = tpu.vector_load_idx %arg7[%add3A_3, %broadcast_in_dim3A_1817] : memref<32x769xf32, #tpu.memory_space<vmem>>[vector<16xi32>, vector<16xi32>], vector<16xf32>,
      %bitcast3A_1819 = vector.bitcast %gather3A_1818 : vector<16xf32> to vector<16xi32>
      %add3A_1820 = arith.constant 32767 : i32
      %add3A_1821 = vector.broadcast %add3A_1820 : i32 to vector<16xi32>
      %add3A_1822 = arith.addi %bitcast3A_1819, %add3A_1821 : vector<16xi32>
      %shift_right_logical3A_1823 = arith.constant 16 : i32
      %shift_right_logical3A_1824 = vector.broadcast %shift_right_logical3A_1823 : i32 to vector<16xi32>
      %shift_right_logical3A_1825 = arith.shrui %bitcast3A_1819, %shift_right_logical3A_1824 : vector<16xi32>
      %and3A_1826 = arith.constant 1 : i32
      %and3A_1827 = vector.broadcast %and3A_1826 : i32 to vector<16xi32>
      %and3A_1828 = arith.andi %shift_right_logical3A_1825, %and3A_1827 : vector<16xi32>
      %add3A_1829 = arith.addi %add3A_1822, %and3A_1828 : vector<16xi32>
      %and3A_1830 = arith.constant -65536 : i32
      %and3A_1831 = vector.broadcast %and3A_1830 : i32 to vector<16xi32>
      %and3A_1832 = arith.andi %add3A_1829, %and3A_1831 : vector<16xi32>
      %bitcast3A_1833 = vector.bitcast %and3A_1832 : vector<16xi32> to vector<16xf32>
      %mul3A_1834 = arith.mulf %bitcast3A_1833, %gather3A_1746 : vector<16xf32>
      %add3A_1835 = arith.addf %add3A_1685, %mul3A_1834 : vector<16xf32>
      %mul3A_1836 = arith.mulf %bitcast3A_1833, %gather3A_1756 : vector<16xf32>
      %add3A_1837 = arith.addf %add3A_1687, %mul3A_1836 : vector<16xf32>
      %mul3A_1838 = arith.mulf %bitcast3A_1833, %gather3A_1766 : vector<16xf32>
      %add3A_1839 = arith.addf %add3A_1689, %mul3A_1838 : vector<16xf32>
      %mul3A_1840 = arith.mulf %bitcast3A_1833, %gather3A_1776 : vector<16xf32>
      %add3A_1841 = arith.addf %add3A_1691, %mul3A_1840 : vector<16xf32>
      %mul3A_1842 = arith.mulf %bitcast3A_1833, %gather3A_1786 : vector<16xf32>
      %add3A_1843 = arith.addf %add3A_1693, %mul3A_1842 : vector<16xf32>
      %mul3A_1844 = arith.mulf %bitcast3A_1833, %gather3A_1796 : vector<16xf32>
      %add3A_1845 = arith.addf %add3A_1695, %mul3A_1844 : vector<16xf32>
      %mul3A_1846 = arith.mulf %bitcast3A_1833, %gather3A_1806 : vector<16xf32>
      %add3A_1847 = arith.addf %add3A_1697, %mul3A_1846 : vector<16xf32>
      %mul3A_1848 = arith.mulf %bitcast3A_1833, %gather3A_1816 : vector<16xf32>
      %add3A_1849 = arith.addf %add3A_1699, %mul3A_1848 : vector<16xf32>
      %gather3A_1850 = tpu.vector_load_idx %arg7[%add3A_6, %broadcast_in_dim3A_1817] : memref<32x769xf32, #tpu.memory_space<vmem>>[vector<16xi32>, vector<16xi32>], vector<16xf32>,
      %bitcast3A_1851 = vector.bitcast %gather3A_1850 : vector<16xf32> to vector<16xi32>
      %add3A_1852 = arith.constant 32767 : i32
      %add3A_1853 = vector.broadcast %add3A_1852 : i32 to vector<16xi32>
      %add3A_1854 = arith.addi %bitcast3A_1851, %add3A_1853 : vector<16xi32>
      %shift_right_logical3A_1855 = arith.constant 16 : i32
      %shift_right_logical3A_1856 = vector.broadcast %shift_right_logical3A_1855 : i32 to vector<16xi32>
      %shift_right_logical3A_1857 = arith.shrui %bitcast3A_1851, %shift_right_logical3A_1856 : vector<16xi32>
      %and3A_1858 = arith.constant 1 : i32
      %and3A_1859 = vector.broadcast %and3A_1858 : i32 to vector<16xi32>
      %and3A_1860 = arith.andi %shift_right_logical3A_1857, %and3A_1859 : vector<16xi32>
      %add3A_1861 = arith.addi %add3A_1854, %and3A_1860 : vector<16xi32>
      %and3A_1862 = arith.constant -65536 : i32
      %and3A_1863 = vector.broadcast %and3A_1862 : i32 to vector<16xi32>
      %and3A_1864 = arith.andi %add3A_1861, %and3A_1863 : vector<16xi32>
      %bitcast3A_1865 = vector.bitcast %and3A_1864 : vector<16xi32> to vector<16xf32>
      %mul3A_1866 = arith.mulf %bitcast3A_1865, %gather3A_1746 : vector<16xf32>
      %add3A_1867 = arith.addf %add3A_1717, %mul3A_1866 : vector<16xf32>
      %mul3A_1868 = arith.mulf %bitcast3A_1865, %gather3A_1756 : vector<16xf32>
      %add3A_1869 = arith.addf %add3A_1719, %mul3A_1868 : vector<16xf32>
      %mul3A_1870 = arith.mulf %bitcast3A_1865, %gather3A_1766 : vector<16xf32>
      %add3A_1871 = arith.addf %add3A_1721, %mul3A_1870 : vector<16xf32>
      %mul3A_1872 = arith.mulf %bitcast3A_1865, %gather3A_1776 : vector<16xf32>
      %add3A_1873 = arith.addf %add3A_1723, %mul3A_1872 : vector<16xf32>
      %mul3A_1874 = arith.mulf %bitcast3A_1865, %gather3A_1786 : vector<16xf32>
      %add3A_1875 = arith.addf %add3A_1725, %mul3A_1874 : vector<16xf32>
      %mul3A_1876 = arith.mulf %bitcast3A_1865, %gather3A_1796 : vector<16xf32>
      %add3A_1877 = arith.addf %add3A_1727, %mul3A_1876 : vector<16xf32>
      %mul3A_1878 = arith.mulf %bitcast3A_1865, %gather3A_1806 : vector<16xf32>
      %add3A_1879 = arith.addf %add3A_1729, %mul3A_1878 : vector<16xf32>
      %mul3A_1880 = arith.mulf %bitcast3A_1865, %gather3A_1816 : vector<16xf32>
      %add3A_1881 = arith.addf %add3A_1731, %mul3A_1880 : vector<16xf32>
      %scan3A_1882 = arith.constant 3 : i32
      %scan3A_1883 = arith.addi %scan3A_1423, %scan3A_1882 : i32
      %get3A_1884 = arith.index_cast %scan3A_1883 : i32 to index
      %get3A_1885 = arith.constant 0 : index
      %get3A_1886 = tpu.vector_load %arg8[%get3A_1884, %get3A_1885] {strides = array<i32>} : memref<768x16xf32, #tpu.memory_space<vmem>>, vector<16xf32>,
      %lt3A_1887 = arith.constant 0 : i32
      %lt3A_1888 = vector.broadcast %lt3A_1887 : i32 to vector<16xi32>
      %lt3A_1889 = arith.cmpi slt, %broadcast_in_dim3A_7, %lt3A_1888 : vector<16xi32>
      %add3A_1890 = arith.constant 16 : i32
      %add3A_1891 = vector.broadcast %add3A_1890 : i32 to vector<16xi32>
      %add3A_1892 = arith.addi %broadcast_in_dim3A_7, %add3A_1891 : vector<16xi32>
      %select_n3A_1893 = arith.select %lt3A_1889, %add3A_1892, %broadcast_in_dim3A_7 : vector<16xi1>, vector<16xi32>
      %broadcast_in_dim3A_1894 = vector.shape_cast %select_n3A_1893 : vector<16xi32> to vector<16x1xi32>
      %gather3A_1895 = vector.shape_cast %broadcast_in_dim3A_1894 : vector<16x1xi32> to vector<16xi32>
      %gather3A_1896 = tpu.dynamic_gather %get3A_1886[%gather3A_1895] in [0] : vector<16xf32>, vector<16xi32> -> vector<16xf32>
      %lt3A_1897 = arith.constant 0 : i32
      %lt3A_1898 = vector.broadcast %lt3A_1897 : i32 to vector<16xi32>
      %lt3A_1899 = arith.cmpi slt, %broadcast_in_dim3A_9, %lt3A_1898 : vector<16xi32>
      %add3A_1900 = arith.constant 16 : i32
      %add3A_1901 = vector.broadcast %add3A_1900 : i32 to vector<16xi32>
      %add3A_1902 = arith.addi %broadcast_in_dim3A_9, %add3A_1901 : vector<16xi32>
      %select_n3A_1903 = arith.select %lt3A_1899, %add3A_1902, %broadcast_in_dim3A_9 : vector<16xi1>, vector<16xi32>
      %broadcast_in_dim3A_1904 = vector.shape_cast %select_n3A_1903 : vector<16xi32> to vector<16x1xi32>
      %gather3A_1905 = vector.shape_cast %broadcast_in_dim3A_1904 : vector<16x1xi32> to vector<16xi32>
      %gather3A_1906 = tpu.dynamic_gather %get3A_1886[%gather3A_1905] in [0] : vector<16xf32>, vector<16xi32> -> vector<16xf32>
      %lt3A_1907 = arith.constant 0 : i32
      %lt3A_1908 = vector.broadcast %lt3A_1907 : i32 to vector<16xi32>
      %lt3A_1909 = arith.cmpi slt, %broadcast_in_dim3A_11, %lt3A_1908 : vector<16xi32>
      %add3A_1910 = arith.constant 16 : i32
      %add3A_1911 = vector.broadcast %add3A_1910 : i32 to vector<16xi32>
      %add3A_1912 = arith.addi %broadcast_in_dim3A_11, %add3A_1911 : vector<16xi32>
      %select_n3A_1913 = arith.select %lt3A_1909, %add3A_1912, %broadcast_in_dim3A_11 : vector<16xi1>, vector<16xi32>
      %broadcast_in_dim3A_1914 = vector.shape_cast %select_n3A_1913 : vector<16xi32> to vector<16x1xi32>
      %gather3A_1915 = vector.shape_cast %broadcast_in_dim3A_1914 : vector<16x1xi32> to vector<16xi32>
      %gather3A_1916 = tpu.dynamic_gather %get3A_1886[%gather3A_1915] in [0] : vector<16xf32>, vector<16xi32> -> vector<16xf32>
      %lt3A_1917 = arith.constant 0 : i32
      %lt3A_1918 = vector.broadcast %lt3A_1917 : i32 to vector<16xi32>
      %lt3A_1919 = arith.cmpi slt, %broadcast_in_dim3A_13, %lt3A_1918 : vector<16xi32>
      %add3A_1920 = arith.constant 16 : i32
      %add3A_1921 = vector.broadcast %add3A_1920 : i32 to vector<16xi32>
      %add3A_1922 = arith.addi %broadcast_in_dim3A_13, %add3A_1921 : vector<16xi32>
      %select_n3A_1923 = arith.select %lt3A_1919, %add3A_1922, %broadcast_in_dim3A_13 : vector<16xi1>, vector<16xi32>
      %broadcast_in_dim3A_1924 = vector.shape_cast %select_n3A_1923 : vector<16xi32> to vector<16x1xi32>
      %gather3A_1925 = vector.shape_cast %broadcast_in_dim3A_1924 : vector<16x1xi32> to vector<16xi32>
      %gather3A_1926 = tpu.dynamic_gather %get3A_1886[%gather3A_1925] in [0] : vector<16xf32>, vector<16xi32> -> vector<16xf32>
      %lt3A_1927 = arith.constant 0 : i32
      %lt3A_1928 = vector.broadcast %lt3A_1927 : i32 to vector<16xi32>
      %lt3A_1929 = arith.cmpi slt, %broadcast_in_dim3A_15, %lt3A_1928 : vector<16xi32>
      %add3A_1930 = arith.constant 16 : i32
      %add3A_1931 = vector.broadcast %add3A_1930 : i32 to vector<16xi32>
      %add3A_1932 = arith.addi %broadcast_in_dim3A_15, %add3A_1931 : vector<16xi32>
      %select_n3A_1933 = arith.select %lt3A_1929, %add3A_1932, %broadcast_in_dim3A_15 : vector<16xi1>, vector<16xi32>
      %broadcast_in_dim3A_1934 = vector.shape_cast %select_n3A_1933 : vector<16xi32> to vector<16x1xi32>
      %gather3A_1935 = vector.shape_cast %broadcast_in_dim3A_1934 : vector<16x1xi32> to vector<16xi32>
      %gather3A_1936 = tpu.dynamic_gather %get3A_1886[%gather3A_1935] in [0] : vector<16xf32>, vector<16xi32> -> vector<16xf32>
      %lt3A_1937 = arith.constant 0 : i32
      %lt3A_1938 = vector.broadcast %lt3A_1937 : i32 to vector<16xi32>
      %lt3A_1939 = arith.cmpi slt, %broadcast_in_dim3A_17, %lt3A_1938 : vector<16xi32>
      %add3A_1940 = arith.constant 16 : i32
      %add3A_1941 = vector.broadcast %add3A_1940 : i32 to vector<16xi32>
      %add3A_1942 = arith.addi %broadcast_in_dim3A_17, %add3A_1941 : vector<16xi32>
      %select_n3A_1943 = arith.select %lt3A_1939, %add3A_1942, %broadcast_in_dim3A_17 : vector<16xi1>, vector<16xi32>
      %broadcast_in_dim3A_1944 = vector.shape_cast %select_n3A_1943 : vector<16xi32> to vector<16x1xi32>
      %gather3A_1945 = vector.shape_cast %broadcast_in_dim3A_1944 : vector<16x1xi32> to vector<16xi32>
      %gather3A_1946 = tpu.dynamic_gather %get3A_1886[%gather3A_1945] in [0] : vector<16xf32>, vector<16xi32> -> vector<16xf32>
      %lt3A_1947 = arith.constant 0 : i32
      %lt3A_1948 = vector.broadcast %lt3A_1947 : i32 to vector<16xi32>
      %lt3A_1949 = arith.cmpi slt, %broadcast_in_dim3A_19, %lt3A_1948 : vector<16xi32>
      %add3A_1950 = arith.constant 16 : i32
      %add3A_1951 = vector.broadcast %add3A_1950 : i32 to vector<16xi32>
      %add3A_1952 = arith.addi %broadcast_in_dim3A_19, %add3A_1951 : vector<16xi32>
      %select_n3A_1953 = arith.select %lt3A_1949, %add3A_1952, %broadcast_in_dim3A_19 : vector<16xi1>, vector<16xi32>
      %broadcast_in_dim3A_1954 = vector.shape_cast %select_n3A_1953 : vector<16xi32> to vector<16x1xi32>
      %gather3A_1955 = vector.shape_cast %broadcast_in_dim3A_1954 : vector<16x1xi32> to vector<16xi32>
      %gather3A_1956 = tpu.dynamic_gather %get3A_1886[%gather3A_1955] in [0] : vector<16xf32>, vector<16xi32> -> vector<16xf32>
      %lt3A_1957 = arith.constant 0 : i32
      %lt3A_1958 = vector.broadcast %lt3A_1957 : i32 to vector<16xi32>
      %lt3A_1959 = arith.cmpi slt, %broadcast_in_dim3A_21, %lt3A_1958 : vector<16xi32>
      %add3A_1960 = arith.constant 16 : i32
      %add3A_1961 = vector.broadcast %add3A_1960 : i32 to vector<16xi32>
      %add3A_1962 = arith.addi %broadcast_in_dim3A_21, %add3A_1961 : vector<16xi32>
      %select_n3A_1963 = arith.select %lt3A_1959, %add3A_1962, %broadcast_in_dim3A_21 : vector<16xi1>, vector<16xi32>
      %broadcast_in_dim3A_1964 = vector.shape_cast %select_n3A_1963 : vector<16xi32> to vector<16x1xi32>
      %gather3A_1965 = vector.shape_cast %broadcast_in_dim3A_1964 : vector<16x1xi32> to vector<16xi32>
      %gather3A_1966 = tpu.dynamic_gather %get3A_1886[%gather3A_1965] in [0] : vector<16xf32>, vector<16xi32> -> vector<16xf32>
      %broadcast_in_dim3A_1967 = vector.broadcast %scan3A_1883 : i32 to vector<16xi32>
      %gather3A_1968 = tpu.vector_load_idx %arg7[%add3A_3, %broadcast_in_dim3A_1967] : memref<32x769xf32, #tpu.memory_space<vmem>>[vector<16xi32>, vector<16xi32>], vector<16xf32>,
      %bitcast3A_1969 = vector.bitcast %gather3A_1968 : vector<16xf32> to vector<16xi32>
      %add3A_1970 = arith.constant 32767 : i32
      %add3A_1971 = vector.broadcast %add3A_1970 : i32 to vector<16xi32>
      %add3A_1972 = arith.addi %bitcast3A_1969, %add3A_1971 : vector<16xi32>
      %shift_right_logical3A_1973 = arith.constant 16 : i32
      %shift_right_logical3A_1974 = vector.broadcast %shift_right_logical3A_1973 : i32 to vector<16xi32>
      %shift_right_logical3A_1975 = arith.shrui %bitcast3A_1969, %shift_right_logical3A_1974 : vector<16xi32>
      %and3A_1976 = arith.constant 1 : i32
      %and3A_1977 = vector.broadcast %and3A_1976 : i32 to vector<16xi32>
      %and3A_1978 = arith.andi %shift_right_logical3A_1975, %and3A_1977 : vector<16xi32>
      %add3A_1979 = arith.addi %add3A_1972, %and3A_1978 : vector<16xi32>
      %and3A_1980 = arith.constant -65536 : i32
      %and3A_1981 = vector.broadcast %and3A_1980 : i32 to vector<16xi32>
      %and3A_1982 = arith.andi %add3A_1979, %and3A_1981 : vector<16xi32>
      %bitcast3A_1983 = vector.bitcast %and3A_1982 : vector<16xi32> to vector<16xf32>
      %mul3A_1984 = arith.mulf %bitcast3A_1983, %gather3A_1896 : vector<16xf32>
      %add3A_1985 = arith.addf %add3A_1835, %mul3A_1984 : vector<16xf32>
      %mul3A_1986 = arith.mulf %bitcast3A_1983, %gather3A_1906 : vector<16xf32>
      %add3A_1987 = arith.addf %add3A_1837, %mul3A_1986 : vector<16xf32>
      %mul3A_1988 = arith.mulf %bitcast3A_1983, %gather3A_1916 : vector<16xf32>
      %add3A_1989 = arith.addf %add3A_1839, %mul3A_1988 : vector<16xf32>
      %mul3A_1990 = arith.mulf %bitcast3A_1983, %gather3A_1926 : vector<16xf32>
      %add3A_1991 = arith.addf %add3A_1841, %mul3A_1990 : vector<16xf32>
      %mul3A_1992 = arith.mulf %bitcast3A_1983, %gather3A_1936 : vector<16xf32>
      %add3A_1993 = arith.addf %add3A_1843, %mul3A_1992 : vector<16xf32>
      %mul3A_1994 = arith.mulf %bitcast3A_1983, %gather3A_1946 : vector<16xf32>
      %add3A_1995 = arith.addf %add3A_1845, %mul3A_1994 : vector<16xf32>
      %mul3A_1996 = arith.mulf %bitcast3A_1983, %gather3A_1956 : vector<16xf32>
      %add3A_1997 = arith.addf %add3A_1847, %mul3A_1996 : vector<16xf32>
      %mul3A_1998 = arith.mulf %bitcast3A_1983, %gather3A_1966 : vector<16xf32>
      %add3A_1999 = arith.addf %add3A_1849, %mul3A_1998 : vector<16xf32>
      %gather3A_2000 = tpu.vector_load_idx %arg7[%add3A_6, %broadcast_in_dim3A_1967] : memref<32x769xf32, #tpu.memory_space<vmem>>[vector<16xi32>, vector<16xi32>], vector<16xf32>,
      %bitcast3A_2001 = vector.bitcast %gather3A_2000 : vector<16xf32> to vector<16xi32>
      %add3A_2002 = arith.constant 32767 : i32
      %add3A_2003 = vector.broadcast %add3A_2002 : i32 to vector<16xi32>
      %add3A_2004 = arith.addi %bitcast3A_2001, %add3A_2003 : vector<16xi32>
      %shift_right_logical3A_2005 = arith.constant 16 : i32
      %shift_right_logical3A_2006 = vector.broadcast %shift_right_logical3A_2005 : i32 to vector<16xi32>
      %shift_right_logical3A_2007 = arith.shrui %bitcast3A_2001, %shift_right_logical3A_2006 : vector<16xi32>
      %and3A_2008 = arith.constant 1 : i32
      %and3A_2009 = vector.broadcast %and3A_2008 : i32 to vector<16xi32>
      %and3A_2010 = arith.andi %shift_right_logical3A_2007, %and3A_2009 : vector<16xi32>
      %add3A_2011 = arith.addi %add3A_2004, %and3A_2010 : vector<16xi32>
      %and3A_2012 = arith.constant -65536 : i32
      %and3A_2013 = vector.broadcast %and3A_2012 : i32 to vector<16xi32>
      %and3A_2014 = arith.andi %add3A_2011, %and3A_2013 : vector<16xi32>
      %bitcast3A_2015 = vector.bitcast %and3A_2014 : vector<16xi32> to vector<16xf32>
      %mul3A_2016 = arith.mulf %bitcast3A_2015, %gather3A_1896 : vector<16xf32>
      %add3A_2017 = arith.addf %add3A_1867, %mul3A_2016 : vector<16xf32>
      %mul3A_2018 = arith.mulf %bitcast3A_2015, %gather3A_1906 : vector<16xf32>
      %add3A_2019 = arith.addf %add3A_1869, %mul3A_2018 : vector<16xf32>
      %mul3A_2020 = arith.mulf %bitcast3A_2015, %gather3A_1916 : vector<16xf32>
      %add3A_2021 = arith.addf %add3A_1871, %mul3A_2020 : vector<16xf32>
      %mul3A_2022 = arith.mulf %bitcast3A_2015, %gather3A_1926 : vector<16xf32>
      %add3A_2023 = arith.addf %add3A_1873, %mul3A_2022 : vector<16xf32>
      %mul3A_2024 = arith.mulf %bitcast3A_2015, %gather3A_1936 : vector<16xf32>
      %add3A_2025 = arith.addf %add3A_1875, %mul3A_2024 : vector<16xf32>
      %mul3A_2026 = arith.mulf %bitcast3A_2015, %gather3A_1946 : vector<16xf32>
      %add3A_2027 = arith.addf %add3A_1877, %mul3A_2026 : vector<16xf32>
      %mul3A_2028 = arith.mulf %bitcast3A_2015, %gather3A_1956 : vector<16xf32>
      %add3A_2029 = arith.addf %add3A_1879, %mul3A_2028 : vector<16xf32>
      %mul3A_2030 = arith.mulf %bitcast3A_2015, %gather3A_1966 : vector<16xf32>
      %add3A_2031 = arith.addf %add3A_1881, %mul3A_2030 : vector<16xf32>
      scf.yield %add3A_1985, %add3A_1987, %add3A_1989, %add3A_1991, %add3A_1993, %add3A_1995, %add3A_1997, %add3A_1999, %add3A_2017, %add3A_2019, %add3A_2021, %add3A_2023, %add3A_2025, %add3A_2027, %add3A_2029, %add3A_2031 : vector<16xf32>, vector<16xf32>, vector<16xf32>, vector<16xf32>, vector<16xf32>, vector<16xf32>, vector<16xf32>, vector<16xf32>, vector<16xf32>, vector<16xf32>, vector<16xf32>, vector<16xf32>, vector<16xf32>, vector<16xf32>, vector<16xf32>, vector<16xf32>
    }
    %scan3A_1080 = arith.constant 768 : i32
    %max3A_1081 = arith.maximumf %scan3A_1079#0, %scan3A_1079#1 : vector<16xf32>
    %max3A_1082 = arith.maximumf %scan3A_1079#2, %scan3A_1079#3 : vector<16xf32>
    %max3A_1083 = arith.maximumf %scan3A_1079#4, %scan3A_1079#5 : vector<16xf32>
    %max3A_1084 = arith.maximumf %scan3A_1079#6, %scan3A_1079#7 : vector<16xf32>
    %max3A_1085 = arith.maximumf %max3A_1081, %max3A_1082 : vector<16xf32>
    %max3A_1086 = arith.maximumf %max3A_1083, %max3A_1084 : vector<16xf32>
    %max3A_1087 = arith.maximumf %max3A_1085, %max3A_1086 : vector<16xf32>
    %sub3A_1088 = arith.subf %scan3A_1079#0, %max3A_1087 : vector<16xf32>
    %exp3A_1089 = math.exp %sub3A_1088 : vector<16xf32>
    %sub3A_1090 = arith.subf %scan3A_1079#1, %max3A_1087 : vector<16xf32>
    %exp3A_1091 = math.exp %sub3A_1090 : vector<16xf32>
    %sub3A_1092 = arith.subf %scan3A_1079#2, %max3A_1087 : vector<16xf32>
    %exp3A_1093 = math.exp %sub3A_1092 : vector<16xf32>
    %sub3A_1094 = arith.subf %scan3A_1079#3, %max3A_1087 : vector<16xf32>
    %exp3A_1095 = math.exp %sub3A_1094 : vector<16xf32>
    %sub3A_1096 = arith.subf %scan3A_1079#4, %max3A_1087 : vector<16xf32>
    %exp3A_1097 = math.exp %sub3A_1096 : vector<16xf32>
    %sub3A_1098 = arith.subf %scan3A_1079#5, %max3A_1087 : vector<16xf32>
    %exp3A_1099 = math.exp %sub3A_1098 : vector<16xf32>
    %sub3A_1100 = arith.subf %scan3A_1079#6, %max3A_1087 : vector<16xf32>
    %exp3A_1101 = math.exp %sub3A_1100 : vector<16xf32>
    %sub3A_1102 = arith.subf %scan3A_1079#7, %max3A_1087 : vector<16xf32>
    %exp3A_1103 = math.exp %sub3A_1102 : vector<16xf32>
    %add3A_1104 = arith.addf %exp3A_1089, %exp3A_1091 : vector<16xf32>
    %add3A_1105 = arith.addf %add3A_1104, %exp3A_1093 : vector<16xf32>
    %add3A_1106 = arith.addf %add3A_1105, %exp3A_1095 : vector<16xf32>
    %add3A_1107 = arith.addf %add3A_1106, %exp3A_1097 : vector<16xf32>
    %add3A_1108 = arith.addf %add3A_1107, %exp3A_1099 : vector<16xf32>
    %add3A_1109 = arith.addf %add3A_1108, %exp3A_1101 : vector<16xf32>
    %add3A_1110 = arith.addf %add3A_1109, %exp3A_1103 : vector<16xf32>
    %div3A_1111 = arith.divf %exp3A_1089, %add3A_1110 : vector<16xf32>
    %div3A_1112 = arith.divf %exp3A_1091, %add3A_1110 : vector<16xf32>
    %div3A_1113 = arith.divf %exp3A_1093, %add3A_1110 : vector<16xf32>
    %div3A_1114 = arith.divf %exp3A_1095, %add3A_1110 : vector<16xf32>
    %div3A_1115 = arith.divf %exp3A_1097, %add3A_1110 : vector<16xf32>
    %div3A_1116 = arith.divf %exp3A_1099, %add3A_1110 : vector<16xf32>
    %div3A_1117 = arith.divf %exp3A_1101, %add3A_1110 : vector<16xf32>
    %div3A_1118 = arith.divf %exp3A_1103, %add3A_1110 : vector<16xf32>
    %max3A_1119 = arith.maximumf %div3A_1111, %div3A_1112 : vector<16xf32>
    %max3A_1120 = arith.maximumf %div3A_1113, %div3A_1114 : vector<16xf32>
    %max3A_1121 = arith.maximumf %div3A_1115, %div3A_1116 : vector<16xf32>
    %max3A_1122 = arith.maximumf %div3A_1117, %div3A_1118 : vector<16xf32>
    %max3A_1123 = arith.maximumf %max3A_1119, %max3A_1120 : vector<16xf32>
    %max3A_1124 = arith.maximumf %max3A_1121, %max3A_1122 : vector<16xf32>
    %max3A_1125 = arith.maximumf %max3A_1123, %max3A_1124 : vector<16xf32>
    %broadcast_in_dim3A_1126 = arith.constant 8 : i32
    %broadcast_in_dim3A_1127 = vector.broadcast %broadcast_in_dim3A_1126 : i32 to vector<16xi32>
    %eq3A_1128 = arith.cmpf oeq, %div3A_1118, %max3A_1125 : vector<16xf32>
    %select_n3A_1129 = arith.select %eq3A_1128, %broadcast_in_dim3A_21, %broadcast_in_dim3A_1127 : vector<16xi1>, vector<16xi32>
    %eq3A_1130 = arith.cmpf oeq, %div3A_1117, %max3A_1125 : vector<16xf32>
    %select_n3A_1131 = arith.select %eq3A_1130, %broadcast_in_dim3A_19, %select_n3A_1129 : vector<16xi1>, vector<16xi32>
    %eq3A_1132 = arith.cmpf oeq, %div3A_1116, %max3A_1125 : vector<16xf32>
    %select_n3A_1133 = arith.select %eq3A_1132, %broadcast_in_dim3A_17, %select_n3A_1131 : vector<16xi1>, vector<16xi32>
    %eq3A_1134 = arith.cmpf oeq, %div3A_1115, %max3A_1125 : vector<16xf32>
    %select_n3A_1135 = arith.select %eq3A_1134, %broadcast_in_dim3A_15, %select_n3A_1133 : vector<16xi1>, vector<16xi32>
    %eq3A_1136 = arith.cmpf oeq, %div3A_1114, %max3A_1125 : vector<16xf32>
    %select_n3A_1137 = arith.select %eq3A_1136, %broadcast_in_dim3A_13, %select_n3A_1135 : vector<16xi1>, vector<16xi32>
    %eq3A_1138 = arith.cmpf oeq, %div3A_1113, %max3A_1125 : vector<16xf32>
    %select_n3A_1139 = arith.select %eq3A_1138, %broadcast_in_dim3A_11, %select_n3A_1137 : vector<16xi1>, vector<16xi32>
    %eq3A_1140 = arith.cmpf oeq, %div3A_1112, %max3A_1125 : vector<16xf32>
    %select_n3A_1141 = arith.select %eq3A_1140, %broadcast_in_dim3A_9, %select_n3A_1139 : vector<16xi1>, vector<16xi32>
    %eq3A_1142 = arith.cmpf oeq, %div3A_1111, %max3A_1125 : vector<16xf32>
    %select_n3A_1143 = arith.select %eq3A_1142, %broadcast_in_dim3A_7, %select_n3A_1141 : vector<16xi1>, vector<16xi32>
    %eq3A_1144 = arith.cmpi eq, %broadcast_in_dim3A_7, %select_n3A_1143 : vector<16xi32>
    %jit3A_1145 = arith.constant -1.000000e+00 : f32
    %broadcast_in_dim3A_1146 = vector.broadcast %jit3A_1145 : f32 to vector<16xf32>
    %select_n3A_1147 = arith.select %eq3A_1144, %broadcast_in_dim3A_1146, %div3A_1111 : vector<16xi1>, vector<16xf32>
    %eq3A_1148 = arith.cmpi eq, %broadcast_in_dim3A_9, %select_n3A_1143 : vector<16xi32>
    %jit3A_1149 = arith.constant -1.000000e+00 : f32
    %broadcast_in_dim3A_1150 = vector.broadcast %jit3A_1149 : f32 to vector<16xf32>
    %select_n3A_1151 = arith.select %eq3A_1148, %broadcast_in_dim3A_1150, %div3A_1112 : vector<16xi1>, vector<16xf32>
    %eq3A_1152 = arith.cmpi eq, %broadcast_in_dim3A_11, %select_n3A_1143 : vector<16xi32>
    %jit3A_1153 = arith.constant -1.000000e+00 : f32
    %broadcast_in_dim3A_1154 = vector.broadcast %jit3A_1153 : f32 to vector<16xf32>
    %select_n3A_1155 = arith.select %eq3A_1152, %broadcast_in_dim3A_1154, %div3A_1113 : vector<16xi1>, vector<16xf32>
    %eq3A_1156 = arith.cmpi eq, %broadcast_in_dim3A_13, %select_n3A_1143 : vector<16xi32>
    %jit3A_1157 = arith.constant -1.000000e+00 : f32
    %broadcast_in_dim3A_1158 = vector.broadcast %jit3A_1157 : f32 to vector<16xf32>
    %select_n3A_1159 = arith.select %eq3A_1156, %broadcast_in_dim3A_1158, %div3A_1114 : vector<16xi1>, vector<16xf32>
    %eq3A_1160 = arith.cmpi eq, %broadcast_in_dim3A_15, %select_n3A_1143 : vector<16xi32>
    %jit3A_1161 = arith.constant -1.000000e+00 : f32
    %broadcast_in_dim3A_1162 = vector.broadcast %jit3A_1161 : f32 to vector<16xf32>
    %select_n3A_1163 = arith.select %eq3A_1160, %broadcast_in_dim3A_1162, %div3A_1115 : vector<16xi1>, vector<16xf32>
    %eq3A_1164 = arith.cmpi eq, %broadcast_in_dim3A_17, %select_n3A_1143 : vector<16xi32>
    %jit3A_1165 = arith.constant -1.000000e+00 : f32
    %broadcast_in_dim3A_1166 = vector.broadcast %jit3A_1165 : f32 to vector<16xf32>
    %select_n3A_1167 = arith.select %eq3A_1164, %broadcast_in_dim3A_1166, %div3A_1116 : vector<16xi1>, vector<16xf32>
    %eq3A_1168 = arith.cmpi eq, %broadcast_in_dim3A_19, %select_n3A_1143 : vector<16xi32>
    %jit3A_1169 = arith.constant -1.000000e+00 : f32
    %broadcast_in_dim3A_1170 = vector.broadcast %jit3A_1169 : f32 to vector<16xf32>
    %select_n3A_1171 = arith.select %eq3A_1168, %broadcast_in_dim3A_1170, %div3A_1117 : vector<16xi1>, vector<16xf32>
    %eq3A_1172 = arith.cmpi eq, %broadcast_in_dim3A_21, %select_n3A_1143 : vector<16xi32>
    %jit3A_1173 = arith.constant -1.000000e+00 : f32
    %broadcast_in_dim3A_1174 = vector.broadcast %jit3A_1173 : f32 to vector<16xf32>
    %select_n3A_1175 = arith.select %eq3A_1172, %broadcast_in_dim3A_1174, %div3A_1118 : vector<16xi1>, vector<16xf32>
    %max3A_1176 = arith.maximumf %select_n3A_1147, %select_n3A_1151 : vector<16xf32>
    %max3A_1177 = arith.maximumf %select_n3A_1155, %select_n3A_1159 : vector<16xf32>
    %max3A_1178 = arith.maximumf %select_n3A_1163, %select_n3A_1167 : vector<16xf32>
    %max3A_1179 = arith.maximumf %select_n3A_1171, %select_n3A_1175 : vector<16xf32>
    %max3A_1180 = arith.maximumf %max3A_1176, %max3A_1177 : vector<16xf32>
    %max3A_1181 = arith.maximumf %max3A_1178, %max3A_1179 : vector<16xf32>
    %max3A_1182 = arith.maximumf %max3A_1180, %max3A_1181 : vector<16xf32>
    %broadcast_in_dim3A_1183 = arith.constant 8 : i32
    %broadcast_in_dim3A_1184 = vector.broadcast %broadcast_in_dim3A_1183 : i32 to vector<16xi32>
    %eq3A_1185 = arith.cmpf oeq, %select_n3A_1175, %max3A_1182 : vector<16xf32>
    %select_n3A_1186 = arith.select %eq3A_1185, %broadcast_in_dim3A_21, %broadcast_in_dim3A_1184 : vector<16xi1>, vector<16xi32>
    %eq3A_1187 = arith.cmpf oeq, %select_n3A_1171, %max3A_1182 : vector<16xf32>
    %select_n3A_1188 = arith.select %eq3A_1187, %broadcast_in_dim3A_19, %select_n3A_1186 : vector<16xi1>, vector<16xi32>
    %eq3A_1189 = arith.cmpf oeq, %select_n3A_1167, %max3A_1182 : vector<16xf32>
    %select_n3A_1190 = arith.select %eq3A_1189, %broadcast_in_dim3A_17, %select_n3A_1188 : vector<16xi1>, vector<16xi32>
    %eq3A_1191 = arith.cmpf oeq, %select_n3A_1163, %max3A_1182 : vector<16xf32>
    %select_n3A_1192 = arith.select %eq3A_1191, %broadcast_in_dim3A_15, %select_n3A_1190 : vector<16xi1>, vector<16xi32>
    %eq3A_1193 = arith.cmpf oeq, %select_n3A_1159, %max3A_1182 : vector<16xf32>
    %select_n3A_1194 = arith.select %eq3A_1193, %broadcast_in_dim3A_13, %select_n3A_1192 : vector<16xi1>, vector<16xi32>
    %eq3A_1195 = arith.cmpf oeq, %select_n3A_1155, %max3A_1182 : vector<16xf32>
    %select_n3A_1196 = arith.select %eq3A_1195, %broadcast_in_dim3A_11, %select_n3A_1194 : vector<16xi1>, vector<16xi32>
    %eq3A_1197 = arith.cmpf oeq, %select_n3A_1151, %max3A_1182 : vector<16xf32>
    %select_n3A_1198 = arith.select %eq3A_1197, %broadcast_in_dim3A_9, %select_n3A_1196 : vector<16xi1>, vector<16xi32>
    %eq3A_1199 = arith.cmpf oeq, %select_n3A_1147, %max3A_1182 : vector<16xf32>
    %select_n3A_1200 = arith.select %eq3A_1199, %broadcast_in_dim3A_7, %select_n3A_1198 : vector<16xi1>, vector<16xi32>
    %add3A_1201 = arith.addf %max3A_1125, %max3A_1182 : vector<16xf32>
    %swap3A_1202 = arith.constant 0 : i32
    %swap3A_1203 = arith.index_cast %swap3A_1202 : i32 to index
    %swap3A_1204 = arith.constant 0 : index
    %swap3A_1205 = tpu.vector_load %arg9[%swap3A_1203, %swap3A_1204] {strides = array<i32>} : memref<8x32xf32, #tpu.memory_space<vmem>>, vector<16xf32>,
    tpu.vector_store %arg9[%swap3A_1203, %swap3A_1204], %div3A_1111 {strides = array<i32>} : memref<8x32xf32, #tpu.memory_space<vmem>>, vector<16xf32>,
    %swap3A_1206 = arith.constant 1 : i32
    %swap3A_1207 = arith.index_cast %swap3A_1206 : i32 to index
    %swap3A_1208 = arith.constant 0 : index
    %swap3A_1209 = tpu.vector_load %arg9[%swap3A_1207, %swap3A_1208] {strides = array<i32>} : memref<8x32xf32, #tpu.memory_space<vmem>>, vector<16xf32>,
    tpu.vector_store %arg9[%swap3A_1207, %swap3A_1208], %div3A_1112 {strides = array<i32>} : memref<8x32xf32, #tpu.memory_space<vmem>>, vector<16xf32>,
    %swap3A_1210 = arith.constant 2 : i32
    %swap3A_1211 = arith.index_cast %swap3A_1210 : i32 to index
    %swap3A_1212 = arith.constant 0 : index
    %swap3A_1213 = tpu.vector_load %arg9[%swap3A_1211, %swap3A_1212] {strides = array<i32>} : memref<8x32xf32, #tpu.memory_space<vmem>>, vector<16xf32>,
    tpu.vector_store %arg9[%swap3A_1211, %swap3A_1212], %div3A_1113 {strides = array<i32>} : memref<8x32xf32, #tpu.memory_space<vmem>>, vector<16xf32>,
    %swap3A_1214 = arith.constant 3 : i32
    %swap3A_1215 = arith.index_cast %swap3A_1214 : i32 to index
    %swap3A_1216 = arith.constant 0 : index
    %swap3A_1217 = tpu.vector_load %arg9[%swap3A_1215, %swap3A_1216] {strides = array<i32>} : memref<8x32xf32, #tpu.memory_space<vmem>>, vector<16xf32>,
    tpu.vector_store %arg9[%swap3A_1215, %swap3A_1216], %div3A_1114 {strides = array<i32>} : memref<8x32xf32, #tpu.memory_space<vmem>>, vector<16xf32>,
    %swap3A_1218 = arith.constant 4 : i32
    %swap3A_1219 = arith.index_cast %swap3A_1218 : i32 to index
    %swap3A_1220 = arith.constant 0 : index
    %swap3A_1221 = tpu.vector_load %arg9[%swap3A_1219, %swap3A_1220] {strides = array<i32>} : memref<8x32xf32, #tpu.memory_space<vmem>>, vector<16xf32>,
    tpu.vector_store %arg9[%swap3A_1219, %swap3A_1220], %div3A_1115 {strides = array<i32>} : memref<8x32xf32, #tpu.memory_space<vmem>>, vector<16xf32>,
    %swap3A_1222 = arith.constant 5 : i32
    %swap3A_1223 = arith.index_cast %swap3A_1222 : i32 to index
    %swap3A_1224 = arith.constant 0 : index
    %swap3A_1225 = tpu.vector_load %arg9[%swap3A_1223, %swap3A_1224] {strides = array<i32>} : memref<8x32xf32, #tpu.memory_space<vmem>>, vector<16xf32>,
    tpu.vector_store %arg9[%swap3A_1223, %swap3A_1224], %div3A_1116 {strides = array<i32>} : memref<8x32xf32, #tpu.memory_space<vmem>>, vector<16xf32>,
    %swap3A_1226 = arith.constant 6 : i32
    %swap3A_1227 = arith.index_cast %swap3A_1226 : i32 to index
    %swap3A_1228 = arith.constant 0 : index
    %swap3A_1229 = tpu.vector_load %arg9[%swap3A_1227, %swap3A_1228] {strides = array<i32>} : memref<8x32xf32, #tpu.memory_space<vmem>>, vector<16xf32>,
    tpu.vector_store %arg9[%swap3A_1227, %swap3A_1228], %div3A_1117 {strides = array<i32>} : memref<8x32xf32, #tpu.memory_space<vmem>>, vector<16xf32>,
    %swap3A_1230 = arith.constant 7 : i32
    %swap3A_1231 = arith.index_cast %swap3A_1230 : i32 to index
    %swap3A_1232 = arith.constant 0 : index
    %swap3A_1233 = tpu.vector_load %arg9[%swap3A_1231, %swap3A_1232] {strides = array<i32>} : memref<8x32xf32, #tpu.memory_space<vmem>>, vector<16xf32>,
    tpu.vector_store %arg9[%swap3A_1231, %swap3A_1232], %div3A_1118 {strides = array<i32>} : memref<8x32xf32, #tpu.memory_space<vmem>>, vector<16xf32>,
    %div3A_1234 = arith.divf %max3A_1125, %add3A_1201 : vector<16xf32>
    %swap3A_1235 = arith.constant 0 : i32
    %swap3A_1236 = arith.index_cast %swap3A_1235 : i32 to index
    %swap3A_1237 = arith.constant 0 : index
    %swap3A_1238 = tpu.vector_load %arg10[%swap3A_1236, %swap3A_1237] {strides = array<i32>} : memref<2x32xf32, #tpu.memory_space<vmem>>, vector<16xf32>,
    tpu.vector_store %arg10[%swap3A_1236, %swap3A_1237], %div3A_1234 {strides = array<i32>} : memref<2x32xf32, #tpu.memory_space<vmem>>, vector<16xf32>,
    %div3A_1239 = arith.divf %max3A_1182, %add3A_1201 : vector<16xf32>
    %swap3A_1240 = arith.constant 1 : i32
    %swap3A_1241 = arith.index_cast %swap3A_1240 : i32 to index
    %swap3A_1242 = arith.constant 0 : index
    %swap3A_1243 = tpu.vector_load %arg10[%swap3A_1241, %swap3A_1242] {strides = array<i32>} : memref<2x32xf32, #tpu.memory_space<vmem>>, vector<16xf32>,
    tpu.vector_store %arg10[%swap3A_1241, %swap3A_1242], %div3A_1239 {strides = array<i32>} : memref<2x32xf32, #tpu.memory_space<vmem>>, vector<16xf32>,
    %swap3A_1244 = arith.constant 0 : i32
    %swap3A_1245 = arith.index_cast %swap3A_1244 : i32 to index
    %swap3A_1246 = arith.constant 0 : index
    %swap3A_1247 = tpu.vector_load %arg11[%swap3A_1245, %swap3A_1246] {strides = array<i32>} : memref<2x32xi32, #tpu.memory_space<vmem>>, vector<16xi32>,
    tpu.vector_store %arg11[%swap3A_1245, %swap3A_1246], %select_n3A_1143 {strides = array<i32>} : memref<2x32xi32, #tpu.memory_space<vmem>>, vector<16xi32>,
    %swap3A_1248 = arith.constant 1 : i32
    %swap3A_1249 = arith.index_cast %swap3A_1248 : i32 to index
    %swap3A_1250 = arith.constant 0 : index
    %swap3A_1251 = tpu.vector_load %arg11[%swap3A_1249, %swap3A_1250] {strides = array<i32>} : memref<2x32xi32, #tpu.memory_space<vmem>>, vector<16xi32>,
    tpu.vector_store %arg11[%swap3A_1249, %swap3A_1250], %select_n3A_1200 {strides = array<i32>} : memref<2x32xi32, #tpu.memory_space<vmem>>, vector<16xi32>,
    %max3A_1252 = arith.maximumf %scan3A_1079#8, %scan3A_1079#9 : vector<16xf32>
    %max3A_1253 = arith.maximumf %scan3A_1079#10, %scan3A_1079#11 : vector<16xf32>
    %max3A_1254 = arith.maximumf %scan3A_1079#12, %scan3A_1079#13 : vector<16xf32>
    %max3A_1255 = arith.maximumf %scan3A_1079#14, %scan3A_1079#15 : vector<16xf32>
    %max3A_1256 = arith.maximumf %max3A_1252, %max3A_1253 : vector<16xf32>
    %max3A_1257 = arith.maximumf %max3A_1254, %max3A_1255 : vector<16xf32>
    %max3A_1258 = arith.maximumf %max3A_1256, %max3A_1257 : vector<16xf32>
    %sub3A_1259 = arith.subf %scan3A_1079#8, %max3A_1258 : vector<16xf32>
    %exp3A_1260 = math.exp %sub3A_1259 : vector<16xf32>
    %sub3A_1261 = arith.subf %scan3A_1079#9, %max3A_1258 : vector<16xf32>
    %exp3A_1262 = math.exp %sub3A_1261 : vector<16xf32>
    %sub3A_1263 = arith.subf %scan3A_1079#10, %max3A_1258 : vector<16xf32>
    %exp3A_1264 = math.exp %sub3A_1263 : vector<16xf32>
    %sub3A_1265 = arith.subf %scan3A_1079#11, %max3A_1258 : vector<16xf32>
    %exp3A_1266 = math.exp %sub3A_1265 : vector<16xf32>
    %sub3A_1267 = arith.subf %scan3A_1079#12, %max3A_1258 : vector<16xf32>
    %exp3A_1268 = math.exp %sub3A_1267 : vector<16xf32>
    %sub3A_1269 = arith.subf %scan3A_1079#13, %max3A_1258 : vector<16xf32>
    %exp3A_1270 = math.exp %sub3A_1269 : vector<16xf32>
    %sub3A_1271 = arith.subf %scan3A_1079#14, %max3A_1258 : vector<16xf32>
    %exp3A_1272 = math.exp %sub3A_1271 : vector<16xf32>
    %sub3A_1273 = arith.subf %scan3A_1079#15, %max3A_1258 : vector<16xf32>
    %exp3A_1274 = math.exp %sub3A_1273 : vector<16xf32>
    %add3A_1275 = arith.addf %exp3A_1260, %exp3A_1262 : vector<16xf32>
    %add3A_1276 = arith.addf %add3A_1275, %exp3A_1264 : vector<16xf32>
    %add3A_1277 = arith.addf %add3A_1276, %exp3A_1266 : vector<16xf32>
    %add3A_1278 = arith.addf %add3A_1277, %exp3A_1268 : vector<16xf32>
    %add3A_1279 = arith.addf %add3A_1278, %exp3A_1270 : vector<16xf32>
    %add3A_1280 = arith.addf %add3A_1279, %exp3A_1272 : vector<16xf32>
    %add3A_1281 = arith.addf %add3A_1280, %exp3A_1274 : vector<16xf32>
    %div3A_1282 = arith.divf %exp3A_1260, %add3A_1281 : vector<16xf32>
    %div3A_1283 = arith.divf %exp3A_1262, %add3A_1281 : vector<16xf32>
    %div3A_1284 = arith.divf %exp3A_1264, %add3A_1281 : vector<16xf32>
    %div3A_1285 = arith.divf %exp3A_1266, %add3A_1281 : vector<16xf32>
    %div3A_1286 = arith.divf %exp3A_1268, %add3A_1281 : vector<16xf32>
    %div3A_1287 = arith.divf %exp3A_1270, %add3A_1281 : vector<16xf32>
    %div3A_1288 = arith.divf %exp3A_1272, %add3A_1281 : vector<16xf32>
    %div3A_1289 = arith.divf %exp3A_1274, %add3A_1281 : vector<16xf32>
    %max3A_1290 = arith.maximumf %div3A_1282, %div3A_1283 : vector<16xf32>
    %max3A_1291 = arith.maximumf %div3A_1284, %div3A_1285 : vector<16xf32>
    %max3A_1292 = arith.maximumf %div3A_1286, %div3A_1287 : vector<16xf32>
    %max3A_1293 = arith.maximumf %div3A_1288, %div3A_1289 : vector<16xf32>
    %max3A_1294 = arith.maximumf %max3A_1290, %max3A_1291 : vector<16xf32>
    %max3A_1295 = arith.maximumf %max3A_1292, %max3A_1293 : vector<16xf32>
    %max3A_1296 = arith.maximumf %max3A_1294, %max3A_1295 : vector<16xf32>
    %broadcast_in_dim3A_1297 = arith.constant 8 : i32
    %broadcast_in_dim3A_1298 = vector.broadcast %broadcast_in_dim3A_1297 : i32 to vector<16xi32>
    %eq3A_1299 = arith.cmpf oeq, %div3A_1289, %max3A_1296 : vector<16xf32>
    %select_n3A_1300 = arith.select %eq3A_1299, %broadcast_in_dim3A_21, %broadcast_in_dim3A_1298 : vector<16xi1>, vector<16xi32>
    %eq3A_1301 = arith.cmpf oeq, %div3A_1288, %max3A_1296 : vector<16xf32>
    %select_n3A_1302 = arith.select %eq3A_1301, %broadcast_in_dim3A_19, %select_n3A_1300 : vector<16xi1>, vector<16xi32>
    %eq3A_1303 = arith.cmpf oeq, %div3A_1287, %max3A_1296 : vector<16xf32>
    %select_n3A_1304 = arith.select %eq3A_1303, %broadcast_in_dim3A_17, %select_n3A_1302 : vector<16xi1>, vector<16xi32>
    %eq3A_1305 = arith.cmpf oeq, %div3A_1286, %max3A_1296 : vector<16xf32>
    %select_n3A_1306 = arith.select %eq3A_1305, %broadcast_in_dim3A_15, %select_n3A_1304 : vector<16xi1>, vector<16xi32>
    %eq3A_1307 = arith.cmpf oeq, %div3A_1285, %max3A_1296 : vector<16xf32>
    %select_n3A_1308 = arith.select %eq3A_1307, %broadcast_in_dim3A_13, %select_n3A_1306 : vector<16xi1>, vector<16xi32>
    %eq3A_1309 = arith.cmpf oeq, %div3A_1284, %max3A_1296 : vector<16xf32>
    %select_n3A_1310 = arith.select %eq3A_1309, %broadcast_in_dim3A_11, %select_n3A_1308 : vector<16xi1>, vector<16xi32>
    %eq3A_1311 = arith.cmpf oeq, %div3A_1283, %max3A_1296 : vector<16xf32>
    %select_n3A_1312 = arith.select %eq3A_1311, %broadcast_in_dim3A_9, %select_n3A_1310 : vector<16xi1>, vector<16xi32>
    %eq3A_1313 = arith.cmpf oeq, %div3A_1282, %max3A_1296 : vector<16xf32>
    %select_n3A_1314 = arith.select %eq3A_1313, %broadcast_in_dim3A_7, %select_n3A_1312 : vector<16xi1>, vector<16xi32>
    %eq3A_1315 = arith.cmpi eq, %broadcast_in_dim3A_7, %select_n3A_1314 : vector<16xi32>
    %jit3A_1316 = arith.constant -1.000000e+00 : f32
    %broadcast_in_dim3A_1317 = vector.broadcast %jit3A_1316 : f32 to vector<16xf32>
    %select_n3A_1318 = arith.select %eq3A_1315, %broadcast_in_dim3A_1317, %div3A_1282 : vector<16xi1>, vector<16xf32>
    %eq3A_1319 = arith.cmpi eq, %broadcast_in_dim3A_9, %select_n3A_1314 : vector<16xi32>
    %jit3A_1320 = arith.constant -1.000000e+00 : f32
    %broadcast_in_dim3A_1321 = vector.broadcast %jit3A_1320 : f32 to vector<16xf32>
    %select_n3A_1322 = arith.select %eq3A_1319, %broadcast_in_dim3A_1321, %div3A_1283 : vector<16xi1>, vector<16xf32>
    %eq3A_1323 = arith.cmpi eq, %broadcast_in_dim3A_11, %select_n3A_1314 : vector<16xi32>
    %jit3A_1324 = arith.constant -1.000000e+00 : f32
    %broadcast_in_dim3A_1325 = vector.broadcast %jit3A_1324 : f32 to vector<16xf32>
    %select_n3A_1326 = arith.select %eq3A_1323, %broadcast_in_dim3A_1325, %div3A_1284 : vector<16xi1>, vector<16xf32>
    %eq3A_1327 = arith.cmpi eq, %broadcast_in_dim3A_13, %select_n3A_1314 : vector<16xi32>
    %jit3A_1328 = arith.constant -1.000000e+00 : f32
    %broadcast_in_dim3A_1329 = vector.broadcast %jit3A_1328 : f32 to vector<16xf32>
    %select_n3A_1330 = arith.select %eq3A_1327, %broadcast_in_dim3A_1329, %div3A_1285 : vector<16xi1>, vector<16xf32>
    %eq3A_1331 = arith.cmpi eq, %broadcast_in_dim3A_15, %select_n3A_1314 : vector<16xi32>
    %jit3A_1332 = arith.constant -1.000000e+00 : f32
    %broadcast_in_dim3A_1333 = vector.broadcast %jit3A_1332 : f32 to vector<16xf32>
    %select_n3A_1334 = arith.select %eq3A_1331, %broadcast_in_dim3A_1333, %div3A_1286 : vector<16xi1>, vector<16xf32>
    %eq3A_1335 = arith.cmpi eq, %broadcast_in_dim3A_17, %select_n3A_1314 : vector<16xi32>
    %jit3A_1336 = arith.constant -1.000000e+00 : f32
    %broadcast_in_dim3A_1337 = vector.broadcast %jit3A_1336 : f32 to vector<16xf32>
    %select_n3A_1338 = arith.select %eq3A_1335, %broadcast_in_dim3A_1337, %div3A_1287 : vector<16xi1>, vector<16xf32>
    %eq3A_1339 = arith.cmpi eq, %broadcast_in_dim3A_19, %select_n3A_1314 : vector<16xi32>
    %jit3A_1340 = arith.constant -1.000000e+00 : f32
    %broadcast_in_dim3A_1341 = vector.broadcast %jit3A_1340 : f32 to vector<16xf32>
    %select_n3A_1342 = arith.select %eq3A_1339, %broadcast_in_dim3A_1341, %div3A_1288 : vector<16xi1>, vector<16xf32>
    %eq3A_1343 = arith.cmpi eq, %broadcast_in_dim3A_21, %select_n3A_1314 : vector<16xi32>
    %jit3A_1344 = arith.constant -1.000000e+00 : f32
    %broadcast_in_dim3A_1345 = vector.broadcast %jit3A_1344 : f32 to vector<16xf32>
    %select_n3A_1346 = arith.select %eq3A_1343, %broadcast_in_dim3A_1345, %div3A_1289 : vector<16xi1>, vector<16xf32>
    %max3A_1347 = arith.maximumf %select_n3A_1318, %select_n3A_1322 : vector<16xf32>
    %max3A_1348 = arith.maximumf %select_n3A_1326, %select_n3A_1330 : vector<16xf32>
    %max3A_1349 = arith.maximumf %select_n3A_1334, %select_n3A_1338 : vector<16xf32>
    %max3A_1350 = arith.maximumf %select_n3A_1342, %select_n3A_1346 : vector<16xf32>
    %max3A_1351 = arith.maximumf %max3A_1347, %max3A_1348 : vector<16xf32>
    %max3A_1352 = arith.maximumf %max3A_1349, %max3A_1350 : vector<16xf32>
    %max3A_1353 = arith.maximumf %max3A_1351, %max3A_1352 : vector<16xf32>
    %broadcast_in_dim3A_1354 = arith.constant 8 : i32
    %broadcast_in_dim3A_1355 = vector.broadcast %broadcast_in_dim3A_1354 : i32 to vector<16xi32>
    %eq3A_1356 = arith.cmpf oeq, %select_n3A_1346, %max3A_1353 : vector<16xf32>
    %select_n3A_1357 = arith.select %eq3A_1356, %broadcast_in_dim3A_21, %broadcast_in_dim3A_1355 : vector<16xi1>, vector<16xi32>
    %eq3A_1358 = arith.cmpf oeq, %select_n3A_1342, %max3A_1353 : vector<16xf32>
    %select_n3A_1359 = arith.select %eq3A_1358, %broadcast_in_dim3A_19, %select_n3A_1357 : vector<16xi1>, vector<16xi32>
    %eq3A_1360 = arith.cmpf oeq, %select_n3A_1338, %max3A_1353 : vector<16xf32>
    %select_n3A_1361 = arith.select %eq3A_1360, %broadcast_in_dim3A_17, %select_n3A_1359 : vector<16xi1>, vector<16xi32>
    %eq3A_1362 = arith.cmpf oeq, %select_n3A_1334, %max3A_1353 : vector<16xf32>
    %select_n3A_1363 = arith.select %eq3A_1362, %broadcast_in_dim3A_15, %select_n3A_1361 : vector<16xi1>, vector<16xi32>
    %eq3A_1364 = arith.cmpf oeq, %select_n3A_1330, %max3A_1353 : vector<16xf32>
    %select_n3A_1365 = arith.select %eq3A_1364, %broadcast_in_dim3A_13, %select_n3A_1363 : vector<16xi1>, vector<16xi32>
    %eq3A_1366 = arith.cmpf oeq, %select_n3A_1326, %max3A_1353 : vector<16xf32>
    %select_n3A_1367 = arith.select %eq3A_1366, %broadcast_in_dim3A_11, %select_n3A_1365 : vector<16xi1>, vector<16xi32>
    %eq3A_1368 = arith.cmpf oeq, %select_n3A_1322, %max3A_1353 : vector<16xf32>
    %select_n3A_1369 = arith.select %eq3A_1368, %broadcast_in_dim3A_9, %select_n3A_1367 : vector<16xi1>, vector<16xi32>
    %eq3A_1370 = arith.cmpf oeq, %select_n3A_1318, %max3A_1353 : vector<16xf32>
    %select_n3A_1371 = arith.select %eq3A_1370, %broadcast_in_dim3A_7, %select_n3A_1369 : vector<16xi1>, vector<16xi32>
    %add3A_1372 = arith.addf %max3A_1296, %max3A_1353 : vector<16xf32>
    %swap3A_1373 = arith.constant 0 : i32
    %swap3A_1374 = arith.index_cast %swap3A_1373 : i32 to index
    %swap3A_1375 = arith.constant 16 : index
    %swap3A_1376 = tpu.vector_load %arg9[%swap3A_1374, %swap3A_1375] {strides = array<i32>} : memref<8x32xf32, #tpu.memory_space<vmem>>, vector<16xf32>,
    tpu.vector_store %arg9[%swap3A_1374, %swap3A_1375], %div3A_1282 {strides = array<i32>} : memref<8x32xf32, #tpu.memory_space<vmem>>, vector<16xf32>,
    %swap3A_1377 = arith.constant 1 : i32
    %swap3A_1378 = arith.index_cast %swap3A_1377 : i32 to index
    %swap3A_1379 = arith.constant 16 : index
    %swap3A_1380 = tpu.vector_load %arg9[%swap3A_1378, %swap3A_1379] {strides = array<i32>} : memref<8x32xf32, #tpu.memory_space<vmem>>, vector<16xf32>,
    tpu.vector_store %arg9[%swap3A_1378, %swap3A_1379], %div3A_1283 {strides = array<i32>} : memref<8x32xf32, #tpu.memory_space<vmem>>, vector<16xf32>,
    %swap3A_1381 = arith.constant 2 : i32
    %swap3A_1382 = arith.index_cast %swap3A_1381 : i32 to index
    %swap3A_1383 = arith.constant 16 : index
    %swap3A_1384 = tpu.vector_load %arg9[%swap3A_1382, %swap3A_1383] {strides = array<i32>} : memref<8x32xf32, #tpu.memory_space<vmem>>, vector<16xf32>,
    tpu.vector_store %arg9[%swap3A_1382, %swap3A_1383], %div3A_1284 {strides = array<i32>} : memref<8x32xf32, #tpu.memory_space<vmem>>, vector<16xf32>,
    %swap3A_1385 = arith.constant 3 : i32
    %swap3A_1386 = arith.index_cast %swap3A_1385 : i32 to index
    %swap3A_1387 = arith.constant 16 : index
    %swap3A_1388 = tpu.vector_load %arg9[%swap3A_1386, %swap3A_1387] {strides = array<i32>} : memref<8x32xf32, #tpu.memory_space<vmem>>, vector<16xf32>,
    tpu.vector_store %arg9[%swap3A_1386, %swap3A_1387], %div3A_1285 {strides = array<i32>} : memref<8x32xf32, #tpu.memory_space<vmem>>, vector<16xf32>,
    %swap3A_1389 = arith.constant 4 : i32
    %swap3A_1390 = arith.index_cast %swap3A_1389 : i32 to index
    %swap3A_1391 = arith.constant 16 : index
    %swap3A_1392 = tpu.vector_load %arg9[%swap3A_1390, %swap3A_1391] {strides = array<i32>} : memref<8x32xf32, #tpu.memory_space<vmem>>, vector<16xf32>,
    tpu.vector_store %arg9[%swap3A_1390, %swap3A_1391], %div3A_1286 {strides = array<i32>} : memref<8x32xf32, #tpu.memory_space<vmem>>, vector<16xf32>,
    %swap3A_1393 = arith.constant 5 : i32
    %swap3A_1394 = arith.index_cast %swap3A_1393 : i32 to index
    %swap3A_1395 = arith.constant 16 : index
    %swap3A_1396 = tpu.vector_load %arg9[%swap3A_1394, %swap3A_1395] {strides = array<i32>} : memref<8x32xf32, #tpu.memory_space<vmem>>, vector<16xf32>,
    tpu.vector_store %arg9[%swap3A_1394, %swap3A_1395], %div3A_1287 {strides = array<i32>} : memref<8x32xf32, #tpu.memory_space<vmem>>, vector<16xf32>,
    %swap3A_1397 = arith.constant 6 : i32
    %swap3A_1398 = arith.index_cast %swap3A_1397 : i32 to index
    %swap3A_1399 = arith.constant 16 : index
    %swap3A_1400 = tpu.vector_load %arg9[%swap3A_1398, %swap3A_1399] {strides = array<i32>} : memref<8x32xf32, #tpu.memory_space<vmem>>, vector<16xf32>,
    tpu.vector_store %arg9[%swap3A_1398, %swap3A_1399], %div3A_1288 {strides = array<i32>} : memref<8x32xf32, #tpu.memory_space<vmem>>, vector<16xf32>,
    %swap3A_1401 = arith.constant 7 : i32
    %swap3A_1402 = arith.index_cast %swap3A_1401 : i32 to index
    %swap3A_1403 = arith.constant 16 : index
    %swap3A_1404 = tpu.vector_load %arg9[%swap3A_1402, %swap3A_1403] {strides = array<i32>} : memref<8x32xf32, #tpu.memory_space<vmem>>, vector<16xf32>,
    tpu.vector_store %arg9[%swap3A_1402, %swap3A_1403], %div3A_1289 {strides = array<i32>} : memref<8x32xf32, #tpu.memory_space<vmem>>, vector<16xf32>,
    %div3A_1405 = arith.divf %max3A_1296, %add3A_1372 : vector<16xf32>
    %swap3A_1406 = arith.constant 0 : i32
    %swap3A_1407 = arith.index_cast %swap3A_1406 : i32 to index
    %swap3A_1408 = arith.constant 16 : index
    %swap3A_1409 = tpu.vector_load %arg10[%swap3A_1407, %swap3A_1408] {strides = array<i32>} : memref<2x32xf32, #tpu.memory_space<vmem>>, vector<16xf32>,
    tpu.vector_store %arg10[%swap3A_1407, %swap3A_1408], %div3A_1405 {strides = array<i32>} : memref<2x32xf32, #tpu.memory_space<vmem>>, vector<16xf32>,
    %div3A_1410 = arith.divf %max3A_1353, %add3A_1372 : vector<16xf32>
    %swap3A_1411 = arith.constant 1 : i32
    %swap3A_1412 = arith.index_cast %swap3A_1411 : i32 to index
    %swap3A_1413 = arith.constant 16 : index
    %swap3A_1414 = tpu.vector_load %arg10[%swap3A_1412, %swap3A_1413] {strides = array<i32>} : memref<2x32xf32, #tpu.memory_space<vmem>>, vector<16xf32>,
    tpu.vector_store %arg10[%swap3A_1412, %swap3A_1413], %div3A_1410 {strides = array<i32>} : memref<2x32xf32, #tpu.memory_space<vmem>>, vector<16xf32>,
    %swap3A_1415 = arith.constant 0 : i32
    %swap3A_1416 = arith.index_cast %swap3A_1415 : i32 to index
    %swap3A_1417 = arith.constant 16 : index
    %swap3A_1418 = tpu.vector_load %arg11[%swap3A_1416, %swap3A_1417] {strides = array<i32>} : memref<2x32xi32, #tpu.memory_space<vmem>>, vector<16xi32>,
    tpu.vector_store %arg11[%swap3A_1416, %swap3A_1417], %select_n3A_1314 {strides = array<i32>} : memref<2x32xi32, #tpu.memory_space<vmem>>, vector<16xi32>,
    %swap3A_1419 = arith.constant 1 : i32
    %swap3A_1420 = arith.index_cast %swap3A_1419 : i32 to index
    %swap3A_1421 = arith.constant 16 : index
    %swap3A_1422 = tpu.vector_load %arg11[%swap3A_1420, %swap3A_1421] {strides = array<i32>} : memref<2x32xi32, #tpu.memory_space<vmem>>, vector<16xi32>,
    tpu.vector_store %arg11[%swap3A_1420, %swap3A_1421], %select_n3A_1371 {strides = array<i32>} : memref<2x32xi32, #tpu.memory_space<vmem>>, vector<16xi32>,
    "tpu.region"() ({
      %run_scoped3A = tpu.sem_alloc : memref<!tpu.dma_semaphore, #tpu.memory_space<semaphore_mem>>
      %dma_start3A = arith.constant 0 : i32
      %dma_start3A_1423 = tpu.memref_slice %arg6[%dma_start3A, %add3A_1074] : memref<8x4096xf32, #tpu.memory_space<hbm>> -> memref<8x32xf32, #tpu.memory_space<hbm>>
      %dma_start3A_1424 = arith.constant 0 : i32
      %dma_start3A_1425 = tpu.memref_slice %arg6[%dma_start3A_1424, %add3A_1074] : memref<8x4096xf32, #tpu.memory_space<hbm>> -> memref<8x32xf32, #tpu.memory_space<hbm>>
      tpu.enqueue_dma source(%arg9 : memref<8x32xf32, #tpu.memory_space<vmem>>) target(%dma_start3A_1425 : memref<8x32xf32, #tpu.memory_space<hbm>>) target_semaphore(%run_scoped3A : memref<!tpu.dma_semaphore, #tpu.memory_space<semaphore_mem>>)
      %dma_wait3A = arith.constant 0 : i32
      %dma_wait3A_1426 = tpu.memref_slice %arg6[%dma_wait3A, %add3A_1074] : memref<8x4096xf32, #tpu.memory_space<hbm>> -> memref<8x32xf32, #tpu.memory_space<hbm>>
      %dma_wait3A_1427 = arith.constant 0 : i32
      %dma_wait3A_1428 = tpu.memref_slice %arg6[%dma_wait3A_1427, %add3A_1074] : memref<8x4096xf32, #tpu.memory_space<hbm>> -> memref<8x32xf32, #tpu.memory_space<hbm>>
      tpu.wait_dma2 semaphore(%run_scoped3A : memref<!tpu.dma_semaphore, #tpu.memory_space<semaphore_mem>>) src(%arg9 : memref<8x32xf32, #tpu.memory_space<vmem>>) dst(%dma_wait3A_1428 : memref<8x32xf32, #tpu.memory_space<hbm>>)
      tpu.yield
    }) : () -> ()
    "tpu.region"() ({
      %run_scoped3A = tpu.sem_alloc : memref<!tpu.dma_semaphore, #tpu.memory_space<semaphore_mem>>
      %dma_start3A = arith.constant 0 : i32
      %dma_start3A_1423 = tpu.memref_slice %arg4[%dma_start3A, %add3A_1074] : memref<2x4096xf32, #tpu.memory_space<hbm>> -> memref<2x32xf32, #tpu.memory_space<hbm>>
      %dma_start3A_1424 = arith.constant 0 : i32
      %dma_start3A_1425 = tpu.memref_slice %arg4[%dma_start3A_1424, %add3A_1074] : memref<2x4096xf32, #tpu.memory_space<hbm>> -> memref<2x32xf32, #tpu.memory_space<hbm>>
      tpu.enqueue_dma source(%arg10 : memref<2x32xf32, #tpu.memory_space<vmem>>) target(%dma_start3A_1425 : memref<2x32xf32, #tpu.memory_space<hbm>>) target_semaphore(%run_scoped3A : memref<!tpu.dma_semaphore, #tpu.memory_space<semaphore_mem>>)
      %dma_wait3A = arith.constant 0 : i32
      %dma_wait3A_1426 = tpu.memref_slice %arg4[%dma_wait3A, %add3A_1074] : memref<2x4096xf32, #tpu.memory_space<hbm>> -> memref<2x32xf32, #tpu.memory_space<hbm>>
      %dma_wait3A_1427 = arith.constant 0 : i32
      %dma_wait3A_1428 = tpu.memref_slice %arg4[%dma_wait3A_1427, %add3A_1074] : memref<2x4096xf32, #tpu.memory_space<hbm>> -> memref<2x32xf32, #tpu.memory_space<hbm>>
      tpu.wait_dma2 semaphore(%run_scoped3A : memref<!tpu.dma_semaphore, #tpu.memory_space<semaphore_mem>>) src(%arg10 : memref<2x32xf32, #tpu.memory_space<vmem>>) dst(%dma_wait3A_1428 : memref<2x32xf32, #tpu.memory_space<hbm>>)
      tpu.yield
    }) : () -> ()
    "tpu.region"() ({
      %run_scoped3A = tpu.sem_alloc : memref<!tpu.dma_semaphore, #tpu.memory_space<semaphore_mem>>
      %dma_start3A = arith.constant 0 : i32
      %dma_start3A_1423 = tpu.memref_slice %arg5[%dma_start3A, %add3A_1074] : memref<2x4096xi32, #tpu.memory_space<hbm>> -> memref<2x32xi32, #tpu.memory_space<hbm>>
      %dma_start3A_1424 = arith.constant 0 : i32
      %dma_start3A_1425 = tpu.memref_slice %arg5[%dma_start3A_1424, %add3A_1074] : memref<2x4096xi32, #tpu.memory_space<hbm>> -> memref<2x32xi32, #tpu.memory_space<hbm>>
      tpu.enqueue_dma source(%arg11 : memref<2x32xi32, #tpu.memory_space<vmem>>) target(%dma_start3A_1425 : memref<2x32xi32, #tpu.memory_space<hbm>>) target_semaphore(%run_scoped3A : memref<!tpu.dma_semaphore, #tpu.memory_space<semaphore_mem>>)
      %dma_wait3A = arith.constant 0 : i32
      %dma_wait3A_1426 = tpu.memref_slice %arg5[%dma_wait3A, %add3A_1074] : memref<2x4096xi32, #tpu.memory_space<hbm>> -> memref<2x32xi32, #tpu.memory_space<hbm>>
      %dma_wait3A_1427 = arith.constant 0 : i32
      %dma_wait3A_1428 = tpu.memref_slice %arg5[%dma_wait3A_1427, %add3A_1074] : memref<2x4096xi32, #tpu.memory_space<hbm>> -> memref<2x32xi32, #tpu.memory_space<hbm>>
      tpu.wait_dma2 semaphore(%run_scoped3A : memref<!tpu.dma_semaphore, #tpu.memory_space<semaphore_mem>>) src(%arg11 : memref<2x32xi32, #tpu.memory_space<vmem>>) dst(%dma_wait3A_1428 : memref<2x32xi32, #tpu.memory_space<hbm>>)
      tpu.yield
    }) : () -> ()
    return
  }
}

module attributes {stable_mosaic.version = 14 : i64} {
  func.func @_tc_body(%arg0: i32, %arg1: memref<4096x768xf32, #tpu.memory_space<vmem>>, %arg2: memref<768x128xf32, #tpu.memory_space<vmem>>, %arg3: memref<2x4096xf32, #tpu.memory_space<vmem>>, %arg4: memref<2x4096xi32, #tpu.memory_space<vmem>>, %arg5: memref<8x4096xf32, #tpu.memory_space<vmem>>) attributes {dimension_semantics = [#tpu.dimension_semantics<arbitrary>], iteration_bounds = array<i64: 7>, scalar_prefetch = 0 : i64, scratch_operands = 0 : i64, tpu.core_type = #tpu.core_type<tc>, window_params = [{transform_indices = @transform_0, window_bounds = array<i64: 4096, 768>}, {pipeline_mode = #tpu.pipeline_mode<synchronous>, transform_indices = @transform_1, window_bounds = array<i64: 768, 128>}, {transform_indices = @transform_2, window_bounds = array<i64: 2, 4096>}, {transform_indices = @transform_3, window_bounds = array<i64: 2, 4096>}, {transform_indices = @transform_4, window_bounds = array<i64: 8, 4096>}]} {
    %get3A = arith.constant 0 : index
    %get3A_0 = arith.constant 0 : index
    %get3A_1 = vector.load %arg1[%get3A, %get3A_0] : memref<4096x768xf32, #tpu.memory_space<vmem>>, vector<4096x768xf32>
    %get3A_2 = arith.constant 0 : index
    %get3A_3 = arith.constant 0 : index
    %get3A_4 = vector.load %arg2[%get3A_2, %get3A_3] : memref<768x128xf32, #tpu.memory_space<vmem>>, vector<768x128xf32>
    %dot_general3A = arith.constant dense<0.000000e+00> : vector<4096x128xf32>
    %dot_general3A_5 = tpu.matmul %get3A_1, %get3A_4, %dot_general3A {dimension_numbers = #tpu.dot_dimension_numbers<[1], [0], [0], [1], [0, 0, 1, 1], [], []>, transpose_lhs_hint = false} : vector<4096x768xf32>, vector<768x128xf32>, vector<4096x128xf32> -> vector<4096x128xf32>
    %transpose3A = tpu.transpose %dot_general3A_5, [1, 0] : vector<4096x128xf32> -> vector<128x4096xf32>
    %slice3A = vector.extract_strided_slice %transpose3A {offsets = [0, 0], sizes = [8, 4096], strides = [1, 1]} : vector<128x4096xf32> to vector<8x4096xf32>
    %iota3A = tpu.iota {dimensions = array<i32: 0>} : vector<8x4096xi32>
    %reduce_max3A = arith.constant dense<0xFF800000> : vector<4096xf32>
    %reduce_max3A_6 = vector.multi_reduction <maximumf>, %slice3A, %reduce_max3A [0] : vector<8x4096xf32> to vector<4096xf32>
    %broadcast_in_dim3A = vector.shape_cast %reduce_max3A_6 : vector<4096xf32> to vector<1x4096xf32>
    %sub3A = vector.broadcast %broadcast_in_dim3A : vector<1x4096xf32> to vector<8x4096xf32>
    %sub3A_7 = arith.subf %slice3A, %sub3A : vector<8x4096xf32>
    %exp3A = math.exp %sub3A_7 : vector<8x4096xf32>
    %reduce_sum3A = arith.constant dense<0.000000e+00> : vector<4096xf32>
    %reduce_sum3A_8 = vector.multi_reduction <add>, %exp3A, %reduce_sum3A [0] : vector<8x4096xf32> to vector<4096xf32>
    %broadcast_in_dim3A_9 = vector.shape_cast %reduce_sum3A_8 : vector<4096xf32> to vector<1x4096xf32>
    %div3A = vector.broadcast %broadcast_in_dim3A_9 : vector<1x4096xf32> to vector<8x4096xf32>
    %div3A_10 = arith.divf %exp3A, %div3A : vector<8x4096xf32>
    %reduce_max3A_11 = arith.constant dense<0xFF800000> : vector<4096xf32>
    %reduce_max3A_12 = vector.multi_reduction <maximumf>, %div3A_10, %reduce_max3A_11 [0] : vector<8x4096xf32> to vector<4096xf32>
    %broadcast_in_dim3A_13 = vector.shape_cast %reduce_max3A_12 : vector<4096xf32> to vector<1x4096xf32>
    %eq3A = vector.broadcast %broadcast_in_dim3A_13 : vector<1x4096xf32> to vector<8x4096xf32>
    %eq3A_14 = arith.cmpf oeq, %div3A_10, %eq3A : vector<8x4096xf32>
    %jit3A = arith.constant 8 : i32
    %broadcast_in_dim3A_15 = vector.broadcast %jit3A : i32 to vector<8x4096xi32>
    %select_n3A = arith.select %eq3A_14, %iota3A, %broadcast_in_dim3A_15 : vector<8x4096xi1>, vector<8x4096xi32>
    %reduce_min3A = arith.constant dense<2147483647> : vector<4096xi32>
    %reduce_min3A_16 = vector.multi_reduction <minsi>, %select_n3A, %reduce_min3A [0] : vector<8x4096xi32> to vector<4096xi32>
    %broadcast_in_dim3A_17 = vector.shape_cast %reduce_min3A_16 : vector<4096xi32> to vector<1x4096xi32>
    %eq3A_18 = vector.broadcast %broadcast_in_dim3A_17 : vector<1x4096xi32> to vector<8x4096xi32>
    %eq3A_19 = arith.cmpi eq, %iota3A, %eq3A_18 : vector<8x4096xi32>
    %jit3A_20 = arith.constant -1.000000e+00 : f32
    %broadcast_in_dim3A_21 = vector.broadcast %jit3A_20 : f32 to vector<8x4096xf32>
    %select_n3A_22 = arith.select %eq3A_19, %broadcast_in_dim3A_21, %div3A_10 : vector<8x4096xi1>, vector<8x4096xf32>
    %reduce_max3A_23 = arith.constant dense<0xFF800000> : vector<4096xf32>
    %reduce_max3A_24 = vector.multi_reduction <maximumf>, %select_n3A_22, %reduce_max3A_23 [0] : vector<8x4096xf32> to vector<4096xf32>
    %broadcast_in_dim3A_25 = vector.shape_cast %reduce_max3A_24 : vector<4096xf32> to vector<1x4096xf32>
    %eq3A_26 = vector.broadcast %broadcast_in_dim3A_25 : vector<1x4096xf32> to vector<8x4096xf32>
    %eq3A_27 = arith.cmpf oeq, %select_n3A_22, %eq3A_26 : vector<8x4096xf32>
    %jit3A_28 = arith.constant 8 : i32
    %broadcast_in_dim3A_29 = vector.broadcast %jit3A_28 : i32 to vector<8x4096xi32>
    %select_n3A_30 = arith.select %eq3A_27, %iota3A, %broadcast_in_dim3A_29 : vector<8x4096xi1>, vector<8x4096xi32>
    %reduce_min3A_31 = arith.constant dense<2147483647> : vector<4096xi32>
    %reduce_min3A_32 = vector.multi_reduction <minsi>, %select_n3A_30, %reduce_min3A_31 [0] : vector<8x4096xi32> to vector<4096xi32>
    %broadcast_in_dim3A_33 = vector.shape_cast %reduce_min3A_32 : vector<4096xi32> to vector<1x4096xi32>
    %add3A = arith.addf %broadcast_in_dim3A_13, %broadcast_in_dim3A_25 : vector<1x4096xf32>
    %swap3A = arith.constant 0 : index
    %swap3A_34 = arith.constant 0 : index
    %swap3A_35 = vector.load %arg5[%swap3A, %swap3A_34] : memref<8x4096xf32, #tpu.memory_space<vmem>>, vector<8x4096xf32>
    tpu.vector_store %arg5[%swap3A, %swap3A_34], %div3A_10 {strides = array<i32>} : memref<8x4096xf32, #tpu.memory_space<vmem>>, vector<8x4096xf32>,
    %div3A_36 = arith.divf %broadcast_in_dim3A_13, %add3A : vector<1x4096xf32>
    %div3A_37 = arith.divf %broadcast_in_dim3A_25, %add3A : vector<1x4096xf32>
    %concatenate3A = tpu.concatenate %div3A_36, %div3A_37 in 0 : vector<1x4096xf32>, vector<1x4096xf32> -> vector<2x4096xf32>
    %swap3A_38 = arith.constant 0 : index
    %swap3A_39 = arith.constant 0 : index
    %swap3A_40 = vector.load %arg3[%swap3A_38, %swap3A_39] : memref<2x4096xf32, #tpu.memory_space<vmem>>, vector<2x4096xf32>
    tpu.vector_store %arg3[%swap3A_38, %swap3A_39], %concatenate3A {strides = array<i32>} : memref<2x4096xf32, #tpu.memory_space<vmem>>, vector<2x4096xf32>,
    %concatenate3A_41 = tpu.concatenate %broadcast_in_dim3A_17, %broadcast_in_dim3A_33 in 0 : vector<1x4096xi32>, vector<1x4096xi32> -> vector<2x4096xi32>
    %swap3A_42 = arith.constant 0 : index
    %swap3A_43 = arith.constant 0 : index
    %swap3A_44 = vector.load %arg4[%swap3A_42, %swap3A_43] : memref<2x4096xi32, #tpu.memory_space<vmem>>, vector<2x4096xi32>
    tpu.vector_store %arg4[%swap3A_42, %swap3A_43], %concatenate3A_41 {strides = array<i32>} : memref<2x4096xi32, #tpu.memory_space<vmem>>, vector<2x4096xi32>,
    return
  }
  func.func @transform_0(%arg0: i32) -> (i32, i32) {
    %c0_i32 = arith.constant 0 : i32
    %c0_i32_0 = arith.constant 0 : i32
    return %arg0, %c0_i32 : i32, i32
  }
  func.func @transform_1(%arg0: i32) -> (i32, i32) {
    %c0_i32 = arith.constant 0 : i32
    %c0_i32_0 = arith.constant 0 : i32
    %c0_i32_1 = arith.constant 0 : i32
    return %c0_i32, %c0_i32_0 : i32, i32
  }
  func.func @transform_2(%arg0: i32) -> (i32, i32) {
    %c0_i32 = arith.constant 0 : i32
    %c0_i32_0 = arith.constant 0 : i32
    return %c0_i32, %arg0 : i32, i32
  }
  func.func @transform_3(%arg0: i32) -> (i32, i32) {
    %c0_i32 = arith.constant 0 : i32
    %c0_i32_0 = arith.constant 0 : i32
    return %c0_i32, %arg0 : i32, i32
  }
  func.func @transform_4(%arg0: i32) -> (i32, i32) {
    %c0_i32 = arith.constant 0 : i32
    %c0_i32_0 = arith.constant 0 : i32
    return %c0_i32, %arg0 : i32, i32
  }
}

</mosaic_0001>

<sc_bundles>
// kernel: kernel.4.cloned.1.call-start
scs
__scs_entry_jumppad:
0x0: {  	(pc) =	sbr.rel $0x88, $3  }
0x1: {  	(tag) =	ssettag $0x0;
	lr =	simm.s32 $0x1  }
0x2: {  	[smem:$0x3F9F] =	sst lr;
	_ =	strace $0xD0000000  }
0x3: {  	_ = 	snop  }
0x4: {  	_ = 	snop  }
0x5: {  	_ = 	snop  }
0x6: {  	_ = 	snop  }
0x7: {  	_ = 	snop  }
__scs_overlays_trampoline_lowered:
0x8: {  	[smem:$0x3FAE] =	sst s0  }
0x9: {  	[smem:$0x3FAF] =	sst s1  }
0xa: {  	[smem:$0x3FB0] =	sst s2  }
0xb: {  	[smem:$0x3FB1] =	sst s3  }
0xc: {  	[smem:$0x3FB2] =	sst s4  }
0xd: {  	[smem:$0x3FB3] =	sst s5  }
0xe: {  	[smem:$0x3FB4] =	sst s6  }
0xf: {  	[smem:$0x3FB5] =	sst s7  }
0x10: {  	[smem:$0x3FB6] =	sst s8  }
0x11: {  	[smem:$0x3FB7] =	sst s9;
	s0 =	simm.s32 @!p0 $0x0  }
0x12: {  	s1 =	sld [smem:$0x3F9D];
	s0 =	simm.s32 @p0 $0x1  }
0x13: {  	[smem:$0x3FB8] =	sst s0;
	s0 =	simm.s32 @!p1 $0x0  }
0x14: {  	s2 =	sld [smem:$0x3F9C];
	s0 =	simm.s32 @p1 $0x1  }
0x15: {  	[smem:$0x3FB9] =	sst s0;
	s0 =	simm.s32 @!p2 $0x0  }
0x16: {  	s3 =	sld [smem:$0x3FDB];
	s0 =	simm.s32 @p2 $0x1  }
0x17: {  	s4 =	simm.s32 $0x1BF5;
	[smem:$0x3FBB] =	sst s0  }
0x18: {  	s0 =	sld [smem:$0x3F9E];
	_ =	swait.ge [sflag:s4], $0x0  }
0x19: {  	s7 =	sld [smem:$0x3F9F]  }
0x1a: {  	s8 =	sadd.s32 $0xFFFFE003, lr  }
0x1b: {  	s9 =	sadd.s32 $0xFFFFFEF7, lr;
	s5 =	simm.s32 $0xFFFFFFFF;
	p2 =	slt.u32 s8, $0xFFFFF086  }
0x1c: {  	p1 =	slt.u32 s9, $0xF7A;
	s5 =	simm.s32 @!p2 $0x0  }
0x1d: {  	s5 =	simm.s32 @p1 $0x1;
	p0 =	seq.s32 s7, s2  }
0x1e: {  	s7 =	smul.u32 @!p0 $0xF7A, s2;
	p2 =	seq.s32 @!p0 s5, $0x0  }
0x1f: {  	s9 =	smul.u32 $0xF7A, s1;
	s8 =	simm.s32 @!p0 $0x1BF5;
	p2 =	por !p2, p0  }
0x20: {  	[sflag:s8] =	ssyncset.s32 @!p0 $0xFFFFF086;
	s6 =	sadd.s32 @!p0 s3, s7;
	s7 =	simm.s32 @!p0 $0x108  }
0x21: {  	s3 =	sadd.s32 s3, s9;
	s6 =	sadd.s32 @!p0 $0x88, s6;
	s7 =	simm.s32 @p2 $0x1082  }
0x22: {  	[simem:s7], [sflag:s8] =	dma.local @!p0 [hbm:s6], $0xF7A  }
0x23: {  	s9 =	sor.u32 $0xD0000000, s2;
	s6 =	simm.s32 $0x108;
	_ =	swait.ge @!p0 [sflag:s8], $0x0  }
0x24: {  	s3 =	sadd.s32 $0x88, s3;
	s6 =	simm.s32 @!p1 $0x1082;
	[sflag:s4] =	ssyncset.s32 $0xFFFFF086  }
0x25: {  	[simem:s6], [sflag:s4] =	dma.local [hbm:s3], $0xF7A  }
0x26: {  	[smem:$0x3F9F] =	sst s1;
	(tag) =	ssettag s2;
	_ =	strace s9  }
0x27: {  	s1 =	sld [smem:$0x3FAF]  }
0x28: {  	s2 =	sld [smem:$0x3FB0]  }
0x29: {  	s4 =	sld [smem:$0x3FB2]  }
0x2a: {  	p0 =	seq.s32 s5, $0x0;
	s5 =	sld [smem:$0x3FB3]  }
0x2b: {  	s6 =	sld [smem:$0x3FB4]  }
0x2c: {  	s7 =	sld [smem:$0x3FB5]  }
0x2d: {  	s3 =	simm.s32 $0x108;
	s8 =	sld [smem:$0x3FB6]  }
0x2e: {  	s3 =	simm.s32 @!p0 $0x1082;
	s9 =	sld [smem:$0x3FB7]  }
0x2f: {  	lr =	sadd.s32 s0, s3;
	s0 =	sld [smem:$0x3FAE]  }
0x30: {  	s3 =	sld [smem:$0x3FB1]  }
0x31: {  	[smem:$0x3FBA] =	sst s10  }
0x32: {  	s10 =	sld [smem:$0x3FB8];
	_ =	sdelay $0x3  }
0x33: {  	p0 =	seq.s32 s10, $0x1;
	s10 =	sld [smem:$0x3FBA];
	_ =	sdelay $0x3  }
0x34: {  	[smem:$0x3FBA] =	sst s10  }
0x35: {  	s10 =	sld [smem:$0x3FB9];
	_ =	sdelay $0x3  }
0x36: {  	p1 =	seq.s32 s10, $0x1;
	s10 =	sld [smem:$0x3FBA];
	_ =	sdelay $0x3  }
0x37: {  	[smem:$0x3FBA] =	sst s10  }
0x38: {  	s10 =	sld [smem:$0x3FBB]  }
0x39: {  	_ = 	snop;
	(pc) =	sbr.ind lr, $3  }
0x3a: {  	_ = 	snop  }
0x3b: {  	_ = 	snop  }
0x3c: {  	p2 =	seq.s32 s10, $0x1;
	s10 =	sld [smem:$0x3FBA]  }
0x3d: {  	_ =	shalt  }
0x3e: {  	_ =	shalt  }
0x3f: {  	_ =	shalt  }
0x40: {  	_ =	shalt  }
0x41: {  	_ =	shalt  }
0x42: {  	_ =	shalt  }
0x43: {  	_ =	shalt  }
0x44: {  	_ =	shalt  }
0x45: {  	_ =	shalt  }
0x46: {  	_ =	shalt  }
0x47: {  	_ =	shalt  }
0x48: {  	_ =	shalt  }
0x49: {  	_ =	shalt  }
0x4a: {  	_ =	shalt  }
0x4b: {  	_ =	shalt  }
0x4c: {  	_ =	shalt  }
0x4d: {  	_ =	shalt  }
0x4e: {  	_ =	shalt  }
0x4f: {  	_ =	shalt  }
0x50: {  	_ =	shalt  }
0x51: {  	_ =	shalt  }
0x52: {  	_ =	shalt  }
0x53: {  	_ =	shalt  }
0x54: {  	_ =	shalt  }
0x55: {  	_ =	shalt  }
0x56: {  	_ =	shalt  }
0x57: {  	_ =	shalt  }
0x58: {  	_ =	shalt  }
0x59: {  	_ =	shalt  }
0x5a: {  	_ =	shalt  }
0x5b: {  	_ =	shalt  }
0x5c: {  	_ =	shalt  }
0x5d: {  	_ =	shalt  }
0x5e: {  	_ =	shalt  }
0x5f: {  	_ =	shalt  }
0x60: {  	_ =	shalt  }
0x61: {  	_ =	shalt  }
0x62: {  	_ =	shalt  }
0x63: {  	_ =	shalt  }
0x64: {  	_ =	shalt  }
0x65: {  	_ =	shalt  }
0x66: {  	_ =	shalt  }
0x67: {  	_ =	shalt  }
0x68: {  	_ =	shalt  }
0x69: {  	_ =	shalt  }
0x6a: {  	_ =	shalt  }
0x6b: {  	_ =	shalt  }
0x6c: {  	_ =	shalt  }
0x6d: {  	_ =	shalt  }
0x6e: {  	_ =	shalt  }
0x6f: {  	_ =	shalt  }
0x70: {  	_ =	shalt  }
0x71: {  	_ =	shalt  }
0x72: {  	_ =	shalt  }
0x73: {  	_ =	shalt  }
0x74: {  	_ =	shalt  }
0x75: {  	_ =	shalt  }
0x76: {  	_ =	shalt  }
0x77: {  	_ =	shalt  }
0x78: {  	_ =	shalt  }
0x79: {  	_ =	shalt  }
0x7a: {  	_ =	shalt  }
0x7b: {  	_ =	shalt  }
0x7c: {  	_ =	shalt  }
0x7d: {  	_ =	shalt  }
0x7e: {  	_ =	shalt  }
0x7f: {  	_ =	shalt  }
0x80: {  	_ =	shalt  }
0x81: {  	_ =	shalt  }
0x82: {  	_ =	shalt  }
0x83: {  	_ =	shalt  }
0x84: {  	_ =	shalt  }
0x85: {  	_ =	shalt  }
0x86: {  	_ =	shalt  }
0x87: {  	_ =	shalt  }
.Lfunc_end0:
.L_simem_size_0:
called_computation_lowered:
.L_overlay_start_0:
0x88: {  	s2 =	sld [smem:$0x3FD9]  }
0x89: {  	s3 =	sld [smem:$0x3FFE];
	_ =	sdelay $0x1  }
0x8a: {  	s1 =	srdreg.scid  }
0x8b: {  	s0 =	sand.u32 $0x1, s1  }
0x8c: {  	s14 =	sshll.u32 s0, $0xA;
	s2 =	sadd.s32 s3, s2  }
0x8d: {  	s2 =	sadd.s32 s2, s14  }
0x8e: {  	[smem:$0x3FC6] =	sst s2  }
0x8f: {  	_ = 	snop  }
0x90: {  	s2 =	sld [smem:$0x3FD0];
	_ =	sdelay $0x2  }
0x91: {  	s15 =	simm.s32 $0xA;
	s4 =	simm.s32 $0x10  }
0x92: {  	[smem:s4], [sflag:s15] =	dma.local [hbm:s2], $0x1  }
0x93: {  	_ =	swait.eq [sflag:s15], $0x1  }
0x94: {  	s16 =	sld [smem:$0x10];
	[sflag:s15] =	ssyncset.done $0x0  }
0x95: {  	s17 =	sld [smem:$0x11];
	[sflag:s15] =	ssyncadd.s32 $0xFFFFFFFF  }
0x96: {  	s18 =	sld [smem:$0x12];
	(tm) =	ssettm $0x1  }
0x97: {  	s5 =	sld [smem:$0x3FFB];
	_ =	sdelay $0x3  }
0x98: {  	_ =	strace s5  }
0x99: {  	s5 =	sld [smem:$0x3FFC];
	_ =	sdelay $0x3  }
0x9a: {  	_ =	strace s5  }
0x9b: {  	s5 =	sld [smem:$0x3FFD];
	_ =	sdelay $0x3  }
0x9c: {  	_ =	strace s5  }
0x9d: {  	_ =	strace $0x8FFFFFFF  }
0x9e: {  	s19 =	sld [smem:$0x3FDB];
	_ =	sdelay $0x1  }
0x9f: {  	s6 =	simm.s32 $_scs_section_size  }
0xa0: {  	s7 =	simm.s32 $_size__tile_overlayer_lowered;
	s8 =	simm.s32 $_tile_overlayer_lowered  }
0xa1: {  	s22 =	simm.s32 $0x1BFF;
	s21 =	sshll.u32 s8, $0x1;
	s5 =	sadd.s32 s6, s19  }
0xa2: {  	s9 =	simm.s32 $0x0;
	s20 =	sshll.u32 s7, $0x1;
	s7 =	sadd.s32 s21, s5  }
0xa3: {  	[timem:s9], [sflag:s22] =	dma.local [hbm:s7], s20  }
0xa4: {  	_ =	swait.ge [sflag:s22], s20  }
0xa5: {  	s6 =	ssub.s32 $0x0, s20;
	[sflag:s22] =	ssyncset.done $0x0  }
0xa6: {  	[sflag:s22] =	ssyncadd.s32 s6;
	_ =	sdelay $0x1  }
0xa7: {  	s23 =	simm.s32 $0x1B8B  }
0xa8: {  	_ =	swait.ge [sflag:s23], $0x1  }
0xa9: {  	[sflag:s23] =	ssyncset.done $0x0  }
0xaa: {  	s25 =	simm.s32 $0x1B8E;
	s24 =	sld [smem:$0x3FFE];
	[sflag:s23] =	ssyncadd.s32 $0xFFFFFFFF  }
0xab: {  	s26 =	simm.s32 $execute0_lowered;
	[smem:$0x3FD2] =	sst s25  }
0xac: {  	s7 =	sshll.u32 s26, $0x1;
	_ =	strace $0x80000046;
	[dreg:$0x1] =	wrdreg $0xFFFFFFFF  }
0xad: {  	s28 =	simm.s32 $_size_execute0_lowered;
	s5 =	sadd.s32 s5, s7;
	[dreg:$0x0] =	wrdreg $0x0  }
0xae: {  	s7 =	sshll.u32 s28, $0x1;
	[dreg:$0x2] =	wrdreg s5  }
0xaf: {  	[dreg:$0x3] =	wrdreg s7  }
0xb0: {  	[dreg:$0x4] =	wrdreg $0xC0  }
0xb1: {  	_ =	task [dreg:s9], $0x5FFFF  }
0xb2: {  	[dreg:$0x1] =	wrdreg $0xFFFFFFFF  }
0xb3: {  	[dreg:$0x0] =	wrdreg $0x60  }
0xb4: {  	[dreg:$0x2] =	wrdreg s24  }
0xb5: {  	[dreg:$0x3] =	wrdreg s16  }
0xb6: {  	[dreg:$0x4] =	wrdreg s18  }
0xb7: {  	[dreg:$0x5] =	wrdreg s17  }
0xb8: {  	[dreg:$0x6] =	wrdreg $0x9  }
0xb9: {  	_ =	task.clear_ibuf [dreg:s9], $0x7FFFF;
	_ =	strace $0x90000046  }
0xba: {  	s29 =	simm.s32 $0x9;
	_ =	strace $0x80000048  }
0xbb: {  	_ =	swait.ge [sflag:s29], $0x1  }
0xbc: {  	[sflag:s29] =	ssyncadd.s32 $0xFFFFFFFF  }
0xbd: {  	_ =	strace $0x90000048  }
0xbe: {  	_ =	sfence  }
0xbf: {  	s30 =	sld [smem:$0x0];
	_ =	sdelay $0x2  }
0xc0: {  	s31 =	sshll.u32 s1, $0xD;
	s1 =	sshrl.u32 s1, $0x2  }
0xc1: {  	s3 =	sand.u32 $0x4000, s31;
	s1 =	sadd.s32 s1, s30  }
0xc2: {  	s0 =	sor.u32 s3, s0;
	s1 =	sshll.u32 s1, $0x11  }
0xc3: {  	s0 =	sor.u32 s1, s0  }
0xc4: {  	s0 =	sadd.s32 $0x8F2B, s0  }
0xc5: {  	[sflag:s0] =	ssyncadd.remote.s32 $0x1  }
0xc6: {  	_ =	sfence.sel $0xFFFF  }
0xc7: {  	[dreg:$0x0] =	wrdreg $0xFFFFFFFF;
	(pc) =	sbr.abs _section_cstart, $3  }
0xc8: {  	[dreg:$0x1] =	wrdreg $0xFFFFFFFF  }
0xc9: {  	_ =	task.clear_ibuf [dreg:s9], $0x2FFFF;
	_ =	strace $0x9FFFFFFF  }
0xca: {  	(tm) =	ssettm $0x7FFFFFFF  }
0xcb: {  	_ =	shalt  }
tec
execute0_lowered:
.L_overlay_start_1:
0x0: {  	(tag) =	ssettag $0x1  }
0x1: {  	s0 =	rddreg [dreg:$0x0]  }
0x2: {  	s2 =	rddreg [dreg:$0x2]  }
0x3: {  	s17 =	rddreg [dreg:$0x3];
	s3 =	simm.s32 $0x0;
	s4 =	srdreg.scid  }
0x4: {  	s1 =	stileid.u32;
	s21 =	simm.s32 $0x6100;
	s22 =	simm.s32 $0x1  }
0x5: {  	s23 =	simm.s32 $0x20;
	s24 =	simm.s32 $0x1000;
	s25 =	simm.s32 $0x9100  }
0x6: {  	s26 =	simm.s32 $0x9200;
	s28 =	simm.s32 $0x9240;
	s29 =	simm.s32 $0x0  }
0x7: {  	[smem:$0x7FF] =	sst s3;
	s4 =	sand.u32 $0x1, s4;
	s5 =	sshll.u32 s1, $0x8  }
0x8: {  	s16 =	sadd.s32 $0x1000, s0;
	s6 =	sshll.u32 s4, $0x7;
	s4 =	ssub.s32 $0x2, s4  }
0x9: {  	s0 =	sadd.s32 $0x61000, s0;
	s11 =	sor.u32 s6, s5;
	s30 =	sshrl.u32 s4, $0x1  }
0xa: {  	_ =	strace $0x80000047;
	s6 =	smul.u32 $0x60, s11;
	s20 =	ssub.s32 s4, s30  }
0xb: {  	s7 =	sshrl.u32 s11, $0x3;
	s8 =	sor.u32 $0x20, s11;
	s13 =	sor.u32 $0x40, s11  }
0xc: {  	s18 =	sor.u32 $0x60, s11;
	s5 =	sadd.s32 s17, s7;
	s9 =	smul.u32 $0x60, s8  }
0xd: {  	s12 =	sshrl.u32 s8, $0x3;
	s14 =	smul.u32 $0x60, s13;
	s15 =	sshrl.u32 s13, $0x3  }
0xe: {  	s19 =	smul.u32 $0x60, s18;
	s31 =	sshrl.u32 s18, $0x3;
	s20 =	smax.u32 s20, $0x1  }
0xf: {  	v0 =	vlaneseq.u32;
	s4 =	sadd.s32 s16, s6;
	s6 =	sadd.s32 s2, s7;
	s7 =	sadd.s32 s0, s7  }
0x10: {  	v10 =	vmul.u32 $0x308, v0;
	s10 =	sadd.s32 s2, s12;
	s11 =	sadd.s32 s0, s12;
	s13 =	sadd.s32 s17, s15  }
0x11: {  	v20 =	vimm.s32 $0x0;
	v14 =	vimm.s32 $0x1;
	v41 =	vimm.s32 $0x2;
	s18 =	sadd.s32 s2, s31;
	s8 =	sadd.s32 s16, s9;
	s9 =	sadd.s32 s17, s12  }
0x12: {  	v36 =	vimm.s32 $0x3;
	v37 =	vimm.s32 $0x4;
	v13 =	vadd.s32 $0x3080, v10;
	[tilespmem:$0x1FFE0] =	vst v10;
	s12 =	sadd.s32 s16, s14;
	s14 =	sadd.s32 s2, s15;
	s15 =	sadd.s32 s0, s15  }
0x13: {  	v38 =	vimm.s32 $0x5;
	v39 =	vimm.s32 $0x6;
	v40 =	vimm.s32 $0x7;
	[tilespmem:$0x1FFF0] =	vst v13;
	s16 =	sadd.s32 s16, s19;
	s17 =	sadd.s32 s17, s31;
	s19 =	sadd.s32 s0, s31  }
.LBB2_1:
0x14: {  	s0 =	rddreg [dreg:$0x1]  }
0x15: {  	[tilespmem:s21], [sflag:$0x1] =	stream.linear.gather [hbm4b:s0+s3], $0x3000, $0x38;
	[tilespmem:$0x9280] =	vst v63  }
0x16: {  	_ =	swait.ge [sflag:s22], $0x3000  }
0x17: {  	s30 =	simm.s32 $0x60;
	s2 =	sadd.s32 $0x0, s4;
	[sflag:s22] =	ssyncset.done $0x0  }
0x18: {  	s31 =	simm.s32 $0x308;
	s0 =	simm.s32 $0x0;
	[sflag:s22] =	ssyncadd.s32 $0xFFFFD000  }
.LBB2_2:
0x19: {  	[tilespmem:s0], [sflag:$0x1] =	stream.linear.gather [hbm4b:s2+s3], $0x300, $0x38;
	[tilespmem:$0x9280] =	vst v63  }
0x1a: {  	s2 =	smov.u32 s30;
	s0 =	smov.u32 s31;
	p0 =	sne.s32 s30, $0xBA0  }
.Ltmp0:
0x1b: {  	s30 =	sadd.s32 $0x60, s30;
	(pc) =	sbr.rel @p0 .LBB2_2-.Ltmp0, $2  }
0x1c: {  	_ =	sdelay $0x2  }
0x1d: {  	s31 =	sadd.s32 $0x308, s31;
	s2 =	sadd.s32 s2, s4  }
0x1e: {  	[tilespmem:s0], [sflag:$0x1] =	stream.linear.gather [hbm4b:s2+s3], $0x300, $0x38;
	[tilespmem:$0x9280] =	vst v63  }
0x1f: {  	_ =	swait.ge [sflag:s22], $0x6000  }
0x20: {  	[sflag:s22] =	ssyncset.done $0x0  }
0x21: {  	s30 =	simm.s32 $0x6120;
	[sflag:s22] =	ssyncadd.s32 $0xFFFFA000  }
0x22: {  	v0 =	vld [tilespmem:s30+$0x10]  }
0x23: {  	s1 =	simm.s32 $0x0  }
0x24: {  	s2 =	simm.s32 $0x1;
	s31 =	simm.s32 $0x3;
	v1 =	vmov s1  }
0x25: {  	s1 =	simm.s32 $0x2;
	v2 =	vmov s2;
	v4 =	vmov s31;
	v1 =	vand.u32 $0x3FC, v1  }
0x26: {  	v3 =	vmov s1;
	v4 =	vand.u32 $0x3FF, v4;
	v6 =	vadd.s32 v10, v1;
	v5 =	vld [tilespmem:s30+$0x0]  }
0x27: {  	v2 =	vand.u32 $0x3FD, v2;
	v1 =	vadd.s32 v13, v1;
	v11 =	vperm.xlane v0, v20  }
0x28: {  	v8 =	vadd.s32 v10, v4;
	v12 =	vperm.xlane v0, v14;
	v25 =	vperm.xlane v0, v41  }
0x29: {  	v3 =	vand.u32 $0x3FE, v3;
	v28 =	vperm.xlane v0, v36;
	v30 =	vperm.xlane v0, v37  }
0x2a: {  	v4 =	vadd.s32 v13, v4;
	v7 =	vld [tilespmem:s30+$0xFFFFFFF0];
	v31 =	vperm.xlane v0, v38;
	v49 =	vperm.xlane v0, v39  }
0x2b: {  	v9 =	vadd.s32 v10, v3;
	v6 =	vld.idx.msk [tilespmem:v6+s3+$0x0], $0xffff;
	v23 =	vperm.xlane v5, v20;
	v48 =	vperm.xlane v0, v40  }
0x2c: {  	v10 =	vadd.s32 v10, v2;
	v1 =	vld.idx.msk [tilespmem:v1+s3+$0x0], $0xffff;
	v24 =	vperm.xlane v5, v14;
	v17 =	vperm.xlane v5, v41  }
0x2d: {  	v2 =	vadd.s32 v13, v2;
	v8 =	vld.idx.msk [tilespmem:v8+s3+$0x0], $0xffff;
	v18 =	vperm.xlane v5, v36;
	v16 =	vperm.xlane v5, v37  }
0x2e: {  	v3 =	vadd.s32 v13, v3;
	v0 =	vld [tilespmem:s30+$0xFFFFFFE0];
	v15 =	vperm.xlane v5, v38;
	v35 =	vperm.xlane v5, v39  }
0x2f: {  	v4 =	vld.idx.msk [tilespmem:v4+s3+$0x0], $0xffff;
	v29 =	vperm.xlane v7, v20;
	v34 =	vperm.xlane v5, v40  }
0x30: {  	v33 =	vperm.xlane v7, v14;
	v27 =	vperm.xlane v7, v41;
	v5 =	vld.idx.msk [tilespmem:v9+s3+$0x0], $0xffff  }
0x31: {  	v26 =	vperm.xlane v7, v36;
	v22 =	vperm.xlane v7, v37;
	v9 =	vld.idx.msk [tilespmem:v10+s3+$0x0], $0xffff  }
0x32: {  	v21 =	vperm.xlane v7, v38;
	v19 =	vperm.xlane v7, v39;
	v2 =	vld.idx.msk [tilespmem:v2+s3+$0x0], $0xffff  }
0x33: {  	v51 =	vimm.f32 $0.0e+00;
	v3 =	vld.idx.msk [tilespmem:v3+s3+$0x0], $0xffff;
	v32 =	vperm.xlane v0, v20;
	v20 =	vperm.xlane v7, v40  }
0x34: {  	v10 =	vshrl.u32 v1, $0x10;
	v7 =	vperm.xlane v0, v14;
	v13 =	vperm.xlane v0, v41  }
0x35: {  	v58 =	vshrl.u32 v8, $0x10;
	v14 =	vperm.xlane v0, v36;
	v36 =	vperm.xlane v0, v37  }
0x36: {  	v42 =	vshrl.u32 v4, $0x10;
	v37 =	vperm.xlane v0, v38;
	v38 =	vperm.xlane v0, v39  }
0x37: {  	v39 =	vperm.xlane v0, v40;
	v0 =	vshrl.u32 v6, $0x10;
	v57 =	vshrl.u32 v5, $0x10  }
0x38: {  	v43 =	vshrl.u32 v9, $0x10;
	v44 =	vshrl.u32 v2, $0x10;
	v45 =	vshrl.u32 v3, $0x10  }
0x39: {  	v10 =	vand.u32 $0x1, v10;
	v41 =	vand.u32 $0x1, v58;
	v42 =	vand.u32 $0x1, v42  }
0x3a: {  	v0 =	vand.u32 $0x1, v0;
	v40 =	vand.u32 $0x1, v57;
	v1 =	vadd.s32 v10, v1  }
0x3b: {  	v45 =	vand.u32 $0x1, v45;
	v8 =	vadd.s32 v41, v8;
	v1 =	vadd.s32 $0x7FFF, v1  }
0x3c: {  	v4 =	vadd.s32 v42, v4;
	v0 =	vadd.s32 v0, v6;
	v1 =	vand.u32 $0xFFFF0000, v1  }
0x3d: {  	v6 =	vand.u32 $0x1, v43;
	v43 =	vand.u32 $0x1, v44;
	v56 =	vmul.f32 v1, v32  }
0x3e: {  	v0 =	vadd.s32 $0x7FFF, v0;
	v54 =	vmul.f32 v1, v7;
	v55 =	vmul.f32 v1, v13  }
0x3f: {  	v60 =	vadd.s32 v43, v2;
	v53 =	vmul.f32 v1, v14;
	v44 =	vmul.f32 v1, v36  }
0x40: {  	v59 =	vand.u32 $0xFFFF0000, v0;
	v43 =	vmul.f32 v1, v37;
	v42 =	vmul.f32 v1, v38  }
0x41: {  	v5 =	vadd.s32 v40, v5;
	v41 =	vmul.f32 v1, v39;
	v46 =	vmul.f32 v59, v32  }
0x42: {  	v3 =	vadd.s32 v45, v3;
	v47 =	vmul.f32 v59, v7;
	v45 =	vmul.f32 v59, v13  }
0x43: {  	v2 =	vadd.s32 $0x7FFF, v8;
	v50 =	vmul.f32 v59, v14;
	v0 =	vmul.f32 v59, v36  }
0x44: {  	v2 =	vand.u32 $0xFFFF0000, v2;
	v63 =	vmul.f32 v59, v37;
	v10 =	vmul.f32 v59, v38  }
0x45: {  	v61 =	vadd.s32 $0x7FFF, v4;
	v62 =	vmul.f32 v59, v39;
	v7 =	vmul.f32 v2, v11  }
0x46: {  	v6 =	vadd.s32 v6, v9;
	v8 =	vmul.f32 v2, v12;
	v4 =	vmul.f32 v2, v25  }
0x47: {  	v52 =	vadd.s32 $0x7FFF, v3;
	v9 =	vmul.f32 v2, v28;
	v3 =	vmul.f32 v2, v30  }
0x48: {  	v39 =	vadd.s32 $0x7FFF, v5;
	v5 =	vmul.f32 v2, v31;
	v1 =	vmul.f32 v2, v49  }
0x49: {  	v14 =	vmovc v49;
	v2 =	vmul.f32 v2, v48;
	v38 =	vand.u32 $0xFFFF0000, v61;
	v49 =	vadd.s32 $0x7FFF, v6  }
0x4a: {  	v13 =	vmovc v48;
	v48 =	vand.u32 $0xFFFF0000, v52;
	v58 =	vmul.f32 v38, v11;
	v59 =	vmul.f32 v38, v12  }
0x4b: {  	v11 =	vadd.s32 $0x7FFF, v60;
	v60 =	vmul.f32 v38, v25;
	v57 =	vmul.f32 v38, v28  }
0x4c: {  	v6 =	vand.u32 $0xFFFF0000, v39;
	v40 =	vmul.f32 v38, v30;
	v39 =	vmul.f32 v38, v31  }
0x4d: {  	v49 =	vand.u32 $0xFFFF0000, v49;
	v12 =	vmul.f32 v6, v23;
	v25 =	vmul.f32 v6, v24  }
0x4e: {  	v36 =	vimm.f32 $0.0e+00;
	v28 =	vmul.f32 v49, v29;
	v30 =	vmul.f32 v49, v33  }
0x4f: {  	v31 =	vadd.f32 v46, v51;
	v32 =	vadd.f32 v47, v51;
	v52 =	vmul.f32 v49, v27  }
0x50: {  	v45 =	vadd.f32 v45, v51;
	v61 =	vadd.f32 v50, v51;
	v37 =	vmul.f32 v49, v26  }
0x51: {  	v47 =	vmul.f32 v6, v18;
	v50 =	vmul.f32 v6, v16;
	v28 =	vadd.f32 v28, v31  }
0x52: {  	v51 =	vmul.f32 v6, v15;
	v46 =	vimm.f32 $0.0e+00;
	v30 =	vadd.f32 v30, v32  }
0x53: {  	v32 =	vadd.f32 v52, v45;
	v52 =	vadd.f32 v12, v28;
	v28 =	vimm.f32 $0.0e+00  }
0x54: {  	v31 =	vmul.f32 v6, v17;
	v45 =	vadd.f32 v37, v61;
	[tilespmem:$0x1FF90] =	vst v28;
	v28 =	vimm.f32 $0.0e+00  }
0x55: {  	v61 =	vand.u32 $0xFFFF0000, v11;
	v37 =	vimm.f32 $0.0e+00;
	[tilespmem:$0x1FFA0] =	vst v28;
	v28 =	vimm.f32 $0.0e+00  }
0x56: {  	v11 =	vadd.f32 v25, v30;
	v12 =	vadd.f32 v31, v32;
	[tilespmem:$0x1FFB0] =	vst v28;
	v28 =	vimm.f32 $0.0e+00  }
0x57: {  	v25 =	vadd.f32 v47, v45;
	v47 =	vimm.f32 $0.0e+00;
	[tilespmem:$0x1FFC0] =	vst v28;
	v28 =	vimm.f32 $0.0e+00  }
0x58: {  	s31 =	simm.s32 $0x4;
	v45 =	vimm.f32 $0.0e+00;
	v32 =	vimm.f32 $0.0e+00;
	v31 =	vimm.f32 $0.0e+00;
	[tilespmem:$0x1FFD0] =	vst v28  }
.LBB2_4:
0x59: {  	v7 =	vadd.f32 v7, v52  }
0x5a: {  	v4 =	vadd.f32 v4, v12  }
0x5b: {  	[tilespmem:$0x1FF30] =	vst v7;
	v7 =	vadd.f32 v8, v11  }
0x5c: {  	[tilespmem:$0x1FF50] =	vst v4;
	v4 =	vadd.f32 v9, v25;
	v8 =	vmul.f32 v49, v19  }
0x5d: {  	v9 =	vadd.f32 v10, v46;
	v10 =	vadd.f32 v62, v45;
	v11 =	vmul.f32 v49, v20;
	[tilespmem:$0x1FF40] =	vst v7  }
0x5e: {  	v7 =	vmul.f32 v49, v21;
	[tilespmem:$0x1FF60] =	vst v4;
	v4 =	vadd.f32 v63, v47  }
0x5f: {  	v8 =	vadd.f32 v8, v9;
	v9 =	vadd.f32 v11, v10  }
0x60: {  	v4 =	vadd.f32 v7, v4;
	v7 =	vmul.f32 v6, v35;
	v6 =	vmul.f32 v6, v34;
	_ =	sdelay $0x1  }
0x61: {  	v28 =	vmul.f32 v49, v22;
	v0 =	vadd.f32 v0, v36;
	v6 =	vadd.f32 v6, v9  }
0x62: {  	v4 =	vadd.f32 v51, v4  }
0x63: {  	v0 =	vadd.f32 v28, v0;
	v45 =	vadd.f32 v2, v6;
	v2 =	vld [tilespmem:$0x1FF90]  }
0x64: {  	v47 =	vadd.f32 v5, v4;
	v4 =	vld [tilespmem:$0x1FFA0]  }
0x65: {  	v0 =	vadd.f32 v50, v0;
	v5 =	vld [tilespmem:$0x1FFB0]  }
0x66: {  	v7 =	vadd.f32 v7, v8  }
0x67: {  	v10 =	vmul.f32 v48, v23;
	v36 =	vadd.f32 v3, v0;
	v0 =	vmul.f32 v61, v33  }
0x68: {  	v9 =	vmul.f32 v61, v29;
	v46 =	vadd.f32 v1, v7;
	v1 =	vadd.f32 v56, v37  }
0x69: {  	v3 =	vmul.f32 v61, v27;
	v2 =	vadd.f32 v54, v2;
	v4 =	vadd.f32 v55, v4  }
0x6a: {  	v6 =	vmul.f32 v61, v26;
	v1 =	vadd.f32 v9, v1;
	v5 =	vadd.f32 v53, v5  }
0x6b: {  	v0 =	vadd.f32 v0, v2;
	v2 =	vmul.f32 v48, v17;
	v3 =	vadd.f32 v3, v4  }
0x6c: {  	v1 =	vadd.f32 v10, v1  }
0x6d: {  	v4 =	vadd.f32 v6, v5;
	v5 =	vmul.f32 v48, v18;
	v2 =	vadd.f32 v2, v3  }
0x6e: {  	v37 =	vadd.f32 v58, v1  }
0x6f: {  	v3 =	vadd.f32 v5, v4;
	v1 =	vadd.f32 v60, v2;
	_ =	sdelay $0x1  }
0x70: {  	v8 =	vmul.f32 v48, v24;
	v7 =	vld [tilespmem:$0x1FFD0];
	[tilespmem:$0x1FFA0] =	vst v1;
	v1 =	vadd.f32 v57, v3;
	_ =	sdelay $0x1  }
0x71: {  	v0 =	vadd.f32 v8, v0;
	[tilespmem:$0x1FFB0] =	vst v1;
	v1 =	vld [tilespmem:$0x1FFC0];
	_ =	sdelay $0x1  }
0x72: {  	v30 =	vimm.s32 $0x3;
	v28 =	vimm.s32 $0x2;
	v0 =	vadd.f32 v59, v0  }
0x73: {  	v25 =	vimm.s32 $0x1;
	v9 =	vmul.f32 v61, v20;
	v7 =	vadd.f32 v42, v7  }
0x74: {  	v53 =	vimm.s32 $0x5;
	v2 =	vadd.f32 v43, v32;
	[tilespmem:$0x1FF90] =	vst v0;
	v0 =	vmul.f32 v61, v21  }
0x75: {  	v5 =	vmul.f32 v61, v22;
	v8 =	vadd.f32 v41, v31;
	v1 =	vadd.f32 v44, v1  }
0x76: {  	s30 =	sadd.s32 $0x40, s30;
	v54 =	vimm.s32 $0x6;
	v3 =	vmul.f32 v61, v19;
	v0 =	vadd.f32 v0, v2  }
0x77: {  	v4 =	vmul.f32 v48, v15;
	v1 =	vadd.f32 v5, v1;
	v5 =	vadd.f32 v9, v8;
	v8 =	vld [tilespmem:s30+$0xFFFFFFF0]  }
0x78: {  	v55 =	vimm.s32 $0x7;
	v2 =	vmul.f32 v48, v35;
	v3 =	vadd.f32 v3, v7  }
0x79: {  	v6 =	vmul.f32 v48, v16;
	v31 =	vimm.s32 $0x4;
	v0 =	vadd.f32 v4, v0  }
0x7a: {  	v7 =	vmul.f32 v48, v34;
	v4 =	vmul.f32 v38, v14;
	v2 =	vadd.f32 v2, v3  }
0x7b: {  	v14 =	vimm.s32 $0x0;
	v0 =	vadd.f32 v39, v0;
	v9 =	vld [tilespmem:s30+$0xFFFFFFE0];
	v1 =	vadd.f32 v6, v1  }
0x7c: {  	v6 =	vld [tilespmem:s30+$0x10];
	v3 =	vadd.f32 v7, v5;
	v5 =	vmul.f32 v38, v13;
	v29 =	vperm.xlane v8, v14  }
0x7d: {  	v11 =	vld [tilespmem:$0x1FFE0];
	[tilespmem:$0x1FF80] =	vst v0;
	v0 =	vmov s31;
	v33 =	vperm.xlane v8, v25;
	v27 =	vperm.xlane v8, v28  }
0x7e: {  	v12 =	vld [tilespmem:$0x1FFF0];
	v1 =	vadd.f32 v40, v1;
	v26 =	vperm.xlane v8, v30;
	v22 =	vperm.xlane v8, v31  }
0x7f: {  	s2 =	sadd.s32 $0x2, s31;
	v0 =	vand.u32 $0x3FC, v0;
	v21 =	vperm.xlane v8, v53;
	v19 =	vperm.xlane v8, v54  }
0x80: {  	v20 =	vperm.xlane v8, v55;
	[tilespmem:$0x1FFC0] =	vst v1;
	v1 =	vadd.f32 v4, v2;
	v2 =	vmov s2  }
0x81: {  	v8 =	vperm.xlane v9, v25;
	v4 =	vld [tilespmem:s30+$0x0];
	v2 =	vand.u32 $0x3FE, v2;
	v40 =	vperm.xlane v6, v14  }
0x82: {  	v59 =	vperm.xlane v6, v25;
	[tilespmem:$0x1FFD0] =	vst v1;
	v1 =	vadd.f32 v5, v3;
	v5 =	vadd.s32 v11, v0  }
0x83: {  	s1 =	sadd.s32 $0x3, s31;
	v48 =	vperm.xlane v6, v28;
	v57 =	vperm.xlane v6, v30;
	v0 =	vadd.s32 v12, v0  }
0x84: {  	v39 =	vperm.xlane v6, v31;
	v3 =	vmov s1;
	v10 =	vadd.s32 v11, v2  }
0x85: {  	v61 =	vperm.xlane v6, v53;
	v2 =	vadd.s32 v12, v2;
	v3 =	vand.u32 $0x3FF, v3  }
0x86: {  	v7 =	vadd.s32 v11, v3;
	v23 =	vperm.xlane v4, v14;
	v24 =	vperm.xlane v4, v25  }
0x87: {  	s0 =	sadd.s32 $0x1, s31;
	v3 =	vadd.s32 v12, v3;
	v17 =	vperm.xlane v4, v28;
	v18 =	vperm.xlane v4, v30;
	v5 =	vld.idx.msk [tilespmem:v5+s3+$0x0], $0xffff  }
0x88: {  	[tilespmem:$0x1FF70] =	vst v1;
	v1 =	vmov s0;
	v16 =	vperm.xlane v4, v31;
	v15 =	vperm.xlane v4, v53;
	v0 =	vld.idx.msk [tilespmem:v0+s3+$0x0], $0xffff  }
0x89: {  	v1 =	vand.u32 $0x3FD, v1;
	v35 =	vperm.xlane v4, v54;
	v34 =	vperm.xlane v4, v55;
	v4 =	vld.idx.msk [tilespmem:v10+s3+$0x0], $0xffff  }
0x8a: {  	v13 =	vperm.xlane v6, v54;
	v58 =	vperm.xlane v6, v55;
	v6 =	vadd.s32 v11, v1;
	v2 =	vld.idx.msk [tilespmem:v2+s3+$0x0], $0xffff  }
0x8b: {  	v38 =	vperm.xlane v9, v53;
	v41 =	vperm.xlane v9, v54;
	v1 =	vadd.s32 v12, v1;
	v7 =	vld.idx.msk [tilespmem:v7+s3+$0x0], $0xffff  }
0x8c: {  	v25 =	vperm.xlane v9, v30;
	v11 =	vperm.xlane v9, v14;
	v3 =	vld.idx.msk [tilespmem:v3+s3+$0x0], $0xffff  }
0x8d: {  	v12 =	vperm.xlane v9, v28;
	v28 =	vperm.xlane v9, v31  }
0x8e: {  	v9 =	vperm.xlane v9, v55;
	v10 =	vshrl.u32 v5, $0x10;
	v42 =	vshrl.u32 v0, $0x10  }
0x8f: {  	v6 =	vld.idx.msk [tilespmem:v6+s3+$0x0], $0xffff;
	v43 =	vshrl.u32 v4, $0x10;
	v32 =	vshrl.u32 v2, $0x10;
	v10 =	vand.u32 $0x1, v10  }
0x90: {  	v1 =	vld.idx.msk [tilespmem:v1+s3+$0x0], $0xffff;
	v42 =	vand.u32 $0x1, v42;
	v43 =	vand.u32 $0x1, v43;
	v53 =	vand.u32 $0x1, v32  }
0x91: {  	v56 =	vshrl.u32 v7, $0x10;
	v60 =	vshrl.u32 v3, $0x10;
	v5 =	vadd.s32 v10, v5  }
0x92: {  	v42 =	vadd.s32 v42, v0;
	v4 =	vadd.s32 v43, v4;
	v2 =	vadd.s32 v53, v2  }
0x93: {  	v44 =	vand.u32 $0x1, v56;
	v49 =	vand.u32 $0x1, v60;
	v5 =	vadd.s32 $0x7FFF, v5  }
0x94: {  	v42 =	vadd.s32 $0x7FFF, v42;
	v62 =	vshrl.u32 v6, $0x10;
	v5 =	vand.u32 $0xFFFF0000, v5  }
0x95: {  	v63 =	vshrl.u32 v1, $0x10;
	v7 =	vadd.s32 v44, v7;
	v51 =	vmul.f32 v5, v11  }
0x96: {  	v3 =	vadd.s32 v49, v3;
	v30 =	vmul.f32 v5, v8;
	v31 =	vmul.f32 v5, v12  }
0x97: {  	v10 =	vand.u32 $0x1, v62;
	v32 =	vmul.f32 v5, v25;
	v0 =	vmul.f32 v5, v28  }
0x98: {  	v50 =	vand.u32 $0x1, v63;
	v63 =	vmul.f32 v5, v38;
	v62 =	vmul.f32 v5, v9  }
0x99: {  	v6 =	vadd.s32 v10, v6;
	v10 =	vmul.f32 v5, v41;
	v5 =	vand.u32 $0xFFFF0000, v42  }
0x9a: {  	v49 =	vadd.s32 $0x7FFF, v2;
	v56 =	vmul.f32 v5, v11;
	v54 =	vmul.f32 v5, v8  }
0x9b: {  	v11 =	vadd.s32 v50, v1;
	v55 =	vmul.f32 v5, v12;
	v53 =	vmul.f32 v5, v25  }
0x9c: {  	v1 =	vadd.s32 $0x7FFF, v7;
	v44 =	vmul.f32 v5, v28;
	v43 =	vmul.f32 v5, v38  }
0x9d: {  	v12 =	vadd.s32 $0x7FFF, v3;
	v42 =	vmul.f32 v5, v41;
	v25 =	vand.u32 $0xFFFF0000, v1  }
0x9e: {  	v41 =	vmul.f32 v5, v9;
	v28 =	vadd.s32 $0x7FFF, v4;
	v7 =	vmul.f32 v25, v40  }
0x9f: {  	v52 =	vadd.s32 $0x7FFF, v6;
	v4 =	vmul.f32 v25, v48;
	v3 =	vmul.f32 v25, v39  }
0xa0: {  	v38 =	vand.u32 $0xFFFF0000, v12;
	v5 =	vmul.f32 v25, v61;
	v1 =	vmul.f32 v25, v13  }
0xa1: {  	v14 =	vmovc v13;
	v11 =	vadd.s32 $0x7FFF, v11;
	v13 =	vmovc v58;
	v2 =	vmul.f32 v25, v58;
	v58 =	vmul.f32 v38, v40  }
0xa2: {  	v40 =	vmul.f32 v38, v39;
	v39 =	vmul.f32 v38, v61;
	v61 =	vand.u32 $0xFFFF0000, v11;
	v11 =	vld [tilespmem:$0x1FF30]  }
0xa3: {  	v60 =	vmul.f32 v38, v48;
	v48 =	vand.u32 $0xFFFF0000, v49;
	v49 =	vand.u32 $0xFFFF0000, v52;
	v52 =	vld [tilespmem:$0x1FF50];
	_ =	sdelay $0x3  }
0xa4: {  	v11 =	vadd.f32 v51, v11;
	v51 =	vld [tilespmem:$0x1FF40]  }
0xa5: {  	v31 =	vadd.f32 v31, v52;
	v52 =	vld [tilespmem:$0x1FF60]  }
0xa6: {  	v8 =	vmul.f32 v25, v59;
	v9 =	vmul.f32 v25, v57  }
0xa7: {  	v6 =	vand.u32 $0xFFFF0000, v28;
	v59 =	vmul.f32 v38, v59;
	v57 =	vmul.f32 v38, v57  }
0xa8: {  	v12 =	vmul.f32 v6, v23;
	v28 =	vmul.f32 v49, v29  }
0xa9: {  	p0 =	slt.u32 s31, $0x2FC;
	v50 =	vmul.f32 v49, v33;
	v30 =	vadd.f32 v30, v51;
	v51 =	vmul.f32 v49, v27  }
.Ltmp1:
0xaa: {  	v11 =	vadd.f32 v28, v11;
	v32 =	vadd.f32 v32, v52;
	v52 =	vmul.f32 v49, v26;
	(pc) =	sbr.rel @p0 .LBB2_4-.Ltmp1, $4  }
0xab: {  	v28 =	vadd.f32 v50, v30;
	v30 =	vmul.f32 v6, v17;
	v31 =	vadd.f32 v51, v31  }
0xac: {  	v25 =	vmul.f32 v6, v24;
	v32 =	vadd.f32 v52, v32;
	v51 =	vmul.f32 v6, v18  }
0xad: {  	v52 =	vadd.f32 v12, v11;
	v50 =	vmul.f32 v6, v16;
	v12 =	vadd.f32 v30, v31;
	v31 =	vld [tilespmem:$0x1FF70]  }
0xae: {  	s31 =	sadd.s32 $0x4, s31;
	v11 =	vadd.f32 v25, v28;
	v25 =	vadd.f32 v51, v32;
	v32 =	vld [tilespmem:$0x1FF80];
	v51 =	vmul.f32 v6, v15  }
0xaf: {  	v7 =	vadd.f32 v7, v52  }
0xb0: {  	v4 =	vadd.f32 v4, v12;
	v0 =	vadd.f32 v0, v36  }
0xb1: {  	v52 =	vmul.f32 v49, v22;
	v63 =	vadd.f32 v63, v47;
	v36 =	vmul.f32 v49, v21  }
0xb2: {  	v10 =	vadd.f32 v10, v46;
	v28 =	vmul.f32 v49, v19;
	v30 =	vadd.f32 v62, v45  }
0xb3: {  	v47 =	vmul.f32 v49, v20;
	v8 =	vadd.f32 v8, v11;
	v9 =	vadd.f32 v9, v25  }
0xb4: {  	v49 =	vmul.f32 v6, v35;
	v0 =	vadd.f32 v52, v0;
	v12 =	vadd.f32 v36, v63  }
0xb5: {  	v10 =	vadd.f32 v28, v10;
	v11 =	vadd.f32 v47, v30;
	v52 =	vmul.f32 v6, v34  }
0xb6: {  	v0 =	vadd.f32 v50, v0;
	v12 =	vadd.f32 v51, v12  }
0xb7: {  	v10 =	vadd.f32 v49, v10;
	v6 =	vadd.f32 v52, v11  }
0xb8: {  	v0 =	vadd.f32 v3, v0;
	v62 =	vadd.f32 v5, v12  }
0xb9: {  	v1 =	vadd.f32 v1, v10;
	v2 =	vadd.f32 v2, v6  }
0xba: {  	v63 =	vmax.f32 v7, v8  }
0xbb: {  	v12 =	vmax.f32 v4, v9;
	v25 =	vmax.f32 v0, v62;
	v28 =	vmax.f32 v1, v2  }
0xbc: {  	v5 =	vmax.f32 v63, v12;
	v30 =	vmax.f32 v25, v28  }
0xbd: {  	v5 =	vmax.f32 v5, v30  }
0xbe: {  	v6 =	vsub.f32 v7, v5  }
0xbf: {  	v36 =	vsub.f32 v8, v5  }
0xc0: {  	v6 =	vmul.f32 $1.442695020e+00, v6  }
0xc1: {  	v4 =	vsub.f32 v4, v5;
	v7 =	vmul.f32 $1.442695020e+00, v36  }
0xc2: {  	(erf) = vpow2.f32 v6  }
0xc3: {  	v45 =	vsub.f32 v9, v5;
	v4 =	vmul.f32 $1.442695020e+00, v4;
	(erf) = vpow2.f32 v7;
	_ =	sdelay $0x1  }
0xc4: {  	v0 =	vsub.f32 v0, v5;
	v46 =	vmul.f32 $1.442695020e+00, v45;
	(erf) = vpow2.f32 v4;
	_ =	sdelay $0x1  }
0xc5: {  	v3 =	vsub.f32 v62, v5;
	v0 =	vmul.f32 $1.442695020e+00, v0;
	(erf) = vpow2.f32 v46;
	_ =	sdelay $0x1  }
0xc6: {  	v1 =	vsub.f32 v1, v5;
	v47 =	vmul.f32 $1.442695020e+00, v3;
	(erf) = vpow2.f32 v0;
	_ =	sdelay $0x1  }
0xc7: {  	v50 =	vsub.f32 v2, v5;
	v49 =	vmul.f32 $1.442695020e+00, v1;
	v3 =	vpop (erf);
	(erf) = vpow2.f32 v47  }
0xc8: {  	v2 =	vpop (erf)  }
0xc9: {  	v51 =	vmul.f32 $1.442695020e+00, v50;
	(erf) = vpow2.f32 v49;
	v52 =	vadd.f32 v2, v3  }
0xca: {  	v4 =	vpop (erf)  }
0xcb: {  	(erf) = vpow2.f32 v51;
	v62 =	vadd.f32 v52, v4  }
0xcc: {  	v1 =	vpop (erf)  }
0xcd: {  	v0 =	vadd.f32 v62, v1  }
0xce: {  	v5 =	vpop (erf)  }
0xcf: {  	v0 =	vadd.f32 v0, v5  }
0xd0: {  	v36 =	vld [tilespmem:$0x1FF90];
	v6 =	vpop (erf)  }
0xd1: {  	v47 =	vld [tilespmem:$0x1FFB0];
	v0 =	vadd.f32 v0, v6  }
0xd2: {  	v7 =	vpop (erf)  }
0xd3: {  	v63 =	vadd.f32 v56, v37;
	v37 =	vld [tilespmem:$0x1FFA0];
	v45 =	vmul.f32 v61, v29;
	v0 =	vadd.f32 v0, v7  }
0xd4: {  	v17 =	vmul.f32 v48, v17;
	v18 =	vmul.f32 v48, v18;
	v9 =	vpop (erf)  }
0xd5: {  	v8 =	vadd.f32 v45, v63;
	v51 =	vmul.f32 v48, v23;
	v0 =	vadd.f32 v0, v9  }
0xd6: {  	v50 =	vmul.f32 v61, v26;
	v10 =	vadd.f32 v54, v36;
	v28 =	vadd.f32 v53, v47  }
0xd7: {  	v46 =	vmul.f32 v61, v33;
	v8 =	vadd.f32 v51, v8;
	(erf) = vrcp.f32 v0  }
0xd8: {  	v56 =	vmul.f32 v61, v22;
	v11 =	vadd.f32 v55, v37;
	v12 =	vadd.f32 v50, v28  }
0xd9: {  	v10 =	vadd.f32 v46, v10;
	v52 =	vmul.f32 v48, v24;
	v8 =	vadd.f32 v58, v8;
	v58 =	vld [tilespmem:$0x1FFC0]  }
0xda: {  	v63 =	vadd.f32 v43, v32;
	v49 =	vmul.f32 v61, v27;
	v53 =	vadd.f32 v18, v12;
	v18 =	vld [tilespmem:$0x1FFD0]  }
0xdb: {  	v55 =	vmul.f32 v48, v15;
	v32 =	vadd.f32 v41, v31;
	v10 =	vadd.f32 v52, v10  }
0xdc: {  	v54 =	vmul.f32 v48, v16;
	v50 =	vmul.f32 v38, v14;
	v0 =	vadd.f32 v49, v11  }
0xdd: {  	v12 =	vadd.f32 v59, v10;
	v26 =	vadd.f32 v57, v53;
	v57 =	vmul.f32 v61, v21  }
0xde: {  	v59 =	vadd.f32 v44, v58;
	v53 =	vmul.f32 v38, v13;
	v0 =	vadd.f32 v17, v0  }
0xdf: {  	v30 =	vadd.f32 v42, v18;
	v42 =	vmul.f32 v48, v35;
	v49 =	vmul.f32 v48, v34  }
0xe0: {  	v23 =	vadd.f32 v60, v0;
	v60 =	vmul.f32 v61, v19;
	v61 =	vmul.f32 v61, v20;
	v62 =	vpop (erf)  }
0xe1: {  	v33 =	vadd.f32 v56, v59;
	v20 =	vmul.f32 v62, v3;
	v19 =	vmul.f32 v62, v2  }
0xe2: {  	v41 =	vadd.f32 v57, v63;
	v18 =	vmul.f32 v62, v4;
	v10 =	vmul.f32 v62, v1  }
0xe3: {  	v35 =	vimm.s32 $0x8;
	v0 =	vmul.f32 v62, v5;
	v17 =	vmul.f32 v62, v6  }
0xe4: {  	v16 =	vmul.f32 v62, v7;
	v2 =	vadd.f32 v60, v30;
	v1 =	vadd.f32 v61, v32  }
0xe5: {  	v15 =	vmul.f32 v62, v9;
	v3 =	vadd.f32 v54, v33;
	v4 =	vadd.f32 v55, v41  }
0xe6: {  	v60 =	vmax.f32 v8, v12;
	v61 =	vmax.f32 v23, v26;
	v43 =	vmax.f32 v20, v19  }
0xe7: {  	v44 =	vmax.f32 v18, v10;
	v45 =	vmax.f32 v0, v17;
	v46 =	vmax.f32 v16, v15  }
0xe8: {  	v29 =	vmax.f32 v60, v61;
	v6 =	vmax.f32 v43, v44;
	v47 =	vmax.f32 v45, v46  }
0xe9: {  	v2 =	vadd.f32 v42, v2;
	v1 =	vadd.f32 v49, v1;
	v36 =	vmax.f32 v6, v47  }
0xea: {  	v54 =	vadd.f32 v40, v3;
	v4 =	vadd.f32 v39, v4;
	vm0 =	veq.f32 v15, v36  }
0xeb: {  	v6 =	vadd.f32 v50, v2;
	vm12 =	veq.f32 v16, v36;
	v51 =	vsel vm0, $0x7, v35  }
0xec: {  	v7 =	vadd.f32 v53, v1;
	vm13 =	veq.f32 v17, v36;
	v52 =	vsel vm12, $0x6, v51  }
0xed: {  	v62 =	vmax.f32 v54, v4;
	vm14 =	veq.f32 v0, v36;
	v5 =	vsel vm13, $0x5, v52  }
0xee: {  	vm15 =	veq.f32 v10, v36;
	vm4 =	veq.f32 v18, v36;
	v5 =	vsel vm14, $0x4, v5  }
0xef: {  	vm5 =	veq.f32 v19, v36;
	vm1 =	vne.f32 v20, v36;
	v55 =	vsel vm15, $0x3, v5  }
0xf0: {  	vm0 =	vmand vm1, vm5;
	v2 =	vnsel vm1, $0xBF800000, v20;
	v3 =	vsel vm4, $0x2, v55  }
0xf1: {  	v63 =	vmax.f32 v6, v7;
	v56 =	vsel vm5, $0x1, v3;
	v3 =	vsel vm0, $0xBF800000, v19  }
0xf2: {  	v34 =	vmax.f32 v62, v63;
	v1 =	vnsel vm1, $0x0, v56;
	v57 =	vmax.f32 v2, v3  }
0xf3: {  	vm6 =	veq.s32 v1, $0x2;
	vm7 =	veq.s32 v1, $0x3;
	vm8 =	veq.s32 v1, $0x4  }
0xf4: {  	vm9 =	veq.s32 v1, $0x5;
	vm10 =	veq.s32 v1, $0x6;
	vm11 =	veq.s32 v1, $0x7  }
0xf5: {  	v5 =	vsel vm6, $0xBF800000, v18;
	v11 =	vsel vm7, $0xBF800000, v10;
	v14 =	vsel vm8, $0xBF800000, v0  }
0xf6: {  	v21 =	vsel vm9, $0xBF800000, v17;
	v22 =	vsel vm10, $0xBF800000, v16;
	v24 =	vsel vm11, $0xBF800000, v15  }
0xf7: {  	v58 =	vmax.f32 v5, v11;
	v59 =	vmax.f32 v14, v21;
	v13 =	vmax.f32 v22, v24  }
0xf8: {  	v38 =	vmax.f32 v29, v34;
	v25 =	vmax.f32 v57, v58;
	v37 =	vmax.f32 v59, v13  }
0xf9: {  	v8 =	vsub.f32 v8, v38;
	v25 =	vmax.f32 v25, v37  }
0xfa: {  	v12 =	vsub.f32 v12, v38;
	v27 =	vadd.f32 v25, v36  }
0xfb: {  	v8 =	vmul.f32 $1.442695020e+00, v8  }
0xfc: {  	v23 =	vsub.f32 v23, v38;
	v12 =	vmul.f32 $1.442695020e+00, v12;
	(erf) = vrcp.f32 v27  }
0xfd: {  	(erf) = vpow2.f32 v8  }
0xfe: {  	v40 =	vsub.f32 v26, v38;
	v39 =	vmul.f32 $1.442695020e+00, v23;
	(erf) = vpow2.f32 v12;
	_ =	sdelay $0x1  }
0xff: {  	v9 =	vsub.f32 v54, v38;
	v41 =	vmul.f32 $1.442695020e+00, v40;
	(erf) = vpow2.f32 v39;
	_ =	sdelay $0x1  }
0x100: {  	v4 =	vsub.f32 v4, v38;
	v42 =	vmul.f32 $1.442695020e+00, v9;
	(erf) = vpow2.f32 v41;
	_ =	sdelay $0x1  }
0x101: {  	v6 =	vsub.f32 v6, v38;
	v4 =	vmul.f32 $1.442695020e+00, v4;
	(erf) = vpow2.f32 v42  }
0x102: {  	v8 =	vpop (erf)  }
0x103: {  	v45 =	vsub.f32 v7, v38;
	v44 =	vmul.f32 $1.442695020e+00, v6;
	(erf) = vpow2.f32 v4;
	v43 =	vpop (erf)  }
0x104: {  	v46 =	vpop (erf)  }
0x105: {  	v47 =	vmul.f32 $1.442695020e+00, v45;
	(erf) = vpow2.f32 v44;
	v48 =	vadd.f32 v46, v43  }
0x106: {  	v49 =	vpop (erf)  }
0x107: {  	(erf) = vpow2.f32 v47;
	v50 =	vadd.f32 v48, v49  }
0x108: {  	v51 =	vpop (erf)  }
0x109: {  	v4 =	vadd.f32 v50, v51  }
0x10a: {  	v52 =	vpop (erf)  }
0x10b: {  	v4 =	vadd.f32 v4, v52  }
0x10c: {  	v53 =	vpop (erf)  }
0x10d: {  	v4 =	vadd.f32 v4, v53  }
0x10e: {  	v54 =	vpop (erf)  }
0x10f: {  	v4 =	vadd.f32 v4, v54  }
0x110: {  	v55 =	vpop (erf)  }
0x111: {  	v4 =	vadd.f32 v4, v55;
	_ =	sdelay $0x1  }
0x112: {  	(erf) = vrcp.f32 v4;
	_ =	sdelay $0x8  }
0x113: {  	v4 =	vpop (erf)  }
0x114: {  	v9 =	vmul.f32 v4, v43;
	v7 =	vmul.f32 v4, v46  }
0x115: {  	v12 =	vmul.f32 v4, v49;
	v6 =	vmul.f32 v4, v51  }
0x116: {  	v23 =	vmul.f32 v4, v52;
	v26 =	vmul.f32 v4, v53  }
0x117: {  	v27 =	vmul.f32 v4, v54;
	v4 =	vmul.f32 v4, v55  }
0x118: {  	v56 =	vmax.f32 v9, v7  }
0x119: {  	v57 =	vmax.f32 v12, v6;
	v58 =	vmax.f32 v23, v26;
	v59 =	vmax.f32 v27, v4  }
0x11a: {  	v28 =	vmax.f32 v56, v57;
	v60 =	vmax.f32 v58, v59  }
0x11b: {  	v28 =	vmax.f32 v28, v60  }
0x11c: {  	vm12 =	veq.f32 v4, v28  }
0x11d: {  	vm13 =	veq.f32 v27, v28;
	v61 =	vsel vm12, $0x7, v35  }
0x11e: {  	vm14 =	veq.f32 v26, v28;
	v29 =	vsel vm13, $0x6, v61  }
0x11f: {  	vm15 =	veq.f32 v23, v28;
	v29 =	vsel vm14, $0x5, v29  }
0x120: {  	vm4 =	veq.f32 v6, v28;
	vm5 =	veq.f32 v12, v28;
	v29 =	vsel vm15, $0x4, v29  }
0x121: {  	vm6 =	veq.f32 v7, v28;
	vm2 =	vne.f32 v9, v28;
	v29 =	vsel vm4, $0x3, v29  }
0x122: {  	vm0 =	vmand vm2, vm6;
	v29 =	vsel vm5, $0x2, v29  }
0x123: {  	v38 =	vnsel vm2, $0xBF800000, v9;
	v39 =	vsel vm0, $0xBF800000, v7;
	v62 =	vsel vm6, $0x1, v29  }
0x124: {  	[tilespmem:$0x9100] =	vst v20;
	v46 =	vmax.f32 v38, v39;
	v37 =	vnsel vm2, $0x0, v62  }
0x125: {  	[tilespmem:$0x9120] =	vst v19;
	vm8 =	veq.s32 v37, $0x2;
	vm9 =	veq.s32 v37, $0x3;
	vm10 =	veq.s32 v37, $0x4  }
0x126: {  	[tilespmem:$0x9140] =	vst v18;
	vm11 =	veq.s32 v37, $0x5;
	vm12 =	veq.s32 v37, $0x6;
	vm14 =	veq.s32 v37, $0x7  }
0x127: {  	[tilespmem:$0x9160] =	vst v10;
	v40 =	vsel vm8, $0xBF800000, v12;
	v41 =	vsel vm9, $0xBF800000, v6;
	v42 =	vsel vm10, $0xBF800000, v23  }
0x128: {  	[tilespmem:$0x9180] =	vst v0;
	v43 =	vsel vm11, $0xBF800000, v26;
	v44 =	vsel vm12, $0xBF800000, v27;
	v45 =	vsel vm14, $0xBF800000, v4  }
0x129: {  	[tilespmem:$0x91A0] =	vst v17;
	v47 =	vmax.f32 v40, v41;
	v48 =	vmax.f32 v42, v43;
	v49 =	vmax.f32 v44, v45  }
0x12a: {  	[tilespmem:$0x91C0] =	vst v16;
	v50 =	vmax.f32 v46, v47;
	v51 =	vmax.f32 v48, v49  }
0x12b: {  	[tilespmem:$0x91E0] =	vst v15;
	v54 =	vmul.f32 v8, v36;
	v0 =	vmax.f32 v50, v51  }
0x12c: {  	[tilespmem:$0x9240] =	vst v1;
	vm1 =	veq.f32 v24, v25;
	v8 =	vmul.f32 v8, v25;
	v55 =	vadd.f32 v0, v28  }
0x12d: {  	vm7 =	veq.f32 v22, v25;
	v63 =	vsel vm1, $0x7, v35;
	[tilespmem:$0x9200] =	vst v54  }
0x12e: {  	v52 =	vsel vm7, $0x6, v63;
	[tilespmem:$0x9220] =	vst v8;
	vm13 =	veq.f32 v21, v25;
	(erf) = vrcp.f32 v55  }
0x12f: {  	vm7 =	veq.f32 v2, v25;
	[tilespmem:$0x9110] =	vst v9;
	v53 =	vsel vm13, $0x5, v52  }
0x130: {  	[tilespmem:$0x9130] =	vst v7;
	vm15 =	veq.f32 v14, v25;
	vm4 =	veq.f32 v11, v25;
	vm8 =	veq.f32 v45, v0  }
0x131: {  	[tilespmem:$0x9150] =	vst v12;
	v10 =	vsel vm15, $0x4, v53;
	vm9 =	veq.f32 v44, v0;
	v60 =	vsel vm8, $0x7, v35  }
0x132: {  	[tilespmem:$0x9170] =	vst v6;
	vm5 =	veq.f32 v5, v25;
	vm10 =	veq.f32 v43, v0;
	v1 =	vsel vm9, $0x6, v60  }
0x133: {  	[tilespmem:$0x9190] =	vst v23;
	v56 =	vsel vm4, $0x3, v10;
	vm11 =	veq.f32 v42, v0;
	v1 =	vsel vm10, $0x5, v1  }
0x134: {  	[tilespmem:$0x91B0] =	vst v26;
	vm6 =	veq.f32 v3, v25;
	vm12 =	veq.f32 v41, v0;
	v1 =	vsel vm11, $0x4, v1  }
0x135: {  	[tilespmem:$0x91D0] =	vst v27;
	v57 =	vsel vm5, $0x2, v56;
	vm13 =	veq.f32 v40, v0;
	v1 =	vsel vm12, $0x3, v1  }
0x136: {  	[tilespmem:$0x91F0] =	vst v4;
	v58 =	vsel vm6, $0x1, v57;
	vm14 =	veq.f32 v39, v0;
	v1 =	vsel vm13, $0x2, v1  }
0x137: {  	v59 =	vsel vm7, $0x0, v58;
	[tilespmem:$0x9250] =	vst v37;
	vm15 =	veq.f32 v38, v0;
	v63 =	vsel vm14, $0x1, v1;
	v61 =	vpop (erf)  }
0x138: {  	[tilespmem:$0x9260] =	vst v59;
	v62 =	vmul.f32 v61, v28;
	v2 =	vmul.f32 v61, v0;
	v0 =	vsel vm15, $0x0, v63  }
0x139: {  	[tilespmem:$0x9270] =	vst v0  }
0x13a: {  	[tilespmem:$0x9210] =	vst v62  }
0x13b: {  	[tilespmem:$0x9230] =	vst v2  }
0x13c: {  	[hbm4b:s5+s23] =	stream.strided.scatter [tilespmem:s25], [sflag:$0x1], $0x100, s24, s23, $0x38;
	[tilespmem:$0x9280] =	vst v63  }
0x13d: {  	_ =	swait.ge [sflag:s22], $0x100  }
0x13e: {  	[sflag:s22] =	ssyncset.done $0x0  }
0x13f: {  	[sflag:s22] =	ssyncadd.s32 $0xFFFFFF00  }
0x140: {  	[hbm4b:s6+s23] =	stream.strided.scatter [tilespmem:s26], [sflag:$0x1], $0x40, s24, s23, $0x38;
	[tilespmem:$0x9280] =	vst v63  }
0x141: {  	_ =	swait.ge [sflag:s22], $0x40  }
0x142: {  	[sflag:s22] =	ssyncset.done $0x0  }
0x143: {  	[sflag:s22] =	ssyncadd.s32 $0xFFFFFFC0  }
0x144: {  	[hbm4b:s7+s23] =	stream.strided.scatter [tilespmem:s28], [sflag:$0x1], $0x40, s24, s23, $0x38;
	[tilespmem:$0x9280] =	vst v63  }
0x145: {  	_ =	swait.ge [sflag:s22], $0x40  }
0x146: {  	s30 =	simm.s32 $0x0;
	s31 =	simm.s32 $0x60;
	[sflag:s22] =	ssyncset.done $0x0  }
0x147: {  	s2 =	sadd.s32 $0x0, s8;
	s0 =	simm.s32 $0x308;
	[sflag:s22] =	ssyncadd.s32 $0xFFFFFFC0  }
.LBB2_6:
0x148: {  	[tilespmem:s30], [sflag:$0x1] =	stream.linear.gather [hbm4b:s2+s3], $0x300, $0x38;
	[tilespmem:$0x9280] =	vst v63  }
0x149: {  	s1 =	smov.u32 s31;
	s30 =	smov.u32 s0;
	p0 =	sne.s32 s31, $0xBA0  }
.Ltmp2:
0x14a: {  	s31 =	sadd.s32 $0x60, s31;
	(pc) =	sbr.rel @p0 .LBB2_6-.Ltmp2, $2  }
0x14b: {  	_ =	sdelay $0x2  }
0x14c: {  	s0 =	sadd.s32 $0x308, s0;
	s2 =	sadd.s32 s1, s8  }
0x14d: {  	[tilespmem:s30], [sflag:$0x1] =	stream.linear.gather [hbm4b:s2+s3], $0x300, $0x38;
	[tilespmem:$0x9280] =	vst v63  }
0x14e: {  	_ =	swait.ge [sflag:s22], $0x6000  }
0x14f: {  	[sflag:s22] =	ssyncset.done $0x0  }
0x150: {  	s30 =	simm.s32 $0x6120;
	[sflag:s22] =	ssyncadd.s32 $0xFFFFA000  }
0x151: {  	v14 =	vimm.s32 $0x0;
	v36 =	vimm.s32 $0x1;
	v0 =	vld [tilespmem:s30+$0x10]  }
0x152: {  	v37 =	vimm.s32 $0x2;
	v38 =	vimm.s32 $0x3;
	v39 =	vimm.s32 $0x4;
	v10 =	vld [tilespmem:$0x1FFE0]  }
0x153: {  	s0 =	simm.s32 $0x0;
	s1 =	simm.s32 $0x2;
	s2 =	simm.s32 $0x3;
	v40 =	vimm.s32 $0x5;
	v41 =	vimm.s32 $0x6;
	v42 =	vimm.s32 $0x7;
	v19 =	vld [tilespmem:$0x1FFF0]  }
0x154: {  	v1 =	vmov s0;
	s0 =	simm.s32 $0x1;
	v3 =	vmov s1;
	v4 =	vmov s2  }
0x155: {  	v2 =	vmov s0;
	v1 =	vand.u32 $0x3FC, v1;
	v3 =	vand.u32 $0x3FE, v3;
	v5 =	vld [tilespmem:s30+$0x0]  }
0x156: {  	v4 =	vand.u32 $0x3FF, v4;
	v2 =	vand.u32 $0x3FD, v2;
	v11 =	vperm.xlane v0, v14  }
0x157: {  	v6 =	vadd.s32 v10, v1;
	v12 =	vperm.xlane v0, v36;
	v25 =	vperm.xlane v0, v37  }
0x158: {  	v1 =	vadd.s32 v19, v1;
	v28 =	vperm.xlane v0, v38;
	v30 =	vperm.xlane v0, v39  }
0x159: {  	v7 =	vld [tilespmem:s30+$0xFFFFFFF0];
	v8 =	vadd.s32 v10, v4;
	v31 =	vperm.xlane v0, v40;
	v13 =	vperm.xlane v0, v41  }
0x15a: {  	v4 =	vadd.s32 v19, v4;
	v23 =	vperm.xlane v5, v14;
	v48 =	vperm.xlane v0, v42  }
0x15b: {  	v9 =	vadd.s32 v10, v3;
	v24 =	vperm.xlane v5, v36;
	v0 =	vld [tilespmem:s30+$0xFFFFFFE0];
	v17 =	vperm.xlane v5, v37  }
0x15c: {  	v10 =	vadd.s32 v10, v2;
	v18 =	vperm.xlane v5, v38;
	v16 =	vperm.xlane v5, v39;
	v6 =	vld.idx.msk [tilespmem:v6+s3+$0x0], $0xffff  }
0x15d: {  	v2 =	vadd.s32 v19, v2;
	v15 =	vperm.xlane v5, v40;
	v35 =	vperm.xlane v5, v41;
	v1 =	vld.idx.msk [tilespmem:v1+s3+$0x0], $0xffff  }
0x15e: {  	v3 =	vadd.s32 v19, v3;
	v29 =	vperm.xlane v7, v14;
	v34 =	vperm.xlane v5, v42;
	v8 =	vld.idx.msk [tilespmem:v8+s3+$0x0], $0xffff  }
0x15f: {  	v33 =	vperm.xlane v7, v36;
	v27 =	vperm.xlane v7, v37;
	v4 =	vld.idx.msk [tilespmem:v4+s3+$0x0], $0xffff  }
0x160: {  	v26 =	vperm.xlane v7, v38;
	v22 =	vperm.xlane v7, v39;
	v5 =	vld.idx.msk [tilespmem:v9+s3+$0x0], $0xffff  }
0x161: {  	v21 =	vperm.xlane v7, v40;
	v19 =	vperm.xlane v7, v41;
	v9 =	vld.idx.msk [tilespmem:v10+s3+$0x0], $0xffff  }
0x162: {  	v20 =	vperm.xlane v7, v42;
	v2 =	vld.idx.msk [tilespmem:v2+s3+$0x0], $0xffff;
	v32 =	vperm.xlane v0, v14  }
0x163: {  	v3 =	vld.idx.msk [tilespmem:v3+s3+$0x0], $0xffff;
	v7 =	vperm.xlane v0, v36;
	v14 =	vperm.xlane v0, v37  }
0x164: {  	v49 =	vperm.xlane v0, v38;
	v36 =	vperm.xlane v0, v39  }
0x165: {  	v51 =	vimm.f32 $0.0e+00;
	v37 =	vperm.xlane v0, v40;
	v38 =	vperm.xlane v0, v41  }
0x166: {  	v39 =	vperm.xlane v0, v42;
	v0 =	vshrl.u32 v6, $0x10;
	v10 =	vshrl.u32 v1, $0x10  }
0x167: {  	v56 =	vshrl.u32 v5, $0x10;
	v57 =	vshrl.u32 v8, $0x10;
	v58 =	vshrl.u32 v4, $0x10  }
0x168: {  	v43 =	vshrl.u32 v9, $0x10;
	v44 =	vshrl.u32 v2, $0x10;
	v45 =	vshrl.u32 v3, $0x10  }
0x169: {  	v0 =	vand.u32 $0x1, v0;
	v10 =	vand.u32 $0x1, v10;
	v41 =	vand.u32 $0x1, v57  }
0x16a: {  	v40 =	vand.u32 $0x1, v56;
	v45 =	vand.u32 $0x1, v45;
	v0 =	vadd.s32 v0, v6  }
0x16b: {  	v42 =	vand.u32 $0x1, v58;
	v6 =	vand.u32 $0x1, v43;
	v0 =	vadd.s32 $0x7FFF, v0  }
0x16c: {  	v43 =	vand.u32 $0x1, v44;
	v1 =	vadd.s32 v10, v1;
	v59 =	vand.u32 $0xFFFF0000, v0  }
0x16d: {  	v8 =	vadd.s32 v41, v8;
	v5 =	vadd.s32 v40, v5;
	v46 =	vmul.f32 v59, v32  }
0x16e: {  	v3 =	vadd.s32 v45, v3;
	v47 =	vmul.f32 v59, v7;
	v45 =	vmul.f32 v59, v14  }
0x16f: {  	v1 =	vadd.s32 $0x7FFF, v1;
	v50 =	vmul.f32 v59, v49;
	v0 =	vmul.f32 v59, v36  }
0x170: {  	v1 =	vand.u32 $0xFFFF0000, v1;
	v10 =	vmul.f32 v59, v37;
	v63 =	vmul.f32 v59, v38  }
0x171: {  	v4 =	vadd.s32 v42, v4;
	v62 =	vmul.f32 v59, v39;
	v56 =	vmul.f32 v1, v32  }
0x172: {  	v61 =	vadd.s32 v43, v2;
	v54 =	vmul.f32 v1, v7;
	v55 =	vmul.f32 v1, v14  }
0x173: {  	v2 =	vadd.s32 $0x7FFF, v8;
	v53 =	vmul.f32 v1, v49;
	v44 =	vmul.f32 v1, v36  }
0x174: {  	v2 =	vand.u32 $0xFFFF0000, v2;
	v43 =	vmul.f32 v1, v37;
	v42 =	vmul.f32 v1, v38  }
0x175: {  	v6 =	vadd.s32 v6, v9;
	v41 =	vmul.f32 v1, v39;
	v7 =	vmul.f32 v2, v11  }
0x176: {  	v49 =	vadd.s32 $0x7FFF, v4;
	v8 =	vmul.f32 v2, v12;
	v4 =	vmul.f32 v2, v25  }
0x177: {  	v52 =	vadd.s32 $0x7FFF, v3;
	v9 =	vmul.f32 v2, v28;
	v3 =	vmul.f32 v2, v30  }
0x178: {  	v39 =	vadd.s32 $0x7FFF, v5;
	v5 =	vmul.f32 v2, v31;
	v1 =	vmul.f32 v2, v13  }
0x179: {  	v14 =	vmovc v13;
	v13 =	vmovc v48;
	v2 =	vmul.f32 v2, v48;
	v48 =	vand.u32 $0xFFFF0000, v52;
	v38 =	vand.u32 $0xFFFF0000, v49  }
0x17a: {  	v36 =	vimm.f32 $0.0e+00;
	v49 =	vadd.s32 $0x7FFF, v6;
	v58 =	vmul.f32 v38, v11  }
0x17b: {  	v6 =	vand.u32 $0xFFFF0000, v39;
	v59 =	vmul.f32 v38, v12;
	v60 =	vmul.f32 v38, v25  }
0x17c: {  	v11 =	vadd.s32 $0x7FFF, v61;
	v57 =	vmul.f32 v38, v28;
	v40 =	vmul.f32 v38, v30  }
0x17d: {  	v39 =	vmul.f32 v38, v31;
	v49 =	vand.u32 $0xFFFF0000, v49;
	v12 =	vmul.f32 v6, v23  }
0x17e: {  	v25 =	vmul.f32 v6, v24;
	v31 =	vadd.f32 v46, v51;
	v32 =	vadd.f32 v47, v51  }
0x17f: {  	v45 =	vadd.f32 v45, v51;
	v47 =	vmul.f32 v6, v18;
	v28 =	vmul.f32 v49, v29  }
0x180: {  	v61 =	vadd.f32 v50, v51;
	v50 =	vmul.f32 v6, v16;
	v30 =	vmul.f32 v49, v33  }
0x181: {  	v51 =	vmul.f32 v6, v15;
	v52 =	vmul.f32 v49, v27;
	v28 =	vadd.f32 v28, v31  }
0x182: {  	v46 =	vimm.f32 $0.0e+00;
	v37 =	vmul.f32 v49, v26;
	v30 =	vadd.f32 v30, v32  }
0x183: {  	v32 =	vadd.f32 v52, v45;
	v52 =	vadd.f32 v12, v28;
	v28 =	vimm.f32 $0.0e+00  }
0x184: {  	v31 =	vmul.f32 v6, v17;
	v45 =	vadd.f32 v37, v61;
	[tilespmem:$0x1FEE0] =	vst v28;
	v28 =	vimm.f32 $0.0e+00  }
0x185: {  	v61 =	vand.u32 $0xFFFF0000, v11;
	v37 =	vimm.f32 $0.0e+00;
	[tilespmem:$0x1FEF0] =	vst v28;
	v28 =	vimm.f32 $0.0e+00  }
0x186: {  	v11 =	vadd.f32 v25, v30;
	v12 =	vadd.f32 v31, v32;
	[tilespmem:$0x1FF00] =	vst v28;
	v28 =	vimm.f32 $0.0e+00  }
0x187: {  	v25 =	vadd.f32 v47, v45;
	v47 =	vimm.f32 $0.0e+00;
	[tilespmem:$0x1FF10] =	vst v28;
	v28 =	vimm.f32 $0.0e+00  }
0x188: {  	s31 =	simm.s32 $0x4;
	v45 =	vimm.f32 $0.0e+00;
	v32 =	vimm.f32 $0.0e+00;
	v31 =	vimm.f32 $0.0e+00;
	[tilespmem:$0x1FF20] =	vst v28  }
.LBB2_8:
0x189: {  	v7 =	vadd.f32 v7, v52  }
0x18a: {  	v4 =	vadd.f32 v4, v12  }
0x18b: {  	[tilespmem:$0x1FE80] =	vst v7;
	v7 =	vadd.f32 v8, v11  }
0x18c: {  	[tilespmem:$0x1FEA0] =	vst v4;
	v4 =	vadd.f32 v9, v25  }
0x18d: {  	v8 =	vmul.f32 v49, v19;
	[tilespmem:$0x1FE90] =	vst v7  }
0x18e: {  	v9 =	vadd.f32 v63, v46;
	v7 =	vmul.f32 v49, v21;
	[tilespmem:$0x1FEB0] =	vst v4;
	v4 =	vadd.f32 v10, v47  }
0x18f: {  	v11 =	vmul.f32 v49, v20;
	v10 =	vadd.f32 v62, v45  }
0x190: {  	v8 =	vadd.f32 v8, v9;
	v4 =	vadd.f32 v7, v4  }
0x191: {  	v7 =	vmul.f32 v6, v35;
	v9 =	vadd.f32 v11, v10;
	v6 =	vmul.f32 v6, v34;
	_ =	sdelay $0x1  }
0x192: {  	v28 =	vmul.f32 v49, v22;
	v0 =	vadd.f32 v0, v36;
	v6 =	vadd.f32 v6, v9  }
0x193: {  	v4 =	vadd.f32 v51, v4  }
0x194: {  	v0 =	vadd.f32 v28, v0;
	v45 =	vadd.f32 v2, v6;
	v2 =	vld [tilespmem:$0x1FEE0]  }
0x195: {  	v47 =	vadd.f32 v5, v4;
	v4 =	vld [tilespmem:$0x1FEF0]  }
0x196: {  	v0 =	vadd.f32 v50, v0;
	v5 =	vld [tilespmem:$0x1FF00]  }
0x197: {  	v7 =	vadd.f32 v7, v8  }
0x198: {  	v36 =	vadd.f32 v3, v0;
	v0 =	vmul.f32 v61, v33;
	v3 =	vmul.f32 v61, v27  }
0x199: {  	v9 =	vmul.f32 v61, v29;
	v46 =	vadd.f32 v1, v7;
	v1 =	vadd.f32 v56, v37  }
0x19a: {  	v10 =	vmul.f32 v48, v23;
	v2 =	vadd.f32 v54, v2;
	v4 =	vadd.f32 v55, v4  }
0x19b: {  	v6 =	vmul.f32 v61, v26;
	v1 =	vadd.f32 v9, v1;
	v5 =	vadd.f32 v53, v5  }
0x19c: {  	v0 =	vadd.f32 v0, v2;
	v2 =	vmul.f32 v48, v17;
	v3 =	vadd.f32 v3, v4  }
0x19d: {  	v1 =	vadd.f32 v10, v1  }
0x19e: {  	v4 =	vadd.f32 v6, v5;
	v5 =	vmul.f32 v48, v18;
	v2 =	vadd.f32 v2, v3  }
0x19f: {  	v37 =	vadd.f32 v58, v1  }
0x1a0: {  	v3 =	vadd.f32 v5, v4;
	v1 =	vadd.f32 v60, v2;
	_ =	sdelay $0x1  }
0x1a1: {  	v8 =	vmul.f32 v48, v24;
	v7 =	vld [tilespmem:$0x1FF20];
	[tilespmem:$0x1FEF0] =	vst v1;
	v1 =	vadd.f32 v57, v3;
	_ =	sdelay $0x1  }
0x1a2: {  	v0 =	vadd.f32 v8, v0;
	[tilespmem:$0x1FF00] =	vst v1;
	v1 =	vld [tilespmem:$0x1FF10]  }
0x1a3: {  	v30 =	vimm.s32 $0x4;
	v12 =	vimm.s32 $0x0  }
0x1a4: {  	v28 =	vimm.s32 $0x3;
	v25 =	vimm.s32 $0x2;
	v0 =	vadd.f32 v59, v0  }
0x1a5: {  	v9 =	vmul.f32 v61, v20;
	v7 =	vadd.f32 v42, v7;
	v54 =	vimm.s32 $0x6  }
0x1a6: {  	v2 =	vadd.f32 v43, v32;
	[tilespmem:$0x1FEE0] =	vst v0;
	v0 =	vmul.f32 v61, v21;
	v3 =	vmul.f32 v61, v19  }
0x1a7: {  	v5 =	vmul.f32 v61, v22;
	v8 =	vadd.f32 v41, v31;
	v1 =	vadd.f32 v44, v1  }
0x1a8: {  	s30 =	sadd.s32 $0x40, s30;
	v4 =	vmul.f32 v48, v15;
	v0 =	vadd.f32 v0, v2;
	v3 =	vadd.f32 v3, v7  }
0x1a9: {  	v2 =	vmul.f32 v48, v35;
	v1 =	vadd.f32 v5, v1;
	v5 =	vadd.f32 v9, v8;
	v8 =	vld [tilespmem:s30+$0xFFFFFFF0]  }
0x1aa: {  	v55 =	vimm.s32 $0x7;
	v6 =	vmul.f32 v48, v16;
	v0 =	vadd.f32 v4, v0  }
0x1ab: {  	v31 =	vimm.s32 $0x5;
	v7 =	vmul.f32 v48, v34;
	v2 =	vadd.f32 v2, v3  }
0x1ac: {  	v4 =	vmul.f32 v38, v14;
	v0 =	vadd.f32 v39, v0;
	v1 =	vadd.f32 v6, v1;
	v6 =	vld [tilespmem:s30+$0x10]  }
0x1ad: {  	v14 =	vimm.s32 $0x1;
	v3 =	vadd.f32 v7, v5;
	v5 =	vmul.f32 v38, v13  }
0x1ae: {  	[tilespmem:$0x1FED0] =	vst v0;
	v0 =	vmov s31;
	v29 =	vperm.xlane v8, v12;
	v33 =	vperm.xlane v8, v14  }
0x1af: {  	v11 =	vld [tilespmem:$0x1FFE0];
	v1 =	vadd.f32 v40, v1;
	v27 =	vperm.xlane v8, v25;
	v26 =	vperm.xlane v8, v28  }
0x1b0: {  	v15 =	vld [tilespmem:$0x1FFF0];
	v0 =	vand.u32 $0x3FC, v0;
	v22 =	vperm.xlane v8, v30;
	v21 =	vperm.xlane v8, v31  }
0x1b1: {  	s1 =	sadd.s32 $0x2, s31;
	v19 =	vperm.xlane v8, v54;
	[tilespmem:$0x1FF10] =	vst v1;
	v1 =	vadd.f32 v4, v2;
	v40 =	vperm.xlane v6, v12  }
0x1b2: {  	v2 =	vmov s1;
	v4 =	vld [tilespmem:s30+$0x0];
	v59 =	vperm.xlane v6, v14;
	v48 =	vperm.xlane v6, v25  }
0x1b3: {  	v2 =	vand.u32 $0x3FE, v2;
	v57 =	vperm.xlane v6, v28;
	v39 =	vperm.xlane v6, v30  }
0x1b4: {  	v61 =	vperm.xlane v6, v31;
	[tilespmem:$0x1FF20] =	vst v1;
	v1 =	vadd.f32 v5, v3;
	v5 =	vadd.s32 v11, v0  }
0x1b5: {  	s2 =	sadd.s32 $0x3, s31;
	v13 =	vperm.xlane v6, v54;
	v58 =	vperm.xlane v6, v55;
	v0 =	vadd.s32 v15, v0  }
0x1b6: {  	s0 =	sadd.s32 $0x1, s31;
	v3 =	vmov s2;
	v10 =	vadd.s32 v11, v2;
	v2 =	vadd.s32 v15, v2  }
0x1b7: {  	v9 =	vld [tilespmem:s30+$0xFFFFFFE0];
	v3 =	vand.u32 $0x3FF, v3;
	[tilespmem:$0x1FEC0] =	vst v1;
	v1 =	vmov s0;
	v23 =	vperm.xlane v4, v12  }
0x1b8: {  	v7 =	vadd.s32 v11, v3;
	v24 =	vperm.xlane v4, v14;
	v17 =	vperm.xlane v4, v25  }
0x1b9: {  	v3 =	vadd.s32 v15, v3;
	v18 =	vperm.xlane v4, v28;
	v16 =	vperm.xlane v4, v30;
	v5 =	vld.idx.msk [tilespmem:v5+s3+$0x0], $0xffff  }
0x1ba: {  	v1 =	vand.u32 $0x3FD, v1;
	v35 =	vperm.xlane v4, v54;
	v34 =	vperm.xlane v4, v55;
	v0 =	vld.idx.msk [tilespmem:v0+s3+$0x0], $0xffff  }
0x1bb: {  	v6 =	vadd.s32 v11, v1;
	v1 =	vadd.s32 v15, v1;
	v15 =	vperm.xlane v4, v31;
	v4 =	vld.idx.msk [tilespmem:v10+s3+$0x0], $0xffff  }
0x1bc: {  	v20 =	vperm.xlane v8, v55;
	v8 =	vperm.xlane v9, v14;
	v2 =	vld.idx.msk [tilespmem:v2+s3+$0x0], $0xffff  }
0x1bd: {  	v38 =	vperm.xlane v9, v31;
	v41 =	vperm.xlane v9, v54;
	v7 =	vld.idx.msk [tilespmem:v7+s3+$0x0], $0xffff  }
0x1be: {  	v11 =	vperm.xlane v9, v12;
	v12 =	vperm.xlane v9, v25;
	v3 =	vld.idx.msk [tilespmem:v3+s3+$0x0], $0xffff  }
0x1bf: {  	v25 =	vperm.xlane v9, v28;
	v28 =	vperm.xlane v9, v30  }
0x1c0: {  	v9 =	vperm.xlane v9, v55;
	v10 =	vshrl.u32 v5, $0x10;
	v42 =	vshrl.u32 v0, $0x10  }
0x1c1: {  	v6 =	vld.idx.msk [tilespmem:v6+s3+$0x0], $0xffff;
	v43 =	vshrl.u32 v4, $0x10;
	v32 =	vshrl.u32 v2, $0x10;
	v10 =	vand.u32 $0x1, v10  }
0x1c2: {  	v1 =	vld.idx.msk [tilespmem:v1+s3+$0x0], $0xffff;
	v42 =	vand.u32 $0x1, v42;
	v43 =	vand.u32 $0x1, v43;
	v53 =	vand.u32 $0x1, v32  }
0x1c3: {  	v56 =	vshrl.u32 v7, $0x10;
	v60 =	vshrl.u32 v3, $0x10;
	v5 =	vadd.s32 v10, v5  }
0x1c4: {  	v42 =	vadd.s32 v42, v0;
	v4 =	vadd.s32 v43, v4;
	v2 =	vadd.s32 v53, v2  }
0x1c5: {  	v44 =	vand.u32 $0x1, v56;
	v49 =	vand.u32 $0x1, v60;
	v5 =	vadd.s32 $0x7FFF, v5  }
0x1c6: {  	v42 =	vadd.s32 $0x7FFF, v42;
	v62 =	vshrl.u32 v6, $0x10;
	v5 =	vand.u32 $0xFFFF0000, v5  }
0x1c7: {  	v63 =	vshrl.u32 v1, $0x10;
	v7 =	vadd.s32 v44, v7;
	v51 =	vmul.f32 v5, v11  }
0x1c8: {  	v3 =	vadd.s32 v49, v3;
	v30 =	vmul.f32 v5, v8;
	v31 =	vmul.f32 v5, v12  }
0x1c9: {  	v10 =	vand.u32 $0x1, v62;
	v32 =	vmul.f32 v5, v25;
	v0 =	vmul.f32 v5, v28  }
0x1ca: {  	v50 =	vand.u32 $0x1, v63;
	v63 =	vmul.f32 v5, v41;
	v62 =	vmul.f32 v5, v9  }
0x1cb: {  	v6 =	vadd.s32 v10, v6;
	v10 =	vmul.f32 v5, v38;
	v5 =	vand.u32 $0xFFFF0000, v42  }
0x1cc: {  	v49 =	vadd.s32 $0x7FFF, v2;
	v56 =	vmul.f32 v5, v11;
	v54 =	vmul.f32 v5, v8  }
0x1cd: {  	v11 =	vadd.s32 v50, v1;
	v55 =	vmul.f32 v5, v12;
	v53 =	vmul.f32 v5, v25  }
0x1ce: {  	v1 =	vadd.s32 $0x7FFF, v7;
	v44 =	vmul.f32 v5, v28;
	v43 =	vmul.f32 v5, v38  }
0x1cf: {  	v12 =	vadd.s32 $0x7FFF, v3;
	v42 =	vmul.f32 v5, v41;
	v25 =	vand.u32 $0xFFFF0000, v1  }
0x1d0: {  	v41 =	vmul.f32 v5, v9;
	v28 =	vadd.s32 $0x7FFF, v4;
	v7 =	vmul.f32 v25, v40  }
0x1d1: {  	v52 =	vadd.s32 $0x7FFF, v6;
	v4 =	vmul.f32 v25, v48;
	v3 =	vmul.f32 v25, v39  }
0x1d2: {  	v38 =	vand.u32 $0xFFFF0000, v12;
	v5 =	vmul.f32 v25, v61;
	v1 =	vmul.f32 v25, v13  }
0x1d3: {  	v14 =	vmovc v13;
	v11 =	vadd.s32 $0x7FFF, v11;
	v13 =	vmovc v58;
	v2 =	vmul.f32 v25, v58;
	v58 =	vmul.f32 v38, v40  }
0x1d4: {  	v40 =	vmul.f32 v38, v39;
	v39 =	vmul.f32 v38, v61;
	v61 =	vand.u32 $0xFFFF0000, v11;
	v11 =	vld [tilespmem:$0x1FE80]  }
0x1d5: {  	v60 =	vmul.f32 v38, v48;
	v48 =	vand.u32 $0xFFFF0000, v49;
	v49 =	vand.u32 $0xFFFF0000, v52;
	v52 =	vld [tilespmem:$0x1FEA0];
	_ =	sdelay $0x3  }
0x1d6: {  	v11 =	vadd.f32 v51, v11;
	v51 =	vld [tilespmem:$0x1FE90]  }
0x1d7: {  	v31 =	vadd.f32 v31, v52;
	v52 =	vld [tilespmem:$0x1FEB0]  }
0x1d8: {  	v8 =	vmul.f32 v25, v59;
	v9 =	vmul.f32 v25, v57  }
0x1d9: {  	v6 =	vand.u32 $0xFFFF0000, v28;
	v59 =	vmul.f32 v38, v59;
	v57 =	vmul.f32 v38, v57  }
0x1da: {  	v12 =	vmul.f32 v6, v23;
	v28 =	vmul.f32 v49, v29  }
0x1db: {  	p0 =	slt.u32 s31, $0x2FC;
	v50 =	vmul.f32 v49, v33;
	v30 =	vadd.f32 v30, v51;
	v51 =	vmul.f32 v49, v27  }
.Ltmp3:
0x1dc: {  	v11 =	vadd.f32 v28, v11;
	v32 =	vadd.f32 v32, v52;
	v52 =	vmul.f32 v49, v26;
	(pc) =	sbr.rel @p0 .LBB2_8-.Ltmp3, $4  }
0x1dd: {  	v28 =	vadd.f32 v50, v30;
	v30 =	vmul.f32 v6, v17;
	v31 =	vadd.f32 v51, v31  }
0x1de: {  	v25 =	vmul.f32 v6, v24;
	v32 =	vadd.f32 v52, v32;
	v51 =	vmul.f32 v6, v18  }
0x1df: {  	v52 =	vadd.f32 v12, v11;
	v50 =	vmul.f32 v6, v16;
	v12 =	vadd.f32 v30, v31;
	v31 =	vld [tilespmem:$0x1FEC0]  }
0x1e0: {  	s31 =	sadd.s32 $0x4, s31;
	v11 =	vadd.f32 v25, v28;
	v25 =	vadd.f32 v51, v32;
	v32 =	vld [tilespmem:$0x1FED0];
	v51 =	vmul.f32 v6, v15  }
0x1e1: {  	v7 =	vadd.f32 v7, v52  }
0x1e2: {  	v4 =	vadd.f32 v4, v12;
	v0 =	vadd.f32 v0, v36  }
0x1e3: {  	v52 =	vmul.f32 v49, v22;
	v10 =	vadd.f32 v10, v47;
	v36 =	vmul.f32 v49, v21  }
0x1e4: {  	v46 =	vadd.f32 v63, v46;
	v28 =	vmul.f32 v49, v19;
	v30 =	vadd.f32 v62, v45  }
0x1e5: {  	v47 =	vmul.f32 v49, v20;
	v8 =	vadd.f32 v8, v11;
	v9 =	vadd.f32 v9, v25  }
0x1e6: {  	v62 =	vmul.f32 v6, v34;
	v0 =	vadd.f32 v52, v0;
	v10 =	vadd.f32 v36, v10  }
0x1e7: {  	v49 =	vadd.f32 v28, v46;
	v11 =	vadd.f32 v47, v30;
	v52 =	vmul.f32 v6, v35  }
0x1e8: {  	v0 =	vadd.f32 v50, v0;
	v10 =	vadd.f32 v51, v10  }
0x1e9: {  	v12 =	vadd.f32 v52, v49;
	v6 =	vadd.f32 v62, v11  }
0x1ea: {  	v0 =	vadd.f32 v3, v0;
	v63 =	vadd.f32 v5, v10  }
0x1eb: {  	v1 =	vadd.f32 v1, v12;
	v2 =	vadd.f32 v2, v6  }
0x1ec: {  	v25 =	vmax.f32 v4, v9  }
0x1ed: {  	v12 =	vmax.f32 v7, v8;
	v10 =	vmax.f32 v0, v63;
	v28 =	vmax.f32 v1, v2  }
0x1ee: {  	v5 =	vmax.f32 v12, v25;
	v30 =	vmax.f32 v10, v28  }
0x1ef: {  	v5 =	vmax.f32 v5, v30  }
0x1f0: {  	v6 =	vsub.f32 v7, v5  }
0x1f1: {  	v36 =	vsub.f32 v8, v5  }
0x1f2: {  	v6 =	vmul.f32 $1.442695020e+00, v6  }
0x1f3: {  	v4 =	vsub.f32 v4, v5;
	v7 =	vmul.f32 $1.442695020e+00, v36  }
0x1f4: {  	(erf) = vpow2.f32 v6  }
0x1f5: {  	v45 =	vsub.f32 v9, v5;
	v4 =	vmul.f32 $1.442695020e+00, v4;
	(erf) = vpow2.f32 v7;
	_ =	sdelay $0x1  }
0x1f6: {  	v0 =	vsub.f32 v0, v5;
	v46 =	vmul.f32 $1.442695020e+00, v45;
	(erf) = vpow2.f32 v4;
	_ =	sdelay $0x1  }
0x1f7: {  	v3 =	vsub.f32 v63, v5;
	v0 =	vmul.f32 $1.442695020e+00, v0;
	(erf) = vpow2.f32 v46;
	_ =	sdelay $0x1  }
0x1f8: {  	v1 =	vsub.f32 v1, v5;
	v47 =	vmul.f32 $1.442695020e+00, v3;
	(erf) = vpow2.f32 v0;
	_ =	sdelay $0x1  }
0x1f9: {  	v50 =	vsub.f32 v2, v5;
	v49 =	vmul.f32 $1.442695020e+00, v1;
	v3 =	vpop (erf);
	(erf) = vpow2.f32 v47  }
0x1fa: {  	v2 =	vpop (erf)  }
0x1fb: {  	v51 =	vmul.f32 $1.442695020e+00, v50;
	(erf) = vpow2.f32 v49;
	v52 =	vadd.f32 v2, v3  }
0x1fc: {  	v4 =	vpop (erf)  }
0x1fd: {  	(erf) = vpow2.f32 v51;
	v62 =	vadd.f32 v52, v4  }
0x1fe: {  	v1 =	vpop (erf)  }
0x1ff: {  	v0 =	vadd.f32 v62, v1  }
0x200: {  	v5 =	vpop (erf)  }
0x201: {  	v0 =	vadd.f32 v0, v5  }
0x202: {  	v36 =	vld [tilespmem:$0x1FEE0];
	v6 =	vpop (erf)  }
0x203: {  	v47 =	vld [tilespmem:$0x1FF00];
	v0 =	vadd.f32 v0, v6  }
0x204: {  	v7 =	vpop (erf)  }
0x205: {  	v63 =	vadd.f32 v56, v37;
	v45 =	vmul.f32 v61, v29;
	v0 =	vadd.f32 v0, v7  }
0x206: {  	v17 =	vmul.f32 v48, v17;
	v18 =	vmul.f32 v48, v18;
	v9 =	vpop (erf)  }
0x207: {  	v37 =	vld [tilespmem:$0x1FEF0];
	v8 =	vadd.f32 v45, v63;
	v51 =	vmul.f32 v48, v23;
	v0 =	vadd.f32 v0, v9  }
0x208: {  	v50 =	vmul.f32 v61, v26;
	v10 =	vadd.f32 v54, v36;
	v28 =	vadd.f32 v53, v47  }
0x209: {  	v46 =	vmul.f32 v61, v33;
	v8 =	vadd.f32 v51, v8;
	(erf) = vrcp.f32 v0  }
0x20a: {  	v56 =	vmul.f32 v61, v22;
	v63 =	vadd.f32 v43, v32;
	v12 =	vadd.f32 v50, v28  }
0x20b: {  	v10 =	vadd.f32 v46, v10;
	v52 =	vmul.f32 v48, v24;
	v8 =	vadd.f32 v58, v8;
	v58 =	vld [tilespmem:$0x1FF10]  }
0x20c: {  	v11 =	vadd.f32 v55, v37;
	v49 =	vmul.f32 v61, v27;
	v53 =	vadd.f32 v18, v12;
	v18 =	vld [tilespmem:$0x1FF20]  }
0x20d: {  	v32 =	vadd.f32 v41, v31;
	v55 =	vmul.f32 v48, v15;
	v10 =	vadd.f32 v52, v10  }
0x20e: {  	v54 =	vmul.f32 v48, v16;
	v50 =	vmul.f32 v38, v14;
	v0 =	vadd.f32 v49, v11  }
0x20f: {  	v12 =	vadd.f32 v59, v10;
	v26 =	vadd.f32 v57, v53;
	v57 =	vmul.f32 v61, v21  }
0x210: {  	v59 =	vadd.f32 v44, v58;
	v53 =	vmul.f32 v38, v13;
	v0 =	vadd.f32 v17, v0  }
0x211: {  	v30 =	vadd.f32 v42, v18;
	v42 =	vmul.f32 v48, v35;
	v49 =	vmul.f32 v48, v34  }
0x212: {  	v23 =	vadd.f32 v60, v0;
	v60 =	vmul.f32 v61, v19;
	v61 =	vmul.f32 v61, v20;
	v62 =	vpop (erf)  }
0x213: {  	v33 =	vadd.f32 v56, v59;
	v20 =	vmul.f32 v62, v3;
	v19 =	vmul.f32 v62, v2  }
0x214: {  	v41 =	vadd.f32 v57, v63;
	v18 =	vmul.f32 v62, v4;
	v10 =	vmul.f32 v62, v1  }
0x215: {  	v35 =	vimm.s32 $0x8;
	v0 =	vmul.f32 v62, v5;
	v17 =	vmul.f32 v62, v6  }
0x216: {  	v16 =	vmul.f32 v62, v7;
	v2 =	vadd.f32 v60, v30;
	v1 =	vadd.f32 v61, v32  }
0x217: {  	v15 =	vmul.f32 v62, v9;
	v3 =	vadd.f32 v54, v33;
	v4 =	vadd.f32 v55, v41  }
0x218: {  	v60 =	vmax.f32 v8, v12;
	v61 =	vmax.f32 v23, v26;
	v43 =	vmax.f32 v20, v19  }
0x219: {  	v44 =	vmax.f32 v18, v10;
	v45 =	vmax.f32 v0, v17;
	v46 =	vmax.f32 v16, v15  }
0x21a: {  	v29 =	vmax.f32 v60, v61;
	v6 =	vmax.f32 v43, v44;
	v47 =	vmax.f32 v45, v46  }
0x21b: {  	v2 =	vadd.f32 v42, v2;
	v1 =	vadd.f32 v49, v1;
	v36 =	vmax.f32 v6, v47  }
0x21c: {  	v54 =	vadd.f32 v40, v3;
	v4 =	vadd.f32 v39, v4;
	vm0 =	veq.f32 v15, v36  }
0x21d: {  	v6 =	vadd.f32 v50, v2;
	vm12 =	veq.f32 v16, v36;
	v51 =	vsel vm0, $0x7, v35  }
0x21e: {  	v7 =	vadd.f32 v53, v1;
	vm13 =	veq.f32 v17, v36;
	v52 =	vsel vm12, $0x6, v51  }
0x21f: {  	v62 =	vmax.f32 v54, v4;
	vm14 =	veq.f32 v0, v36;
	v5 =	vsel vm13, $0x5, v52  }
0x220: {  	vm15 =	veq.f32 v10, v36;
	vm4 =	veq.f32 v18, v36;
	v5 =	vsel vm14, $0x4, v5  }
0x221: {  	vm5 =	veq.f32 v19, v36;
	vm1 =	vne.f32 v20, v36;
	v55 =	vsel vm15, $0x3, v5  }
0x222: {  	vm0 =	vmand vm1, vm5;
	v2 =	vnsel vm1, $0xBF800000, v20;
	v3 =	vsel vm4, $0x2, v55  }
0x223: {  	v63 =	vmax.f32 v6, v7;
	v56 =	vsel vm5, $0x1, v3;
	v3 =	vsel vm0, $0xBF800000, v19  }
0x224: {  	v34 =	vmax.f32 v62, v63;
	v1 =	vnsel vm1, $0x0, v56;
	v57 =	vmax.f32 v2, v3  }
0x225: {  	vm6 =	veq.s32 v1, $0x2;
	vm7 =	veq.s32 v1, $0x3;
	vm8 =	veq.s32 v1, $0x4  }
0x226: {  	vm9 =	veq.s32 v1, $0x5;
	vm10 =	veq.s32 v1, $0x6;
	vm11 =	veq.s32 v1, $0x7  }
0x227: {  	v5 =	vsel vm6, $0xBF800000, v18;
	v11 =	vsel vm7, $0xBF800000, v10;
	v14 =	vsel vm8, $0xBF800000, v0  }
0x228: {  	v21 =	vsel vm9, $0xBF800000, v17;
	v22 =	vsel vm10, $0xBF800000, v16;
	v24 =	vsel vm11, $0xBF800000, v15  }
0x229: {  	v58 =	vmax.f32 v5, v11;
	v59 =	vmax.f32 v14, v21;
	v13 =	vmax.f32 v22, v24  }
0x22a: {  	v38 =	vmax.f32 v29, v34;
	v25 =	vmax.f32 v57, v58;
	v37 =	vmax.f32 v59, v13  }
0x22b: {  	v8 =	vsub.f32 v8, v38;
	v25 =	vmax.f32 v25, v37  }
0x22c: {  	v12 =	vsub.f32 v12, v38;
	v27 =	vadd.f32 v25, v36  }
0x22d: {  	v8 =	vmul.f32 $1.442695020e+00, v8  }
0x22e: {  	v23 =	vsub.f32 v23, v38;
	v12 =	vmul.f32 $1.442695020e+00, v12;
	(erf) = vrcp.f32 v27  }
0x22f: {  	(erf) = vpow2.f32 v8  }
0x230: {  	v40 =	vsub.f32 v26, v38;
	v39 =	vmul.f32 $1.442695020e+00, v23;
	(erf) = vpow2.f32 v12;
	_ =	sdelay $0x1  }
0x231: {  	v9 =	vsub.f32 v54, v38;
	v41 =	vmul.f32 $1.442695020e+00, v40;
	(erf) = vpow2.f32 v39;
	_ =	sdelay $0x1  }
0x232: {  	v4 =	vsub.f32 v4, v38;
	v42 =	vmul.f32 $1.442695020e+00, v9;
	(erf) = vpow2.f32 v41;
	_ =	sdelay $0x1  }
0x233: {  	v6 =	vsub.f32 v6, v38;
	v4 =	vmul.f32 $1.442695020e+00, v4;
	(erf) = vpow2.f32 v42  }
0x234: {  	v8 =	vpop (erf)  }
0x235: {  	v45 =	vsub.f32 v7, v38;
	v44 =	vmul.f32 $1.442695020e+00, v6;
	(erf) = vpow2.f32 v4;
	v43 =	vpop (erf)  }
0x236: {  	v46 =	vpop (erf)  }
0x237: {  	v47 =	vmul.f32 $1.442695020e+00, v45;
	(erf) = vpow2.f32 v44;
	v48 =	vadd.f32 v46, v43  }
0x238: {  	v49 =	vpop (erf)  }
0x239: {  	(erf) = vpow2.f32 v47;
	v50 =	vadd.f32 v48, v49  }
0x23a: {  	v51 =	vpop (erf)  }
0x23b: {  	v4 =	vadd.f32 v50, v51  }
0x23c: {  	v52 =	vpop (erf)  }
0x23d: {  	v4 =	vadd.f32 v4, v52  }
0x23e: {  	v53 =	vpop (erf)  }
0x23f: {  	v4 =	vadd.f32 v4, v53  }
0x240: {  	v54 =	vpop (erf)  }
0x241: {  	v4 =	vadd.f32 v4, v54  }
0x242: {  	v55 =	vpop (erf)  }
0x243: {  	v4 =	vadd.f32 v4, v55;
	_ =	sdelay $0x1  }
0x244: {  	(erf) = vrcp.f32 v4;
	_ =	sdelay $0x8  }
0x245: {  	v4 =	vpop (erf)  }
0x246: {  	v9 =	vmul.f32 v4, v43;
	v7 =	vmul.f32 v4, v46  }
0x247: {  	v12 =	vmul.f32 v4, v49;
	v6 =	vmul.f32 v4, v51  }
0x248: {  	v23 =	vmul.f32 v4, v52;
	v26 =	vmul.f32 v4, v53  }
0x249: {  	v27 =	vmul.f32 v4, v54;
	v4 =	vmul.f32 v4, v55  }
0x24a: {  	v56 =	vmax.f32 v9, v7  }
0x24b: {  	v57 =	vmax.f32 v12, v6;
	v58 =	vmax.f32 v23, v26;
	v59 =	vmax.f32 v27, v4  }
0x24c: {  	v28 =	vmax.f32 v56, v57;
	v60 =	vmax.f32 v58, v59  }
0x24d: {  	v28 =	vmax.f32 v28, v60  }
0x24e: {  	vm12 =	veq.f32 v4, v28  }
0x24f: {  	vm13 =	veq.f32 v27, v28;
	v61 =	vsel vm12, $0x7, v35  }
0x250: {  	vm14 =	veq.f32 v26, v28;
	v29 =	vsel vm13, $0x6, v61  }
0x251: {  	vm15 =	veq.f32 v23, v28;
	v29 =	vsel vm14, $0x5, v29  }
0x252: {  	vm4 =	veq.f32 v6, v28;
	vm5 =	veq.f32 v12, v28;
	v29 =	vsel vm15, $0x4, v29  }
0x253: {  	vm6 =	veq.f32 v7, v28;
	vm2 =	vne.f32 v9, v28;
	v29 =	vsel vm4, $0x3, v29  }
0x254: {  	vm0 =	vmand vm2, vm6;
	v29 =	vsel vm5, $0x2, v29  }
0x255: {  	v38 =	vnsel vm2, $0xBF800000, v9;
	v39 =	vsel vm0, $0xBF800000, v7;
	v62 =	vsel vm6, $0x1, v29  }
0x256: {  	[tilespmem:$0x9100] =	vst v20;
	v46 =	vmax.f32 v38, v39;
	v37 =	vnsel vm2, $0x0, v62  }
0x257: {  	[tilespmem:$0x9120] =	vst v19;
	vm8 =	veq.s32 v37, $0x2;
	vm9 =	veq.s32 v37, $0x3;
	vm10 =	veq.s32 v37, $0x4  }
0x258: {  	[tilespmem:$0x9140] =	vst v18;
	vm11 =	veq.s32 v37, $0x5;
	vm12 =	veq.s32 v37, $0x6;
	vm14 =	veq.s32 v37, $0x7  }
0x259: {  	[tilespmem:$0x9160] =	vst v10;
	v40 =	vsel vm8, $0xBF800000, v12;
	v41 =	vsel vm9, $0xBF800000, v6;
	v42 =	vsel vm10, $0xBF800000, v23  }
0x25a: {  	[tilespmem:$0x9180] =	vst v0;
	v43 =	vsel vm11, $0xBF800000, v26;
	v44 =	vsel vm12, $0xBF800000, v27;
	v45 =	vsel vm14, $0xBF800000, v4  }
0x25b: {  	[tilespmem:$0x91A0] =	vst v17;
	v47 =	vmax.f32 v40, v41;
	v48 =	vmax.f32 v42, v43;
	v49 =	vmax.f32 v44, v45  }
0x25c: {  	[tilespmem:$0x91C0] =	vst v16;
	v50 =	vmax.f32 v46, v47;
	v51 =	vmax.f32 v48, v49  }
0x25d: {  	[tilespmem:$0x91E0] =	vst v15;
	v54 =	vmul.f32 v8, v36;
	v0 =	vmax.f32 v50, v51  }
0x25e: {  	[tilespmem:$0x9240] =	vst v1;
	vm1 =	veq.f32 v24, v25;
	v8 =	vmul.f32 v8, v25;
	v55 =	vadd.f32 v0, v28  }
0x25f: {  	vm7 =	veq.f32 v22, v25;
	v63 =	vsel vm1, $0x7, v35;
	[tilespmem:$0x9200] =	vst v54  }
0x260: {  	v52 =	vsel vm7, $0x6, v63;
	[tilespmem:$0x9220] =	vst v8;
	vm13 =	veq.f32 v21, v25;
	(erf) = vrcp.f32 v55  }
0x261: {  	vm7 =	veq.f32 v2, v25;
	[tilespmem:$0x9110] =	vst v9;
	v53 =	vsel vm13, $0x5, v52  }
0x262: {  	[tilespmem:$0x9130] =	vst v7;
	vm15 =	veq.f32 v14, v25;
	vm4 =	veq.f32 v11, v25;
	vm8 =	veq.f32 v45, v0  }
0x263: {  	[tilespmem:$0x9150] =	vst v12;
	v10 =	vsel vm15, $0x4, v53;
	vm9 =	veq.f32 v44, v0;
	v60 =	vsel vm8, $0x7, v35  }
0x264: {  	[tilespmem:$0x9170] =	vst v6;
	vm5 =	veq.f32 v5, v25;
	vm10 =	veq.f32 v43, v0;
	v1 =	vsel vm9, $0x6, v60  }
0x265: {  	[tilespmem:$0x9190] =	vst v23;
	v56 =	vsel vm4, $0x3, v10;
	vm11 =	veq.f32 v42, v0;
	v1 =	vsel vm10, $0x5, v1  }
0x266: {  	[tilespmem:$0x91B0] =	vst v26;
	vm6 =	veq.f32 v3, v25;
	vm12 =	veq.f32 v41, v0;
	v1 =	vsel vm11, $0x4, v1  }
0x267: {  	[tilespmem:$0x91D0] =	vst v27;
	v57 =	vsel vm5, $0x2, v56;
	vm13 =	veq.f32 v40, v0;
	v1 =	vsel vm12, $0x3, v1  }
0x268: {  	[tilespmem:$0x91F0] =	vst v4;
	v58 =	vsel vm6, $0x1, v57;
	vm14 =	veq.f32 v39, v0;
	v1 =	vsel vm13, $0x2, v1  }
0x269: {  	v59 =	vsel vm7, $0x0, v58;
	[tilespmem:$0x9250] =	vst v37;
	vm15 =	veq.f32 v38, v0;
	v63 =	vsel vm14, $0x1, v1;
	v61 =	vpop (erf)  }
0x26a: {  	[tilespmem:$0x9260] =	vst v59;
	v62 =	vmul.f32 v61, v28;
	v2 =	vmul.f32 v61, v0;
	v0 =	vsel vm15, $0x0, v63  }
0x26b: {  	[tilespmem:$0x9270] =	vst v0  }
0x26c: {  	[tilespmem:$0x9210] =	vst v62  }
0x26d: {  	[tilespmem:$0x9230] =	vst v2  }
0x26e: {  	[hbm4b:s9+s23] =	stream.strided.scatter [tilespmem:s25], [sflag:$0x1], $0x100, s24, s23, $0x38;
	[tilespmem:$0x9280] =	vst v63  }
0x26f: {  	_ =	swait.ge [sflag:s22], $0x100  }
0x270: {  	[sflag:s22] =	ssyncset.done $0x0  }
0x271: {  	[sflag:s22] =	ssyncadd.s32 $0xFFFFFF00  }
0x272: {  	[hbm4b:s10+s23] =	stream.strided.scatter [tilespmem:s26], [sflag:$0x1], $0x40, s24, s23, $0x38;
	[tilespmem:$0x9280] =	vst v63  }
0x273: {  	_ =	swait.ge [sflag:s22], $0x40  }
0x274: {  	[sflag:s22] =	ssyncset.done $0x0  }
0x275: {  	[sflag:s22] =	ssyncadd.s32 $0xFFFFFFC0  }
0x276: {  	[hbm4b:s11+s23] =	stream.strided.scatter [tilespmem:s28], [sflag:$0x1], $0x40, s24, s23, $0x38;
	[tilespmem:$0x9280] =	vst v63  }
0x277: {  	_ =	swait.ge [sflag:s22], $0x40  }
0x278: {  	s30 =	simm.s32 $0x0;
	s31 =	simm.s32 $0x60;
	[sflag:s22] =	ssyncset.done $0x0  }
0x279: {  	s2 =	sadd.s32 $0x0, s12;
	s0 =	simm.s32 $0x308;
	[sflag:s22] =	ssyncadd.s32 $0xFFFFFFC0  }
.LBB2_10:
0x27a: {  	[tilespmem:s30], [sflag:$0x1] =	stream.linear.gather [hbm4b:s2+s3], $0x300, $0x38;
	[tilespmem:$0x9280] =	vst v63  }
0x27b: {  	s1 =	smov.u32 s31;
	s30 =	smov.u32 s0;
	p0 =	sne.s32 s31, $0xBA0  }
.Ltmp4:
0x27c: {  	s31 =	sadd.s32 $0x60, s31;
	(pc) =	sbr.rel @p0 .LBB2_10-.Ltmp4, $2  }
0x27d: {  	_ =	sdelay $0x2  }
0x27e: {  	s0 =	sadd.s32 $0x308, s0;
	s2 =	sadd.s32 s1, s12  }
0x27f: {  	[tilespmem:s30], [sflag:$0x1] =	stream.linear.gather [hbm4b:s2+s3], $0x300, $0x38;
	[tilespmem:$0x9280] =	vst v63  }
0x280: {  	_ =	swait.ge [sflag:s22], $0x6000  }
0x281: {  	[sflag:s22] =	ssyncset.done $0x0  }
0x282: {  	s30 =	simm.s32 $0x6120;
	[sflag:s22] =	ssyncadd.s32 $0xFFFFA000  }
0x283: {  	v14 =	vimm.s32 $0x0;
	v36 =	vimm.s32 $0x1;
	v0 =	vld [tilespmem:s30+$0x10]  }
0x284: {  	v37 =	vimm.s32 $0x2;
	v38 =	vimm.s32 $0x3;
	v39 =	vimm.s32 $0x4;
	v10 =	vld [tilespmem:$0x1FFE0]  }
0x285: {  	s0 =	simm.s32 $0x0;
	s1 =	simm.s32 $0x2;
	s2 =	simm.s32 $0x3;
	v40 =	vimm.s32 $0x5;
	v41 =	vimm.s32 $0x6;
	v42 =	vimm.s32 $0x7;
	v19 =	vld [tilespmem:$0x1FFF0]  }
0x286: {  	v1 =	vmov s0;
	s0 =	simm.s32 $0x1;
	v3 =	vmov s1;
	v4 =	vmov s2  }
0x287: {  	v2 =	vmov s0;
	v1 =	vand.u32 $0x3FC, v1;
	v3 =	vand.u32 $0x3FE, v3;
	v5 =	vld [tilespmem:s30+$0x0]  }
0x288: {  	v4 =	vand.u32 $0x3FF, v4;
	v2 =	vand.u32 $0x3FD, v2;
	v11 =	vperm.xlane v0, v14  }
0x289: {  	v6 =	vadd.s32 v10, v1;
	v12 =	vperm.xlane v0, v36;
	v25 =	vperm.xlane v0, v37  }
0x28a: {  	v1 =	vadd.s32 v19, v1;
	v28 =	vperm.xlane v0, v38;
	v30 =	vperm.xlane v0, v39  }
0x28b: {  	v7 =	vld [tilespmem:s30+$0xFFFFFFF0];
	v8 =	vadd.s32 v10, v4;
	v31 =	vperm.xlane v0, v40;
	v13 =	vperm.xlane v0, v41  }
0x28c: {  	v4 =	vadd.s32 v19, v4;
	v23 =	vperm.xlane v5, v14;
	v48 =	vperm.xlane v0, v42  }
0x28d: {  	v9 =	vadd.s32 v10, v3;
	v24 =	vperm.xlane v5, v36;
	v0 =	vld [tilespmem:s30+$0xFFFFFFE0];
	v17 =	vperm.xlane v5, v37  }
0x28e: {  	v10 =	vadd.s32 v10, v2;
	v18 =	vperm.xlane v5, v38;
	v16 =	vperm.xlane v5, v39;
	v6 =	vld.idx.msk [tilespmem:v6+s3+$0x0], $0xffff  }
0x28f: {  	v2 =	vadd.s32 v19, v2;
	v15 =	vperm.xlane v5, v40;
	v35 =	vperm.xlane v5, v41;
	v1 =	vld.idx.msk [tilespmem:v1+s3+$0x0], $0xffff  }
0x290: {  	v3 =	vadd.s32 v19, v3;
	v29 =	vperm.xlane v7, v14;
	v34 =	vperm.xlane v5, v42;
	v8 =	vld.idx.msk [tilespmem:v8+s3+$0x0], $0xffff  }
0x291: {  	v33 =	vperm.xlane v7, v36;
	v27 =	vperm.xlane v7, v37;
	v4 =	vld.idx.msk [tilespmem:v4+s3+$0x0], $0xffff  }
0x292: {  	v26 =	vperm.xlane v7, v38;
	v22 =	vperm.xlane v7, v39;
	v5 =	vld.idx.msk [tilespmem:v9+s3+$0x0], $0xffff  }
0x293: {  	v21 =	vperm.xlane v7, v40;
	v19 =	vperm.xlane v7, v41;
	v9 =	vld.idx.msk [tilespmem:v10+s3+$0x0], $0xffff  }
0x294: {  	v20 =	vperm.xlane v7, v42;
	v2 =	vld.idx.msk [tilespmem:v2+s3+$0x0], $0xffff;
	v32 =	vperm.xlane v0, v14  }
0x295: {  	v3 =	vld.idx.msk [tilespmem:v3+s3+$0x0], $0xffff;
	v7 =	vperm.xlane v0, v36;
	v14 =	vperm.xlane v0, v37  }
0x296: {  	v49 =	vperm.xlane v0, v38;
	v36 =	vperm.xlane v0, v39  }
0x297: {  	v51 =	vimm.f32 $0.0e+00;
	v37 =	vperm.xlane v0, v40;
	v38 =	vperm.xlane v0, v41  }
0x298: {  	v39 =	vperm.xlane v0, v42;
	v0 =	vshrl.u32 v6, $0x10;
	v10 =	vshrl.u32 v1, $0x10  }
0x299: {  	v56 =	vshrl.u32 v5, $0x10;
	v57 =	vshrl.u32 v8, $0x10;
	v58 =	vshrl.u32 v4, $0x10  }
0x29a: {  	v43 =	vshrl.u32 v9, $0x10;
	v44 =	vshrl.u32 v2, $0x10;
	v45 =	vshrl.u32 v3, $0x10  }
0x29b: {  	v0 =	vand.u32 $0x1, v0;
	v10 =	vand.u32 $0x1, v10;
	v41 =	vand.u32 $0x1, v57  }
0x29c: {  	v40 =	vand.u32 $0x1, v56;
	v45 =	vand.u32 $0x1, v45;
	v0 =	vadd.s32 v0, v6  }
0x29d: {  	v42 =	vand.u32 $0x1, v58;
	v6 =	vand.u32 $0x1, v43;
	v0 =	vadd.s32 $0x7FFF, v0  }
0x29e: {  	v43 =	vand.u32 $0x1, v44;
	v1 =	vadd.s32 v10, v1;
	v59 =	vand.u32 $0xFFFF0000, v0  }
0x29f: {  	v8 =	vadd.s32 v41, v8;
	v5 =	vadd.s32 v40, v5;
	v46 =	vmul.f32 v59, v32  }
0x2a0: {  	v3 =	vadd.s32 v45, v3;
	v47 =	vmul.f32 v59, v7;
	v45 =	vmul.f32 v59, v14  }
0x2a1: {  	v1 =	vadd.s32 $0x7FFF, v1;
	v50 =	vmul.f32 v59, v49;
	v0 =	vmul.f32 v59, v36  }
0x2a2: {  	v1 =	vand.u32 $0xFFFF0000, v1;
	v10 =	vmul.f32 v59, v37;
	v63 =	vmul.f32 v59, v38  }
0x2a3: {  	v4 =	vadd.s32 v42, v4;
	v62 =	vmul.f32 v59, v39;
	v56 =	vmul.f32 v1, v32  }
0x2a4: {  	v61 =	vadd.s32 v43, v2;
	v54 =	vmul.f32 v1, v7;
	v55 =	vmul.f32 v1, v14  }
0x2a5: {  	v2 =	vadd.s32 $0x7FFF, v8;
	v53 =	vmul.f32 v1, v49;
	v44 =	vmul.f32 v1, v36  }
0x2a6: {  	v2 =	vand.u32 $0xFFFF0000, v2;
	v43 =	vmul.f32 v1, v37;
	v42 =	vmul.f32 v1, v38  }
0x2a7: {  	v6 =	vadd.s32 v6, v9;
	v41 =	vmul.f32 v1, v39;
	v7 =	vmul.f32 v2, v11  }
0x2a8: {  	v49 =	vadd.s32 $0x7FFF, v4;
	v8 =	vmul.f32 v2, v12;
	v4 =	vmul.f32 v2, v25  }
0x2a9: {  	v52 =	vadd.s32 $0x7FFF, v3;
	v9 =	vmul.f32 v2, v28;
	v3 =	vmul.f32 v2, v30  }
0x2aa: {  	v39 =	vadd.s32 $0x7FFF, v5;
	v5 =	vmul.f32 v2, v31;
	v1 =	vmul.f32 v2, v13  }
0x2ab: {  	v14 =	vmovc v13;
	v13 =	vmovc v48;
	v2 =	vmul.f32 v2, v48;
	v48 =	vand.u32 $0xFFFF0000, v52;
	v38 =	vand.u32 $0xFFFF0000, v49  }
0x2ac: {  	v36 =	vimm.f32 $0.0e+00;
	v49 =	vadd.s32 $0x7FFF, v6;
	v58 =	vmul.f32 v38, v11  }
0x2ad: {  	v6 =	vand.u32 $0xFFFF0000, v39;
	v59 =	vmul.f32 v38, v12;
	v60 =	vmul.f32 v38, v25  }
0x2ae: {  	v11 =	vadd.s32 $0x7FFF, v61;
	v57 =	vmul.f32 v38, v28;
	v40 =	vmul.f32 v38, v30  }
0x2af: {  	v39 =	vmul.f32 v38, v31;
	v49 =	vand.u32 $0xFFFF0000, v49;
	v12 =	vmul.f32 v6, v23  }
0x2b0: {  	v25 =	vmul.f32 v6, v24;
	v31 =	vadd.f32 v46, v51;
	v32 =	vadd.f32 v47, v51  }
0x2b1: {  	v45 =	vadd.f32 v45, v51;
	v47 =	vmul.f32 v6, v18;
	v28 =	vmul.f32 v49, v29  }
0x2b2: {  	v61 =	vadd.f32 v50, v51;
	v50 =	vmul.f32 v6, v16;
	v30 =	vmul.f32 v49, v33  }
0x2b3: {  	v51 =	vmul.f32 v6, v15;
	v52 =	vmul.f32 v49, v27;
	v28 =	vadd.f32 v28, v31  }
0x2b4: {  	v46 =	vimm.f32 $0.0e+00;
	v37 =	vmul.f32 v49, v26;
	v30 =	vadd.f32 v30, v32  }
0x2b5: {  	v32 =	vadd.f32 v52, v45;
	v52 =	vadd.f32 v12, v28;
	v28 =	vimm.f32 $0.0e+00  }
0x2b6: {  	v31 =	vmul.f32 v6, v17;
	v45 =	vadd.f32 v37, v61;
	[tilespmem:$0x1FE30] =	vst v28;
	v28 =	vimm.f32 $0.0e+00  }
0x2b7: {  	v61 =	vand.u32 $0xFFFF0000, v11;
	v37 =	vimm.f32 $0.0e+00;
	[tilespmem:$0x1FE40] =	vst v28;
	v28 =	vimm.f32 $0.0e+00  }
0x2b8: {  	v11 =	vadd.f32 v25, v30;
	v12 =	vadd.f32 v31, v32;
	[tilespmem:$0x1FE50] =	vst v28;
	v28 =	vimm.f32 $0.0e+00  }
0x2b9: {  	v25 =	vadd.f32 v47, v45;
	v47 =	vimm.f32 $0.0e+00;
	[tilespmem:$0x1FE60] =	vst v28;
	v28 =	vimm.f32 $0.0e+00  }
0x2ba: {  	s31 =	simm.s32 $0x4;
	v45 =	vimm.f32 $0.0e+00;
	v32 =	vimm.f32 $0.0e+00;
	v31 =	vimm.f32 $0.0e+00;
	[tilespmem:$0x1FE70] =	vst v28  }
.LBB2_12:
0x2bb: {  	v7 =	vadd.f32 v7, v52  }
0x2bc: {  	v4 =	vadd.f32 v4, v12  }
0x2bd: {  	[tilespmem:$0x1FDD0] =	vst v7;
	v7 =	vadd.f32 v8, v11  }
0x2be: {  	[tilespmem:$0x1FDF0] =	vst v4;
	v4 =	vadd.f32 v9, v25  }
0x2bf: {  	v8 =	vmul.f32 v49, v19;
	[tilespmem:$0x1FDE0] =	vst v7  }
0x2c0: {  	v9 =	vadd.f32 v63, v46;
	v7 =	vmul.f32 v49, v21;
	[tilespmem:$0x1FE00] =	vst v4;
	v4 =	vadd.f32 v10, v47  }
0x2c1: {  	v11 =	vmul.f32 v49, v20;
	v10 =	vadd.f32 v62, v45  }
0x2c2: {  	v8 =	vadd.f32 v8, v9;
	v4 =	vadd.f32 v7, v4  }
0x2c3: {  	v7 =	vmul.f32 v6, v35;
	v9 =	vadd.f32 v11, v10;
	v6 =	vmul.f32 v6, v34;
	_ =	sdelay $0x1  }
0x2c4: {  	v28 =	vmul.f32 v49, v22;
	v0 =	vadd.f32 v0, v36;
	v6 =	vadd.f32 v6, v9  }
0x2c5: {  	v4 =	vadd.f32 v51, v4  }
0x2c6: {  	v0 =	vadd.f32 v28, v0;
	v45 =	vadd.f32 v2, v6;
	v2 =	vld [tilespmem:$0x1FE30]  }
0x2c7: {  	v47 =	vadd.f32 v5, v4;
	v4 =	vld [tilespmem:$0x1FE40]  }
0x2c8: {  	v0 =	vadd.f32 v50, v0;
	v5 =	vld [tilespmem:$0x1FE50]  }
0x2c9: {  	v7 =	vadd.f32 v7, v8  }
0x2ca: {  	v36 =	vadd.f32 v3, v0;
	v0 =	vmul.f32 v61, v33;
	v3 =	vmul.f32 v61, v27  }
0x2cb: {  	v9 =	vmul.f32 v61, v29;
	v46 =	vadd.f32 v1, v7;
	v1 =	vadd.f32 v56, v37  }
0x2cc: {  	v10 =	vmul.f32 v48, v23;
	v2 =	vadd.f32 v54, v2;
	v4 =	vadd.f32 v55, v4  }
0x2cd: {  	v6 =	vmul.f32 v61, v26;
	v1 =	vadd.f32 v9, v1;
	v5 =	vadd.f32 v53, v5  }
0x2ce: {  	v0 =	vadd.f32 v0, v2;
	v2 =	vmul.f32 v48, v17;
	v3 =	vadd.f32 v3, v4  }
0x2cf: {  	v1 =	vadd.f32 v10, v1  }
0x2d0: {  	v4 =	vadd.f32 v6, v5;
	v5 =	vmul.f32 v48, v18;
	v2 =	vadd.f32 v2, v3  }
0x2d1: {  	v37 =	vadd.f32 v58, v1  }
0x2d2: {  	v3 =	vadd.f32 v5, v4;
	v1 =	vadd.f32 v60, v2;
	_ =	sdelay $0x1  }
0x2d3: {  	v8 =	vmul.f32 v48, v24;
	v7 =	vld [tilespmem:$0x1FE70];
	[tilespmem:$0x1FE40] =	vst v1;
	v1 =	vadd.f32 v57, v3;
	_ =	sdelay $0x1  }
0x2d4: {  	v0 =	vadd.f32 v8, v0;
	[tilespmem:$0x1FE50] =	vst v1;
	v1 =	vld [tilespmem:$0x1FE60]  }
0x2d5: {  	v30 =	vimm.s32 $0x4;
	v12 =	vimm.s32 $0x0  }
0x2d6: {  	v28 =	vimm.s32 $0x3;
	v25 =	vimm.s32 $0x2;
	v0 =	vadd.f32 v59, v0  }
0x2d7: {  	v9 =	vmul.f32 v61, v20;
	v7 =	vadd.f32 v42, v7;
	v54 =	vimm.s32 $0x6  }
0x2d8: {  	v2 =	vadd.f32 v43, v32;
	[tilespmem:$0x1FE30] =	vst v0;
	v0 =	vmul.f32 v61, v21;
	v3 =	vmul.f32 v61, v19  }
0x2d9: {  	v5 =	vmul.f32 v61, v22;
	v8 =	vadd.f32 v41, v31;
	v1 =	vadd.f32 v44, v1  }
0x2da: {  	s30 =	sadd.s32 $0x40, s30;
	v4 =	vmul.f32 v48, v15;
	v0 =	vadd.f32 v0, v2;
	v3 =	vadd.f32 v3, v7  }
0x2db: {  	v2 =	vmul.f32 v48, v35;
	v1 =	vadd.f32 v5, v1;
	v5 =	vadd.f32 v9, v8;
	v8 =	vld [tilespmem:s30+$0xFFFFFFF0]  }
0x2dc: {  	v55 =	vimm.s32 $0x7;
	v6 =	vmul.f32 v48, v16;
	v0 =	vadd.f32 v4, v0  }
0x2dd: {  	v31 =	vimm.s32 $0x5;
	v7 =	vmul.f32 v48, v34;
	v2 =	vadd.f32 v2, v3  }
0x2de: {  	v4 =	vmul.f32 v38, v14;
	v0 =	vadd.f32 v39, v0;
	v1 =	vadd.f32 v6, v1;
	v6 =	vld [tilespmem:s30+$0x10]  }
0x2df: {  	v14 =	vimm.s32 $0x1;
	v3 =	vadd.f32 v7, v5;
	v5 =	vmul.f32 v38, v13  }
0x2e0: {  	[tilespmem:$0x1FE20] =	vst v0;
	v0 =	vmov s31;
	v29 =	vperm.xlane v8, v12;
	v33 =	vperm.xlane v8, v14  }
0x2e1: {  	v11 =	vld [tilespmem:$0x1FFE0];
	v1 =	vadd.f32 v40, v1;
	v27 =	vperm.xlane v8, v25;
	v26 =	vperm.xlane v8, v28  }
0x2e2: {  	v15 =	vld [tilespmem:$0x1FFF0];
	v0 =	vand.u32 $0x3FC, v0;
	v22 =	vperm.xlane v8, v30;
	v21 =	vperm.xlane v8, v31  }
0x2e3: {  	s1 =	sadd.s32 $0x2, s31;
	v19 =	vperm.xlane v8, v54;
	[tilespmem:$0x1FE60] =	vst v1;
	v1 =	vadd.f32 v4, v2;
	v40 =	vperm.xlane v6, v12  }
0x2e4: {  	v2 =	vmov s1;
	v4 =	vld [tilespmem:s30+$0x0];
	v59 =	vperm.xlane v6, v14;
	v48 =	vperm.xlane v6, v25  }
0x2e5: {  	v2 =	vand.u32 $0x3FE, v2;
	v57 =	vperm.xlane v6, v28;
	v39 =	vperm.xlane v6, v30  }
0x2e6: {  	v61 =	vperm.xlane v6, v31;
	[tilespmem:$0x1FE70] =	vst v1;
	v1 =	vadd.f32 v5, v3;
	v5 =	vadd.s32 v11, v0  }
0x2e7: {  	s2 =	sadd.s32 $0x3, s31;
	v13 =	vperm.xlane v6, v54;
	v58 =	vperm.xlane v6, v55;
	v0 =	vadd.s32 v15, v0  }
0x2e8: {  	s0 =	sadd.s32 $0x1, s31;
	v3 =	vmov s2;
	v10 =	vadd.s32 v11, v2;
	v2 =	vadd.s32 v15, v2  }
0x2e9: {  	v9 =	vld [tilespmem:s30+$0xFFFFFFE0];
	v3 =	vand.u32 $0x3FF, v3;
	[tilespmem:$0x1FE10] =	vst v1;
	v1 =	vmov s0;
	v23 =	vperm.xlane v4, v12  }
0x2ea: {  	v7 =	vadd.s32 v11, v3;
	v24 =	vperm.xlane v4, v14;
	v17 =	vperm.xlane v4, v25  }
0x2eb: {  	v3 =	vadd.s32 v15, v3;
	v18 =	vperm.xlane v4, v28;
	v16 =	vperm.xlane v4, v30;
	v5 =	vld.idx.msk [tilespmem:v5+s3+$0x0], $0xffff  }
0x2ec: {  	v1 =	vand.u32 $0x3FD, v1;
	v35 =	vperm.xlane v4, v54;
	v34 =	vperm.xlane v4, v55;
	v0 =	vld.idx.msk [tilespmem:v0+s3+$0x0], $0xffff  }
0x2ed: {  	v6 =	vadd.s32 v11, v1;
	v1 =	vadd.s32 v15, v1;
	v15 =	vperm.xlane v4, v31;
	v4 =	vld.idx.msk [tilespmem:v10+s3+$0x0], $0xffff  }
0x2ee: {  	v20 =	vperm.xlane v8, v55;
	v8 =	vperm.xlane v9, v14;
	v2 =	vld.idx.msk [tilespmem:v2+s3+$0x0], $0xffff  }
0x2ef: {  	v38 =	vperm.xlane v9, v31;
	v41 =	vperm.xlane v9, v54;
	v7 =	vld.idx.msk [tilespmem:v7+s3+$0x0], $0xffff  }
0x2f0: {  	v11 =	vperm.xlane v9, v12;
	v12 =	vperm.xlane v9, v25;
	v3 =	vld.idx.msk [tilespmem:v3+s3+$0x0], $0xffff  }
0x2f1: {  	v25 =	vperm.xlane v9, v28;
	v28 =	vperm.xlane v9, v30  }
0x2f2: {  	v9 =	vperm.xlane v9, v55;
	v10 =	vshrl.u32 v5, $0x10;
	v42 =	vshrl.u32 v0, $0x10  }
0x2f3: {  	v6 =	vld.idx.msk [tilespmem:v6+s3+$0x0], $0xffff;
	v43 =	vshrl.u32 v4, $0x10;
	v32 =	vshrl.u32 v2, $0x10;
	v10 =	vand.u32 $0x1, v10  }
0x2f4: {  	v1 =	vld.idx.msk [tilespmem:v1+s3+$0x0], $0xffff;
	v42 =	vand.u32 $0x1, v42;
	v43 =	vand.u32 $0x1, v43;
	v53 =	vand.u32 $0x1, v32  }
0x2f5: {  	v56 =	vshrl.u32 v7, $0x10;
	v60 =	vshrl.u32 v3, $0x10;
	v5 =	vadd.s32 v10, v5  }
0x2f6: {  	v42 =	vadd.s32 v42, v0;
	v4 =	vadd.s32 v43, v4;
	v2 =	vadd.s32 v53, v2  }
0x2f7: {  	v44 =	vand.u32 $0x1, v56;
	v49 =	vand.u32 $0x1, v60;
	v5 =	vadd.s32 $0x7FFF, v5  }
0x2f8: {  	v42 =	vadd.s32 $0x7FFF, v42;
	v62 =	vshrl.u32 v6, $0x10;
	v5 =	vand.u32 $0xFFFF0000, v5  }
0x2f9: {  	v63 =	vshrl.u32 v1, $0x10;
	v7 =	vadd.s32 v44, v7;
	v51 =	vmul.f32 v5, v11  }
0x2fa: {  	v3 =	vadd.s32 v49, v3;
	v30 =	vmul.f32 v5, v8;
	v31 =	vmul.f32 v5, v12  }
0x2fb: {  	v10 =	vand.u32 $0x1, v62;
	v32 =	vmul.f32 v5, v25;
	v0 =	vmul.f32 v5, v28  }
0x2fc: {  	v50 =	vand.u32 $0x1, v63;
	v63 =	vmul.f32 v5, v41;
	v62 =	vmul.f32 v5, v9  }
0x2fd: {  	v6 =	vadd.s32 v10, v6;
	v10 =	vmul.f32 v5, v38;
	v5 =	vand.u32 $0xFFFF0000, v42  }
0x2fe: {  	v49 =	vadd.s32 $0x7FFF, v2;
	v56 =	vmul.f32 v5, v11;
	v54 =	vmul.f32 v5, v8  }
0x2ff: {  	v11 =	vadd.s32 v50, v1;
	v55 =	vmul.f32 v5, v12;
	v53 =	vmul.f32 v5, v25  }
0x300: {  	v1 =	vadd.s32 $0x7FFF, v7;
	v44 =	vmul.f32 v5, v28;
	v43 =	vmul.f32 v5, v38  }
0x301: {  	v12 =	vadd.s32 $0x7FFF, v3;
	v42 =	vmul.f32 v5, v41;
	v25 =	vand.u32 $0xFFFF0000, v1  }
0x302: {  	v41 =	vmul.f32 v5, v9;
	v28 =	vadd.s32 $0x7FFF, v4;
	v7 =	vmul.f32 v25, v40  }
0x303: {  	v52 =	vadd.s32 $0x7FFF, v6;
	v4 =	vmul.f32 v25, v48;
	v3 =	vmul.f32 v25, v39  }
0x304: {  	v38 =	vand.u32 $0xFFFF0000, v12;
	v5 =	vmul.f32 v25, v61;
	v1 =	vmul.f32 v25, v13  }
0x305: {  	v14 =	vmovc v13;
	v11 =	vadd.s32 $0x7FFF, v11;
	v13 =	vmovc v58;
	v2 =	vmul.f32 v25, v58;
	v58 =	vmul.f32 v38, v40  }
0x306: {  	v40 =	vmul.f32 v38, v39;
	v39 =	vmul.f32 v38, v61;
	v61 =	vand.u32 $0xFFFF0000, v11;
	v11 =	vld [tilespmem:$0x1FDD0]  }
0x307: {  	v60 =	vmul.f32 v38, v48;
	v48 =	vand.u32 $0xFFFF0000, v49;
	v49 =	vand.u32 $0xFFFF0000, v52;
	v52 =	vld [tilespmem:$0x1FDF0];
	_ =	sdelay $0x3  }
0x308: {  	v11 =	vadd.f32 v51, v11;
	v51 =	vld [tilespmem:$0x1FDE0]  }
0x309: {  	v31 =	vadd.f32 v31, v52;
	v52 =	vld [tilespmem:$0x1FE00]  }
0x30a: {  	v8 =	vmul.f32 v25, v59;
	v9 =	vmul.f32 v25, v57  }
0x30b: {  	v6 =	vand.u32 $0xFFFF0000, v28;
	v59 =	vmul.f32 v38, v59;
	v57 =	vmul.f32 v38, v57  }
0x30c: {  	v12 =	vmul.f32 v6, v23;
	v28 =	vmul.f32 v49, v29  }
0x30d: {  	p0 =	slt.u32 s31, $0x2FC;
	v50 =	vmul.f32 v49, v33;
	v30 =	vadd.f32 v30, v51;
	v51 =	vmul.f32 v49, v27  }
.Ltmp5:
0x30e: {  	v11 =	vadd.f32 v28, v11;
	v32 =	vadd.f32 v32, v52;
	v52 =	vmul.f32 v49, v26;
	(pc) =	sbr.rel @p0 .LBB2_12-.Ltmp5, $4  }
0x30f: {  	v28 =	vadd.f32 v50, v30;
	v30 =	vmul.f32 v6, v17;
	v31 =	vadd.f32 v51, v31  }
0x310: {  	v25 =	vmul.f32 v6, v24;
	v32 =	vadd.f32 v52, v32;
	v51 =	vmul.f32 v6, v18  }
0x311: {  	v52 =	vadd.f32 v12, v11;
	v50 =	vmul.f32 v6, v16;
	v12 =	vadd.f32 v30, v31;
	v31 =	vld [tilespmem:$0x1FE10]  }
0x312: {  	s31 =	sadd.s32 $0x4, s31;
	v11 =	vadd.f32 v25, v28;
	v25 =	vadd.f32 v51, v32;
	v32 =	vld [tilespmem:$0x1FE20];
	v51 =	vmul.f32 v6, v15  }
0x313: {  	v7 =	vadd.f32 v7, v52  }
0x314: {  	v4 =	vadd.f32 v4, v12;
	v0 =	vadd.f32 v0, v36  }
0x315: {  	v52 =	vmul.f32 v49, v22;
	v10 =	vadd.f32 v10, v47;
	v36 =	vmul.f32 v49, v21  }
0x316: {  	v46 =	vadd.f32 v63, v46;
	v28 =	vmul.f32 v49, v19;
	v30 =	vadd.f32 v62, v45  }
0x317: {  	v47 =	vmul.f32 v49, v20;
	v8 =	vadd.f32 v8, v11;
	v9 =	vadd.f32 v9, v25  }
0x318: {  	v62 =	vmul.f32 v6, v34;
	v0 =	vadd.f32 v52, v0;
	v10 =	vadd.f32 v36, v10  }
0x319: {  	v49 =	vadd.f32 v28, v46;
	v11 =	vadd.f32 v47, v30;
	v52 =	vmul.f32 v6, v35  }
0x31a: {  	v0 =	vadd.f32 v50, v0;
	v10 =	vadd.f32 v51, v10  }
0x31b: {  	v12 =	vadd.f32 v52, v49;
	v6 =	vadd.f32 v62, v11  }
0x31c: {  	v0 =	vadd.f32 v3, v0;
	v63 =	vadd.f32 v5, v10  }
0x31d: {  	v1 =	vadd.f32 v1, v12;
	v2 =	vadd.f32 v2, v6  }
0x31e: {  	v25 =	vmax.f32 v4, v9  }
0x31f: {  	v12 =	vmax.f32 v7, v8;
	v10 =	vmax.f32 v0, v63;
	v28 =	vmax.f32 v1, v2  }
0x320: {  	v5 =	vmax.f32 v12, v25;
	v30 =	vmax.f32 v10, v28  }
0x321: {  	v5 =	vmax.f32 v5, v30  }
0x322: {  	v6 =	vsub.f32 v7, v5  }
0x323: {  	v36 =	vsub.f32 v8, v5  }
0x324: {  	v6 =	vmul.f32 $1.442695020e+00, v6  }
0x325: {  	v4 =	vsub.f32 v4, v5;
	v7 =	vmul.f32 $1.442695020e+00, v36  }
0x326: {  	(erf) = vpow2.f32 v6  }
0x327: {  	v45 =	vsub.f32 v9, v5;
	v4 =	vmul.f32 $1.442695020e+00, v4;
	(erf) = vpow2.f32 v7;
	_ =	sdelay $0x1  }
0x328: {  	v0 =	vsub.f32 v0, v5;
	v46 =	vmul.f32 $1.442695020e+00, v45;
	(erf) = vpow2.f32 v4;
	_ =	sdelay $0x1  }
0x329: {  	v3 =	vsub.f32 v63, v5;
	v0 =	vmul.f32 $1.442695020e+00, v0;
	(erf) = vpow2.f32 v46;
	_ =	sdelay $0x1  }
0x32a: {  	v1 =	vsub.f32 v1, v5;
	v47 =	vmul.f32 $1.442695020e+00, v3;
	(erf) = vpow2.f32 v0;
	_ =	sdelay $0x1  }
0x32b: {  	v50 =	vsub.f32 v2, v5;
	v49 =	vmul.f32 $1.442695020e+00, v1;
	v3 =	vpop (erf);
	(erf) = vpow2.f32 v47  }
0x32c: {  	v2 =	vpop (erf)  }
0x32d: {  	v51 =	vmul.f32 $1.442695020e+00, v50;
	(erf) = vpow2.f32 v49;
	v52 =	vadd.f32 v2, v3  }
0x32e: {  	v4 =	vpop (erf)  }
0x32f: {  	(erf) = vpow2.f32 v51;
	v62 =	vadd.f32 v52, v4  }
0x330: {  	v1 =	vpop (erf)  }
0x331: {  	v0 =	vadd.f32 v62, v1  }
0x332: {  	v5 =	vpop (erf)  }
0x333: {  	v0 =	vadd.f32 v0, v5  }
0x334: {  	v36 =	vld [tilespmem:$0x1FE30];
	v6 =	vpop (erf)  }
0x335: {  	v47 =	vld [tilespmem:$0x1FE50];
	v0 =	vadd.f32 v0, v6  }
0x336: {  	v7 =	vpop (erf)  }
0x337: {  	v63 =	vadd.f32 v56, v37;
	v45 =	vmul.f32 v61, v29;
	v0 =	vadd.f32 v0, v7  }
0x338: {  	v17 =	vmul.f32 v48, v17;
	v18 =	vmul.f32 v48, v18;
	v9 =	vpop (erf)  }
0x339: {  	v37 =	vld [tilespmem:$0x1FE40];
	v8 =	vadd.f32 v45, v63;
	v51 =	vmul.f32 v48, v23;
	v0 =	vadd.f32 v0, v9  }
0x33a: {  	v50 =	vmul.f32 v61, v26;
	v10 =	vadd.f32 v54, v36;
	v28 =	vadd.f32 v53, v47  }
0x33b: {  	v46 =	vmul.f32 v61, v33;
	v8 =	vadd.f32 v51, v8;
	(erf) = vrcp.f32 v0  }
0x33c: {  	v56 =	vmul.f32 v61, v22;
	v63 =	vadd.f32 v43, v32;
	v12 =	vadd.f32 v50, v28  }
0x33d: {  	v10 =	vadd.f32 v46, v10;
	v52 =	vmul.f32 v48, v24;
	v8 =	vadd.f32 v58, v8;
	v58 =	vld [tilespmem:$0x1FE60]  }
0x33e: {  	v11 =	vadd.f32 v55, v37;
	v49 =	vmul.f32 v61, v27;
	v53 =	vadd.f32 v18, v12;
	v18 =	vld [tilespmem:$0x1FE70]  }
0x33f: {  	v32 =	vadd.f32 v41, v31;
	v55 =	vmul.f32 v48, v15;
	v10 =	vadd.f32 v52, v10  }
0x340: {  	v54 =	vmul.f32 v48, v16;
	v50 =	vmul.f32 v38, v14;
	v0 =	vadd.f32 v49, v11  }
0x341: {  	v12 =	vadd.f32 v59, v10;
	v26 =	vadd.f32 v57, v53;
	v57 =	vmul.f32 v61, v21  }
0x342: {  	v59 =	vadd.f32 v44, v58;
	v53 =	vmul.f32 v38, v13;
	v0 =	vadd.f32 v17, v0  }
0x343: {  	v30 =	vadd.f32 v42, v18;
	v42 =	vmul.f32 v48, v35;
	v49 =	vmul.f32 v48, v34  }
0x344: {  	v23 =	vadd.f32 v60, v0;
	v60 =	vmul.f32 v61, v19;
	v61 =	vmul.f32 v61, v20;
	v62 =	vpop (erf)  }
0x345: {  	v33 =	vadd.f32 v56, v59;
	v20 =	vmul.f32 v62, v3;
	v19 =	vmul.f32 v62, v2  }
0x346: {  	v41 =	vadd.f32 v57, v63;
	v18 =	vmul.f32 v62, v4;
	v10 =	vmul.f32 v62, v1  }
0x347: {  	v35 =	vimm.s32 $0x8;
	v0 =	vmul.f32 v62, v5;
	v17 =	vmul.f32 v62, v6  }
0x348: {  	v16 =	vmul.f32 v62, v7;
	v2 =	vadd.f32 v60, v30;
	v1 =	vadd.f32 v61, v32  }
0x349: {  	v15 =	vmul.f32 v62, v9;
	v3 =	vadd.f32 v54, v33;
	v4 =	vadd.f32 v55, v41  }
0x34a: {  	v60 =	vmax.f32 v8, v12;
	v61 =	vmax.f32 v23, v26;
	v43 =	vmax.f32 v20, v19  }
0x34b: {  	v44 =	vmax.f32 v18, v10;
	v45 =	vmax.f32 v0, v17;
	v46 =	vmax.f32 v16, v15  }
0x34c: {  	v29 =	vmax.f32 v60, v61;
	v6 =	vmax.f32 v43, v44;
	v47 =	vmax.f32 v45, v46  }
0x34d: {  	v2 =	vadd.f32 v42, v2;
	v1 =	vadd.f32 v49, v1;
	v36 =	vmax.f32 v6, v47  }
0x34e: {  	v54 =	vadd.f32 v40, v3;
	v4 =	vadd.f32 v39, v4;
	vm0 =	veq.f32 v15, v36  }
0x34f: {  	v6 =	vadd.f32 v50, v2;
	vm12 =	veq.f32 v16, v36;
	v51 =	vsel vm0, $0x7, v35  }
0x350: {  	v7 =	vadd.f32 v53, v1;
	vm13 =	veq.f32 v17, v36;
	v52 =	vsel vm12, $0x6, v51  }
0x351: {  	v62 =	vmax.f32 v54, v4;
	vm14 =	veq.f32 v0, v36;
	v5 =	vsel vm13, $0x5, v52  }
0x352: {  	vm15 =	veq.f32 v10, v36;
	vm4 =	veq.f32 v18, v36;
	v5 =	vsel vm14, $0x4, v5  }
0x353: {  	vm5 =	veq.f32 v19, v36;
	vm1 =	vne.f32 v20, v36;
	v55 =	vsel vm15, $0x3, v5  }
0x354: {  	vm0 =	vmand vm1, vm5;
	v2 =	vnsel vm1, $0xBF800000, v20;
	v3 =	vsel vm4, $0x2, v55  }
0x355: {  	v63 =	vmax.f32 v6, v7;
	v56 =	vsel vm5, $0x1, v3;
	v3 =	vsel vm0, $0xBF800000, v19  }
0x356: {  	v34 =	vmax.f32 v62, v63;
	v1 =	vnsel vm1, $0x0, v56;
	v57 =	vmax.f32 v2, v3  }
0x357: {  	vm6 =	veq.s32 v1, $0x2;
	vm7 =	veq.s32 v1, $0x3;
	vm8 =	veq.s32 v1, $0x4  }
0x358: {  	vm9 =	veq.s32 v1, $0x5;
	vm10 =	veq.s32 v1, $0x6;
	vm11 =	veq.s32 v1, $0x7  }
0x359: {  	v5 =	vsel vm6, $0xBF800000, v18;
	v11 =	vsel vm7, $0xBF800000, v10;
	v14 =	vsel vm8, $0xBF800000, v0  }
0x35a: {  	v21 =	vsel vm9, $0xBF800000, v17;
	v22 =	vsel vm10, $0xBF800000, v16;
	v24 =	vsel vm11, $0xBF800000, v15  }
0x35b: {  	v58 =	vmax.f32 v5, v11;
	v59 =	vmax.f32 v14, v21;
	v13 =	vmax.f32 v22, v24  }
0x35c: {  	v38 =	vmax.f32 v29, v34;
	v25 =	vmax.f32 v57, v58;
	v37 =	vmax.f32 v59, v13  }
0x35d: {  	v8 =	vsub.f32 v8, v38;
	v25 =	vmax.f32 v25, v37  }
0x35e: {  	v12 =	vsub.f32 v12, v38;
	v27 =	vadd.f32 v25, v36  }
0x35f: {  	v8 =	vmul.f32 $1.442695020e+00, v8  }
0x360: {  	v23 =	vsub.f32 v23, v38;
	v12 =	vmul.f32 $1.442695020e+00, v12;
	(erf) = vrcp.f32 v27  }
0x361: {  	(erf) = vpow2.f32 v8  }
0x362: {  	v40 =	vsub.f32 v26, v38;
	v39 =	vmul.f32 $1.442695020e+00, v23;
	(erf) = vpow2.f32 v12;
	_ =	sdelay $0x1  }
0x363: {  	v9 =	vsub.f32 v54, v38;
	v41 =	vmul.f32 $1.442695020e+00, v40;
	(erf) = vpow2.f32 v39;
	_ =	sdelay $0x1  }
0x364: {  	v4 =	vsub.f32 v4, v38;
	v42 =	vmul.f32 $1.442695020e+00, v9;
	(erf) = vpow2.f32 v41;
	_ =	sdelay $0x1  }
0x365: {  	v6 =	vsub.f32 v6, v38;
	v4 =	vmul.f32 $1.442695020e+00, v4;
	(erf) = vpow2.f32 v42  }
0x366: {  	v8 =	vpop (erf)  }
0x367: {  	v45 =	vsub.f32 v7, v38;
	v44 =	vmul.f32 $1.442695020e+00, v6;
	(erf) = vpow2.f32 v4;
	v43 =	vpop (erf)  }
0x368: {  	v46 =	vpop (erf)  }
0x369: {  	v47 =	vmul.f32 $1.442695020e+00, v45;
	(erf) = vpow2.f32 v44;
	v48 =	vadd.f32 v46, v43  }
0x36a: {  	v49 =	vpop (erf)  }
0x36b: {  	(erf) = vpow2.f32 v47;
	v50 =	vadd.f32 v48, v49  }
0x36c: {  	v51 =	vpop (erf)  }
0x36d: {  	v4 =	vadd.f32 v50, v51  }
0x36e: {  	v52 =	vpop (erf)  }
0x36f: {  	v4 =	vadd.f32 v4, v52  }
0x370: {  	v53 =	vpop (erf)  }
0x371: {  	v4 =	vadd.f32 v4, v53  }
0x372: {  	v54 =	vpop (erf)  }
0x373: {  	v4 =	vadd.f32 v4, v54  }
0x374: {  	v55 =	vpop (erf)  }
0x375: {  	v4 =	vadd.f32 v4, v55;
	_ =	sdelay $0x1  }
0x376: {  	(erf) = vrcp.f32 v4;
	_ =	sdelay $0x8  }
0x377: {  	v4 =	vpop (erf)  }
0x378: {  	v9 =	vmul.f32 v4, v43;
	v7 =	vmul.f32 v4, v46  }
0x379: {  	v12 =	vmul.f32 v4, v49;
	v6 =	vmul.f32 v4, v51  }
0x37a: {  	v23 =	vmul.f32 v4, v52;
	v26 =	vmul.f32 v4, v53  }
0x37b: {  	v27 =	vmul.f32 v4, v54;
	v4 =	vmul.f32 v4, v55  }
0x37c: {  	v56 =	vmax.f32 v9, v7  }
0x37d: {  	v57 =	vmax.f32 v12, v6;
	v58 =	vmax.f32 v23, v26;
	v59 =	vmax.f32 v27, v4  }
0x37e: {  	v28 =	vmax.f32 v56, v57;
	v60 =	vmax.f32 v58, v59  }
0x37f: {  	v28 =	vmax.f32 v28, v60  }
0x380: {  	vm12 =	veq.f32 v4, v28  }
0x381: {  	vm13 =	veq.f32 v27, v28;
	v61 =	vsel vm12, $0x7, v35  }
0x382: {  	vm14 =	veq.f32 v26, v28;
	v29 =	vsel vm13, $0x6, v61  }
0x383: {  	vm15 =	veq.f32 v23, v28;
	v29 =	vsel vm14, $0x5, v29  }
0x384: {  	vm4 =	veq.f32 v6, v28;
	vm5 =	veq.f32 v12, v28;
	v29 =	vsel vm15, $0x4, v29  }
0x385: {  	vm6 =	veq.f32 v7, v28;
	vm2 =	vne.f32 v9, v28;
	v29 =	vsel vm4, $0x3, v29  }
0x386: {  	vm0 =	vmand vm2, vm6;
	v29 =	vsel vm5, $0x2, v29  }
0x387: {  	v38 =	vnsel vm2, $0xBF800000, v9;
	v39 =	vsel vm0, $0xBF800000, v7;
	v62 =	vsel vm6, $0x1, v29  }
0x388: {  	[tilespmem:$0x9100] =	vst v20;
	v46 =	vmax.f32 v38, v39;
	v37 =	vnsel vm2, $0x0, v62  }
0x389: {  	[tilespmem:$0x9120] =	vst v19;
	vm8 =	veq.s32 v37, $0x2;
	vm9 =	veq.s32 v37, $0x3;
	vm10 =	veq.s32 v37, $0x4  }
0x38a: {  	[tilespmem:$0x9140] =	vst v18;
	vm11 =	veq.s32 v37, $0x5;
	vm12 =	veq.s32 v37, $0x6;
	vm14 =	veq.s32 v37, $0x7  }
0x38b: {  	[tilespmem:$0x9160] =	vst v10;
	v40 =	vsel vm8, $0xBF800000, v12;
	v41 =	vsel vm9, $0xBF800000, v6;
	v42 =	vsel vm10, $0xBF800000, v23  }
0x38c: {  	[tilespmem:$0x9180] =	vst v0;
	v43 =	vsel vm11, $0xBF800000, v26;
	v44 =	vsel vm12, $0xBF800000, v27;
	v45 =	vsel vm14, $0xBF800000, v4  }
0x38d: {  	[tilespmem:$0x91A0] =	vst v17;
	v47 =	vmax.f32 v40, v41;
	v48 =	vmax.f32 v42, v43;
	v49 =	vmax.f32 v44, v45  }
0x38e: {  	[tilespmem:$0x91C0] =	vst v16;
	v50 =	vmax.f32 v46, v47;
	v51 =	vmax.f32 v48, v49  }
0x38f: {  	[tilespmem:$0x91E0] =	vst v15;
	v54 =	vmul.f32 v8, v36;
	v0 =	vmax.f32 v50, v51  }
0x390: {  	[tilespmem:$0x9240] =	vst v1;
	vm1 =	veq.f32 v24, v25;
	v8 =	vmul.f32 v8, v25;
	v55 =	vadd.f32 v0, v28  }
0x391: {  	vm7 =	veq.f32 v22, v25;
	v63 =	vsel vm1, $0x7, v35;
	[tilespmem:$0x9200] =	vst v54  }
0x392: {  	v52 =	vsel vm7, $0x6, v63;
	[tilespmem:$0x9220] =	vst v8;
	vm13 =	veq.f32 v21, v25;
	(erf) = vrcp.f32 v55  }
0x393: {  	vm7 =	veq.f32 v2, v25;
	[tilespmem:$0x9110] =	vst v9;
	v53 =	vsel vm13, $0x5, v52  }
0x394: {  	[tilespmem:$0x9130] =	vst v7;
	vm15 =	veq.f32 v14, v25;
	vm4 =	veq.f32 v11, v25;
	vm8 =	veq.f32 v45, v0  }
0x395: {  	[tilespmem:$0x9150] =	vst v12;
	v10 =	vsel vm15, $0x4, v53;
	vm9 =	veq.f32 v44, v0;
	v60 =	vsel vm8, $0x7, v35  }
0x396: {  	[tilespmem:$0x9170] =	vst v6;
	vm5 =	veq.f32 v5, v25;
	vm10 =	veq.f32 v43, v0;
	v1 =	vsel vm9, $0x6, v60  }
0x397: {  	[tilespmem:$0x9190] =	vst v23;
	v56 =	vsel vm4, $0x3, v10;
	vm11 =	veq.f32 v42, v0;
	v1 =	vsel vm10, $0x5, v1  }
0x398: {  	[tilespmem:$0x91B0] =	vst v26;
	vm6 =	veq.f32 v3, v25;
	vm12 =	veq.f32 v41, v0;
	v1 =	vsel vm11, $0x4, v1  }
0x399: {  	[tilespmem:$0x91D0] =	vst v27;
	v57 =	vsel vm5, $0x2, v56;
	vm13 =	veq.f32 v40, v0;
	v1 =	vsel vm12, $0x3, v1  }
0x39a: {  	[tilespmem:$0x91F0] =	vst v4;
	v58 =	vsel vm6, $0x1, v57;
	vm14 =	veq.f32 v39, v0;
	v1 =	vsel vm13, $0x2, v1  }
0x39b: {  	v59 =	vsel vm7, $0x0, v58;
	[tilespmem:$0x9250] =	vst v37;
	vm15 =	veq.f32 v38, v0;
	v63 =	vsel vm14, $0x1, v1;
	v61 =	vpop (erf)  }
0x39c: {  	[tilespmem:$0x9260] =	vst v59;
	v62 =	vmul.f32 v61, v28;
	v2 =	vmul.f32 v61, v0;
	v0 =	vsel vm15, $0x0, v63  }
0x39d: {  	[tilespmem:$0x9270] =	vst v0  }
0x39e: {  	[tilespmem:$0x9210] =	vst v62  }
0x39f: {  	[tilespmem:$0x9230] =	vst v2  }
0x3a0: {  	[hbm4b:s13+s23] =	stream.strided.scatter [tilespmem:s25], [sflag:$0x1], $0x100, s24, s23, $0x38;
	[tilespmem:$0x9280] =	vst v63  }
0x3a1: {  	_ =	swait.ge [sflag:s22], $0x100  }
0x3a2: {  	[sflag:s22] =	ssyncset.done $0x0  }
0x3a3: {  	[sflag:s22] =	ssyncadd.s32 $0xFFFFFF00  }
0x3a4: {  	[hbm4b:s14+s23] =	stream.strided.scatter [tilespmem:s26], [sflag:$0x1], $0x40, s24, s23, $0x38;
	[tilespmem:$0x9280] =	vst v63  }
0x3a5: {  	_ =	swait.ge [sflag:s22], $0x40  }
0x3a6: {  	[sflag:s22] =	ssyncset.done $0x0  }
0x3a7: {  	[sflag:s22] =	ssyncadd.s32 $0xFFFFFFC0  }
0x3a8: {  	[hbm4b:s15+s23] =	stream.strided.scatter [tilespmem:s28], [sflag:$0x1], $0x40, s24, s23, $0x38;
	[tilespmem:$0x9280] =	vst v63  }
0x3a9: {  	_ =	swait.ge [sflag:s22], $0x40  }
0x3aa: {  	s30 =	simm.s32 $0x0;
	s31 =	simm.s32 $0x60;
	[sflag:s22] =	ssyncset.done $0x0  }
0x3ab: {  	s2 =	sadd.s32 $0x0, s16;
	s0 =	simm.s32 $0x308;
	[sflag:s22] =	ssyncadd.s32 $0xFFFFFFC0  }
.LBB2_14:
0x3ac: {  	[tilespmem:s30], [sflag:$0x1] =	stream.linear.gather [hbm4b:s2+s3], $0x300, $0x38;
	[tilespmem:$0x9280] =	vst v63  }
0x3ad: {  	s1 =	smov.u32 s31;
	s30 =	smov.u32 s0;
	p0 =	sne.s32 s31, $0xBA0  }
.Ltmp6:
0x3ae: {  	s31 =	sadd.s32 $0x60, s31;
	(pc) =	sbr.rel @p0 .LBB2_14-.Ltmp6, $2  }
0x3af: {  	_ =	sdelay $0x2  }
0x3b0: {  	s0 =	sadd.s32 $0x308, s0;
	s2 =	sadd.s32 s1, s16  }
0x3b1: {  	[tilespmem:s30], [sflag:$0x1] =	stream.linear.gather [hbm4b:s2+s3], $0x300, $0x38;
	[tilespmem:$0x9280] =	vst v63  }
0x3b2: {  	_ =	swait.ge [sflag:s22], $0x6000  }
0x3b3: {  	[sflag:s22] =	ssyncset.done $0x0  }
0x3b4: {  	s30 =	simm.s32 $0x6120;
	[sflag:s22] =	ssyncadd.s32 $0xFFFFA000  }
0x3b5: {  	v14 =	vimm.s32 $0x0;
	v36 =	vimm.s32 $0x1;
	v0 =	vld [tilespmem:s30+$0x10]  }
0x3b6: {  	v37 =	vimm.s32 $0x2;
	v38 =	vimm.s32 $0x3;
	v39 =	vimm.s32 $0x4;
	v10 =	vld [tilespmem:$0x1FFE0]  }
0x3b7: {  	s0 =	simm.s32 $0x0;
	s1 =	simm.s32 $0x2;
	s2 =	simm.s32 $0x3;
	v40 =	vimm.s32 $0x5;
	v41 =	vimm.s32 $0x6;
	v42 =	vimm.s32 $0x7;
	v13 =	vld [tilespmem:$0x1FFF0]  }
0x3b8: {  	v1 =	vmov s0;
	s0 =	simm.s32 $0x1;
	v3 =	vmov s1;
	v4 =	vmov s2  }
0x3b9: {  	v2 =	vmov s0;
	v1 =	vand.u32 $0x3FC, v1;
	v3 =	vand.u32 $0x3FE, v3;
	v5 =	vld [tilespmem:s30+$0x0]  }
0x3ba: {  	v4 =	vand.u32 $0x3FF, v4;
	v2 =	vand.u32 $0x3FD, v2;
	v11 =	vperm.xlane v0, v14  }
0x3bb: {  	v6 =	vadd.s32 v10, v1;
	v12 =	vperm.xlane v0, v36;
	v25 =	vperm.xlane v0, v37  }
0x3bc: {  	v1 =	vadd.s32 v13, v1;
	v28 =	vperm.xlane v0, v38;
	v30 =	vperm.xlane v0, v39  }
0x3bd: {  	v7 =	vld [tilespmem:s30+$0xFFFFFFF0];
	v8 =	vadd.s32 v10, v4;
	v31 =	vperm.xlane v0, v40;
	v49 =	vperm.xlane v0, v41  }
0x3be: {  	v4 =	vadd.s32 v13, v4;
	v23 =	vperm.xlane v5, v14;
	v48 =	vperm.xlane v0, v42  }
0x3bf: {  	v9 =	vadd.s32 v10, v3;
	v24 =	vperm.xlane v5, v36;
	v0 =	vld [tilespmem:s30+$0xFFFFFFE0];
	v17 =	vperm.xlane v5, v37  }
0x3c0: {  	v10 =	vadd.s32 v10, v2;
	v18 =	vperm.xlane v5, v38;
	v16 =	vperm.xlane v5, v39;
	v6 =	vld.idx.msk [tilespmem:v6+s3+$0x0], $0xffff  }
0x3c1: {  	v2 =	vadd.s32 v13, v2;
	v15 =	vperm.xlane v5, v40;
	v35 =	vperm.xlane v5, v41;
	v1 =	vld.idx.msk [tilespmem:v1+s3+$0x0], $0xffff  }
0x3c2: {  	v3 =	vadd.s32 v13, v3;
	v29 =	vperm.xlane v7, v14;
	v34 =	vperm.xlane v5, v42;
	v8 =	vld.idx.msk [tilespmem:v8+s3+$0x0], $0xffff  }
0x3c3: {  	v33 =	vperm.xlane v7, v36;
	v27 =	vperm.xlane v7, v37;
	v4 =	vld.idx.msk [tilespmem:v4+s3+$0x0], $0xffff  }
0x3c4: {  	v26 =	vperm.xlane v7, v38;
	v22 =	vperm.xlane v7, v39;
	v5 =	vld.idx.msk [tilespmem:v9+s3+$0x0], $0xffff  }
0x3c5: {  	v21 =	vperm.xlane v7, v40;
	v19 =	vperm.xlane v7, v41;
	v9 =	vld.idx.msk [tilespmem:v10+s3+$0x0], $0xffff  }
0x3c6: {  	v20 =	vperm.xlane v7, v42;
	v2 =	vld.idx.msk [tilespmem:v2+s3+$0x0], $0xffff;
	v32 =	vperm.xlane v0, v14  }
0x3c7: {  	v3 =	vld.idx.msk [tilespmem:v3+s3+$0x0], $0xffff;
	v7 =	vperm.xlane v0, v36;
	v13 =	vperm.xlane v0, v37  }
0x3c8: {  	v14 =	vperm.xlane v0, v38;
	v36 =	vperm.xlane v0, v39  }
0x3c9: {  	v51 =	vimm.f32 $0.0e+00;
	v37 =	vperm.xlane v0, v40;
	v38 =	vperm.xlane v0, v41  }
0x3ca: {  	v39 =	vperm.xlane v0, v42;
	v0 =	vshrl.u32 v6, $0x10;
	v10 =	vshrl.u32 v1, $0x10  }
0x3cb: {  	v56 =	vshrl.u32 v5, $0x10;
	v57 =	vshrl.u32 v8, $0x10;
	v58 =	vshrl.u32 v4, $0x10  }
0x3cc: {  	v43 =	vshrl.u32 v9, $0x10;
	v44 =	vshrl.u32 v2, $0x10;
	v45 =	vshrl.u32 v3, $0x10  }
0x3cd: {  	v0 =	vand.u32 $0x1, v0;
	v10 =	vand.u32 $0x1, v10;
	v41 =	vand.u32 $0x1, v57  }
0x3ce: {  	v40 =	vand.u32 $0x1, v56;
	v45 =	vand.u32 $0x1, v45;
	v0 =	vadd.s32 v0, v6  }
0x3cf: {  	v42 =	vand.u32 $0x1, v58;
	v6 =	vand.u32 $0x1, v43;
	v0 =	vadd.s32 $0x7FFF, v0  }
0x3d0: {  	v43 =	vand.u32 $0x1, v44;
	v1 =	vadd.s32 v10, v1;
	v59 =	vand.u32 $0xFFFF0000, v0  }
0x3d1: {  	v8 =	vadd.s32 v41, v8;
	v5 =	vadd.s32 v40, v5;
	v46 =	vmul.f32 v59, v32  }
0x3d2: {  	v3 =	vadd.s32 v45, v3;
	v47 =	vmul.f32 v59, v7;
	v45 =	vmul.f32 v59, v13  }
0x3d3: {  	v1 =	vadd.s32 $0x7FFF, v1;
	v50 =	vmul.f32 v59, v14;
	v0 =	vmul.f32 v59, v36  }
0x3d4: {  	v1 =	vand.u32 $0xFFFF0000, v1;
	v10 =	vmul.f32 v59, v37;
	v63 =	vmul.f32 v59, v38  }
0x3d5: {  	v4 =	vadd.s32 v42, v4;
	v62 =	vmul.f32 v59, v39;
	v56 =	vmul.f32 v1, v32  }
0x3d6: {  	v60 =	vadd.s32 v43, v2;
	v54 =	vmul.f32 v1, v7;
	v55 =	vmul.f32 v1, v13  }
0x3d7: {  	v2 =	vadd.s32 $0x7FFF, v8;
	v53 =	vmul.f32 v1, v14;
	v44 =	vmul.f32 v1, v36  }
0x3d8: {  	v2 =	vand.u32 $0xFFFF0000, v2;
	v43 =	vmul.f32 v1, v37;
	v42 =	vmul.f32 v1, v38  }
0x3d9: {  	v6 =	vadd.s32 v6, v9;
	v41 =	vmul.f32 v1, v39;
	v7 =	vmul.f32 v2, v11  }
0x3da: {  	v61 =	vadd.s32 $0x7FFF, v4;
	v8 =	vmul.f32 v2, v12;
	v4 =	vmul.f32 v2, v25  }
0x3db: {  	v52 =	vadd.s32 $0x7FFF, v3;
	v9 =	vmul.f32 v2, v28;
	v3 =	vmul.f32 v2, v30  }
0x3dc: {  	v39 =	vadd.s32 $0x7FFF, v5;
	v5 =	vmul.f32 v2, v31;
	v1 =	vmul.f32 v2, v49  }
0x3dd: {  	v14 =	vmovc v49;
	v2 =	vmul.f32 v2, v48;
	v38 =	vand.u32 $0xFFFF0000, v61;
	v49 =	vadd.s32 $0x7FFF, v6  }
0x3de: {  	v13 =	vmovc v48;
	v48 =	vand.u32 $0xFFFF0000, v52;
	v58 =	vmul.f32 v38, v11;
	v59 =	vmul.f32 v38, v12  }
0x3df: {  	v11 =	vadd.s32 $0x7FFF, v60;
	v60 =	vmul.f32 v38, v25;
	v57 =	vmul.f32 v38, v28  }
0x3e0: {  	v6 =	vand.u32 $0xFFFF0000, v39;
	v40 =	vmul.f32 v38, v30;
	v39 =	vmul.f32 v38, v31  }
0x3e1: {  	v49 =	vand.u32 $0xFFFF0000, v49;
	v12 =	vmul.f32 v6, v23;
	v25 =	vmul.f32 v6, v24  }
0x3e2: {  	v36 =	vimm.f32 $0.0e+00;
	v28 =	vmul.f32 v49, v29;
	v30 =	vmul.f32 v49, v33  }
0x3e3: {  	v31 =	vadd.f32 v46, v51;
	v32 =	vadd.f32 v47, v51;
	v52 =	vmul.f32 v49, v27  }
0x3e4: {  	v45 =	vadd.f32 v45, v51;
	v61 =	vadd.f32 v50, v51;
	v37 =	vmul.f32 v49, v26  }
0x3e5: {  	v47 =	vmul.f32 v6, v18;
	v50 =	vmul.f32 v6, v16;
	v28 =	vadd.f32 v28, v31  }
0x3e6: {  	v51 =	vmul.f32 v6, v15;
	v46 =	vimm.f32 $0.0e+00;
	v30 =	vadd.f32 v30, v32  }
0x3e7: {  	v32 =	vadd.f32 v52, v45;
	v52 =	vadd.f32 v12, v28;
	v28 =	vimm.f32 $0.0e+00  }
0x3e8: {  	v31 =	vmul.f32 v6, v17;
	v45 =	vadd.f32 v37, v61;
	[tilespmem:$0x1FD80] =	vst v28;
	v28 =	vimm.f32 $0.0e+00  }
0x3e9: {  	v61 =	vand.u32 $0xFFFF0000, v11;
	v37 =	vimm.f32 $0.0e+00;
	[tilespmem:$0x1FD90] =	vst v28;
	v28 =	vimm.f32 $0.0e+00  }
0x3ea: {  	v11 =	vadd.f32 v25, v30;
	v12 =	vadd.f32 v31, v32;
	[tilespmem:$0x1FDA0] =	vst v28;
	v28 =	vimm.f32 $0.0e+00  }
0x3eb: {  	v25 =	vadd.f32 v47, v45;
	v47 =	vimm.f32 $0.0e+00;
	[tilespmem:$0x1FDB0] =	vst v28;
	v28 =	vimm.f32 $0.0e+00  }
0x3ec: {  	s31 =	simm.s32 $0x4;
	v45 =	vimm.f32 $0.0e+00;
	v32 =	vimm.f32 $0.0e+00;
	v31 =	vimm.f32 $0.0e+00;
	[tilespmem:$0x1FDC0] =	vst v28  }
.LBB2_16:
0x3ed: {  	v7 =	vadd.f32 v7, v52  }
0x3ee: {  	v4 =	vadd.f32 v4, v12  }
0x3ef: {  	[tilespmem:$0x1FD20] =	vst v7;
	v7 =	vadd.f32 v8, v11  }
0x3f0: {  	[tilespmem:$0x1FD40] =	vst v4;
	v4 =	vadd.f32 v9, v25  }
0x3f1: {  	v8 =	vmul.f32 v49, v19;
	[tilespmem:$0x1FD30] =	vst v7  }
0x3f2: {  	v9 =	vadd.f32 v63, v46;
	v7 =	vmul.f32 v49, v21;
	[tilespmem:$0x1FD50] =	vst v4;
	v4 =	vadd.f32 v10, v47  }
0x3f3: {  	v11 =	vmul.f32 v49, v20;
	v10 =	vadd.f32 v62, v45  }
0x3f4: {  	v8 =	vadd.f32 v8, v9;
	v4 =	vadd.f32 v7, v4  }
0x3f5: {  	v7 =	vmul.f32 v6, v35;
	v9 =	vadd.f32 v11, v10;
	v6 =	vmul.f32 v6, v34;
	_ =	sdelay $0x1  }
0x3f6: {  	v28 =	vmul.f32 v49, v22;
	v0 =	vadd.f32 v0, v36;
	v6 =	vadd.f32 v6, v9  }
0x3f7: {  	v4 =	vadd.f32 v51, v4  }
0x3f8: {  	v0 =	vadd.f32 v28, v0;
	v45 =	vadd.f32 v2, v6;
	v2 =	vld [tilespmem:$0x1FD80]  }
0x3f9: {  	v47 =	vadd.f32 v5, v4;
	v4 =	vld [tilespmem:$0x1FD90]  }
0x3fa: {  	v0 =	vadd.f32 v50, v0;
	v5 =	vld [tilespmem:$0x1FDA0]  }
0x3fb: {  	v7 =	vadd.f32 v7, v8  }
0x3fc: {  	v36 =	vadd.f32 v3, v0;
	v0 =	vmul.f32 v61, v33;
	v3 =	vmul.f32 v61, v27  }
0x3fd: {  	v9 =	vmul.f32 v61, v29;
	v46 =	vadd.f32 v1, v7;
	v1 =	vadd.f32 v56, v37  }
0x3fe: {  	v10 =	vmul.f32 v48, v23;
	v2 =	vadd.f32 v54, v2;
	v4 =	vadd.f32 v55, v4  }
0x3ff: {  	v6 =	vmul.f32 v61, v26;
	v1 =	vadd.f32 v9, v1;
	v5 =	vadd.f32 v53, v5  }
0x400: {  	v0 =	vadd.f32 v0, v2;
	v2 =	vmul.f32 v48, v17;
	v3 =	vadd.f32 v3, v4  }
0x401: {  	v1 =	vadd.f32 v10, v1  }
0x402: {  	v4 =	vadd.f32 v6, v5;
	v5 =	vmul.f32 v48, v18;
	v2 =	vadd.f32 v2, v3  }
0x403: {  	v37 =	vadd.f32 v58, v1  }
0x404: {  	v3 =	vadd.f32 v5, v4;
	v1 =	vadd.f32 v60, v2;
	_ =	sdelay $0x1  }
0x405: {  	v8 =	vmul.f32 v48, v24;
	v7 =	vld [tilespmem:$0x1FDC0];
	[tilespmem:$0x1FD90] =	vst v1;
	v1 =	vadd.f32 v57, v3;
	_ =	sdelay $0x1  }
0x406: {  	v0 =	vadd.f32 v8, v0;
	[tilespmem:$0x1FDA0] =	vst v1;
	v1 =	vld [tilespmem:$0x1FDB0];
	_ =	sdelay $0x1  }
0x407: {  	v30 =	vimm.s32 $0x3;
	v28 =	vimm.s32 $0x2;
	v0 =	vadd.f32 v59, v0  }
0x408: {  	v25 =	vimm.s32 $0x1;
	v9 =	vmul.f32 v61, v20;
	v7 =	vadd.f32 v42, v7  }
0x409: {  	v53 =	vimm.s32 $0x5;
	v2 =	vadd.f32 v43, v32;
	[tilespmem:$0x1FD80] =	vst v0;
	v0 =	vmul.f32 v61, v21  }
0x40a: {  	v5 =	vmul.f32 v61, v22;
	v8 =	vadd.f32 v41, v31;
	v1 =	vadd.f32 v44, v1  }
0x40b: {  	s30 =	sadd.s32 $0x40, s30;
	v54 =	vimm.s32 $0x6;
	v3 =	vmul.f32 v61, v19;
	v0 =	vadd.f32 v0, v2  }
0x40c: {  	v4 =	vmul.f32 v48, v15;
	v1 =	vadd.f32 v5, v1;
	v5 =	vadd.f32 v9, v8;
	v8 =	vld [tilespmem:s30+$0xFFFFFFF0]  }
0x40d: {  	v55 =	vimm.s32 $0x7;
	v2 =	vmul.f32 v48, v35;
	v3 =	vadd.f32 v3, v7  }
0x40e: {  	v6 =	vmul.f32 v48, v16;
	v31 =	vimm.s32 $0x4;
	v0 =	vadd.f32 v4, v0  }
0x40f: {  	v7 =	vmul.f32 v48, v34;
	v4 =	vmul.f32 v38, v14;
	v2 =	vadd.f32 v2, v3  }
0x410: {  	v14 =	vimm.s32 $0x0;
	v0 =	vadd.f32 v39, v0;
	v9 =	vld [tilespmem:s30+$0xFFFFFFE0];
	v1 =	vadd.f32 v6, v1  }
0x411: {  	v6 =	vld [tilespmem:s30+$0x10];
	v3 =	vadd.f32 v7, v5;
	v5 =	vmul.f32 v38, v13;
	v29 =	vperm.xlane v8, v14  }
0x412: {  	v11 =	vld [tilespmem:$0x1FFE0];
	[tilespmem:$0x1FD70] =	vst v0;
	v0 =	vmov s31;
	v33 =	vperm.xlane v8, v25;
	v27 =	vperm.xlane v8, v28  }
0x413: {  	v12 =	vld [tilespmem:$0x1FFF0];
	v1 =	vadd.f32 v40, v1;
	v26 =	vperm.xlane v8, v30;
	v22 =	vperm.xlane v8, v31  }
0x414: {  	s1 =	sadd.s32 $0x2, s31;
	v0 =	vand.u32 $0x3FC, v0;
	v21 =	vperm.xlane v8, v53;
	v19 =	vperm.xlane v8, v54  }
0x415: {  	v20 =	vperm.xlane v8, v55;
	[tilespmem:$0x1FDB0] =	vst v1;
	v1 =	vadd.f32 v4, v2;
	v2 =	vmov s1  }
0x416: {  	v8 =	vperm.xlane v9, v25;
	v4 =	vld [tilespmem:s30+$0x0];
	v2 =	vand.u32 $0x3FE, v2;
	v40 =	vperm.xlane v6, v14  }
0x417: {  	v59 =	vperm.xlane v6, v25;
	[tilespmem:$0x1FDC0] =	vst v1;
	v1 =	vadd.f32 v5, v3;
	v5 =	vadd.s32 v11, v0  }
0x418: {  	s2 =	sadd.s32 $0x3, s31;
	v48 =	vperm.xlane v6, v28;
	v57 =	vperm.xlane v6, v30;
	v0 =	vadd.s32 v12, v0  }
0x419: {  	v39 =	vperm.xlane v6, v31;
	v3 =	vmov s2;
	v10 =	vadd.s32 v11, v2  }
0x41a: {  	v61 =	vperm.xlane v6, v53;
	v2 =	vadd.s32 v12, v2;
	v3 =	vand.u32 $0x3FF, v3  }
0x41b: {  	v7 =	vadd.s32 v11, v3;
	v23 =	vperm.xlane v4, v14;
	v24 =	vperm.xlane v4, v25  }
0x41c: {  	s0 =	sadd.s32 $0x1, s31;
	v3 =	vadd.s32 v12, v3;
	v17 =	vperm.xlane v4, v28;
	v18 =	vperm.xlane v4, v30;
	v5 =	vld.idx.msk [tilespmem:v5+s3+$0x0], $0xffff  }
0x41d: {  	[tilespmem:$0x1FD60] =	vst v1;
	v1 =	vmov s0;
	v16 =	vperm.xlane v4, v31;
	v15 =	vperm.xlane v4, v53;
	v0 =	vld.idx.msk [tilespmem:v0+s3+$0x0], $0xffff  }
0x41e: {  	v1 =	vand.u32 $0x3FD, v1;
	v35 =	vperm.xlane v4, v54;
	v34 =	vperm.xlane v4, v55;
	v4 =	vld.idx.msk [tilespmem:v10+s3+$0x0], $0xffff  }
0x41f: {  	v13 =	vperm.xlane v6, v54;
	v58 =	vperm.xlane v6, v55;
	v6 =	vadd.s32 v11, v1;
	v2 =	vld.idx.msk [tilespmem:v2+s3+$0x0], $0xffff  }
0x420: {  	v38 =	vperm.xlane v9, v53;
	v41 =	vperm.xlane v9, v54;
	v1 =	vadd.s32 v12, v1;
	v7 =	vld.idx.msk [tilespmem:v7+s3+$0x0], $0xffff  }
0x421: {  	v25 =	vperm.xlane v9, v30;
	v11 =	vperm.xlane v9, v14;
	v3 =	vld.idx.msk [tilespmem:v3+s3+$0x0], $0xffff  }
0x422: {  	v12 =	vperm.xlane v9, v28;
	v28 =	vperm.xlane v9, v31  }
0x423: {  	v9 =	vperm.xlane v9, v55;
	v10 =	vshrl.u32 v5, $0x10;
	v42 =	vshrl.u32 v0, $0x10  }
0x424: {  	v6 =	vld.idx.msk [tilespmem:v6+s3+$0x0], $0xffff;
	v43 =	vshrl.u32 v4, $0x10;
	v32 =	vshrl.u32 v2, $0x10;
	v10 =	vand.u32 $0x1, v10  }
0x425: {  	v1 =	vld.idx.msk [tilespmem:v1+s3+$0x0], $0xffff;
	v42 =	vand.u32 $0x1, v42;
	v43 =	vand.u32 $0x1, v43;
	v53 =	vand.u32 $0x1, v32  }
0x426: {  	v56 =	vshrl.u32 v7, $0x10;
	v60 =	vshrl.u32 v3, $0x10;
	v5 =	vadd.s32 v10, v5  }
0x427: {  	v42 =	vadd.s32 v42, v0;
	v4 =	vadd.s32 v43, v4;
	v2 =	vadd.s32 v53, v2  }
0x428: {  	v44 =	vand.u32 $0x1, v56;
	v49 =	vand.u32 $0x1, v60;
	v5 =	vadd.s32 $0x7FFF, v5  }
0x429: {  	v42 =	vadd.s32 $0x7FFF, v42;
	v62 =	vshrl.u32 v6, $0x10;
	v5 =	vand.u32 $0xFFFF0000, v5  }
0x42a: {  	v63 =	vshrl.u32 v1, $0x10;
	v7 =	vadd.s32 v44, v7;
	v51 =	vmul.f32 v5, v11  }
0x42b: {  	v3 =	vadd.s32 v49, v3;
	v30 =	vmul.f32 v5, v8;
	v31 =	vmul.f32 v5, v12  }
0x42c: {  	v10 =	vand.u32 $0x1, v62;
	v32 =	vmul.f32 v5, v25;
	v0 =	vmul.f32 v5, v28  }
0x42d: {  	v50 =	vand.u32 $0x1, v63;
	v63 =	vmul.f32 v5, v41;
	v62 =	vmul.f32 v5, v9  }
0x42e: {  	v6 =	vadd.s32 v10, v6;
	v10 =	vmul.f32 v5, v38;
	v5 =	vand.u32 $0xFFFF0000, v42  }
0x42f: {  	v49 =	vadd.s32 $0x7FFF, v2;
	v56 =	vmul.f32 v5, v11;
	v54 =	vmul.f32 v5, v8  }
0x430: {  	v11 =	vadd.s32 v50, v1;
	v55 =	vmul.f32 v5, v12;
	v53 =	vmul.f32 v5, v25  }
0x431: {  	v1 =	vadd.s32 $0x7FFF, v7;
	v44 =	vmul.f32 v5, v28;
	v43 =	vmul.f32 v5, v38  }
0x432: {  	v12 =	vadd.s32 $0x7FFF, v3;
	v42 =	vmul.f32 v5, v41;
	v25 =	vand.u32 $0xFFFF0000, v1  }
0x433: {  	v41 =	vmul.f32 v5, v9;
	v28 =	vadd.s32 $0x7FFF, v4;
	v7 =	vmul.f32 v25, v40  }
0x434: {  	v52 =	vadd.s32 $0x7FFF, v6;
	v4 =	vmul.f32 v25, v48;
	v3 =	vmul.f32 v25, v39  }
0x435: {  	v38 =	vand.u32 $0xFFFF0000, v12;
	v5 =	vmul.f32 v25, v61;
	v1 =	vmul.f32 v25, v13  }
0x436: {  	v14 =	vmovc v13;
	v11 =	vadd.s32 $0x7FFF, v11;
	v13 =	vmovc v58;
	v2 =	vmul.f32 v25, v58;
	v58 =	vmul.f32 v38, v40  }
0x437: {  	v40 =	vmul.f32 v38, v39;
	v39 =	vmul.f32 v38, v61;
	v61 =	vand.u32 $0xFFFF0000, v11;
	v11 =	vld [tilespmem:$0x1FD20]  }
0x438: {  	v60 =	vmul.f32 v38, v48;
	v48 =	vand.u32 $0xFFFF0000, v49;
	v49 =	vand.u32 $0xFFFF0000, v52;
	v52 =	vld [tilespmem:$0x1FD40];
	_ =	sdelay $0x3  }
0x439: {  	v11 =	vadd.f32 v51, v11;
	v51 =	vld [tilespmem:$0x1FD30]  }
0x43a: {  	v31 =	vadd.f32 v31, v52;
	v52 =	vld [tilespmem:$0x1FD50]  }
0x43b: {  	v8 =	vmul.f32 v25, v59;
	v9 =	vmul.f32 v25, v57  }
0x43c: {  	v6 =	vand.u32 $0xFFFF0000, v28;
	v59 =	vmul.f32 v38, v59;
	v57 =	vmul.f32 v38, v57  }
0x43d: {  	v12 =	vmul.f32 v6, v23;
	v28 =	vmul.f32 v49, v29  }
0x43e: {  	p0 =	slt.u32 s31, $0x2FC;
	v50 =	vmul.f32 v49, v33;
	v30 =	vadd.f32 v30, v51;
	v51 =	vmul.f32 v49, v27  }
.Ltmp7:
0x43f: {  	v11 =	vadd.f32 v28, v11;
	v32 =	vadd.f32 v32, v52;
	v52 =	vmul.f32 v49, v26;
	(pc) =	sbr.rel @p0 .LBB2_16-.Ltmp7, $4  }
0x440: {  	v28 =	vadd.f32 v50, v30;
	v30 =	vmul.f32 v6, v17;
	v31 =	vadd.f32 v51, v31  }
0x441: {  	v25 =	vmul.f32 v6, v24;
	v32 =	vadd.f32 v52, v32;
	v51 =	vmul.f32 v6, v18  }
0x442: {  	v52 =	vadd.f32 v12, v11;
	v50 =	vmul.f32 v6, v16;
	v12 =	vadd.f32 v30, v31;
	v31 =	vld [tilespmem:$0x1FD60]  }
0x443: {  	s31 =	sadd.s32 $0x4, s31;
	v11 =	vadd.f32 v25, v28;
	v25 =	vadd.f32 v51, v32;
	v32 =	vld [tilespmem:$0x1FD70];
	v51 =	vmul.f32 v6, v15  }
0x444: {  	v7 =	vadd.f32 v7, v52  }
0x445: {  	v4 =	vadd.f32 v4, v12;
	v0 =	vadd.f32 v0, v36  }
0x446: {  	v10 =	vadd.f32 v10, v47;
	v8 =	vadd.f32 v8, v11;
	v11 =	vmul.f32 v49, v22  }
0x447: {  	v12 =	vmul.f32 v49, v21;
	v52 =	vadd.f32 v63, v46;
	v28 =	vmul.f32 v49, v19  }
0x448: {  	v30 =	vadd.f32 v62, v45;
	v0 =	vadd.f32 v11, v0;
	v11 =	vmul.f32 v49, v20  }
0x449: {  	v63 =	vmul.f32 v6, v35;
	v10 =	vadd.f32 v12, v10;
	v12 =	vadd.f32 v28, v52  }
0x44a: {  	v9 =	vadd.f32 v9, v25;
	v28 =	vmul.f32 v6, v34;
	v11 =	vadd.f32 v11, v30  }
0x44b: {  	v10 =	vadd.f32 v51, v10;
	v12 =	vadd.f32 v63, v12  }
0x44c: {  	v0 =	vadd.f32 v50, v0;
	v6 =	vadd.f32 v28, v11  }
0x44d: {  	v30 =	vadd.f32 v5, v10;
	v1 =	vadd.f32 v1, v12  }
0x44e: {  	v0 =	vadd.f32 v3, v0;
	v2 =	vadd.f32 v2, v6  }
0x44f: {  	v36 =	vmax.f32 v7, v8  }
0x450: {  	v45 =	vmax.f32 v4, v9;
	v10 =	vmax.f32 v0, v30;
	v11 =	vmax.f32 v1, v2  }
0x451: {  	v5 =	vmax.f32 v36, v45;
	v46 =	vmax.f32 v10, v11  }
0x452: {  	v5 =	vmax.f32 v5, v46  }
0x453: {  	v6 =	vsub.f32 v7, v5  }
0x454: {  	v47 =	vsub.f32 v8, v5  }
0x455: {  	v6 =	vmul.f32 $1.442695020e+00, v6  }
0x456: {  	v4 =	vsub.f32 v4, v5;
	v7 =	vmul.f32 $1.442695020e+00, v47  }
0x457: {  	(erf) = vpow2.f32 v6  }
0x458: {  	v49 =	vsub.f32 v9, v5;
	v4 =	vmul.f32 $1.442695020e+00, v4;
	(erf) = vpow2.f32 v7;
	_ =	sdelay $0x1  }
0x459: {  	v0 =	vsub.f32 v0, v5;
	v50 =	vmul.f32 $1.442695020e+00, v49;
	(erf) = vpow2.f32 v4;
	_ =	sdelay $0x1  }
0x45a: {  	v3 =	vsub.f32 v30, v5;
	v0 =	vmul.f32 $1.442695020e+00, v0;
	(erf) = vpow2.f32 v50;
	_ =	sdelay $0x1  }
0x45b: {  	v1 =	vsub.f32 v1, v5;
	v51 =	vmul.f32 $1.442695020e+00, v3;
	(erf) = vpow2.f32 v0;
	_ =	sdelay $0x1  }
0x45c: {  	v62 =	vsub.f32 v2, v5;
	v52 =	vmul.f32 $1.442695020e+00, v1;
	v3 =	vpop (erf);
	(erf) = vpow2.f32 v51  }
0x45d: {  	v63 =	vpop (erf)  }
0x45e: {  	v28 =	vmul.f32 $1.442695020e+00, v62;
	(erf) = vpow2.f32 v52;
	v30 =	vadd.f32 v63, v3  }
0x45f: {  	v36 =	vpop (erf)  }
0x460: {  	(erf) = vpow2.f32 v28;
	v45 =	vadd.f32 v30, v36  }
0x461: {  	v46 =	vpop (erf)  }
0x462: {  	v0 =	vadd.f32 v45, v46  }
0x463: {  	v47 =	vpop (erf)  }
0x464: {  	v0 =	vadd.f32 v0, v47  }
0x465: {  	v10 =	vld [tilespmem:$0x1FD80];
	v49 =	vpop (erf)  }
0x466: {  	v11 =	vld [tilespmem:$0x1FD90];
	v0 =	vadd.f32 v0, v49  }
0x467: {  	v52 =	vld [tilespmem:$0x1FDA0];
	v50 =	vpop (erf)  }
0x468: {  	v12 =	vmul.f32 v61, v29;
	v8 =	vadd.f32 v56, v37;
	v0 =	vadd.f32 v0, v50  }
0x469: {  	v17 =	vmul.f32 v48, v17;
	v18 =	vmul.f32 v48, v18;
	v9 =	vpop (erf)  }
0x46a: {  	v21 =	vmul.f32 v61, v21;
	v56 =	vld [tilespmem:$0x1FDB0];
	v8 =	vadd.f32 v12, v8;
	v0 =	vadd.f32 v0, v9  }
0x46b: {  	v10 =	vadd.f32 v54, v10;
	v11 =	vadd.f32 v55, v11;
	v51 =	vmul.f32 v61, v33  }
0x46c: {  	v28 =	vadd.f32 v53, v52;
	v53 =	vmul.f32 v61, v27;
	(erf) = vrcp.f32 v0  }
0x46d: {  	v12 =	vmul.f32 v61, v26;
	v62 =	vadd.f32 v41, v31;
	v10 =	vadd.f32 v51, v10  }
0x46e: {  	v0 =	vadd.f32 v53, v11;
	v11 =	vmul.f32 v48, v23;
	v23 =	vmul.f32 v48, v24  }
0x46f: {  	v55 =	vmul.f32 v48, v15;
	v15 =	vadd.f32 v44, v56;
	v12 =	vadd.f32 v12, v28  }
0x470: {  	v31 =	vmul.f32 v48, v35;
	v10 =	vadd.f32 v23, v10;
	v0 =	vadd.f32 v17, v0  }
0x471: {  	v35 =	vimm.s32 $0x8;
	v8 =	vadd.f32 v11, v8;
	v11 =	vadd.f32 v18, v12  }
0x472: {  	v54 =	vmul.f32 v48, v16;
	v12 =	vadd.f32 v59, v10;
	v23 =	vadd.f32 v60, v0  }
0x473: {  	v26 =	vadd.f32 v57, v11;
	v57 =	vmul.f32 v61, v20;
	v59 =	vadd.f32 v43, v32;
	v60 =	vld [tilespmem:$0x1FDC0]  }
0x474: {  	v8 =	vadd.f32 v58, v8;
	v11 =	vmul.f32 v61, v22;
	v22 =	vmul.f32 v61, v19  }
0x475: {  	v43 =	vmul.f32 v38, v14;
	v30 =	vadd.f32 v21, v59;
	v1 =	vadd.f32 v57, v62;
	v58 =	vpop (erf)  }
0x476: {  	v53 =	vmax.f32 v8, v12;
	v20 =	vmul.f32 v58, v3;
	v19 =	vmul.f32 v58, v63  }
0x477: {  	v4 =	vadd.f32 v55, v30;
	v18 =	vmul.f32 v58, v36;
	v10 =	vmul.f32 v58, v46  }
0x478: {  	v61 =	vadd.f32 v42, v60;
	v0 =	vmul.f32 v58, v47;
	v17 =	vmul.f32 v58, v49  }
0x479: {  	v63 =	vadd.f32 v11, v15;
	v16 =	vmul.f32 v58, v50;
	v15 =	vmul.f32 v58, v9  }
0x47a: {  	v46 =	vmul.f32 v38, v13;
	v4 =	vadd.f32 v39, v4;
	v2 =	vadd.f32 v22, v61  }
0x47b: {  	v37 =	vmax.f32 v20, v19;
	v41 =	vmax.f32 v18, v10;
	v9 =	vmax.f32 v0, v17  }
0x47c: {  	v11 =	vmax.f32 v16, v15;
	v3 =	vadd.f32 v54, v63;
	v54 =	vmax.f32 v23, v26  }
0x47d: {  	v6 =	vmax.f32 v37, v41;
	v42 =	vmax.f32 v9, v11;
	v9 =	vmul.f32 v48, v34  }
0x47e: {  	v2 =	vadd.f32 v31, v2;
	v29 =	vmax.f32 v53, v54;
	v36 =	vmax.f32 v6, v42  }
0x47f: {  	vm0 =	veq.f32 v15, v36;
	vm12 =	veq.f32 v16, v36;
	vm13 =	veq.f32 v17, v36  }
0x480: {  	v1 =	vadd.f32 v9, v1;
	vm14 =	veq.f32 v0, v36;
	v44 =	vsel vm0, $0x7, v35  }
0x481: {  	vm15 =	veq.f32 v10, v36;
	v9 =	vadd.f32 v40, v3;
	v45 =	vsel vm12, $0x6, v44  }
0x482: {  	vm4 =	veq.f32 v18, v36;
	vm5 =	veq.f32 v19, v36;
	v5 =	vsel vm13, $0x5, v45  }
0x483: {  	v6 =	vadd.f32 v43, v2;
	vm1 =	vne.f32 v20, v36;
	v5 =	vsel vm14, $0x4, v5  }
0x484: {  	vm0 =	vmand vm1, vm5;
	v7 =	vadd.f32 v46, v1;
	v47 =	vsel vm15, $0x3, v5  }
0x485: {  	v2 =	vnsel vm1, $0xBF800000, v20;
	v55 =	vmax.f32 v9, v4;
	v3 =	vsel vm4, $0x2, v47  }
0x486: {  	v56 =	vmax.f32 v6, v7;
	v48 =	vsel vm5, $0x1, v3;
	v3 =	vsel vm0, $0xBF800000, v19  }
0x487: {  	v58 =	vmax.f32 v55, v56;
	v1 =	vnsel vm1, $0x0, v48;
	v50 =	vmax.f32 v2, v3  }
0x488: {  	vm6 =	veq.s32 v1, $0x2;
	vm7 =	veq.s32 v1, $0x3;
	vm8 =	veq.s32 v1, $0x4  }
0x489: {  	vm9 =	veq.s32 v1, $0x5;
	vm10 =	veq.s32 v1, $0x6;
	vm11 =	veq.s32 v1, $0x7  }
0x48a: {  	v5 =	vsel vm6, $0xBF800000, v18;
	v11 =	vsel vm7, $0xBF800000, v10;
	v14 =	vsel vm8, $0xBF800000, v0  }
0x48b: {  	v21 =	vsel vm9, $0xBF800000, v17;
	v22 =	vsel vm10, $0xBF800000, v16;
	v49 =	vsel vm11, $0xBF800000, v15  }
0x48c: {  	v51 =	vmax.f32 v5, v11;
	v52 =	vmax.f32 v14, v21;
	v57 =	vmax.f32 v22, v49  }
0x48d: {  	v60 =	vmax.f32 v29, v58;
	v25 =	vmax.f32 v50, v51;
	v59 =	vmax.f32 v52, v57  }
0x48e: {  	v8 =	vsub.f32 v8, v60;
	v25 =	vmax.f32 v25, v59  }
0x48f: {  	v12 =	vsub.f32 v12, v60;
	v27 =	vadd.f32 v25, v36  }
0x490: {  	v8 =	vmul.f32 $1.442695020e+00, v8  }
0x491: {  	v23 =	vsub.f32 v23, v60;
	v12 =	vmul.f32 $1.442695020e+00, v12;
	(erf) = vrcp.f32 v27  }
0x492: {  	(erf) = vpow2.f32 v8  }
0x493: {  	v8 =	vmul.f32 $1.442695020e+00, v23;
	(erf) = vpow2.f32 v12;
	v12 =	vsub.f32 v26, v60;
	_ =	sdelay $0x1  }
0x494: {  	v9 =	vsub.f32 v9, v60;
	(erf) = vpow2.f32 v8;
	v8 =	vmul.f32 $1.442695020e+00, v12;
	_ =	sdelay $0x1  }
0x495: {  	(erf) = vpow2.f32 v8;
	v8 =	vmul.f32 $1.442695020e+00, v9  }
0x496: {  	v4 =	vsub.f32 v4, v60;
	_ =	sdelay $0x1  }
0x497: {  	v6 =	vsub.f32 v6, v60;
	v4 =	vmul.f32 $1.442695020e+00, v4;
	(erf) = vpow2.f32 v8  }
0x498: {  	v8 =	vpop (erf)  }
0x499: {  	v62 =	vsub.f32 v7, v60;
	v61 =	vmul.f32 $1.442695020e+00, v6;
	(erf) = vpow2.f32 v4;
	v9 =	vpop (erf)  }
0x49a: {  	v63 =	vpop (erf)  }
0x49b: {  	v32 =	vmul.f32 $1.442695020e+00, v62;
	(erf) = vpow2.f32 v61;
	v33 =	vadd.f32 v63, v9  }
0x49c: {  	v12 =	vpop (erf)  }
0x49d: {  	(erf) = vpow2.f32 v32;
	v34 =	vadd.f32 v33, v12  }
0x49e: {  	v37 =	vpop (erf)  }
0x49f: {  	v4 =	vadd.f32 v34, v37  }
0x4a0: {  	v23 =	vpop (erf)  }
0x4a1: {  	v4 =	vadd.f32 v4, v23  }
0x4a2: {  	v38 =	vpop (erf)  }
0x4a3: {  	v4 =	vadd.f32 v4, v38  }
0x4a4: {  	v39 =	vpop (erf)  }
0x4a5: {  	v4 =	vadd.f32 v4, v39  }
0x4a6: {  	v40 =	vpop (erf)  }
0x4a7: {  	v4 =	vadd.f32 v4, v40;
	_ =	sdelay $0x1  }
0x4a8: {  	(erf) = vrcp.f32 v4;
	_ =	sdelay $0x8  }
0x4a9: {  	v4 =	vpop (erf)  }
0x4aa: {  	v9 =	vmul.f32 v4, v9;
	v7 =	vmul.f32 v4, v63  }
0x4ab: {  	v12 =	vmul.f32 v4, v12;
	v6 =	vmul.f32 v4, v37  }
0x4ac: {  	v23 =	vmul.f32 v4, v23;
	v26 =	vmul.f32 v4, v38  }
0x4ad: {  	v27 =	vmul.f32 v4, v39;
	v4 =	vmul.f32 v4, v40  }
0x4ae: {  	v41 =	vmax.f32 v9, v7  }
0x4af: {  	v42 =	vmax.f32 v12, v6;
	v43 =	vmax.f32 v23, v26;
	v44 =	vmax.f32 v27, v4  }
0x4b0: {  	v28 =	vmax.f32 v41, v42;
	v45 =	vmax.f32 v43, v44  }
0x4b1: {  	v28 =	vmax.f32 v28, v45  }
0x4b2: {  	vm12 =	veq.f32 v4, v28  }
0x4b3: {  	vm13 =	veq.f32 v27, v28;
	v46 =	vsel vm12, $0x7, v35  }
0x4b4: {  	vm1 =	veq.f32 v49, v25;
	vm14 =	veq.f32 v26, v28;
	v29 =	vsel vm13, $0x6, v46  }
0x4b5: {  	vm7 =	veq.f32 v22, v25;
	vm15 =	veq.f32 v23, v28;
	v29 =	vsel vm14, $0x5, v29  }
0x4b6: {  	vm4 =	veq.f32 v6, v28;
	vm5 =	veq.f32 v12, v28;
	v29 =	vsel vm15, $0x4, v29  }
0x4b7: {  	vm6 =	veq.f32 v7, v28;
	vm2 =	vne.f32 v9, v28;
	v29 =	vsel vm4, $0x3, v29  }
0x4b8: {  	v49 =	vnsel vm2, $0xBF800000, v9;
	vm0 =	vmand vm2, vm6;
	v29 =	vsel vm5, $0x2, v29  }
0x4b9: {  	v50 =	vsel vm0, $0xBF800000, v7;
	vm13 =	veq.f32 v21, v25;
	v47 =	vsel vm6, $0x1, v29  }
0x4ba: {  	[tilespmem:$0x9100] =	vst v20;
	vm15 =	veq.f32 v14, v25;
	v14 =	vmax.f32 v49, v50;
	v22 =	vnsel vm2, $0x0, v47  }
0x4bb: {  	[tilespmem:$0x9120] =	vst v19;
	vm8 =	veq.s32 v22, $0x2;
	vm9 =	veq.s32 v22, $0x3;
	vm10 =	veq.s32 v22, $0x4  }
0x4bc: {  	[tilespmem:$0x9140] =	vst v18;
	vm11 =	veq.s32 v22, $0x5;
	vm12 =	veq.s32 v22, $0x6;
	vm14 =	veq.s32 v22, $0x7  }
0x4bd: {  	[tilespmem:$0x9160] =	vst v10;
	v51 =	vsel vm8, $0xBF800000, v12;
	v52 =	vsel vm9, $0xBF800000, v6;
	v20 =	vsel vm10, $0xBF800000, v23  }
0x4be: {  	[tilespmem:$0x9180] =	vst v0;
	v53 =	vsel vm11, $0xBF800000, v26;
	v19 =	vsel vm12, $0xBF800000, v27;
	v21 =	vsel vm14, $0xBF800000, v4  }
0x4bf: {  	[tilespmem:$0x91A0] =	vst v17;
	v10 =	vmax.f32 v51, v52;
	v18 =	vmax.f32 v20, v53;
	v54 =	vmax.f32 v19, v21  }
0x4c0: {  	[tilespmem:$0x91C0] =	vst v16;
	v55 =	vmax.f32 v14, v10;
	v10 =	vmax.f32 v18, v54  }
0x4c1: {  	[tilespmem:$0x91E0] =	vst v15;
	v0 =	vmax.f32 v55, v10  }
0x4c2: {  	[tilespmem:$0x9240] =	vst v1;
	v13 =	vadd.f32 v0, v28  }
0x4c3: {  	[tilespmem:$0x9110] =	vst v9  }
0x4c4: {  	v48 =	vsel vm1, $0x7, v35;
	[tilespmem:$0x9130] =	vst v7;
	vm4 =	veq.f32 v11, v25;
	(erf) = vrcp.f32 v13  }
0x4c5: {  	[tilespmem:$0x9150] =	vst v12;
	v11 =	vmul.f32 v8, v36;
	v8 =	vmul.f32 v8, v25;
	vm5 =	veq.f32 v5, v25  }
0x4c6: {  	[tilespmem:$0x9170] =	vst v6;
	vm6 =	veq.f32 v3, v25;
	v14 =	vsel vm7, $0x6, v48;
	vm8 =	veq.f32 v21, v0  }
0x4c7: {  	[tilespmem:$0x9190] =	vst v23;
	vm7 =	veq.f32 v2, v25;
	vm9 =	veq.f32 v19, v0;
	v60 =	vsel vm8, $0x7, v35  }
0x4c8: {  	[tilespmem:$0x91B0] =	vst v26;
	v10 =	vsel vm13, $0x5, v14;
	vm10 =	veq.f32 v53, v0;
	v1 =	vsel vm9, $0x6, v60  }
0x4c9: {  	[tilespmem:$0x91D0] =	vst v27;
	v10 =	vsel vm15, $0x4, v10;
	vm11 =	veq.f32 v20, v0;
	v1 =	vsel vm10, $0x5, v1  }
0x4ca: {  	[tilespmem:$0x91F0] =	vst v4;
	vm12 =	veq.f32 v52, v0;
	v56 =	vsel vm4, $0x3, v10;
	v1 =	vsel vm11, $0x4, v1  }
0x4cb: {  	[tilespmem:$0x9200] =	vst v11;
	vm13 =	veq.f32 v51, v0;
	v57 =	vsel vm5, $0x2, v56;
	v1 =	vsel vm12, $0x3, v1  }
0x4cc: {  	[tilespmem:$0x9220] =	vst v8;
	vm14 =	veq.f32 v50, v0;
	v58 =	vsel vm6, $0x1, v57;
	v1 =	vsel vm13, $0x2, v1  }
0x4cd: {  	[tilespmem:$0x9250] =	vst v22;
	vm15 =	veq.f32 v49, v0;
	v59 =	vsel vm7, $0x0, v58;
	v63 =	vsel vm14, $0x1, v1;
	v61 =	vpop (erf)  }
0x4ce: {  	[tilespmem:$0x9260] =	vst v59;
	v62 =	vmul.f32 v61, v28;
	v2 =	vmul.f32 v61, v0;
	v0 =	vsel vm15, $0x0, v63  }
0x4cf: {  	[tilespmem:$0x9270] =	vst v0  }
0x4d0: {  	[tilespmem:$0x9210] =	vst v62  }
0x4d1: {  	[tilespmem:$0x9230] =	vst v2  }
0x4d2: {  	[hbm4b:s17+s23] =	stream.strided.scatter [tilespmem:s25], [sflag:$0x1], $0x100, s24, s23, $0x38;
	[tilespmem:$0x9280] =	vst v63  }
0x4d3: {  	_ =	swait.ge [sflag:s22], $0x100  }
0x4d4: {  	[sflag:s22] =	ssyncset.done $0x0  }
0x4d5: {  	[sflag:s22] =	ssyncadd.s32 $0xFFFFFF00  }
0x4d6: {  	[hbm4b:s18+s23] =	stream.strided.scatter [tilespmem:s26], [sflag:$0x1], $0x40, s24, s23, $0x38;
	[tilespmem:$0x9280] =	vst v63  }
0x4d7: {  	s29 =	sadd.s32 $0x1, s29;
	_ =	swait.ge [sflag:s22], $0x40  }
0x4d8: {  	p0 =	sne.s32 s29, s20;
	[sflag:s22] =	ssyncset.done $0x0  }
.Ltmp8:
0x4d9: {  	[sflag:s22] =	ssyncadd.s32 $0xFFFFFFC0;
	(pc) =	sbr.rel @p0 .LBB2_1-.Ltmp8, $4  }
0x4da: {  	[hbm4b:s19+s23] =	stream.strided.scatter [tilespmem:s28], [sflag:$0x1], $0x40, s24, s23, $0x38;
	[tilespmem:$0x9280] =	vst v63  }
0x4db: {  	v37 =	vimm.s32 $0x4;
	v38 =	vimm.s32 $0x5;
	_ =	swait.ge [sflag:s22], $0x40  }
0x4dc: {  	v39 =	vimm.s32 $0x6;
	v40 =	vimm.s32 $0x7;
	v41 =	vimm.s32 $0x2;
	[sflag:s22] =	ssyncset.done $0x0;
	v10 =	vld [tilespmem:$0x1FFE0]  }
0x4dd: {  	v36 =	vimm.s32 $0x3;
	v14 =	vimm.s32 $0x1;
	v20 =	vimm.s32 $0x0;
	v13 =	vld [tilespmem:$0x1FFF0];
	[sflag:s22] =	ssyncadd.s32 $0xFFFFFFC0  }
0x4de: {  	_ =	sfence.sel $0x180000  }
0x4df: {  	[bflag:$0x0] =	sbarrier.arrive $0xFFFF  }
0x4e0: {  	_ =	strace $0x90000047  }
0x4e1: {  	s0 =	stileid.u32;
	[bflag:$0x2] =	sbarrier.arrive $0xFFFF  }
0x4e2: {  	p0 =	sne.s32 s0, $0x0;
	s0 =	rddreg [dreg:$0x4]  }
0x4e3: {  	s0 =	sadd.s32 @!p0 $0x100000, s0  }
0x4e4: {  	[sflag:s0] =	ssyncadd.tile.s32 @!p0 $0x1;
	_ =	shalt  }
.Lfunc_end2:
_tile_overlayer_lowered:
.L_overlay_start_2:
0x4e5: {  	(tag) =	ssettag $0x2  }
0x4e6: {  	s0 =	rddreg [dreg:$0x0];
	s2 =	stileid.u32  }
0x4e7: {  	s1 =	rddreg [dreg:$0x1];
	p0 =	sne.s32 s2, $0x0  }
0x4e8: {  	s3 =	rddreg [dreg:$0x2];
	[bflag:$0x3] =	sbarrier.arrive $0xFFFF;
	s2 =	simm.s32 @!p0 $0x1C01  }
0x4e9: {  	[timem:s3], [sflag:s2] =	dma.local @!p0 [hbm:s0], s1  }
0x4ea: {  	s0 =	simm.s32 @!p0 $0x1  }
0x4eb: {  	_ =	swait.ge @!p0 [sflag:s0], s1  }
0x4ec: {  	s1 =	ssub.s32 @!p0 $0x0, s1;
	[sflag:s0] =	ssyncset.done @!p0 $0x0  }
0x4ed: {  	[sflag:s0] =	ssyncadd.s32 @!p0 s1  }
0x4ee: {  	[bflag:$0x3] =	sbarrier.arrive $0xFFFF  }
0x4ef: {  	_ =	shalt  }

</sc_bundles>
